<compile_context>
chip_gen: v7x
topology: tpu7x:2x2x1
jax: 0.10.2.dev20260603
libtpu: 0.0.44.dev20260713+nightly
codegen_flags: <defaults>
</compile_context>

<pallas_src>
import jax
import jax.numpy as jnp
from jax import lax
from jax.experimental import pallas as pl
from jax.experimental.pallas import tpu as pltpu
from jax.experimental.pallas import tpu_sc as plsc

N = 1600000
B = 8
NUM_CLS = 20
GB = 16
VOX = GB * GB * GB
NB_SC = B // 2
FLAT2 = NB_SC * VOX * NUM_CLS // 2
F2_DUMMY = FLAT2
GLB2_0 = ((F2_DUMMY + 1 + 7) // 8) * 8
GLB2 = NB_SC * NUM_CLS // 2
C2_0 = ((GLB2_0 + GLB2 + 7) // 8) * 8
C2 = NB_SC * VOX // 8
C2_DUMMY = C2_0 + C2
STRIPE = (C2_DUMMY + 1 + 15) // 16
STRIPE = ((STRIPE + 1) // 2) * 2
T2ROWS = STRIPE * 16
P = 384
GRP = P // 16
NCHUNK = P // 128
EPS = 1e-4


def _rsqrt(x):
    i = lax.bitcast_convert_type(x, jnp.int32)
    i = 0x5F3759DF - lax.shift_right_arithmetic(i, 1)
    y = lax.bitcast_convert_type(i, jnp.float32)
    xh = 0.5 * x
    for _ in range(3):
        t = xh * y
        y = y * (1.5 - t * y)
    return y


def _body(pred_hbm, grid_hbm, lbl_hbm, bat_hbm, split_hbm, zeros_hbm,
          out_hbm,
          grid_v, lbl_v, bat_v, pred_v, rows_v, ones_v, idxf_v, idxc_v,
          idxg_v, rowf_v, glb_v, idxs_v, split_v, outbuf_v, sem_in,
          sem_io, table):
    c = lax.axis_index("c")
    s = lax.axis_index("s")
    wid = c * 16 + s
    iota = lax.iota(jnp.int32, 16)
    zf = jnp.zeros((16,), jnp.float32)

    pltpu.sync_copy(zeros_hbm, rows_v.at[pl.ds(0, 128)])

    def zchunk(m, carry):
        base = s * STRIPE + jnp.minimum(m * 128, STRIPE - 128)
        for g in range(8):
            idxf_v[0, pl.ds(g * 16, 16)] = base + g * 16 + iota
        pltpu.sync_copy(rows_v.at[pl.ds(0, 128)], table.at[idxf_v.at[0]])
        return carry

    lax.fori_loop(0, (STRIPE + 127) // 128, zchunk, 0)

    pltpu.sync_copy(split_hbm, split_v)
    split = split_v[pl.ds(0, 16)][0]
    a0 = ((split + 7) // 8) * 8
    a1 = (split // 8) * 8
    sc_start = jnp.where(c == 0, 0, a1)
    sc_end = jnp.where(c == 0, a0, N)
    count = sc_end - sc_start
    per_tile = ((count + 127) // 128) * 8
    my_start = sc_start + s * per_tile
    my_end = jnp.minimum(my_start + per_tile, sc_end)
    my_len = jnp.maximum(my_end - my_start, 0)
    nblk = (my_len + P - 1) // P
    c4 = c * NB_SC

    def point_indices(g, s_blk, s_eff):
        loc = g * 16 + iota
        gx = plsc.load_gather(grid_v, [loc, jnp.zeros((16,), jnp.int32)])
        gy = plsc.load_gather(grid_v, [loc, jnp.full((16,), 1, jnp.int32)])
        gz = plsc.load_gather(grid_v, [loc, jnp.full((16,), 2, jnp.int32)])
        lb = lbl_v[pl.ds(g * 16, 16)]
        bt = bat_v[pl.ds(g * 16, 16)]
        idxp = s_eff + loc
        brel = bt - c4
        valid = ((idxp >= s_blk) & (idxp < my_end)
                 & (brel >= 0) & (brel < NB_SC))
        qx = lax.shift_right_arithmetic(gx, 3)
        qy = lax.shift_right_arithmetic(gy, 3)
        qz = lax.shift_right_arithmetic(gz, 3)
        vox = (qx * GB + qy) * GB + qz
        clus = brel * VOX + vox
        h4 = (lb & 1) * 4
        frow = clus * (NUM_CLS // 2) + lax.shift_right_arithmetic(lb, 1)
        grow = GLB2_0 + lax.shift_right_arithmetic(brel * NUM_CLS + lb, 1)
        crow = C2_0 + lax.shift_right_arithmetic(clus, 3)
        ccol = clus & 7
        return loc, gx, gy, gz, valid, h4, frow, grow, crow, ccol

    def p1_blk(blk, carry):
        s_blk = my_start + blk * P
        s_eff = jnp.minimum(s_blk, N - P)
        din = (pltpu.async_copy(grid_hbm.at[pl.ds(s_eff, P)], grid_v,
                                sem_in),
               pltpu.async_copy(lbl_hbm.at[pl.ds(s_eff, P)], lbl_v, sem_in),
               pltpu.async_copy(bat_hbm.at[pl.ds(s_eff, P)], bat_v, sem_in))
        for d in din:
            d.wait()

        def p1_grp(g, carry2):
            (loc, gx, gy, gz, valid, h4, frow, grow, crow,
             ccol) = point_indices(g, s_blk, s_eff)
            row = g // 8
            cs = (g % 8) * 16
            idxf_v[row, pl.ds(cs, 16)] = jnp.where(valid, frow, F2_DUMMY)
            idxg_v[row, pl.ds(cs, 16)] = jnp.where(valid, grow, F2_DUMMY)
            idxc_v[row, pl.ds(cs, 16)] = jnp.where(valid, crow, C2_DUMMY)
            vals = (jnp.where(valid, gx.astype(jnp.float32), zf),
                    jnp.where(valid, gy.astype(jnp.float32), zf),
                    jnp.where(valid, gz.astype(jnp.float32), zf),
                    jnp.where(valid, 1.0, 0.0).astype(jnp.float32))
            for cc in range(4):
                plsc.store_scatter(rows_v, [loc, h4 + cc], vals[cc])
                plsc.store_scatter(rows_v, [loc, (4 - h4) + cc], zf)
            one = jnp.where(valid, 1.0, 0.0).astype(jnp.float32)
            for cc in range(8):
                plsc.store_scatter(
                    ones_v, [loc, jnp.full((16,), cc, jnp.int32)],
                    jnp.where(ccol == cc, one, zf))
            return carry2

        lax.fori_loop(0, GRP, p1_grp, 0)
        descs = []
        for j in range(NCHUNK):
            src = rows_v.at[pl.ds(j * 128, 128)]
            descs.append(pltpu.async_copy(src, table.at[idxf_v.at[j]],
                                          sem_io, add=True))
            descs.append(pltpu.async_copy(src, table.at[idxg_v.at[j]],
                                          sem_io, add=True))
            descs.append(pltpu.async_copy(ones_v.at[pl.ds(j * 128, 128)],
                                          table.at[idxc_v.at[j]],
                                          sem_io, add=True))
        for d in descs:
            d.wait()
        return carry

    plsc.subcore_barrier()
    lax.fori_loop(0, nblk, p1_blk, 0)
    plsc.subcore_barrier()

    for g in range(3):
        idxs_v[pl.ds(g * 16, 16)] = GLB2_0 + g * 16 + iota
    pltpu.sync_copy(table.at[idxs_v], glb_v)

    def p2_blk(blk, acc):
        s_blk = my_start + blk * P
        s_eff = jnp.minimum(s_blk, N - P)
        din = (pltpu.async_copy(grid_hbm.at[pl.ds(s_eff, P)], grid_v,
                                sem_in),
               pltpu.async_copy(lbl_hbm.at[pl.ds(s_eff, P)], lbl_v, sem_in),
               pltpu.async_copy(bat_hbm.at[pl.ds(s_eff, P)], bat_v, sem_in),
               pltpu.async_copy(pred_hbm.at[pl.ds(s_eff, P)], pred_v,
                                sem_in))
        for d in din:
            d.wait()

        def p2_idx(g, carry2):
            (_, _, _, _, valid, _, frow, _, crow, _) = point_indices(
                g, s_blk, s_eff)
            row = g // 8
            cs = (g % 8) * 16
            idxf_v[row, pl.ds(cs, 16)] = jnp.where(valid, frow, F2_DUMMY)
            idxc_v[row, pl.ds(cs, 16)] = jnp.where(valid, crow, C2_DUMMY)
            return carry2

        lax.fori_loop(0, GRP, p2_idx, 0)
        descs = []
        for j in range(NCHUNK):
            descs.append(pltpu.async_copy(table.at[idxf_v.at[j]],
                                          rowf_v.at[pl.ds(j * 128, 128)],
                                          sem_io))
            descs.append(pltpu.async_copy(table.at[idxc_v.at[j]],
                                          rows_v.at[pl.ds(j * 128, 128)],
                                          sem_io))
        for d in descs:
            d.wait()

        def p2_loss(g, acc2):
            aL, aD = acc2
            (loc, gx, gy, gz, valid, h4, frow, grow, crow,
             ccol) = point_indices(g, s_blk, s_eff)
            px = plsc.load_gather(pred_v, [loc, jnp.zeros((16,), jnp.int32)])
            py = plsc.load_gather(pred_v, [loc, jnp.full((16,), 1, jnp.int32)])
            pz = plsc.load_gather(pred_v, [loc, jnp.full((16,), 2, jnp.int32)])
            sfx = plsc.load_gather(rowf_v, [loc, h4])
            sfy = plsc.load_gather(rowf_v, [loc, h4 + 1])
            sfz = plsc.load_gather(rowf_v, [loc, h4 + 2])
            cnt = plsc.load_gather(rowf_v, [loc, h4 + 3])
            ccnt = plsc.load_gather(rows_v, [loc, ccol])
            grel = jnp.where(valid, grow - GLB2_0, 0)
            gbx = plsc.load_gather(glb_v, [grel, h4])
            gby = plsc.load_gather(glb_v, [grel, h4 + 1])
            gbz = plsc.load_gather(glb_v, [grel, h4 + 2])
            gbw = plsc.load_gather(glb_v, [grel, h4 + 3])
            cm = jnp.maximum(cnt, 1.0)
            gm = jnp.maximum(gbw, 1.0)
            pure = cnt == ccnt
            tx = jnp.where(pure, sfx / cm, gbx / gm)
            ty = jnp.where(pure, sfy / cm, gby / gm)
            tz = jnp.where(pure, sfz / cm, gbz / gm)
            tox = tx - gx.astype(jnp.float32)
            toy = ty - gy.astype(jnp.float32)
            toz = tz - gz.astype(jnp.float32)
            dx = px - tox
            dy = py - toy
            dz = pz - toz
            adx = jnp.abs(dx)
            ady = jnp.abs(dy)
            adz = jnp.abs(dz)
            l1 = (jnp.where(adx < 1.0, 0.5 * adx * adx, adx - 0.5)
                  + jnp.where(ady < 1.0, 0.5 * ady * ady, ady - 0.5)
                  + jnp.where(adz < 1.0, 0.5 * adz * adz, adz - 0.5))
            sp = px * px + py * py + pz * pz
            st = tox * tox + toy * toy + toz * toz
            rp = _rsqrt(sp)
            rt = _rsqrt(st)
            ip = jnp.where(sp * rp > EPS, rp, 1.0 / EPS)
            it = jnp.where(st * rt > EPS, rt, 1.0 / EPS)
            dot = px * tox + py * toy + pz * toz
            cosv = jnp.clip(dot * ip * it, -1.0, 1.0)
            aL = aL + jnp.where(valid, l1, zf)
            aD = aD + jnp.where(valid, 1.0 - cosv, zf)
            return (aL, aD)

        return lax.fori_loop(0, GRP, p2_loss, acc)

    z16 = jnp.zeros((16,), jnp.float32)
    accL1, accD = lax.fori_loop(0, nblk, p2_blk, (z16, z16))

    l1s = jnp.sum(accL1)
    lds = jnp.sum(accD)
    vout = jnp.where(iota == 0, l1s, jnp.where(iota == 1, lds, 0.0))
    outbuf_v[...] = vout
    pltpu.sync_copy(outbuf_v.at[pl.ds(0, 8)], out_hbm.at[pl.ds(wid * 8, 8)])


_sc_call = pl.kernel(
    _body,
    out_type=jax.ShapeDtypeStruct((256,), jnp.float32),
    mesh=plsc.VectorSubcoreMesh(core_axis_name="c", subcore_axis_name="s",
                                num_cores=2, num_subcores=16),
    compiler_params=pltpu.CompilerParams(needs_layout_passes=False,
                                         use_tc_tiling_on_sc=False),
    scratch_types=[
        pltpu.VMEM((P, 3), jnp.int32),
        pltpu.VMEM((P,), jnp.int32),
        pltpu.VMEM((P,), jnp.int32),
        pltpu.VMEM((P, 3), jnp.float32),
        pltpu.VMEM((P, 8), jnp.float32),
        pltpu.VMEM((P, 8), jnp.float32),
        pltpu.VMEM((NCHUNK, 128), jnp.int32),
        pltpu.VMEM((NCHUNK, 128), jnp.int32),
        pltpu.VMEM((NCHUNK, 128), jnp.int32),
        pltpu.VMEM((P, 8), jnp.float32),
        pltpu.VMEM((48, 8), jnp.float32),
        pltpu.VMEM((48,), jnp.int32),
        pltpu.VMEM((16,), jnp.int32),
        pltpu.VMEM((16,), jnp.float32),
        pltpu.SemaphoreType.DMA,
        pltpu.SemaphoreType.DMA,
        pltpu.VMEM_SHARED((T2ROWS, 8), jnp.float32),
    ],
)


def kernel(pred_off, grid_coord, label, batch, big_size, num_cls):
    del big_size, num_cls
    grid_coord = grid_coord.astype(jnp.int32)
    label = label.astype(jnp.int32)
    batch = batch.astype(jnp.int32)
    split = jnp.searchsorted(batch, 4, side="left").astype(jnp.int32)
    split_arr = jnp.full((16,), split, jnp.int32)
    zeros = jnp.zeros((128, 8), jnp.float32)
    out = _sc_call(pred_off, grid_coord, label, batch, split_arr, zeros)
    out = out.reshape(32, 8)
    loss_l1 = jnp.sum(out[:, 0]) / (3.0 * N)
    loss_dir = jnp.sum(out[:, 1]) / N
    return (loss_l1, loss_dir)

# --- scband reference (transcript-rebuilt; emitter-appended) ---
"""Pipeline reference for scband-default-cluster-segmentor-2508260901471 (READ-ONLY COPY).

The authoritative reference and input builder live on the scoring server;
editing this copy changes nothing except your own understanding.
"""

import jax, jax.numpy as jnp
import numpy as np

N = 1600000
B = 8
NUM_CLS = 20
GRID_MAX = 128
BIG_SIZE = 8


def setup_inputs(seed: int = 0) -> dict:
    key = jax.random.key(seed)
    k1, k2, k3, k4 = jax.random.split(key, 4)
    pred_off = jax.random.normal(k1, (N, 3), dtype=jnp.float32)
    grid_coord = jax.random.randint(k2, (N, 3), 0, GRID_MAX, dtype=jnp.int32)
    label = jax.random.randint(k3, (N,), 0, NUM_CLS, dtype=jnp.int64)
    batch = jnp.sort(jax.random.randint(k4, (N,), 0, B, dtype=jnp.int64))
    return {
        'pred_off': pred_off,
        'grid_coord': grid_coord,
        'label': label,
        'batch': batch,
        'big_size': BIG_SIZE,
        'num_cls': NUM_CLS,
    }


def _seg_mean(data, ids, num_segments):
    s = jax.ops.segment_sum(data, ids, num_segments=num_segments)
    cnt = jax.ops.segment_sum(jnp.ones((data.shape[0],), dtype=data.dtype), ids, num_segments=num_segments)
    cnt = jnp.maximum(cnt, 1.0)
    if data.ndim == 2:
        cnt = cnt[:, None]
    return s / cnt


def reference(pred_off, grid_coord, label, batch, big_size, num_cls):
    eps = 1e-4
    grid = grid_coord.astype(jnp.float32)
    # voxel_grid: quantize coords to big voxels, cluster ids unique per (batch, voxel)
    g = jnp.floor(grid / jnp.asarray(big_size, jnp.float32)).astype(jnp.int64)
    Gb = (GRID_MAX + BIG_SIZE - 1) // BIG_SIZE
    cluster = ((batch * Gb + g[:, 0]) * Gb + g[:, 1]) * Gb + g[:, 2]
    NC = B * Gb * Gb * Gb
    # geo_center (computed in original, unused downstream)
    geo_center = _seg_mean(grid, cluster, NC)
    # per-(cluster, class) centers
    flat_idx = cluster * num_cls + label
    cls_center = _seg_mean(grid, flat_idx, NC * NUM_CLS)
    tgt_cls_center = cls_center[flat_idx]
    # global per-(batch, class) centers
    key_glb = batch * num_cls + label
    global_cls_center = _seg_mean(grid, key_glb, B * NUM_CLS)
    global_center = global_cls_center[key_glb]
    # purity mask per cluster
    lbl_min = jax.ops.segment_min(label, cluster, num_segments=NC)
    lbl_max = jax.ops.segment_max(label, cluster, num_segments=NC)
    pure_mask_pt = (lbl_min == lbl_max)[cluster]
    tgt_center = jnp.where(pure_mask_pt[:, None], tgt_cls_center, global_center)
    tgt_offset = tgt_center - grid
    # smooth_l1_loss (beta=1, mean reduction)
    diff = pred_off - tgt_offset
    ad = jnp.abs(diff)
    loss_L1 = jnp.mean(jnp.where(ad < 1.0, 0.5 * ad * ad, ad - 0.5))
    # direction loss
    pn = jnp.maximum(jnp.linalg.norm(pred_off, axis=1, keepdims=True), eps)
    tn = jnp.maximum(jnp.linalg.norm(tgt_offset, axis=1, keepdims=True), eps)
    pred_dir = pred_off / pn
    tgt_dir = tgt_offset / tn
    dir_cos = jnp.clip(jnp.sum(pred_dir * tgt_dir, axis=1), -1.0, 1.0)
    loss_dir = jnp.mean(1.0 - dir_cos)
    return (loss_L1, loss_dir)

if __name__ == "__main__":
    import jax
    _d = setup_inputs()
    print(jax.jit(kernel)(*tuple(_d.values())))

</pallas_src>

<mosaic_0001>
#map = affine_map<(d0, d1) -> (0, 0)>
#map1 = affine_map<(d0, d1) -> (0)>
module attributes {stable_mosaic.version = 14 : i64} {
  func.func @_body(%arg0: i32, %arg1: i32, %arg2: memref<1600000x3xf32, #tpu.memory_space<hbm>>, %arg3: memref<1600000x3xi32, #tpu.memory_space<hbm>>, %arg4: memref<1600000xi32, #tpu.memory_space<hbm>>, %arg5: memref<1600000xi32, #tpu.memory_space<hbm>>, %arg6: memref<16xi32, #tpu.memory_space<hbm>>, %arg7: memref<128x8xf32, #tpu.memory_space<hbm>>, %arg8: memref<256xf32, #tpu.memory_space<hbm>>, %arg9: memref<384x3xi32, #tpu.memory_space<vmem>>, %arg10: memref<384xi32, #tpu.memory_space<vmem>>, %arg11: memref<384xi32, #tpu.memory_space<vmem>>, %arg12: memref<384x3xf32, #tpu.memory_space<vmem>>, %arg13: memref<384x8xf32, #tpu.memory_space<vmem>>, %arg14: memref<384x8xf32, #tpu.memory_space<vmem>>, %arg15: memref<3x128xi32, #tpu.memory_space<vmem>>, %arg16: memref<3x128xi32, #tpu.memory_space<vmem>>, %arg17: memref<3x128xi32, #tpu.memory_space<vmem>>, %arg18: memref<384x8xf32, #tpu.memory_space<vmem>>, %arg19: memref<48x8xf32, #tpu.memory_space<vmem>>, %arg20: memref<48xi32, #tpu.memory_space<vmem>>, %arg21: memref<16xi32, #tpu.memory_space<vmem>>, %arg22: memref<16xf32, #tpu.memory_space<vmem>>, %arg23: memref<!tpu.dma_semaphore, #tpu.memory_space<semaphore_mem>>, %arg24: memref<!tpu.dma_semaphore, #tpu.memory_space<semaphore_mem>>, %arg25: memref<165952x8xf32, #tpu.memory_space<vmem_shared>>) attributes {dimension_semantics = [#tpu.dimension_semantics<core_parallel>, #tpu.dimension_semantics<subcore_parallel>], iteration_bounds = array<i64: 2, 16>, scalar_prefetch = 0 : i64, scratch_operands = 17 : i64, tpu.core_type = #tpu.core_type<sc_vector_subcore>, window_params = [{transform_indices = #map}, {transform_indices = #map}, {transform_indices = #map1}, {transform_indices = #map1}, {transform_indices = #map1}, {transform_indices = #map}, {transform_indices = #map1}]} {
    %mul3A = arith.constant 16 : i32
    %mul3A_0 = arith.muli %arg0, %mul3A : i32
    %add3A = arith.addi %mul3A_0, %arg1 : i32
    %iota3A = tpu.iota {dimensions = array<i32: 0>} : vector<16xi32>
    %broadcast_in_dim3A = arith.constant 0.000000e+00 : f32
    %broadcast_in_dim3A_1 = vector.broadcast %broadcast_in_dim3A : f32 to vector<16xf32>
    "tpu.region"() ({
      %run_scoped3A = tpu.sem_alloc : memref<!tpu.dma_semaphore, #tpu.memory_space<semaphore_mem>>
      %dma_start3A = arith.constant 0 : i32
      %dma_start3A_185 = arith.constant 0 : i32
      %dma_start3A_186 = tpu.memref_slice %arg13[%dma_start3A, %dma_start3A_185] : memref<384x8xf32, #tpu.memory_space<vmem>> -> memref<128x8xf32, #tpu.memory_space<vmem>>
      %dma_start3A_187 = arith.constant 0 : i32
      %dma_start3A_188 = arith.constant 0 : i32
      %dma_start3A_189 = tpu.memref_slice %arg13[%dma_start3A_187, %dma_start3A_188] : memref<384x8xf32, #tpu.memory_space<vmem>> -> memref<128x8xf32, #tpu.memory_space<vmem>>
      tpu.enqueue_dma source(%arg7 : memref<128x8xf32, #tpu.memory_space<hbm>>) target(%dma_start3A_189 : memref<128x8xf32, #tpu.memory_space<vmem>>) target_semaphore(%run_scoped3A : memref<!tpu.dma_semaphore, #tpu.memory_space<semaphore_mem>>)
      %dma_wait3A = arith.constant 0 : i32
      %dma_wait3A_190 = arith.constant 0 : i32
      %dma_wait3A_191 = tpu.memref_slice %arg13[%dma_wait3A, %dma_wait3A_190] : memref<384x8xf32, #tpu.memory_space<vmem>> -> memref<128x8xf32, #tpu.memory_space<vmem>>
      %dma_wait3A_192 = arith.constant 0 : i32
      %dma_wait3A_193 = arith.constant 0 : i32
      %dma_wait3A_194 = tpu.memref_slice %arg13[%dma_wait3A_192, %dma_wait3A_193] : memref<384x8xf32, #tpu.memory_space<vmem>> -> memref<128x8xf32, #tpu.memory_space<vmem>>
      tpu.wait_dma2 semaphore(%run_scoped3A : memref<!tpu.dma_semaphore, #tpu.memory_space<semaphore_mem>>) src(%arg7 : memref<128x8xf32, #tpu.memory_space<hbm>>) dst(%dma_wait3A_194 : memref<128x8xf32, #tpu.memory_space<vmem>>)
      tpu.yield
    }) : () -> ()
    %scan3A = arith.constant 0 : i32
    %scan3A_2 = arith.constant 0 : i32
    %scan3A_3 = arith.constant 82 : i32
    %scan3A_4 = arith.addi %scan3A_2, %scan3A_3 : i32
    %scan3A_5 = arith.constant 1 : i32
    scf.for %scan3A_185 = %scan3A_2 to %scan3A_4 step %scan3A_5  : i32 {
      %mul3A_186 = arith.constant 10372 : i32
      %mul3A_187 = arith.muli %arg1, %mul3A_186 : i32
      %mul3A_188 = arith.constant 128 : i32
      %mul3A_189 = arith.muli %scan3A_185, %mul3A_188 : i32
      %min3A_190 = arith.constant 10244 : i32
      %min3A_191 = arith.minsi %mul3A_189, %min3A_190 : i32
      %add3A_192 = arith.addi %mul3A_187, %min3A_191 : i32
      %add3A_193 = arith.constant 0 : i32
      %add3A_194 = arith.addi %add3A_192, %add3A_193 : i32
      %add3A_195 = vector.broadcast %add3A_194 : i32 to vector<16xi32>
      %add3A_196 = arith.addi %add3A_195, %iota3A : vector<16xi32>
      %swap3A_197 = arith.constant 0 : i32
      %swap3A_198 = arith.index_cast %swap3A_197 : i32 to index
      %swap3A_199 = arith.constant 0 : index
      %swap3A_200 = tpu.vector_load %arg15[%swap3A_198, %swap3A_199] {strides = array<i32>} : memref<3x128xi32, #tpu.memory_space<vmem>>, vector<16xi32>,
      tpu.vector_store %arg15[%swap3A_198, %swap3A_199], %add3A_196 {strides = array<i32>} : memref<3x128xi32, #tpu.memory_space<vmem>>, vector<16xi32>,
      %add3A_201 = arith.constant 16 : i32
      %add3A_202 = arith.addi %add3A_192, %add3A_201 : i32
      %add3A_203 = vector.broadcast %add3A_202 : i32 to vector<16xi32>
      %add3A_204 = arith.addi %add3A_203, %iota3A : vector<16xi32>
      %swap3A_205 = arith.constant 0 : i32
      %swap3A_206 = arith.index_cast %swap3A_205 : i32 to index
      %swap3A_207 = arith.constant 16 : index
      %swap3A_208 = tpu.vector_load %arg15[%swap3A_206, %swap3A_207] {strides = array<i32>} : memref<3x128xi32, #tpu.memory_space<vmem>>, vector<16xi32>,
      tpu.vector_store %arg15[%swap3A_206, %swap3A_207], %add3A_204 {strides = array<i32>} : memref<3x128xi32, #tpu.memory_space<vmem>>, vector<16xi32>,
      %add3A_209 = arith.constant 32 : i32
      %add3A_210 = arith.addi %add3A_192, %add3A_209 : i32
      %add3A_211 = vector.broadcast %add3A_210 : i32 to vector<16xi32>
      %add3A_212 = arith.addi %add3A_211, %iota3A : vector<16xi32>
      %swap3A_213 = arith.constant 0 : i32
      %swap3A_214 = arith.index_cast %swap3A_213 : i32 to index
      %swap3A_215 = arith.constant 32 : index
      %swap3A_216 = tpu.vector_load %arg15[%swap3A_214, %swap3A_215] {strides = array<i32>} : memref<3x128xi32, #tpu.memory_space<vmem>>, vector<16xi32>,
      tpu.vector_store %arg15[%swap3A_214, %swap3A_215], %add3A_212 {strides = array<i32>} : memref<3x128xi32, #tpu.memory_space<vmem>>, vector<16xi32>,
      %add3A_217 = arith.constant 48 : i32
      %add3A_218 = arith.addi %add3A_192, %add3A_217 : i32
      %add3A_219 = vector.broadcast %add3A_218 : i32 to vector<16xi32>
      %add3A_220 = arith.addi %add3A_219, %iota3A : vector<16xi32>
      %swap3A_221 = arith.constant 0 : i32
      %swap3A_222 = arith.index_cast %swap3A_221 : i32 to index
      %swap3A_223 = arith.constant 48 : index
      %swap3A_224 = tpu.vector_load %arg15[%swap3A_222, %swap3A_223] {strides = array<i32>} : memref<3x128xi32, #tpu.memory_space<vmem>>, vector<16xi32>,
      tpu.vector_store %arg15[%swap3A_222, %swap3A_223], %add3A_220 {strides = array<i32>} : memref<3x128xi32, #tpu.memory_space<vmem>>, vector<16xi32>,
      %add3A_225 = arith.constant 64 : i32
      %add3A_226 = arith.addi %add3A_192, %add3A_225 : i32
      %add3A_227 = vector.broadcast %add3A_226 : i32 to vector<16xi32>
      %add3A_228 = arith.addi %add3A_227, %iota3A : vector<16xi32>
      %swap3A_229 = arith.constant 0 : i32
      %swap3A_230 = arith.index_cast %swap3A_229 : i32 to index
      %swap3A_231 = arith.constant 64 : index
      %swap3A_232 = tpu.vector_load %arg15[%swap3A_230, %swap3A_231] {strides = array<i32>} : memref<3x128xi32, #tpu.memory_space<vmem>>, vector<16xi32>,
      tpu.vector_store %arg15[%swap3A_230, %swap3A_231], %add3A_228 {strides = array<i32>} : memref<3x128xi32, #tpu.memory_space<vmem>>, vector<16xi32>,
      %add3A_233 = arith.constant 80 : i32
      %add3A_234 = arith.addi %add3A_192, %add3A_233 : i32
      %add3A_235 = vector.broadcast %add3A_234 : i32 to vector<16xi32>
      %add3A_236 = arith.addi %add3A_235, %iota3A : vector<16xi32>
      %swap3A_237 = arith.constant 0 : i32
      %swap3A_238 = arith.index_cast %swap3A_237 : i32 to index
      %swap3A_239 = arith.constant 80 : index
      %swap3A_240 = tpu.vector_load %arg15[%swap3A_238, %swap3A_239] {strides = array<i32>} : memref<3x128xi32, #tpu.memory_space<vmem>>, vector<16xi32>,
      tpu.vector_store %arg15[%swap3A_238, %swap3A_239], %add3A_236 {strides = array<i32>} : memref<3x128xi32, #tpu.memory_space<vmem>>, vector<16xi32>,
      %add3A_241 = arith.constant 96 : i32
      %add3A_242 = arith.addi %add3A_192, %add3A_241 : i32
      %add3A_243 = vector.broadcast %add3A_242 : i32 to vector<16xi32>
      %add3A_244 = arith.addi %add3A_243, %iota3A : vector<16xi32>
      %swap3A_245 = arith.constant 0 : i32
      %swap3A_246 = arith.index_cast %swap3A_245 : i32 to index
      %swap3A_247 = arith.constant 96 : index
      %swap3A_248 = tpu.vector_load %arg15[%swap3A_246, %swap3A_247] {strides = array<i32>} : memref<3x128xi32, #tpu.memory_space<vmem>>, vector<16xi32>,
      tpu.vector_store %arg15[%swap3A_246, %swap3A_247], %add3A_244 {strides = array<i32>} : memref<3x128xi32, #tpu.memory_space<vmem>>, vector<16xi32>,
      %add3A_249 = arith.constant 112 : i32
      %add3A_250 = arith.addi %add3A_192, %add3A_249 : i32
      %add3A_251 = vector.broadcast %add3A_250 : i32 to vector<16xi32>
      %add3A_252 = arith.addi %add3A_251, %iota3A : vector<16xi32>
      %swap3A_253 = arith.constant 0 : i32
      %swap3A_254 = arith.index_cast %swap3A_253 : i32 to index
      %swap3A_255 = arith.constant 112 : index
      %swap3A_256 = tpu.vector_load %arg15[%swap3A_254, %swap3A_255] {strides = array<i32>} : memref<3x128xi32, #tpu.memory_space<vmem>>, vector<16xi32>,
      tpu.vector_store %arg15[%swap3A_254, %swap3A_255], %add3A_252 {strides = array<i32>} : memref<3x128xi32, #tpu.memory_space<vmem>>, vector<16xi32>,
      %run_scoped3A = arith.constant 0 : i32
      "tpu.region"() ({
        %run_scoped3A_257 = tpu.sem_alloc : memref<!tpu.dma_semaphore, #tpu.memory_space<semaphore_mem>>
        %dma_start3A = arith.constant 0 : i32
        %dma_start3A_258 = arith.constant 0 : i32
        %dma_start3A_259 = tpu.memref_slice %arg13[%dma_start3A, %dma_start3A_258] : memref<384x8xf32, #tpu.memory_space<vmem>> -> memref<128x8xf32, #tpu.memory_space<vmem>>
        %dma_start3A_260 = arith.constant 0 : i32
        %dma_start3A_261 = tpu.memref_slice %arg15[%run_scoped3A, %dma_start3A_260] : memref<3x128xi32, #tpu.memory_space<vmem>> -> memref<1x128xi32, #tpu.memory_space<vmem>>
        %dma_start3A_262 = tpu.memref_squeeze %dma_start3A_261 : memref<1x128xi32, #tpu.memory_space<vmem>> -> memref<128xi32, #tpu.memory_space<vmem>>
        %dma_start3A_263 = arith.constant 0 : i32
        %dma_start3A_264 = arith.constant 0 : i32
        %dma_start3A_265 = tpu.memref_slice %arg25[%dma_start3A_263, %dma_start3A_264] : memref<165952x8xf32, #tpu.memory_space<vmem_shared>> -> memref<165952x8xf32, #tpu.memory_space<vmem_shared>>
        tpu.enqueue_indirect_dma source(%dma_start3A_259 : memref<128x8xf32, #tpu.memory_space<vmem>>) target(%dma_start3A_265 : memref<165952x8xf32, #tpu.memory_space<vmem_shared>>) offsets(%dma_start3A_262 : memref<128xi32, #tpu.memory_space<vmem>>) semaphore(%run_scoped3A_257 : memref<!tpu.dma_semaphore, #tpu.memory_space<semaphore_mem>>)
        %dma_wait3A = arith.constant 0 : i32
        %dma_wait3A_266 = arith.constant 0 : i32
        %dma_wait3A_267 = tpu.memref_slice %arg13[%dma_wait3A, %dma_wait3A_266] : memref<384x8xf32, #tpu.memory_space<vmem>> -> memref<128x8xf32, #tpu.memory_space<vmem>>
        %dma_wait3A_268 = arith.constant 0 : i32
        %dma_wait3A_269 = tpu.memref_slice %arg15[%run_scoped3A, %dma_wait3A_268] : memref<3x128xi32, #tpu.memory_space<vmem>> -> memref<1x128xi32, #tpu.memory_space<vmem>>
        %dma_wait3A_270 = tpu.memref_squeeze %dma_wait3A_269 : memref<1x128xi32, #tpu.memory_space<vmem>> -> memref<128xi32, #tpu.memory_space<vmem>>
        %dma_wait3A_271 = arith.constant 0 : i32
        %dma_wait3A_272 = arith.constant 0 : i32
        %dma_wait3A_273 = tpu.memref_slice %arg25[%dma_wait3A_271, %dma_wait3A_272] : memref<165952x8xf32, #tpu.memory_space<vmem_shared>> -> memref<165952x8xf32, #tpu.memory_space<vmem_shared>>
        tpu.wait_indirect_dma semaphore(%run_scoped3A_257 : memref<!tpu.dma_semaphore, #tpu.memory_space<semaphore_mem>>) src(%dma_wait3A_267 : memref<128x8xf32, #tpu.memory_space<vmem>>) dst(%dma_wait3A_273 : memref<165952x8xf32, #tpu.memory_space<vmem_shared>>)
        tpu.yield
      }) : () -> ()
    }
    %scan3A_6 = arith.constant 82 : i32
    "tpu.region"() ({
      %run_scoped3A = tpu.sem_alloc : memref<!tpu.dma_semaphore, #tpu.memory_space<semaphore_mem>>
      tpu.enqueue_dma source(%arg6 : memref<16xi32, #tpu.memory_space<hbm>>) target(%arg21 : memref<16xi32, #tpu.memory_space<vmem>>) target_semaphore(%run_scoped3A : memref<!tpu.dma_semaphore, #tpu.memory_space<semaphore_mem>>)
      tpu.wait_dma2 semaphore(%run_scoped3A : memref<!tpu.dma_semaphore, #tpu.memory_space<semaphore_mem>>) src(%arg6 : memref<16xi32, #tpu.memory_space<hbm>>) dst(%arg21 : memref<16xi32, #tpu.memory_space<vmem>>)
      tpu.yield
    }) : () -> ()
    %get3A = arith.constant 0 : index
    %get3A_7 = tpu.vector_load %arg21[%get3A] {strides = array<i32>} : memref<16xi32, #tpu.memory_space<vmem>>, vector<16xi32>,
    %slice3A = vector.extract_strided_slice %get3A_7 {offsets = [0], sizes = [1], strides = [1]} : vector<16xi32> to vector<1xi32>
    %squeeze3A = vector.extract %slice3A[0] : i32 from vector<1xi32>
    %add3A_8 = arith.constant 7 : i32
    %add3A_9 = arith.addi %squeeze3A, %add3A_8 : i32
    %jit3A = arith.constant 8 : i32
    %div3A = arith.divsi %add3A_9, %jit3A : i32
    %sign3A = arith.constant 0 : i32
    %sign3A_10 = arith.cmpi sgt, %add3A_9, %sign3A : i32
    %sign3A_11 = arith.extui %sign3A_10 : i1 to i32
    %sign3A_12 = arith.constant 0 : i32
    %sign3A_13 = arith.cmpi slt, %add3A_9, %sign3A_12 : i32
    %sign3A_14 = arith.extui %sign3A_13 : i1 to i32
    %sign3A_15 = arith.subi %sign3A_11, %sign3A_14 : i32
    %sign3A_16 = arith.constant 0 : i32
    %sign3A_17 = arith.cmpi sgt, %jit3A, %sign3A_16 : i32
    %sign3A_18 = arith.extui %sign3A_17 : i1 to i32
    %sign3A_19 = arith.constant 0 : i32
    %sign3A_20 = arith.cmpi slt, %jit3A, %sign3A_19 : i32
    %sign3A_21 = arith.extui %sign3A_20 : i1 to i32
    %sign3A_22 = arith.subi %sign3A_18, %sign3A_21 : i32
    %ne3A = arith.cmpi ne, %sign3A_15, %sign3A_22 : i32
    %rem3A = arith.remsi %add3A_9, %jit3A : i32
    %ne3A_23 = arith.constant 0 : i32
    %ne3A_24 = arith.cmpi ne, %rem3A, %ne3A_23 : i32
    %and3A = arith.andi %ne3A, %ne3A_24 : i1
    %sub3A = arith.constant 1 : i32
    %sub3A_25 = arith.subi %div3A, %sub3A : i32
    %select_n3A = arith.select %and3A, %sub3A_25, %div3A : i32
    %mul3A_26 = arith.constant 8 : i32
    %mul3A_27 = arith.muli %select_n3A, %mul3A_26 : i32
    %jit3A_28 = arith.constant 8 : i32
    %div3A_29 = arith.divsi %squeeze3A, %jit3A_28 : i32
    %sign3A_30 = arith.constant 0 : i32
    %sign3A_31 = arith.cmpi sgt, %squeeze3A, %sign3A_30 : i32
    %sign3A_32 = arith.extui %sign3A_31 : i1 to i32
    %sign3A_33 = arith.constant 0 : i32
    %sign3A_34 = arith.cmpi slt, %squeeze3A, %sign3A_33 : i32
    %sign3A_35 = arith.extui %sign3A_34 : i1 to i32
    %sign3A_36 = arith.subi %sign3A_32, %sign3A_35 : i32
    %sign3A_37 = arith.constant 0 : i32
    %sign3A_38 = arith.cmpi sgt, %jit3A_28, %sign3A_37 : i32
    %sign3A_39 = arith.extui %sign3A_38 : i1 to i32
    %sign3A_40 = arith.constant 0 : i32
    %sign3A_41 = arith.cmpi slt, %jit3A_28, %sign3A_40 : i32
    %sign3A_42 = arith.extui %sign3A_41 : i1 to i32
    %sign3A_43 = arith.subi %sign3A_39, %sign3A_42 : i32
    %ne3A_44 = arith.cmpi ne, %sign3A_36, %sign3A_43 : i32
    %rem3A_45 = arith.remsi %squeeze3A, %jit3A_28 : i32
    %ne3A_46 = arith.constant 0 : i32
    %ne3A_47 = arith.cmpi ne, %rem3A_45, %ne3A_46 : i32
    %and3A_48 = arith.andi %ne3A_44, %ne3A_47 : i1
    %sub3A_49 = arith.constant 1 : i32
    %sub3A_50 = arith.subi %div3A_29, %sub3A_49 : i32
    %select_n3A_51 = arith.select %and3A_48, %sub3A_50, %div3A_29 : i32
    %mul3A_52 = arith.constant 8 : i32
    %mul3A_53 = arith.muli %select_n3A_51, %mul3A_52 : i32
    %eq3A = arith.constant 0 : i32
    %eq3A_54 = arith.cmpi eq, %arg0, %eq3A : i32
    %jit3A_55 = arith.constant 0 : i32
    %select_n3A_56 = arith.select %eq3A_54, %jit3A_55, %mul3A_53 : i32
    %eq3A_57 = arith.constant 0 : i32
    %eq3A_58 = arith.cmpi eq, %arg0, %eq3A_57 : i32
    %jit3A_59 = arith.constant 1600000 : i32
    %select_n3A_60 = arith.select %eq3A_58, %mul3A_27, %jit3A_59 : i32
    %sub3A_61 = arith.subi %select_n3A_60, %select_n3A_56 : i32
    %add3A_62 = arith.constant 127 : i32
    %add3A_63 = arith.addi %sub3A_61, %add3A_62 : i32
    %jit3A_64 = arith.constant 128 : i32
    %div3A_65 = arith.divsi %add3A_63, %jit3A_64 : i32
    %sign3A_66 = arith.constant 0 : i32
    %sign3A_67 = arith.cmpi sgt, %add3A_63, %sign3A_66 : i32
    %sign3A_68 = arith.extui %sign3A_67 : i1 to i32
    %sign3A_69 = arith.constant 0 : i32
    %sign3A_70 = arith.cmpi slt, %add3A_63, %sign3A_69 : i32
    %sign3A_71 = arith.extui %sign3A_70 : i1 to i32
    %sign3A_72 = arith.subi %sign3A_68, %sign3A_71 : i32
    %sign3A_73 = arith.constant 0 : i32
    %sign3A_74 = arith.cmpi sgt, %jit3A_64, %sign3A_73 : i32
    %sign3A_75 = arith.extui %sign3A_74 : i1 to i32
    %sign3A_76 = arith.constant 0 : i32
    %sign3A_77 = arith.cmpi slt, %jit3A_64, %sign3A_76 : i32
    %sign3A_78 = arith.extui %sign3A_77 : i1 to i32
    %sign3A_79 = arith.subi %sign3A_75, %sign3A_78 : i32
    %ne3A_80 = arith.cmpi ne, %sign3A_72, %sign3A_79 : i32
    %rem3A_81 = arith.remsi %add3A_63, %jit3A_64 : i32
    %ne3A_82 = arith.constant 0 : i32
    %ne3A_83 = arith.cmpi ne, %rem3A_81, %ne3A_82 : i32
    %and3A_84 = arith.andi %ne3A_80, %ne3A_83 : i1
    %sub3A_85 = arith.constant 1 : i32
    %sub3A_86 = arith.subi %div3A_65, %sub3A_85 : i32
    %select_n3A_87 = arith.select %and3A_84, %sub3A_86, %div3A_65 : i32
    %mul3A_88 = arith.constant 8 : i32
    %mul3A_89 = arith.muli %select_n3A_87, %mul3A_88 : i32
    %mul3A_90 = arith.muli %arg1, %mul3A_89 : i32
    %add3A_91 = arith.addi %select_n3A_56, %mul3A_90 : i32
    %add3A_92 = arith.addi %add3A_91, %mul3A_89 : i32
    %min3A = arith.minsi %add3A_92, %select_n3A_60 : i32
    %sub3A_93 = arith.subi %min3A, %add3A_91 : i32
    %max3A = arith.constant 0 : i32
    %max3A_94 = arith.maxsi %sub3A_93, %max3A : i32
    %add3A_95 = arith.constant 384 : i32
    %add3A_96 = arith.addi %max3A_94, %add3A_95 : i32
    %sub3A_97 = arith.constant 1 : i32
    %sub3A_98 = arith.subi %add3A_96, %sub3A_97 : i32
    %jit3A_99 = arith.constant 384 : i32
    %div3A_100 = arith.divsi %sub3A_98, %jit3A_99 : i32
    %sign3A_101 = arith.constant 0 : i32
    %sign3A_102 = arith.cmpi sgt, %sub3A_98, %sign3A_101 : i32
    %sign3A_103 = arith.extui %sign3A_102 : i1 to i32
    %sign3A_104 = arith.constant 0 : i32
    %sign3A_105 = arith.cmpi slt, %sub3A_98, %sign3A_104 : i32
    %sign3A_106 = arith.extui %sign3A_105 : i1 to i32
    %sign3A_107 = arith.subi %sign3A_103, %sign3A_106 : i32
    %sign3A_108 = arith.constant 0 : i32
    %sign3A_109 = arith.cmpi sgt, %jit3A_99, %sign3A_108 : i32
    %sign3A_110 = arith.extui %sign3A_109 : i1 to i32
    %sign3A_111 = arith.constant 0 : i32
    %sign3A_112 = arith.cmpi slt, %jit3A_99, %sign3A_111 : i32
    %sign3A_113 = arith.extui %sign3A_112 : i1 to i32
    %sign3A_114 = arith.subi %sign3A_110, %sign3A_113 : i32
    %ne3A_115 = arith.cmpi ne, %sign3A_107, %sign3A_114 : i32
    %rem3A_116 = arith.remsi %sub3A_98, %jit3A_99 : i32
    %ne3A_117 = arith.constant 0 : i32
    %ne3A_118 = arith.cmpi ne, %rem3A_116, %ne3A_117 : i32
    %and3A_119 = arith.andi %ne3A_115, %ne3A_118 : i1
    %sub3A_120 = arith.constant 1 : i32
    %sub3A_121 = arith.subi %div3A_100, %sub3A_120 : i32
    %select_n3A_122 = arith.select %and3A_119, %sub3A_121, %div3A_100 : i32
    %mul3A_123 = arith.constant 4 : i32
    %mul3A_124 = arith.muli %arg0, %mul3A_123 : i32
    %barrier3A = arith.constant 0 : index
    tpu.barrier barrier_id(%barrier3A)
    %while3A = arith.constant 0 : i32
    %while3A_125 = arith.constant 0 : i32
    %while3A_126 = arith.subi %select_n3A_122, %while3A_125 : i32
    %while3A_127 = arith.addi %while3A_125, %while3A_126 : i32
    %while3A_128 = arith.constant 1 : i32
    %while3A_129 = arith.divsi %while3A_126, %while3A_128 : i32
    %while3A_130 = arith.muli %while3A_129, %while3A_128 : i32
    %while3A_131 = arith.addi %while3A_125, %while3A_130 : i32
    %while3A_132 = arith.constant 1 : i32
    scf.for %while3A_185 = %while3A_125 to %while3A_131 step %while3A_132  : i32 {
      %mul3A_186 = arith.constant 384 : i32
      %mul3A_187 = arith.muli %while3A_185, %mul3A_186 : i32
      %add3A_188 = arith.addi %add3A_91, %mul3A_187 : i32
      %min3A_189 = arith.constant 1599616 : i32
      %min3A_190 = arith.minsi %add3A_188, %min3A_189 : i32
      %dma_start3A = arith.constant 0 : i32
      %dma_start3A_191 = tpu.memref_slice %arg3[%min3A_190, %dma_start3A] : memref<1600000x3xi32, #tpu.memory_space<hbm>> -> memref<384x3xi32, #tpu.memory_space<hbm>>
      %dma_start3A_192 = arith.constant 0 : i32
      %dma_start3A_193 = tpu.memref_slice %arg3[%min3A_190, %dma_start3A_192] : memref<1600000x3xi32, #tpu.memory_space<hbm>> -> memref<384x3xi32, #tpu.memory_space<hbm>>
      tpu.enqueue_dma source(%dma_start3A_193 : memref<384x3xi32, #tpu.memory_space<hbm>>) target(%arg9 : memref<384x3xi32, #tpu.memory_space<vmem>>) target_semaphore(%arg23 : memref<!tpu.dma_semaphore, #tpu.memory_space<semaphore_mem>>)
      %dma_start3A_194 = tpu.memref_slice %arg4[%min3A_190] : memref<1600000xi32, #tpu.memory_space<hbm>> -> memref<384xi32, #tpu.memory_space<hbm>>
      %dma_start3A_195 = tpu.memref_slice %arg4[%min3A_190] : memref<1600000xi32, #tpu.memory_space<hbm>> -> memref<384xi32, #tpu.memory_space<hbm>>
      tpu.enqueue_dma source(%dma_start3A_195 : memref<384xi32, #tpu.memory_space<hbm>>) target(%arg10 : memref<384xi32, #tpu.memory_space<vmem>>) target_semaphore(%arg23 : memref<!tpu.dma_semaphore, #tpu.memory_space<semaphore_mem>>)
      %dma_start3A_196 = tpu.memref_slice %arg5[%min3A_190] : memref<1600000xi32, #tpu.memory_space<hbm>> -> memref<384xi32, #tpu.memory_space<hbm>>
      %dma_start3A_197 = tpu.memref_slice %arg5[%min3A_190] : memref<1600000xi32, #tpu.memory_space<hbm>> -> memref<384xi32, #tpu.memory_space<hbm>>
      tpu.enqueue_dma source(%dma_start3A_197 : memref<384xi32, #tpu.memory_space<hbm>>) target(%arg11 : memref<384xi32, #tpu.memory_space<vmem>>) target_semaphore(%arg23 : memref<!tpu.dma_semaphore, #tpu.memory_space<semaphore_mem>>)
      %dma_wait3A = arith.constant 0 : i32
      %dma_wait3A_198 = tpu.memref_slice %arg3[%min3A_190, %dma_wait3A] : memref<1600000x3xi32, #tpu.memory_space<hbm>> -> memref<384x3xi32, #tpu.memory_space<hbm>>
      %dma_wait3A_199 = arith.constant 0 : i32
      %dma_wait3A_200 = tpu.memref_slice %arg3[%min3A_190, %dma_wait3A_199] : memref<1600000x3xi32, #tpu.memory_space<hbm>> -> memref<384x3xi32, #tpu.memory_space<hbm>>
      tpu.wait_dma2 semaphore(%arg23 : memref<!tpu.dma_semaphore, #tpu.memory_space<semaphore_mem>>) src(%dma_wait3A_200 : memref<384x3xi32, #tpu.memory_space<hbm>>) dst(%arg9 : memref<384x3xi32, #tpu.memory_space<vmem>>)
      %dma_wait3A_201 = tpu.memref_slice %arg4[%min3A_190] : memref<1600000xi32, #tpu.memory_space<hbm>> -> memref<384xi32, #tpu.memory_space<hbm>>
      %dma_wait3A_202 = tpu.memref_slice %arg4[%min3A_190] : memref<1600000xi32, #tpu.memory_space<hbm>> -> memref<384xi32, #tpu.memory_space<hbm>>
      tpu.wait_dma2 semaphore(%arg23 : memref<!tpu.dma_semaphore, #tpu.memory_space<semaphore_mem>>) src(%dma_wait3A_202 : memref<384xi32, #tpu.memory_space<hbm>>) dst(%arg10 : memref<384xi32, #tpu.memory_space<vmem>>)
      %dma_wait3A_203 = tpu.memref_slice %arg5[%min3A_190] : memref<1600000xi32, #tpu.memory_space<hbm>> -> memref<384xi32, #tpu.memory_space<hbm>>
      %dma_wait3A_204 = tpu.memref_slice %arg5[%min3A_190] : memref<1600000xi32, #tpu.memory_space<hbm>> -> memref<384xi32, #tpu.memory_space<hbm>>
      tpu.wait_dma2 semaphore(%arg23 : memref<!tpu.dma_semaphore, #tpu.memory_space<semaphore_mem>>) src(%dma_wait3A_204 : memref<384xi32, #tpu.memory_space<hbm>>) dst(%arg11 : memref<384xi32, #tpu.memory_space<vmem>>)
      %scan3A_205 = arith.constant 0 : i32
      %scan3A_206 = arith.constant 0 : i32
      %scan3A_207 = arith.constant 24 : i32
      %scan3A_208 = arith.addi %scan3A_206, %scan3A_207 : i32
      %scan3A_209 = arith.constant 1 : i32
      scf.for %scan3A_391 = %scan3A_206 to %scan3A_208 step %scan3A_209  : i32 {
        %mul3A_392 = arith.constant 16 : i32
        %mul3A_393 = arith.muli %scan3A_391, %mul3A_392 : i32
        %add3A_394 = vector.broadcast %mul3A_393 : i32 to vector<16xi32>
        %add3A_395 = arith.addi %add3A_394, %iota3A : vector<16xi32>
        %broadcast_in_dim3A_396 = arith.constant 0 : i32
        %broadcast_in_dim3A_397 = vector.broadcast %broadcast_in_dim3A_396 : i32 to vector<16xi32>
        %gather3A = tpu.vector_load_idx %arg9[%add3A_395, %broadcast_in_dim3A_397] : memref<384x3xi32, #tpu.memory_space<vmem>>[vector<16xi32>, vector<16xi32>], vector<16xi32>,
        %broadcast_in_dim3A_398 = arith.constant 1 : i32
        %broadcast_in_dim3A_399 = vector.broadcast %broadcast_in_dim3A_398 : i32 to vector<16xi32>
        %gather3A_400 = tpu.vector_load_idx %arg9[%add3A_395, %broadcast_in_dim3A_399] : memref<384x3xi32, #tpu.memory_space<vmem>>[vector<16xi32>, vector<16xi32>], vector<16xi32>,
        %broadcast_in_dim3A_401 = arith.constant 2 : i32
        %broadcast_in_dim3A_402 = vector.broadcast %broadcast_in_dim3A_401 : i32 to vector<16xi32>
        %gather3A_403 = tpu.vector_load_idx %arg9[%add3A_395, %broadcast_in_dim3A_402] : memref<384x3xi32, #tpu.memory_space<vmem>>[vector<16xi32>, vector<16xi32>], vector<16xi32>,
        %mul3A_404 = arith.constant 16 : i32
        %mul3A_405 = arith.muli %scan3A_391, %mul3A_404 : i32
        %get3A_406 = arith.index_cast %mul3A_405 : i32 to index
        %get3A_407 = tpu.vector_load %arg10[%get3A_406] {strides = array<i32>} : memref<384xi32, #tpu.memory_space<vmem>>, vector<16xi32>,
        %mul3A_408 = arith.constant 16 : i32
        %mul3A_409 = arith.muli %scan3A_391, %mul3A_408 : i32
        %get3A_410 = arith.index_cast %mul3A_409 : i32 to index
        %get3A_411 = tpu.vector_load %arg11[%get3A_410] {strides = array<i32>} : memref<384xi32, #tpu.memory_space<vmem>>, vector<16xi32>,
        %add3A_412 = vector.broadcast %min3A_190 : i32 to vector<16xi32>
        %add3A_413 = arith.addi %add3A_412, %add3A_395 : vector<16xi32>
        %sub3A_414 = vector.broadcast %mul3A_124 : i32 to vector<16xi32>
        %sub3A_415 = arith.subi %get3A_411, %sub3A_414 : vector<16xi32>
        %ge3A = vector.broadcast %add3A_188 : i32 to vector<16xi32>
        %ge3A_416 = arith.cmpi sge, %add3A_413, %ge3A : vector<16xi32>
        %lt3A = vector.broadcast %min3A : i32 to vector<16xi32>
        %lt3A_417 = arith.cmpi slt, %add3A_413, %lt3A : vector<16xi32>
        %and3A_418 = arith.andi %ge3A_416, %lt3A_417 : vector<16xi1>
        %ge3A_419 = arith.constant 0 : i32
        %ge3A_420 = vector.broadcast %ge3A_419 : i32 to vector<16xi32>
        %ge3A_421 = arith.cmpi sge, %sub3A_415, %ge3A_420 : vector<16xi32>
        %and3A_422 = arith.andi %and3A_418, %ge3A_421 : vector<16xi1>
        %lt3A_423 = arith.constant 4 : i32
        %lt3A_424 = vector.broadcast %lt3A_423 : i32 to vector<16xi32>
        %lt3A_425 = arith.cmpi slt, %sub3A_415, %lt3A_424 : vector<16xi32>
        %and3A_426 = arith.andi %and3A_422, %lt3A_425 : vector<16xi1>
        %shift_right_arithmetic3A = arith.constant 3 : i32
        %shift_right_arithmetic3A_427 = vector.broadcast %shift_right_arithmetic3A : i32 to vector<16xi32>
        %shift_right_arithmetic3A_428 = arith.shrsi %gather3A, %shift_right_arithmetic3A_427 : vector<16xi32>
        %shift_right_arithmetic3A_429 = arith.constant 3 : i32
        %shift_right_arithmetic3A_430 = vector.broadcast %shift_right_arithmetic3A_429 : i32 to vector<16xi32>
        %shift_right_arithmetic3A_431 = arith.shrsi %gather3A_400, %shift_right_arithmetic3A_430 : vector<16xi32>
        %shift_right_arithmetic3A_432 = arith.constant 3 : i32
        %shift_right_arithmetic3A_433 = vector.broadcast %shift_right_arithmetic3A_432 : i32 to vector<16xi32>
        %shift_right_arithmetic3A_434 = arith.shrsi %gather3A_403, %shift_right_arithmetic3A_433 : vector<16xi32>
        %mul3A_435 = arith.constant 16 : i32
        %mul3A_436 = vector.broadcast %mul3A_435 : i32 to vector<16xi32>
        %mul3A_437 = arith.muli %shift_right_arithmetic3A_428, %mul3A_436 : vector<16xi32>
        %add3A_438 = arith.addi %mul3A_437, %shift_right_arithmetic3A_431 : vector<16xi32>
        %mul3A_439 = arith.constant 16 : i32
        %mul3A_440 = vector.broadcast %mul3A_439 : i32 to vector<16xi32>
        %mul3A_441 = arith.muli %add3A_438, %mul3A_440 : vector<16xi32>
        %add3A_442 = arith.addi %mul3A_441, %shift_right_arithmetic3A_434 : vector<16xi32>
        %mul3A_443 = arith.constant 4096 : i32
        %mul3A_444 = vector.broadcast %mul3A_443 : i32 to vector<16xi32>
        %mul3A_445 = arith.muli %sub3A_415, %mul3A_444 : vector<16xi32>
        %add3A_446 = arith.addi %mul3A_445, %add3A_442 : vector<16xi32>
        %and3A_447 = arith.constant 1 : i32
        %and3A_448 = vector.broadcast %and3A_447 : i32 to vector<16xi32>
        %and3A_449 = arith.andi %get3A_407, %and3A_448 : vector<16xi32>
        %mul3A_450 = arith.constant 4 : i32
        %mul3A_451 = vector.broadcast %mul3A_450 : i32 to vector<16xi32>
        %mul3A_452 = arith.muli %and3A_449, %mul3A_451 : vector<16xi32>
        %mul3A_453 = arith.constant 10 : i32
        %mul3A_454 = vector.broadcast %mul3A_453 : i32 to vector<16xi32>
        %mul3A_455 = arith.muli %add3A_446, %mul3A_454 : vector<16xi32>
        %shift_right_arithmetic3A_456 = arith.constant 1 : i32
        %shift_right_arithmetic3A_457 = vector.broadcast %shift_right_arithmetic3A_456 : i32 to vector<16xi32>
        %shift_right_arithmetic3A_458 = arith.shrsi %get3A_407, %shift_right_arithmetic3A_457 : vector<16xi32>
        %add3A_459 = arith.addi %mul3A_455, %shift_right_arithmetic3A_458 : vector<16xi32>
        %mul3A_460 = arith.constant 20 : i32
        %mul3A_461 = vector.broadcast %mul3A_460 : i32 to vector<16xi32>
        %mul3A_462 = arith.muli %sub3A_415, %mul3A_461 : vector<16xi32>
        %add3A_463 = arith.addi %mul3A_462, %get3A_407 : vector<16xi32>
        %shift_right_arithmetic3A_464 = arith.constant 1 : i32
        %shift_right_arithmetic3A_465 = vector.broadcast %shift_right_arithmetic3A_464 : i32 to vector<16xi32>
        %shift_right_arithmetic3A_466 = arith.shrsi %add3A_463, %shift_right_arithmetic3A_465 : vector<16xi32>
        %add3A_467 = arith.constant 163848 : i32
        %add3A_468 = vector.broadcast %add3A_467 : i32 to vector<16xi32>
        %add3A_469 = arith.addi %add3A_468, %shift_right_arithmetic3A_466 : vector<16xi32>
        %shift_right_arithmetic3A_470 = arith.constant 3 : i32
        %shift_right_arithmetic3A_471 = vector.broadcast %shift_right_arithmetic3A_470 : i32 to vector<16xi32>
        %shift_right_arithmetic3A_472 = arith.shrsi %add3A_446, %shift_right_arithmetic3A_471 : vector<16xi32>
        %add3A_473 = arith.constant 163888 : i32
        %add3A_474 = vector.broadcast %add3A_473 : i32 to vector<16xi32>
        %add3A_475 = arith.addi %add3A_474, %shift_right_arithmetic3A_472 : vector<16xi32>
        %and3A_476 = arith.constant 7 : i32
        %and3A_477 = vector.broadcast %and3A_476 : i32 to vector<16xi32>
        %and3A_478 = arith.andi %add3A_446, %and3A_477 : vector<16xi32>
        %jit3A_479 = arith.constant 8 : i32
        %div3A_480 = arith.divsi %scan3A_391, %jit3A_479 : i32
        %sign3A_481 = arith.constant 0 : i32
        %sign3A_482 = arith.cmpi sgt, %scan3A_391, %sign3A_481 : i32
        %sign3A_483 = arith.extui %sign3A_482 : i1 to i32
        %sign3A_484 = arith.constant 0 : i32
        %sign3A_485 = arith.cmpi slt, %scan3A_391, %sign3A_484 : i32
        %sign3A_486 = arith.extui %sign3A_485 : i1 to i32
        %sign3A_487 = arith.subi %sign3A_483, %sign3A_486 : i32
        %sign3A_488 = arith.constant 0 : i32
        %sign3A_489 = arith.cmpi sgt, %jit3A_479, %sign3A_488 : i32
        %sign3A_490 = arith.extui %sign3A_489 : i1 to i32
        %sign3A_491 = arith.constant 0 : i32
        %sign3A_492 = arith.cmpi slt, %jit3A_479, %sign3A_491 : i32
        %sign3A_493 = arith.extui %sign3A_492 : i1 to i32
        %sign3A_494 = arith.subi %sign3A_490, %sign3A_493 : i32
        %ne3A_495 = arith.cmpi ne, %sign3A_487, %sign3A_494 : i32
        %rem3A_496 = arith.remsi %scan3A_391, %jit3A_479 : i32
        %ne3A_497 = arith.constant 0 : i32
        %ne3A_498 = arith.cmpi ne, %rem3A_496, %ne3A_497 : i32
        %and3A_499 = arith.andi %ne3A_495, %ne3A_498 : i1
        %sub3A_500 = arith.constant 1 : i32
        %sub3A_501 = arith.subi %div3A_480, %sub3A_500 : i32
        %select_n3A_502 = arith.select %and3A_499, %sub3A_501, %div3A_480 : i32
        %jit3A_503 = arith.constant 8 : i32
        %eq3A_504 = arith.constant 0 : i32
        %eq3A_505 = arith.cmpi eq, %jit3A_503, %eq3A_504 : i32
        %jit3A_506 = arith.constant 1 : i32
        %select_n3A_507 = arith.select %eq3A_505, %jit3A_506, %jit3A_503 : i32
        %rem3A_508 = arith.remsi %scan3A_391, %select_n3A_507 : i32
        %ne3A_509 = arith.constant 0 : i32
        %ne3A_510 = arith.cmpi ne, %rem3A_508, %ne3A_509 : i32
        %lt3A_511 = arith.constant 0 : i32
        %lt3A_512 = arith.cmpi slt, %rem3A_508, %lt3A_511 : i32
        %lt3A_513 = arith.constant 0 : i32
        %lt3A_514 = arith.cmpi slt, %select_n3A_507, %lt3A_513 : i32
        %ne3A_515 = arith.xori %lt3A_512, %lt3A_514 : i1
        %and3A_516 = arith.andi %ne3A_515, %ne3A_510 : i1
        %add3A_517 = arith.addi %rem3A_508, %select_n3A_507 : i32
        %select_n3A_518 = arith.select %and3A_516, %add3A_517, %rem3A_508 : i32
        %mul3A_519 = arith.constant 16 : i32
        %mul3A_520 = arith.muli %select_n3A_518, %mul3A_519 : i32
        %jit3A_521 = arith.constant 163840 : i32
        %broadcast_in_dim3A_522 = vector.broadcast %jit3A_521 : i32 to vector<16xi32>
        %select_n3A_523 = arith.select %and3A_426, %add3A_459, %broadcast_in_dim3A_522 : vector<16xi1>, vector<16xi32>
        %swap3A_524 = arith.index_cast %select_n3A_502 : i32 to index
        %swap3A_525 = arith.index_cast %mul3A_520 : i32 to index
        %swap3A_526 = tpu.vector_load %arg15[%swap3A_524, %swap3A_525] {strides = array<i32>} : memref<3x128xi32, #tpu.memory_space<vmem>>, vector<16xi32>,
        tpu.vector_store %arg15[%swap3A_524, %swap3A_525], %select_n3A_523 {strides = array<i32>} : memref<3x128xi32, #tpu.memory_space<vmem>>, vector<16xi32>,
        %jit3A_527 = arith.constant 163840 : i32
        %broadcast_in_dim3A_528 = vector.broadcast %jit3A_527 : i32 to vector<16xi32>
        %select_n3A_529 = arith.select %and3A_426, %add3A_469, %broadcast_in_dim3A_528 : vector<16xi1>, vector<16xi32>
        %swap3A_530 = arith.index_cast %select_n3A_502 : i32 to index
        %swap3A_531 = arith.index_cast %mul3A_520 : i32 to index
        %swap3A_532 = tpu.vector_load %arg17[%swap3A_530, %swap3A_531] {strides = array<i32>} : memref<3x128xi32, #tpu.memory_space<vmem>>, vector<16xi32>,
        tpu.vector_store %arg17[%swap3A_530, %swap3A_531], %select_n3A_529 {strides = array<i32>} : memref<3x128xi32, #tpu.memory_space<vmem>>, vector<16xi32>,
        %jit3A_533 = arith.constant 165936 : i32
        %broadcast_in_dim3A_534 = vector.broadcast %jit3A_533 : i32 to vector<16xi32>
        %select_n3A_535 = arith.select %and3A_426, %add3A_475, %broadcast_in_dim3A_534 : vector<16xi1>, vector<16xi32>
        %swap3A_536 = arith.index_cast %select_n3A_502 : i32 to index
        %swap3A_537 = arith.index_cast %mul3A_520 : i32 to index
        %swap3A_538 = tpu.vector_load %arg16[%swap3A_536, %swap3A_537] {strides = array<i32>} : memref<3x128xi32, #tpu.memory_space<vmem>>, vector<16xi32>,
        tpu.vector_store %arg16[%swap3A_536, %swap3A_537], %select_n3A_535 {strides = array<i32>} : memref<3x128xi32, #tpu.memory_space<vmem>>, vector<16xi32>,
        %convert_element_type3A = arith.sitofp %gather3A : vector<16xi32> to vector<16xf32>
        %select_n3A_539 = arith.select %and3A_426, %convert_element_type3A, %broadcast_in_dim3A_1 : vector<16xi1>, vector<16xf32>
        %convert_element_type3A_540 = arith.sitofp %gather3A_400 : vector<16xi32> to vector<16xf32>
        %select_n3A_541 = arith.select %and3A_426, %convert_element_type3A_540, %broadcast_in_dim3A_1 : vector<16xi1>, vector<16xf32>
        %convert_element_type3A_542 = arith.sitofp %gather3A_403 : vector<16xi32> to vector<16xf32>
        %select_n3A_543 = arith.select %and3A_426, %convert_element_type3A_542, %broadcast_in_dim3A_1 : vector<16xi1>, vector<16xf32>
        %jit3A_544 = arith.constant 1.000000e+00 : f32
        %jit3A_545 = arith.constant 0.000000e+00 : f32
        %broadcast_in_dim3A_546 = vector.broadcast %jit3A_544 : f32 to vector<16xf32>
        %broadcast_in_dim3A_547 = vector.broadcast %jit3A_545 : f32 to vector<16xf32>
        %select_n3A_548 = arith.select %and3A_426, %broadcast_in_dim3A_546, %broadcast_in_dim3A_547 : vector<16xi1>, vector<16xf32>
        %add3A_549 = arith.constant 0 : i32
        %add3A_550 = vector.broadcast %add3A_549 : i32 to vector<16xi32>
        %add3A_551 = arith.addi %mul3A_452, %add3A_550 : vector<16xi32>
        tpu.vector_store_idx %arg13[%add3A_395, %add3A_551], %select_n3A_539 : memref<384x8xf32, #tpu.memory_space<vmem>>[vector<16xi32>, vector<16xi32>], vector<16xf32>,
        %sub3A_552 = arith.constant 4 : i32
        %sub3A_553 = vector.broadcast %sub3A_552 : i32 to vector<16xi32>
        %sub3A_554 = arith.subi %sub3A_553, %mul3A_452 : vector<16xi32>
        %add3A_555 = arith.constant 0 : i32
        %add3A_556 = vector.broadcast %add3A_555 : i32 to vector<16xi32>
        %add3A_557 = arith.addi %sub3A_554, %add3A_556 : vector<16xi32>
        tpu.vector_store_idx %arg13[%add3A_395, %add3A_557], %broadcast_in_dim3A_1 : memref<384x8xf32, #tpu.memory_space<vmem>>[vector<16xi32>, vector<16xi32>], vector<16xf32>,
        %add3A_558 = arith.constant 1 : i32
        %add3A_559 = vector.broadcast %add3A_558 : i32 to vector<16xi32>
        %add3A_560 = arith.addi %mul3A_452, %add3A_559 : vector<16xi32>
        tpu.vector_store_idx %arg13[%add3A_395, %add3A_560], %select_n3A_541 : memref<384x8xf32, #tpu.memory_space<vmem>>[vector<16xi32>, vector<16xi32>], vector<16xf32>,
        %sub3A_561 = arith.constant 4 : i32
        %sub3A_562 = vector.broadcast %sub3A_561 : i32 to vector<16xi32>
        %sub3A_563 = arith.subi %sub3A_562, %mul3A_452 : vector<16xi32>
        %add3A_564 = arith.constant 1 : i32
        %add3A_565 = vector.broadcast %add3A_564 : i32 to vector<16xi32>
        %add3A_566 = arith.addi %sub3A_563, %add3A_565 : vector<16xi32>
        tpu.vector_store_idx %arg13[%add3A_395, %add3A_566], %broadcast_in_dim3A_1 : memref<384x8xf32, #tpu.memory_space<vmem>>[vector<16xi32>, vector<16xi32>], vector<16xf32>,
        %add3A_567 = arith.constant 2 : i32
        %add3A_568 = vector.broadcast %add3A_567 : i32 to vector<16xi32>
        %add3A_569 = arith.addi %mul3A_452, %add3A_568 : vector<16xi32>
        tpu.vector_store_idx %arg13[%add3A_395, %add3A_569], %select_n3A_543 : memref<384x8xf32, #tpu.memory_space<vmem>>[vector<16xi32>, vector<16xi32>], vector<16xf32>,
        %sub3A_570 = arith.constant 4 : i32
        %sub3A_571 = vector.broadcast %sub3A_570 : i32 to vector<16xi32>
        %sub3A_572 = arith.subi %sub3A_571, %mul3A_452 : vector<16xi32>
        %add3A_573 = arith.constant 2 : i32
        %add3A_574 = vector.broadcast %add3A_573 : i32 to vector<16xi32>
        %add3A_575 = arith.addi %sub3A_572, %add3A_574 : vector<16xi32>
        tpu.vector_store_idx %arg13[%add3A_395, %add3A_575], %broadcast_in_dim3A_1 : memref<384x8xf32, #tpu.memory_space<vmem>>[vector<16xi32>, vector<16xi32>], vector<16xf32>,
        %add3A_576 = arith.constant 3 : i32
        %add3A_577 = vector.broadcast %add3A_576 : i32 to vector<16xi32>
        %add3A_578 = arith.addi %mul3A_452, %add3A_577 : vector<16xi32>
        tpu.vector_store_idx %arg13[%add3A_395, %add3A_578], %select_n3A_548 : memref<384x8xf32, #tpu.memory_space<vmem>>[vector<16xi32>, vector<16xi32>], vector<16xf32>,
        %sub3A_579 = arith.constant 4 : i32
        %sub3A_580 = vector.broadcast %sub3A_579 : i32 to vector<16xi32>
        %sub3A_581 = arith.subi %sub3A_580, %mul3A_452 : vector<16xi32>
        %add3A_582 = arith.constant 3 : i32
        %add3A_583 = vector.broadcast %add3A_582 : i32 to vector<16xi32>
        %add3A_584 = arith.addi %sub3A_581, %add3A_583 : vector<16xi32>
        tpu.vector_store_idx %arg13[%add3A_395, %add3A_584], %broadcast_in_dim3A_1 : memref<384x8xf32, #tpu.memory_space<vmem>>[vector<16xi32>, vector<16xi32>], vector<16xf32>,
        %jit3A_585 = arith.constant 1.000000e+00 : f32
        %jit3A_586 = arith.constant 0.000000e+00 : f32
        %broadcast_in_dim3A_587 = vector.broadcast %jit3A_585 : f32 to vector<16xf32>
        %broadcast_in_dim3A_588 = vector.broadcast %jit3A_586 : f32 to vector<16xf32>
        %select_n3A_589 = arith.select %and3A_426, %broadcast_in_dim3A_587, %broadcast_in_dim3A_588 : vector<16xi1>, vector<16xf32>
        %broadcast_in_dim3A_590 = arith.constant 0 : i32
        %broadcast_in_dim3A_591 = vector.broadcast %broadcast_in_dim3A_590 : i32 to vector<16xi32>
        %eq3A_592 = arith.constant 0 : i32
        %eq3A_593 = vector.broadcast %eq3A_592 : i32 to vector<16xi32>
        %eq3A_594 = arith.cmpi eq, %and3A_478, %eq3A_593 : vector<16xi32>
        %select_n3A_595 = arith.select %eq3A_594, %select_n3A_589, %broadcast_in_dim3A_1 : vector<16xi1>, vector<16xf32>
        tpu.vector_store_idx %arg14[%add3A_395, %broadcast_in_dim3A_591], %select_n3A_595 : memref<384x8xf32, #tpu.memory_space<vmem>>[vector<16xi32>, vector<16xi32>], vector<16xf32>,
        %broadcast_in_dim3A_596 = arith.constant 1 : i32
        %broadcast_in_dim3A_597 = vector.broadcast %broadcast_in_dim3A_596 : i32 to vector<16xi32>
        %eq3A_598 = arith.constant 1 : i32
        %eq3A_599 = vector.broadcast %eq3A_598 : i32 to vector<16xi32>
        %eq3A_600 = arith.cmpi eq, %and3A_478, %eq3A_599 : vector<16xi32>
        %select_n3A_601 = arith.select %eq3A_600, %select_n3A_589, %broadcast_in_dim3A_1 : vector<16xi1>, vector<16xf32>
        tpu.vector_store_idx %arg14[%add3A_395, %broadcast_in_dim3A_597], %select_n3A_601 : memref<384x8xf32, #tpu.memory_space<vmem>>[vector<16xi32>, vector<16xi32>], vector<16xf32>,
        %broadcast_in_dim3A_602 = arith.constant 2 : i32
        %broadcast_in_dim3A_603 = vector.broadcast %broadcast_in_dim3A_602 : i32 to vector<16xi32>
        %eq3A_604 = arith.constant 2 : i32
        %eq3A_605 = vector.broadcast %eq3A_604 : i32 to vector<16xi32>
        %eq3A_606 = arith.cmpi eq, %and3A_478, %eq3A_605 : vector<16xi32>
        %select_n3A_607 = arith.select %eq3A_606, %select_n3A_589, %broadcast_in_dim3A_1 : vector<16xi1>, vector<16xf32>
        tpu.vector_store_idx %arg14[%add3A_395, %broadcast_in_dim3A_603], %select_n3A_607 : memref<384x8xf32, #tpu.memory_space<vmem>>[vector<16xi32>, vector<16xi32>], vector<16xf32>,
        %broadcast_in_dim3A_608 = arith.constant 3 : i32
        %broadcast_in_dim3A_609 = vector.broadcast %broadcast_in_dim3A_608 : i32 to vector<16xi32>
        %eq3A_610 = arith.constant 3 : i32
        %eq3A_611 = vector.broadcast %eq3A_610 : i32 to vector<16xi32>
        %eq3A_612 = arith.cmpi eq, %and3A_478, %eq3A_611 : vector<16xi32>
        %select_n3A_613 = arith.select %eq3A_612, %select_n3A_589, %broadcast_in_dim3A_1 : vector<16xi1>, vector<16xf32>
        tpu.vector_store_idx %arg14[%add3A_395, %broadcast_in_dim3A_609], %select_n3A_613 : memref<384x8xf32, #tpu.memory_space<vmem>>[vector<16xi32>, vector<16xi32>], vector<16xf32>,
        %broadcast_in_dim3A_614 = arith.constant 4 : i32
        %broadcast_in_dim3A_615 = vector.broadcast %broadcast_in_dim3A_614 : i32 to vector<16xi32>
        %eq3A_616 = arith.constant 4 : i32
        %eq3A_617 = vector.broadcast %eq3A_616 : i32 to vector<16xi32>
        %eq3A_618 = arith.cmpi eq, %and3A_478, %eq3A_617 : vector<16xi32>
        %select_n3A_619 = arith.select %eq3A_618, %select_n3A_589, %broadcast_in_dim3A_1 : vector<16xi1>, vector<16xf32>
        tpu.vector_store_idx %arg14[%add3A_395, %broadcast_in_dim3A_615], %select_n3A_619 : memref<384x8xf32, #tpu.memory_space<vmem>>[vector<16xi32>, vector<16xi32>], vector<16xf32>,
        %broadcast_in_dim3A_620 = arith.constant 5 : i32
        %broadcast_in_dim3A_621 = vector.broadcast %broadcast_in_dim3A_620 : i32 to vector<16xi32>
        %eq3A_622 = arith.constant 5 : i32
        %eq3A_623 = vector.broadcast %eq3A_622 : i32 to vector<16xi32>
        %eq3A_624 = arith.cmpi eq, %and3A_478, %eq3A_623 : vector<16xi32>
        %select_n3A_625 = arith.select %eq3A_624, %select_n3A_589, %broadcast_in_dim3A_1 : vector<16xi1>, vector<16xf32>
        tpu.vector_store_idx %arg14[%add3A_395, %broadcast_in_dim3A_621], %select_n3A_625 : memref<384x8xf32, #tpu.memory_space<vmem>>[vector<16xi32>, vector<16xi32>], vector<16xf32>,
        %broadcast_in_dim3A_626 = arith.constant 6 : i32
        %broadcast_in_dim3A_627 = vector.broadcast %broadcast_in_dim3A_626 : i32 to vector<16xi32>
        %eq3A_628 = arith.constant 6 : i32
        %eq3A_629 = vector.broadcast %eq3A_628 : i32 to vector<16xi32>
        %eq3A_630 = arith.cmpi eq, %and3A_478, %eq3A_629 : vector<16xi32>
        %select_n3A_631 = arith.select %eq3A_630, %select_n3A_589, %broadcast_in_dim3A_1 : vector<16xi1>, vector<16xf32>
        tpu.vector_store_idx %arg14[%add3A_395, %broadcast_in_dim3A_627], %select_n3A_631 : memref<384x8xf32, #tpu.memory_space<vmem>>[vector<16xi32>, vector<16xi32>], vector<16xf32>,
        %broadcast_in_dim3A_632 = arith.constant 7 : i32
        %broadcast_in_dim3A_633 = vector.broadcast %broadcast_in_dim3A_632 : i32 to vector<16xi32>
        %eq3A_634 = arith.constant 7 : i32
        %eq3A_635 = vector.broadcast %eq3A_634 : i32 to vector<16xi32>
        %eq3A_636 = arith.cmpi eq, %and3A_478, %eq3A_635 : vector<16xi32>
        %select_n3A_637 = arith.select %eq3A_636, %select_n3A_589, %broadcast_in_dim3A_1 : vector<16xi1>, vector<16xf32>
        tpu.vector_store_idx %arg14[%add3A_395, %broadcast_in_dim3A_633], %select_n3A_637 : memref<384x8xf32, #tpu.memory_space<vmem>>[vector<16xi32>, vector<16xi32>], vector<16xf32>,
      }
      %scan3A_210 = arith.constant 24 : i32
      %dma_start3A_211 = arith.constant 0 : i32
      %dma_start3A_212 = arith.constant 0 : i32
      %dma_start3A_213 = arith.constant 0 : i32
      %dma_start3A_214 = tpu.memref_slice %arg13[%dma_start3A_212, %dma_start3A_213] : memref<384x8xf32, #tpu.memory_space<vmem>> -> memref<128x8xf32, #tpu.memory_space<vmem>>
      %dma_start3A_215 = arith.constant 0 : i32
      %dma_start3A_216 = tpu.memref_slice %arg15[%dma_start3A_211, %dma_start3A_215] : memref<3x128xi32, #tpu.memory_space<vmem>> -> memref<1x128xi32, #tpu.memory_space<vmem>>
      %dma_start3A_217 = tpu.memref_squeeze %dma_start3A_216 : memref<1x128xi32, #tpu.memory_space<vmem>> -> memref<128xi32, #tpu.memory_space<vmem>>
      %dma_start3A_218 = arith.constant 0 : i32
      %dma_start3A_219 = arith.constant 0 : i32
      %dma_start3A_220 = tpu.memref_slice %arg25[%dma_start3A_218, %dma_start3A_219] : memref<165952x8xf32, #tpu.memory_space<vmem_shared>> -> memref<165952x8xf32, #tpu.memory_space<vmem_shared>>
      tpu.enqueue_indirect_dma source(%dma_start3A_214 : memref<128x8xf32, #tpu.memory_space<vmem>>) target(%dma_start3A_220 : memref<165952x8xf32, #tpu.memory_space<vmem_shared>>) offsets(%dma_start3A_217 : memref<128xi32, #tpu.memory_space<vmem>>) semaphore(%arg24 : memref<!tpu.dma_semaphore, #tpu.memory_space<semaphore_mem>>) {add = true}
      %dma_start3A_221 = arith.constant 0 : i32
      %dma_start3A_222 = arith.constant 0 : i32
      %dma_start3A_223 = arith.constant 0 : i32
      %dma_start3A_224 = tpu.memref_slice %arg13[%dma_start3A_222, %dma_start3A_223] : memref<384x8xf32, #tpu.memory_space<vmem>> -> memref<128x8xf32, #tpu.memory_space<vmem>>
      %dma_start3A_225 = arith.constant 0 : i32
      %dma_start3A_226 = tpu.memref_slice %arg17[%dma_start3A_221, %dma_start3A_225] : memref<3x128xi32, #tpu.memory_space<vmem>> -> memref<1x128xi32, #tpu.memory_space<vmem>>
      %dma_start3A_227 = tpu.memref_squeeze %dma_start3A_226 : memref<1x128xi32, #tpu.memory_space<vmem>> -> memref<128xi32, #tpu.memory_space<vmem>>
      %dma_start3A_228 = arith.constant 0 : i32
      %dma_start3A_229 = arith.constant 0 : i32
      %dma_start3A_230 = tpu.memref_slice %arg25[%dma_start3A_228, %dma_start3A_229] : memref<165952x8xf32, #tpu.memory_space<vmem_shared>> -> memref<165952x8xf32, #tpu.memory_space<vmem_shared>>
      tpu.enqueue_indirect_dma source(%dma_start3A_224 : memref<128x8xf32, #tpu.memory_space<vmem>>) target(%dma_start3A_230 : memref<165952x8xf32, #tpu.memory_space<vmem_shared>>) offsets(%dma_start3A_227 : memref<128xi32, #tpu.memory_space<vmem>>) semaphore(%arg24 : memref<!tpu.dma_semaphore, #tpu.memory_space<semaphore_mem>>) {add = true}
      %dma_start3A_231 = arith.constant 0 : i32
      %dma_start3A_232 = arith.constant 0 : i32
      %dma_start3A_233 = arith.constant 0 : i32
      %dma_start3A_234 = tpu.memref_slice %arg14[%dma_start3A_232, %dma_start3A_233] : memref<384x8xf32, #tpu.memory_space<vmem>> -> memref<128x8xf32, #tpu.memory_space<vmem>>
      %dma_start3A_235 = arith.constant 0 : i32
      %dma_start3A_236 = tpu.memref_slice %arg16[%dma_start3A_231, %dma_start3A_235] : memref<3x128xi32, #tpu.memory_space<vmem>> -> memref<1x128xi32, #tpu.memory_space<vmem>>
      %dma_start3A_237 = tpu.memref_squeeze %dma_start3A_236 : memref<1x128xi32, #tpu.memory_space<vmem>> -> memref<128xi32, #tpu.memory_space<vmem>>
      %dma_start3A_238 = arith.constant 0 : i32
      %dma_start3A_239 = arith.constant 0 : i32
      %dma_start3A_240 = tpu.memref_slice %arg25[%dma_start3A_238, %dma_start3A_239] : memref<165952x8xf32, #tpu.memory_space<vmem_shared>> -> memref<165952x8xf32, #tpu.memory_space<vmem_shared>>
      tpu.enqueue_indirect_dma source(%dma_start3A_234 : memref<128x8xf32, #tpu.memory_space<vmem>>) target(%dma_start3A_240 : memref<165952x8xf32, #tpu.memory_space<vmem_shared>>) offsets(%dma_start3A_237 : memref<128xi32, #tpu.memory_space<vmem>>) semaphore(%arg24 : memref<!tpu.dma_semaphore, #tpu.memory_space<semaphore_mem>>) {add = true}
      %dma_start3A_241 = arith.constant 1 : i32
      %dma_start3A_242 = arith.constant 128 : i32
      %dma_start3A_243 = arith.constant 0 : i32
      %dma_start3A_244 = tpu.memref_slice %arg13[%dma_start3A_242, %dma_start3A_243] : memref<384x8xf32, #tpu.memory_space<vmem>> -> memref<128x8xf32, #tpu.memory_space<vmem>>
      %dma_start3A_245 = arith.constant 0 : i32
      %dma_start3A_246 = tpu.memref_slice %arg15[%dma_start3A_241, %dma_start3A_245] : memref<3x128xi32, #tpu.memory_space<vmem>> -> memref<1x128xi32, #tpu.memory_space<vmem>>
      %dma_start3A_247 = tpu.memref_squeeze %dma_start3A_246 : memref<1x128xi32, #tpu.memory_space<vmem>> -> memref<128xi32, #tpu.memory_space<vmem>>
      %dma_start3A_248 = arith.constant 0 : i32
      %dma_start3A_249 = arith.constant 0 : i32
      %dma_start3A_250 = tpu.memref_slice %arg25[%dma_start3A_248, %dma_start3A_249] : memref<165952x8xf32, #tpu.memory_space<vmem_shared>> -> memref<165952x8xf32, #tpu.memory_space<vmem_shared>>
      tpu.enqueue_indirect_dma source(%dma_start3A_244 : memref<128x8xf32, #tpu.memory_space<vmem>>) target(%dma_start3A_250 : memref<165952x8xf32, #tpu.memory_space<vmem_shared>>) offsets(%dma_start3A_247 : memref<128xi32, #tpu.memory_space<vmem>>) semaphore(%arg24 : memref<!tpu.dma_semaphore, #tpu.memory_space<semaphore_mem>>) {add = true}
      %dma_start3A_251 = arith.constant 1 : i32
      %dma_start3A_252 = arith.constant 128 : i32
      %dma_start3A_253 = arith.constant 0 : i32
      %dma_start3A_254 = tpu.memref_slice %arg13[%dma_start3A_252, %dma_start3A_253] : memref<384x8xf32, #tpu.memory_space<vmem>> -> memref<128x8xf32, #tpu.memory_space<vmem>>
      %dma_start3A_255 = arith.constant 0 : i32
      %dma_start3A_256 = tpu.memref_slice %arg17[%dma_start3A_251, %dma_start3A_255] : memref<3x128xi32, #tpu.memory_space<vmem>> -> memref<1x128xi32, #tpu.memory_space<vmem>>
      %dma_start3A_257 = tpu.memref_squeeze %dma_start3A_256 : memref<1x128xi32, #tpu.memory_space<vmem>> -> memref<128xi32, #tpu.memory_space<vmem>>
      %dma_start3A_258 = arith.constant 0 : i32
      %dma_start3A_259 = arith.constant 0 : i32
      %dma_start3A_260 = tpu.memref_slice %arg25[%dma_start3A_258, %dma_start3A_259] : memref<165952x8xf32, #tpu.memory_space<vmem_shared>> -> memref<165952x8xf32, #tpu.memory_space<vmem_shared>>
      tpu.enqueue_indirect_dma source(%dma_start3A_254 : memref<128x8xf32, #tpu.memory_space<vmem>>) target(%dma_start3A_260 : memref<165952x8xf32, #tpu.memory_space<vmem_shared>>) offsets(%dma_start3A_257 : memref<128xi32, #tpu.memory_space<vmem>>) semaphore(%arg24 : memref<!tpu.dma_semaphore, #tpu.memory_space<semaphore_mem>>) {add = true}
      %dma_start3A_261 = arith.constant 1 : i32
      %dma_start3A_262 = arith.constant 128 : i32
      %dma_start3A_263 = arith.constant 0 : i32
      %dma_start3A_264 = tpu.memref_slice %arg14[%dma_start3A_262, %dma_start3A_263] : memref<384x8xf32, #tpu.memory_space<vmem>> -> memref<128x8xf32, #tpu.memory_space<vmem>>
      %dma_start3A_265 = arith.constant 0 : i32
      %dma_start3A_266 = tpu.memref_slice %arg16[%dma_start3A_261, %dma_start3A_265] : memref<3x128xi32, #tpu.memory_space<vmem>> -> memref<1x128xi32, #tpu.memory_space<vmem>>
      %dma_start3A_267 = tpu.memref_squeeze %dma_start3A_266 : memref<1x128xi32, #tpu.memory_space<vmem>> -> memref<128xi32, #tpu.memory_space<vmem>>
      %dma_start3A_268 = arith.constant 0 : i32
      %dma_start3A_269 = arith.constant 0 : i32
      %dma_start3A_270 = tpu.memref_slice %arg25[%dma_start3A_268, %dma_start3A_269] : memref<165952x8xf32, #tpu.memory_space<vmem_shared>> -> memref<165952x8xf32, #tpu.memory_space<vmem_shared>>
      tpu.enqueue_indirect_dma source(%dma_start3A_264 : memref<128x8xf32, #tpu.memory_space<vmem>>) target(%dma_start3A_270 : memref<165952x8xf32, #tpu.memory_space<vmem_shared>>) offsets(%dma_start3A_267 : memref<128xi32, #tpu.memory_space<vmem>>) semaphore(%arg24 : memref<!tpu.dma_semaphore, #tpu.memory_space<semaphore_mem>>) {add = true}
      %dma_start3A_271 = arith.constant 2 : i32
      %dma_start3A_272 = arith.constant 256 : i32
      %dma_start3A_273 = arith.constant 0 : i32
      %dma_start3A_274 = tpu.memref_slice %arg13[%dma_start3A_272, %dma_start3A_273] : memref<384x8xf32, #tpu.memory_space<vmem>> -> memref<128x8xf32, #tpu.memory_space<vmem>>
      %dma_start3A_275 = arith.constant 0 : i32
      %dma_start3A_276 = tpu.memref_slice %arg15[%dma_start3A_271, %dma_start3A_275] : memref<3x128xi32, #tpu.memory_space<vmem>> -> memref<1x128xi32, #tpu.memory_space<vmem>>
      %dma_start3A_277 = tpu.memref_squeeze %dma_start3A_276 : memref<1x128xi32, #tpu.memory_space<vmem>> -> memref<128xi32, #tpu.memory_space<vmem>>
      %dma_start3A_278 = arith.constant 0 : i32
      %dma_start3A_279 = arith.constant 0 : i32
      %dma_start3A_280 = tpu.memref_slice %arg25[%dma_start3A_278, %dma_start3A_279] : memref<165952x8xf32, #tpu.memory_space<vmem_shared>> -> memref<165952x8xf32, #tpu.memory_space<vmem_shared>>
      tpu.enqueue_indirect_dma source(%dma_start3A_274 : memref<128x8xf32, #tpu.memory_space<vmem>>) target(%dma_start3A_280 : memref<165952x8xf32, #tpu.memory_space<vmem_shared>>) offsets(%dma_start3A_277 : memref<128xi32, #tpu.memory_space<vmem>>) semaphore(%arg24 : memref<!tpu.dma_semaphore, #tpu.memory_space<semaphore_mem>>) {add = true}
      %dma_start3A_281 = arith.constant 2 : i32
      %dma_start3A_282 = arith.constant 256 : i32
      %dma_start3A_283 = arith.constant 0 : i32
      %dma_start3A_284 = tpu.memref_slice %arg13[%dma_start3A_282, %dma_start3A_283] : memref<384x8xf32, #tpu.memory_space<vmem>> -> memref<128x8xf32, #tpu.memory_space<vmem>>
      %dma_start3A_285 = arith.constant 0 : i32
      %dma_start3A_286 = tpu.memref_slice %arg17[%dma_start3A_281, %dma_start3A_285] : memref<3x128xi32, #tpu.memory_space<vmem>> -> memref<1x128xi32, #tpu.memory_space<vmem>>
      %dma_start3A_287 = tpu.memref_squeeze %dma_start3A_286 : memref<1x128xi32, #tpu.memory_space<vmem>> -> memref<128xi32, #tpu.memory_space<vmem>>
      %dma_start3A_288 = arith.constant 0 : i32
      %dma_start3A_289 = arith.constant 0 : i32
      %dma_start3A_290 = tpu.memref_slice %arg25[%dma_start3A_288, %dma_start3A_289] : memref<165952x8xf32, #tpu.memory_space<vmem_shared>> -> memref<165952x8xf32, #tpu.memory_space<vmem_shared>>
      tpu.enqueue_indirect_dma source(%dma_start3A_284 : memref<128x8xf32, #tpu.memory_space<vmem>>) target(%dma_start3A_290 : memref<165952x8xf32, #tpu.memory_space<vmem_shared>>) offsets(%dma_start3A_287 : memref<128xi32, #tpu.memory_space<vmem>>) semaphore(%arg24 : memref<!tpu.dma_semaphore, #tpu.memory_space<semaphore_mem>>) {add = true}
      %dma_start3A_291 = arith.constant 2 : i32
      %dma_start3A_292 = arith.constant 256 : i32
      %dma_start3A_293 = arith.constant 0 : i32
      %dma_start3A_294 = tpu.memref_slice %arg14[%dma_start3A_292, %dma_start3A_293] : memref<384x8xf32, #tpu.memory_space<vmem>> -> memref<128x8xf32, #tpu.memory_space<vmem>>
      %dma_start3A_295 = arith.constant 0 : i32
      %dma_start3A_296 = tpu.memref_slice %arg16[%dma_start3A_291, %dma_start3A_295] : memref<3x128xi32, #tpu.memory_space<vmem>> -> memref<1x128xi32, #tpu.memory_space<vmem>>
      %dma_start3A_297 = tpu.memref_squeeze %dma_start3A_296 : memref<1x128xi32, #tpu.memory_space<vmem>> -> memref<128xi32, #tpu.memory_space<vmem>>
      %dma_start3A_298 = arith.constant 0 : i32
      %dma_start3A_299 = arith.constant 0 : i32
      %dma_start3A_300 = tpu.memref_slice %arg25[%dma_start3A_298, %dma_start3A_299] : memref<165952x8xf32, #tpu.memory_space<vmem_shared>> -> memref<165952x8xf32, #tpu.memory_space<vmem_shared>>
      tpu.enqueue_indirect_dma source(%dma_start3A_294 : memref<128x8xf32, #tpu.memory_space<vmem>>) target(%dma_start3A_300 : memref<165952x8xf32, #tpu.memory_space<vmem_shared>>) offsets(%dma_start3A_297 : memref<128xi32, #tpu.memory_space<vmem>>) semaphore(%arg24 : memref<!tpu.dma_semaphore, #tpu.memory_space<semaphore_mem>>) {add = true}
      %dma_wait3A_301 = arith.constant 0 : i32
      %dma_wait3A_302 = arith.constant 0 : i32
      %dma_wait3A_303 = arith.constant 0 : i32
      %dma_wait3A_304 = tpu.memref_slice %arg13[%dma_wait3A_302, %dma_wait3A_303] : memref<384x8xf32, #tpu.memory_space<vmem>> -> memref<128x8xf32, #tpu.memory_space<vmem>>
      %dma_wait3A_305 = arith.constant 0 : i32
      %dma_wait3A_306 = tpu.memref_slice %arg15[%dma_wait3A_301, %dma_wait3A_305] : memref<3x128xi32, #tpu.memory_space<vmem>> -> memref<1x128xi32, #tpu.memory_space<vmem>>
      %dma_wait3A_307 = tpu.memref_squeeze %dma_wait3A_306 : memref<1x128xi32, #tpu.memory_space<vmem>> -> memref<128xi32, #tpu.memory_space<vmem>>
      %dma_wait3A_308 = arith.constant 0 : i32
      %dma_wait3A_309 = arith.constant 0 : i32
      %dma_wait3A_310 = tpu.memref_slice %arg25[%dma_wait3A_308, %dma_wait3A_309] : memref<165952x8xf32, #tpu.memory_space<vmem_shared>> -> memref<165952x8xf32, #tpu.memory_space<vmem_shared>>
      tpu.wait_indirect_dma semaphore(%arg24 : memref<!tpu.dma_semaphore, #tpu.memory_space<semaphore_mem>>) src(%dma_wait3A_304 : memref<128x8xf32, #tpu.memory_space<vmem>>) dst(%dma_wait3A_310 : memref<165952x8xf32, #tpu.memory_space<vmem_shared>>)
      %dma_wait3A_311 = arith.constant 0 : i32
      %dma_wait3A_312 = arith.constant 0 : i32
      %dma_wait3A_313 = arith.constant 0 : i32
      %dma_wait3A_314 = tpu.memref_slice %arg13[%dma_wait3A_312, %dma_wait3A_313] : memref<384x8xf32, #tpu.memory_space<vmem>> -> memref<128x8xf32, #tpu.memory_space<vmem>>
      %dma_wait3A_315 = arith.constant 0 : i32
      %dma_wait3A_316 = tpu.memref_slice %arg17[%dma_wait3A_311, %dma_wait3A_315] : memref<3x128xi32, #tpu.memory_space<vmem>> -> memref<1x128xi32, #tpu.memory_space<vmem>>
      %dma_wait3A_317 = tpu.memref_squeeze %dma_wait3A_316 : memref<1x128xi32, #tpu.memory_space<vmem>> -> memref<128xi32, #tpu.memory_space<vmem>>
      %dma_wait3A_318 = arith.constant 0 : i32
      %dma_wait3A_319 = arith.constant 0 : i32
      %dma_wait3A_320 = tpu.memref_slice %arg25[%dma_wait3A_318, %dma_wait3A_319] : memref<165952x8xf32, #tpu.memory_space<vmem_shared>> -> memref<165952x8xf32, #tpu.memory_space<vmem_shared>>
      tpu.wait_indirect_dma semaphore(%arg24 : memref<!tpu.dma_semaphore, #tpu.memory_space<semaphore_mem>>) src(%dma_wait3A_314 : memref<128x8xf32, #tpu.memory_space<vmem>>) dst(%dma_wait3A_320 : memref<165952x8xf32, #tpu.memory_space<vmem_shared>>)
      %dma_wait3A_321 = arith.constant 0 : i32
      %dma_wait3A_322 = arith.constant 0 : i32
      %dma_wait3A_323 = arith.constant 0 : i32
      %dma_wait3A_324 = tpu.memref_slice %arg14[%dma_wait3A_322, %dma_wait3A_323] : memref<384x8xf32, #tpu.memory_space<vmem>> -> memref<128x8xf32, #tpu.memory_space<vmem>>
      %dma_wait3A_325 = arith.constant 0 : i32
      %dma_wait3A_326 = tpu.memref_slice %arg16[%dma_wait3A_321, %dma_wait3A_325] : memref<3x128xi32, #tpu.memory_space<vmem>> -> memref<1x128xi32, #tpu.memory_space<vmem>>
      %dma_wait3A_327 = tpu.memref_squeeze %dma_wait3A_326 : memref<1x128xi32, #tpu.memory_space<vmem>> -> memref<128xi32, #tpu.memory_space<vmem>>
      %dma_wait3A_328 = arith.constant 0 : i32
      %dma_wait3A_329 = arith.constant 0 : i32
      %dma_wait3A_330 = tpu.memref_slice %arg25[%dma_wait3A_328, %dma_wait3A_329] : memref<165952x8xf32, #tpu.memory_space<vmem_shared>> -> memref<165952x8xf32, #tpu.memory_space<vmem_shared>>
      tpu.wait_indirect_dma semaphore(%arg24 : memref<!tpu.dma_semaphore, #tpu.memory_space<semaphore_mem>>) src(%dma_wait3A_324 : memref<128x8xf32, #tpu.memory_space<vmem>>) dst(%dma_wait3A_330 : memref<165952x8xf32, #tpu.memory_space<vmem_shared>>)
      %dma_wait3A_331 = arith.constant 1 : i32
      %dma_wait3A_332 = arith.constant 128 : i32
      %dma_wait3A_333 = arith.constant 0 : i32
      %dma_wait3A_334 = tpu.memref_slice %arg13[%dma_wait3A_332, %dma_wait3A_333] : memref<384x8xf32, #tpu.memory_space<vmem>> -> memref<128x8xf32, #tpu.memory_space<vmem>>
      %dma_wait3A_335 = arith.constant 0 : i32
      %dma_wait3A_336 = tpu.memref_slice %arg15[%dma_wait3A_331, %dma_wait3A_335] : memref<3x128xi32, #tpu.memory_space<vmem>> -> memref<1x128xi32, #tpu.memory_space<vmem>>
      %dma_wait3A_337 = tpu.memref_squeeze %dma_wait3A_336 : memref<1x128xi32, #tpu.memory_space<vmem>> -> memref<128xi32, #tpu.memory_space<vmem>>
      %dma_wait3A_338 = arith.constant 0 : i32
      %dma_wait3A_339 = arith.constant 0 : i32
      %dma_wait3A_340 = tpu.memref_slice %arg25[%dma_wait3A_338, %dma_wait3A_339] : memref<165952x8xf32, #tpu.memory_space<vmem_shared>> -> memref<165952x8xf32, #tpu.memory_space<vmem_shared>>
      tpu.wait_indirect_dma semaphore(%arg24 : memref<!tpu.dma_semaphore, #tpu.memory_space<semaphore_mem>>) src(%dma_wait3A_334 : memref<128x8xf32, #tpu.memory_space<vmem>>) dst(%dma_wait3A_340 : memref<165952x8xf32, #tpu.memory_space<vmem_shared>>)
      %dma_wait3A_341 = arith.constant 1 : i32
      %dma_wait3A_342 = arith.constant 128 : i32
      %dma_wait3A_343 = arith.constant 0 : i32
      %dma_wait3A_344 = tpu.memref_slice %arg13[%dma_wait3A_342, %dma_wait3A_343] : memref<384x8xf32, #tpu.memory_space<vmem>> -> memref<128x8xf32, #tpu.memory_space<vmem>>
      %dma_wait3A_345 = arith.constant 0 : i32
      %dma_wait3A_346 = tpu.memref_slice %arg17[%dma_wait3A_341, %dma_wait3A_345] : memref<3x128xi32, #tpu.memory_space<vmem>> -> memref<1x128xi32, #tpu.memory_space<vmem>>
      %dma_wait3A_347 = tpu.memref_squeeze %dma_wait3A_346 : memref<1x128xi32, #tpu.memory_space<vmem>> -> memref<128xi32, #tpu.memory_space<vmem>>
      %dma_wait3A_348 = arith.constant 0 : i32
      %dma_wait3A_349 = arith.constant 0 : i32
      %dma_wait3A_350 = tpu.memref_slice %arg25[%dma_wait3A_348, %dma_wait3A_349] : memref<165952x8xf32, #tpu.memory_space<vmem_shared>> -> memref<165952x8xf32, #tpu.memory_space<vmem_shared>>
      tpu.wait_indirect_dma semaphore(%arg24 : memref<!tpu.dma_semaphore, #tpu.memory_space<semaphore_mem>>) src(%dma_wait3A_344 : memref<128x8xf32, #tpu.memory_space<vmem>>) dst(%dma_wait3A_350 : memref<165952x8xf32, #tpu.memory_space<vmem_shared>>)
      %dma_wait3A_351 = arith.constant 1 : i32
      %dma_wait3A_352 = arith.constant 128 : i32
      %dma_wait3A_353 = arith.constant 0 : i32
      %dma_wait3A_354 = tpu.memref_slice %arg14[%dma_wait3A_352, %dma_wait3A_353] : memref<384x8xf32, #tpu.memory_space<vmem>> -> memref<128x8xf32, #tpu.memory_space<vmem>>
      %dma_wait3A_355 = arith.constant 0 : i32
      %dma_wait3A_356 = tpu.memref_slice %arg16[%dma_wait3A_351, %dma_wait3A_355] : memref<3x128xi32, #tpu.memory_space<vmem>> -> memref<1x128xi32, #tpu.memory_space<vmem>>
      %dma_wait3A_357 = tpu.memref_squeeze %dma_wait3A_356 : memref<1x128xi32, #tpu.memory_space<vmem>> -> memref<128xi32, #tpu.memory_space<vmem>>
      %dma_wait3A_358 = arith.constant 0 : i32
      %dma_wait3A_359 = arith.constant 0 : i32
      %dma_wait3A_360 = tpu.memref_slice %arg25[%dma_wait3A_358, %dma_wait3A_359] : memref<165952x8xf32, #tpu.memory_space<vmem_shared>> -> memref<165952x8xf32, #tpu.memory_space<vmem_shared>>
      tpu.wait_indirect_dma semaphore(%arg24 : memref<!tpu.dma_semaphore, #tpu.memory_space<semaphore_mem>>) src(%dma_wait3A_354 : memref<128x8xf32, #tpu.memory_space<vmem>>) dst(%dma_wait3A_360 : memref<165952x8xf32, #tpu.memory_space<vmem_shared>>)
      %dma_wait3A_361 = arith.constant 2 : i32
      %dma_wait3A_362 = arith.constant 256 : i32
      %dma_wait3A_363 = arith.constant 0 : i32
      %dma_wait3A_364 = tpu.memref_slice %arg13[%dma_wait3A_362, %dma_wait3A_363] : memref<384x8xf32, #tpu.memory_space<vmem>> -> memref<128x8xf32, #tpu.memory_space<vmem>>
      %dma_wait3A_365 = arith.constant 0 : i32
      %dma_wait3A_366 = tpu.memref_slice %arg15[%dma_wait3A_361, %dma_wait3A_365] : memref<3x128xi32, #tpu.memory_space<vmem>> -> memref<1x128xi32, #tpu.memory_space<vmem>>
      %dma_wait3A_367 = tpu.memref_squeeze %dma_wait3A_366 : memref<1x128xi32, #tpu.memory_space<vmem>> -> memref<128xi32, #tpu.memory_space<vmem>>
      %dma_wait3A_368 = arith.constant 0 : i32
      %dma_wait3A_369 = arith.constant 0 : i32
      %dma_wait3A_370 = tpu.memref_slice %arg25[%dma_wait3A_368, %dma_wait3A_369] : memref<165952x8xf32, #tpu.memory_space<vmem_shared>> -> memref<165952x8xf32, #tpu.memory_space<vmem_shared>>
      tpu.wait_indirect_dma semaphore(%arg24 : memref<!tpu.dma_semaphore, #tpu.memory_space<semaphore_mem>>) src(%dma_wait3A_364 : memref<128x8xf32, #tpu.memory_space<vmem>>) dst(%dma_wait3A_370 : memref<165952x8xf32, #tpu.memory_space<vmem_shared>>)
      %dma_wait3A_371 = arith.constant 2 : i32
      %dma_wait3A_372 = arith.constant 256 : i32
      %dma_wait3A_373 = arith.constant 0 : i32
      %dma_wait3A_374 = tpu.memref_slice %arg13[%dma_wait3A_372, %dma_wait3A_373] : memref<384x8xf32, #tpu.memory_space<vmem>> -> memref<128x8xf32, #tpu.memory_space<vmem>>
      %dma_wait3A_375 = arith.constant 0 : i32
      %dma_wait3A_376 = tpu.memref_slice %arg17[%dma_wait3A_371, %dma_wait3A_375] : memref<3x128xi32, #tpu.memory_space<vmem>> -> memref<1x128xi32, #tpu.memory_space<vmem>>
      %dma_wait3A_377 = tpu.memref_squeeze %dma_wait3A_376 : memref<1x128xi32, #tpu.memory_space<vmem>> -> memref<128xi32, #tpu.memory_space<vmem>>
      %dma_wait3A_378 = arith.constant 0 : i32
      %dma_wait3A_379 = arith.constant 0 : i32
      %dma_wait3A_380 = tpu.memref_slice %arg25[%dma_wait3A_378, %dma_wait3A_379] : memref<165952x8xf32, #tpu.memory_space<vmem_shared>> -> memref<165952x8xf32, #tpu.memory_space<vmem_shared>>
      tpu.wait_indirect_dma semaphore(%arg24 : memref<!tpu.dma_semaphore, #tpu.memory_space<semaphore_mem>>) src(%dma_wait3A_374 : memref<128x8xf32, #tpu.memory_space<vmem>>) dst(%dma_wait3A_380 : memref<165952x8xf32, #tpu.memory_space<vmem_shared>>)
      %dma_wait3A_381 = arith.constant 2 : i32
      %dma_wait3A_382 = arith.constant 256 : i32
      %dma_wait3A_383 = arith.constant 0 : i32
      %dma_wait3A_384 = tpu.memref_slice %arg14[%dma_wait3A_382, %dma_wait3A_383] : memref<384x8xf32, #tpu.memory_space<vmem>> -> memref<128x8xf32, #tpu.memory_space<vmem>>
      %dma_wait3A_385 = arith.constant 0 : i32
      %dma_wait3A_386 = tpu.memref_slice %arg16[%dma_wait3A_381, %dma_wait3A_385] : memref<3x128xi32, #tpu.memory_space<vmem>> -> memref<1x128xi32, #tpu.memory_space<vmem>>
      %dma_wait3A_387 = tpu.memref_squeeze %dma_wait3A_386 : memref<1x128xi32, #tpu.memory_space<vmem>> -> memref<128xi32, #tpu.memory_space<vmem>>
      %dma_wait3A_388 = arith.constant 0 : i32
      %dma_wait3A_389 = arith.constant 0 : i32
      %dma_wait3A_390 = tpu.memref_slice %arg25[%dma_wait3A_388, %dma_wait3A_389] : memref<165952x8xf32, #tpu.memory_space<vmem_shared>> -> memref<165952x8xf32, #tpu.memory_space<vmem_shared>>
      tpu.wait_indirect_dma semaphore(%arg24 : memref<!tpu.dma_semaphore, #tpu.memory_space<semaphore_mem>>) src(%dma_wait3A_384 : memref<128x8xf32, #tpu.memory_space<vmem>>) dst(%dma_wait3A_390 : memref<165952x8xf32, #tpu.memory_space<vmem_shared>>)
    }
    %while3A_133 = arith.constant 1 : i32
    scf.for %while3A_185 = %while3A_131 to %while3A_127 step %while3A_133  : i32 {
      %mul3A_186 = arith.constant 384 : i32
      %mul3A_187 = arith.muli %while3A_185, %mul3A_186 : i32
      %add3A_188 = arith.addi %add3A_91, %mul3A_187 : i32
      %min3A_189 = arith.constant 1599616 : i32
      %min3A_190 = arith.minsi %add3A_188, %min3A_189 : i32
      %dma_start3A = arith.constant 0 : i32
      %dma_start3A_191 = tpu.memref_slice %arg3[%min3A_190, %dma_start3A] : memref<1600000x3xi32, #tpu.memory_space<hbm>> -> memref<384x3xi32, #tpu.memory_space<hbm>>
      %dma_start3A_192 = arith.constant 0 : i32
      %dma_start3A_193 = tpu.memref_slice %arg3[%min3A_190, %dma_start3A_192] : memref<1600000x3xi32, #tpu.memory_space<hbm>> -> memref<384x3xi32, #tpu.memory_space<hbm>>
      tpu.enqueue_dma source(%dma_start3A_193 : memref<384x3xi32, #tpu.memory_space<hbm>>) target(%arg9 : memref<384x3xi32, #tpu.memory_space<vmem>>) target_semaphore(%arg23 : memref<!tpu.dma_semaphore, #tpu.memory_space<semaphore_mem>>)
      %dma_start3A_194 = tpu.memref_slice %arg4[%min3A_190] : memref<1600000xi32, #tpu.memory_space<hbm>> -> memref<384xi32, #tpu.memory_space<hbm>>
      %dma_start3A_195 = tpu.memref_slice %arg4[%min3A_190] : memref<1600000xi32, #tpu.memory_space<hbm>> -> memref<384xi32, #tpu.memory_space<hbm>>
      tpu.enqueue_dma source(%dma_start3A_195 : memref<384xi32, #tpu.memory_space<hbm>>) target(%arg10 : memref<384xi32, #tpu.memory_space<vmem>>) target_semaphore(%arg23 : memref<!tpu.dma_semaphore, #tpu.memory_space<semaphore_mem>>)
      %dma_start3A_196 = tpu.memref_slice %arg5[%min3A_190] : memref<1600000xi32, #tpu.memory_space<hbm>> -> memref<384xi32, #tpu.memory_space<hbm>>
      %dma_start3A_197 = tpu.memref_slice %arg5[%min3A_190] : memref<1600000xi32, #tpu.memory_space<hbm>> -> memref<384xi32, #tpu.memory_space<hbm>>
      tpu.enqueue_dma source(%dma_start3A_197 : memref<384xi32, #tpu.memory_space<hbm>>) target(%arg11 : memref<384xi32, #tpu.memory_space<vmem>>) target_semaphore(%arg23 : memref<!tpu.dma_semaphore, #tpu.memory_space<semaphore_mem>>)
      %dma_wait3A = arith.constant 0 : i32
      %dma_wait3A_198 = tpu.memref_slice %arg3[%min3A_190, %dma_wait3A] : memref<1600000x3xi32, #tpu.memory_space<hbm>> -> memref<384x3xi32, #tpu.memory_space<hbm>>
      %dma_wait3A_199 = arith.constant 0 : i32
      %dma_wait3A_200 = tpu.memref_slice %arg3[%min3A_190, %dma_wait3A_199] : memref<1600000x3xi32, #tpu.memory_space<hbm>> -> memref<384x3xi32, #tpu.memory_space<hbm>>
      tpu.wait_dma2 semaphore(%arg23 : memref<!tpu.dma_semaphore, #tpu.memory_space<semaphore_mem>>) src(%dma_wait3A_200 : memref<384x3xi32, #tpu.memory_space<hbm>>) dst(%arg9 : memref<384x3xi32, #tpu.memory_space<vmem>>)
      %dma_wait3A_201 = tpu.memref_slice %arg4[%min3A_190] : memref<1600000xi32, #tpu.memory_space<hbm>> -> memref<384xi32, #tpu.memory_space<hbm>>
      %dma_wait3A_202 = tpu.memref_slice %arg4[%min3A_190] : memref<1600000xi32, #tpu.memory_space<hbm>> -> memref<384xi32, #tpu.memory_space<hbm>>
      tpu.wait_dma2 semaphore(%arg23 : memref<!tpu.dma_semaphore, #tpu.memory_space<semaphore_mem>>) src(%dma_wait3A_202 : memref<384xi32, #tpu.memory_space<hbm>>) dst(%arg10 : memref<384xi32, #tpu.memory_space<vmem>>)
      %dma_wait3A_203 = tpu.memref_slice %arg5[%min3A_190] : memref<1600000xi32, #tpu.memory_space<hbm>> -> memref<384xi32, #tpu.memory_space<hbm>>
      %dma_wait3A_204 = tpu.memref_slice %arg5[%min3A_190] : memref<1600000xi32, #tpu.memory_space<hbm>> -> memref<384xi32, #tpu.memory_space<hbm>>
      tpu.wait_dma2 semaphore(%arg23 : memref<!tpu.dma_semaphore, #tpu.memory_space<semaphore_mem>>) src(%dma_wait3A_204 : memref<384xi32, #tpu.memory_space<hbm>>) dst(%arg11 : memref<384xi32, #tpu.memory_space<vmem>>)
      %scan3A_205 = arith.constant 0 : i32
      %scan3A_206 = arith.constant 0 : i32
      %scan3A_207 = arith.constant 24 : i32
      %scan3A_208 = arith.addi %scan3A_206, %scan3A_207 : i32
      %scan3A_209 = arith.constant 1 : i32
      scf.for %scan3A_391 = %scan3A_206 to %scan3A_208 step %scan3A_209  : i32 {
        %mul3A_392 = arith.constant 16 : i32
        %mul3A_393 = arith.muli %scan3A_391, %mul3A_392 : i32
        %add3A_394 = vector.broadcast %mul3A_393 : i32 to vector<16xi32>
        %add3A_395 = arith.addi %add3A_394, %iota3A : vector<16xi32>
        %broadcast_in_dim3A_396 = arith.constant 0 : i32
        %broadcast_in_dim3A_397 = vector.broadcast %broadcast_in_dim3A_396 : i32 to vector<16xi32>
        %gather3A = tpu.vector_load_idx %arg9[%add3A_395, %broadcast_in_dim3A_397] : memref<384x3xi32, #tpu.memory_space<vmem>>[vector<16xi32>, vector<16xi32>], vector<16xi32>,
        %broadcast_in_dim3A_398 = arith.constant 1 : i32
        %broadcast_in_dim3A_399 = vector.broadcast %broadcast_in_dim3A_398 : i32 to vector<16xi32>
        %gather3A_400 = tpu.vector_load_idx %arg9[%add3A_395, %broadcast_in_dim3A_399] : memref<384x3xi32, #tpu.memory_space<vmem>>[vector<16xi32>, vector<16xi32>], vector<16xi32>,
        %broadcast_in_dim3A_401 = arith.constant 2 : i32
        %broadcast_in_dim3A_402 = vector.broadcast %broadcast_in_dim3A_401 : i32 to vector<16xi32>
        %gather3A_403 = tpu.vector_load_idx %arg9[%add3A_395, %broadcast_in_dim3A_402] : memref<384x3xi32, #tpu.memory_space<vmem>>[vector<16xi32>, vector<16xi32>], vector<16xi32>,
        %mul3A_404 = arith.constant 16 : i32
        %mul3A_405 = arith.muli %scan3A_391, %mul3A_404 : i32
        %get3A_406 = arith.index_cast %mul3A_405 : i32 to index
        %get3A_407 = tpu.vector_load %arg10[%get3A_406] {strides = array<i32>} : memref<384xi32, #tpu.memory_space<vmem>>, vector<16xi32>,
        %mul3A_408 = arith.constant 16 : i32
        %mul3A_409 = arith.muli %scan3A_391, %mul3A_408 : i32
        %get3A_410 = arith.index_cast %mul3A_409 : i32 to index
        %get3A_411 = tpu.vector_load %arg11[%get3A_410] {strides = array<i32>} : memref<384xi32, #tpu.memory_space<vmem>>, vector<16xi32>,
        %add3A_412 = vector.broadcast %min3A_190 : i32 to vector<16xi32>
        %add3A_413 = arith.addi %add3A_412, %add3A_395 : vector<16xi32>
        %sub3A_414 = vector.broadcast %mul3A_124 : i32 to vector<16xi32>
        %sub3A_415 = arith.subi %get3A_411, %sub3A_414 : vector<16xi32>
        %ge3A = vector.broadcast %add3A_188 : i32 to vector<16xi32>
        %ge3A_416 = arith.cmpi sge, %add3A_413, %ge3A : vector<16xi32>
        %lt3A = vector.broadcast %min3A : i32 to vector<16xi32>
        %lt3A_417 = arith.cmpi slt, %add3A_413, %lt3A : vector<16xi32>
        %and3A_418 = arith.andi %ge3A_416, %lt3A_417 : vector<16xi1>
        %ge3A_419 = arith.constant 0 : i32
        %ge3A_420 = vector.broadcast %ge3A_419 : i32 to vector<16xi32>
        %ge3A_421 = arith.cmpi sge, %sub3A_415, %ge3A_420 : vector<16xi32>
        %and3A_422 = arith.andi %and3A_418, %ge3A_421 : vector<16xi1>
        %lt3A_423 = arith.constant 4 : i32
        %lt3A_424 = vector.broadcast %lt3A_423 : i32 to vector<16xi32>
        %lt3A_425 = arith.cmpi slt, %sub3A_415, %lt3A_424 : vector<16xi32>
        %and3A_426 = arith.andi %and3A_422, %lt3A_425 : vector<16xi1>
        %shift_right_arithmetic3A = arith.constant 3 : i32
        %shift_right_arithmetic3A_427 = vector.broadcast %shift_right_arithmetic3A : i32 to vector<16xi32>
        %shift_right_arithmetic3A_428 = arith.shrsi %gather3A, %shift_right_arithmetic3A_427 : vector<16xi32>
        %shift_right_arithmetic3A_429 = arith.constant 3 : i32
        %shift_right_arithmetic3A_430 = vector.broadcast %shift_right_arithmetic3A_429 : i32 to vector<16xi32>
        %shift_right_arithmetic3A_431 = arith.shrsi %gather3A_400, %shift_right_arithmetic3A_430 : vector<16xi32>
        %shift_right_arithmetic3A_432 = arith.constant 3 : i32
        %shift_right_arithmetic3A_433 = vector.broadcast %shift_right_arithmetic3A_432 : i32 to vector<16xi32>
        %shift_right_arithmetic3A_434 = arith.shrsi %gather3A_403, %shift_right_arithmetic3A_433 : vector<16xi32>
        %mul3A_435 = arith.constant 16 : i32
        %mul3A_436 = vector.broadcast %mul3A_435 : i32 to vector<16xi32>
        %mul3A_437 = arith.muli %shift_right_arithmetic3A_428, %mul3A_436 : vector<16xi32>
        %add3A_438 = arith.addi %mul3A_437, %shift_right_arithmetic3A_431 : vector<16xi32>
        %mul3A_439 = arith.constant 16 : i32
        %mul3A_440 = vector.broadcast %mul3A_439 : i32 to vector<16xi32>
        %mul3A_441 = arith.muli %add3A_438, %mul3A_440 : vector<16xi32>
        %add3A_442 = arith.addi %mul3A_441, %shift_right_arithmetic3A_434 : vector<16xi32>
        %mul3A_443 = arith.constant 4096 : i32
        %mul3A_444 = vector.broadcast %mul3A_443 : i32 to vector<16xi32>
        %mul3A_445 = arith.muli %sub3A_415, %mul3A_444 : vector<16xi32>
        %add3A_446 = arith.addi %mul3A_445, %add3A_442 : vector<16xi32>
        %and3A_447 = arith.constant 1 : i32
        %and3A_448 = vector.broadcast %and3A_447 : i32 to vector<16xi32>
        %and3A_449 = arith.andi %get3A_407, %and3A_448 : vector<16xi32>
        %mul3A_450 = arith.constant 4 : i32
        %mul3A_451 = vector.broadcast %mul3A_450 : i32 to vector<16xi32>
        %mul3A_452 = arith.muli %and3A_449, %mul3A_451 : vector<16xi32>
        %mul3A_453 = arith.constant 10 : i32
        %mul3A_454 = vector.broadcast %mul3A_453 : i32 to vector<16xi32>
        %mul3A_455 = arith.muli %add3A_446, %mul3A_454 : vector<16xi32>
        %shift_right_arithmetic3A_456 = arith.constant 1 : i32
        %shift_right_arithmetic3A_457 = vector.broadcast %shift_right_arithmetic3A_456 : i32 to vector<16xi32>
        %shift_right_arithmetic3A_458 = arith.shrsi %get3A_407, %shift_right_arithmetic3A_457 : vector<16xi32>
        %add3A_459 = arith.addi %mul3A_455, %shift_right_arithmetic3A_458 : vector<16xi32>
        %mul3A_460 = arith.constant 20 : i32
        %mul3A_461 = vector.broadcast %mul3A_460 : i32 to vector<16xi32>
        %mul3A_462 = arith.muli %sub3A_415, %mul3A_461 : vector<16xi32>
        %add3A_463 = arith.addi %mul3A_462, %get3A_407 : vector<16xi32>
        %shift_right_arithmetic3A_464 = arith.constant 1 : i32
        %shift_right_arithmetic3A_465 = vector.broadcast %shift_right_arithmetic3A_464 : i32 to vector<16xi32>
        %shift_right_arithmetic3A_466 = arith.shrsi %add3A_463, %shift_right_arithmetic3A_465 : vector<16xi32>
        %add3A_467 = arith.constant 163848 : i32
        %add3A_468 = vector.broadcast %add3A_467 : i32 to vector<16xi32>
        %add3A_469 = arith.addi %add3A_468, %shift_right_arithmetic3A_466 : vector<16xi32>
        %shift_right_arithmetic3A_470 = arith.constant 3 : i32
        %shift_right_arithmetic3A_471 = vector.broadcast %shift_right_arithmetic3A_470 : i32 to vector<16xi32>
        %shift_right_arithmetic3A_472 = arith.shrsi %add3A_446, %shift_right_arithmetic3A_471 : vector<16xi32>
        %add3A_473 = arith.constant 163888 : i32
        %add3A_474 = vector.broadcast %add3A_473 : i32 to vector<16xi32>
        %add3A_475 = arith.addi %add3A_474, %shift_right_arithmetic3A_472 : vector<16xi32>
        %and3A_476 = arith.constant 7 : i32
        %and3A_477 = vector.broadcast %and3A_476 : i32 to vector<16xi32>
        %and3A_478 = arith.andi %add3A_446, %and3A_477 : vector<16xi32>
        %jit3A_479 = arith.constant 8 : i32
        %div3A_480 = arith.divsi %scan3A_391, %jit3A_479 : i32
        %sign3A_481 = arith.constant 0 : i32
        %sign3A_482 = arith.cmpi sgt, %scan3A_391, %sign3A_481 : i32
        %sign3A_483 = arith.extui %sign3A_482 : i1 to i32
        %sign3A_484 = arith.constant 0 : i32
        %sign3A_485 = arith.cmpi slt, %scan3A_391, %sign3A_484 : i32
        %sign3A_486 = arith.extui %sign3A_485 : i1 to i32
        %sign3A_487 = arith.subi %sign3A_483, %sign3A_486 : i32
        %sign3A_488 = arith.constant 0 : i32
        %sign3A_489 = arith.cmpi sgt, %jit3A_479, %sign3A_488 : i32
        %sign3A_490 = arith.extui %sign3A_489 : i1 to i32
        %sign3A_491 = arith.constant 0 : i32
        %sign3A_492 = arith.cmpi slt, %jit3A_479, %sign3A_491 : i32
        %sign3A_493 = arith.extui %sign3A_492 : i1 to i32
        %sign3A_494 = arith.subi %sign3A_490, %sign3A_493 : i32
        %ne3A_495 = arith.cmpi ne, %sign3A_487, %sign3A_494 : i32
        %rem3A_496 = arith.remsi %scan3A_391, %jit3A_479 : i32
        %ne3A_497 = arith.constant 0 : i32
        %ne3A_498 = arith.cmpi ne, %rem3A_496, %ne3A_497 : i32
        %and3A_499 = arith.andi %ne3A_495, %ne3A_498 : i1
        %sub3A_500 = arith.constant 1 : i32
        %sub3A_501 = arith.subi %div3A_480, %sub3A_500 : i32
        %select_n3A_502 = arith.select %and3A_499, %sub3A_501, %div3A_480 : i32
        %jit3A_503 = arith.constant 8 : i32
        %eq3A_504 = arith.constant 0 : i32
        %eq3A_505 = arith.cmpi eq, %jit3A_503, %eq3A_504 : i32
        %jit3A_506 = arith.constant 1 : i32
        %select_n3A_507 = arith.select %eq3A_505, %jit3A_506, %jit3A_503 : i32
        %rem3A_508 = arith.remsi %scan3A_391, %select_n3A_507 : i32
        %ne3A_509 = arith.constant 0 : i32
        %ne3A_510 = arith.cmpi ne, %rem3A_508, %ne3A_509 : i32
        %lt3A_511 = arith.constant 0 : i32
        %lt3A_512 = arith.cmpi slt, %rem3A_508, %lt3A_511 : i32
        %lt3A_513 = arith.constant 0 : i32
        %lt3A_514 = arith.cmpi slt, %select_n3A_507, %lt3A_513 : i32
        %ne3A_515 = arith.xori %lt3A_512, %lt3A_514 : i1
        %and3A_516 = arith.andi %ne3A_515, %ne3A_510 : i1
        %add3A_517 = arith.addi %rem3A_508, %select_n3A_507 : i32
        %select_n3A_518 = arith.select %and3A_516, %add3A_517, %rem3A_508 : i32
        %mul3A_519 = arith.constant 16 : i32
        %mul3A_520 = arith.muli %select_n3A_518, %mul3A_519 : i32
        %jit3A_521 = arith.constant 163840 : i32
        %broadcast_in_dim3A_522 = vector.broadcast %jit3A_521 : i32 to vector<16xi32>
        %select_n3A_523 = arith.select %and3A_426, %add3A_459, %broadcast_in_dim3A_522 : vector<16xi1>, vector<16xi32>
        %swap3A_524 = arith.index_cast %select_n3A_502 : i32 to index
        %swap3A_525 = arith.index_cast %mul3A_520 : i32 to index
        %swap3A_526 = tpu.vector_load %arg15[%swap3A_524, %swap3A_525] {strides = array<i32>} : memref<3x128xi32, #tpu.memory_space<vmem>>, vector<16xi32>,
        tpu.vector_store %arg15[%swap3A_524, %swap3A_525], %select_n3A_523 {strides = array<i32>} : memref<3x128xi32, #tpu.memory_space<vmem>>, vector<16xi32>,
        %jit3A_527 = arith.constant 163840 : i32
        %broadcast_in_dim3A_528 = vector.broadcast %jit3A_527 : i32 to vector<16xi32>
        %select_n3A_529 = arith.select %and3A_426, %add3A_469, %broadcast_in_dim3A_528 : vector<16xi1>, vector<16xi32>
        %swap3A_530 = arith.index_cast %select_n3A_502 : i32 to index
        %swap3A_531 = arith.index_cast %mul3A_520 : i32 to index
        %swap3A_532 = tpu.vector_load %arg17[%swap3A_530, %swap3A_531] {strides = array<i32>} : memref<3x128xi32, #tpu.memory_space<vmem>>, vector<16xi32>,
        tpu.vector_store %arg17[%swap3A_530, %swap3A_531], %select_n3A_529 {strides = array<i32>} : memref<3x128xi32, #tpu.memory_space<vmem>>, vector<16xi32>,
        %jit3A_533 = arith.constant 165936 : i32
        %broadcast_in_dim3A_534 = vector.broadcast %jit3A_533 : i32 to vector<16xi32>
        %select_n3A_535 = arith.select %and3A_426, %add3A_475, %broadcast_in_dim3A_534 : vector<16xi1>, vector<16xi32>
        %swap3A_536 = arith.index_cast %select_n3A_502 : i32 to index
        %swap3A_537 = arith.index_cast %mul3A_520 : i32 to index
        %swap3A_538 = tpu.vector_load %arg16[%swap3A_536, %swap3A_537] {strides = array<i32>} : memref<3x128xi32, #tpu.memory_space<vmem>>, vector<16xi32>,
        tpu.vector_store %arg16[%swap3A_536, %swap3A_537], %select_n3A_535 {strides = array<i32>} : memref<3x128xi32, #tpu.memory_space<vmem>>, vector<16xi32>,
        %convert_element_type3A = arith.sitofp %gather3A : vector<16xi32> to vector<16xf32>
        %select_n3A_539 = arith.select %and3A_426, %convert_element_type3A, %broadcast_in_dim3A_1 : vector<16xi1>, vector<16xf32>
        %convert_element_type3A_540 = arith.sitofp %gather3A_400 : vector<16xi32> to vector<16xf32>
        %select_n3A_541 = arith.select %and3A_426, %convert_element_type3A_540, %broadcast_in_dim3A_1 : vector<16xi1>, vector<16xf32>
        %convert_element_type3A_542 = arith.sitofp %gather3A_403 : vector<16xi32> to vector<16xf32>
        %select_n3A_543 = arith.select %and3A_426, %convert_element_type3A_542, %broadcast_in_dim3A_1 : vector<16xi1>, vector<16xf32>
        %jit3A_544 = arith.constant 1.000000e+00 : f32
        %jit3A_545 = arith.constant 0.000000e+00 : f32
        %broadcast_in_dim3A_546 = vector.broadcast %jit3A_544 : f32 to vector<16xf32>
        %broadcast_in_dim3A_547 = vector.broadcast %jit3A_545 : f32 to vector<16xf32>
        %select_n3A_548 = arith.select %and3A_426, %broadcast_in_dim3A_546, %broadcast_in_dim3A_547 : vector<16xi1>, vector<16xf32>
        %add3A_549 = arith.constant 0 : i32
        %add3A_550 = vector.broadcast %add3A_549 : i32 to vector<16xi32>
        %add3A_551 = arith.addi %mul3A_452, %add3A_550 : vector<16xi32>
        tpu.vector_store_idx %arg13[%add3A_395, %add3A_551], %select_n3A_539 : memref<384x8xf32, #tpu.memory_space<vmem>>[vector<16xi32>, vector<16xi32>], vector<16xf32>,
        %sub3A_552 = arith.constant 4 : i32
        %sub3A_553 = vector.broadcast %sub3A_552 : i32 to vector<16xi32>
        %sub3A_554 = arith.subi %sub3A_553, %mul3A_452 : vector<16xi32>
        %add3A_555 = arith.constant 0 : i32
        %add3A_556 = vector.broadcast %add3A_555 : i32 to vector<16xi32>
        %add3A_557 = arith.addi %sub3A_554, %add3A_556 : vector<16xi32>
        tpu.vector_store_idx %arg13[%add3A_395, %add3A_557], %broadcast_in_dim3A_1 : memref<384x8xf32, #tpu.memory_space<vmem>>[vector<16xi32>, vector<16xi32>], vector<16xf32>,
        %add3A_558 = arith.constant 1 : i32
        %add3A_559 = vector.broadcast %add3A_558 : i32 to vector<16xi32>
        %add3A_560 = arith.addi %mul3A_452, %add3A_559 : vector<16xi32>
        tpu.vector_store_idx %arg13[%add3A_395, %add3A_560], %select_n3A_541 : memref<384x8xf32, #tpu.memory_space<vmem>>[vector<16xi32>, vector<16xi32>], vector<16xf32>,
        %sub3A_561 = arith.constant 4 : i32
        %sub3A_562 = vector.broadcast %sub3A_561 : i32 to vector<16xi32>
        %sub3A_563 = arith.subi %sub3A_562, %mul3A_452 : vector<16xi32>
        %add3A_564 = arith.constant 1 : i32
        %add3A_565 = vector.broadcast %add3A_564 : i32 to vector<16xi32>
        %add3A_566 = arith.addi %sub3A_563, %add3A_565 : vector<16xi32>
        tpu.vector_store_idx %arg13[%add3A_395, %add3A_566], %broadcast_in_dim3A_1 : memref<384x8xf32, #tpu.memory_space<vmem>>[vector<16xi32>, vector<16xi32>], vector<16xf32>,
        %add3A_567 = arith.constant 2 : i32
        %add3A_568 = vector.broadcast %add3A_567 : i32 to vector<16xi32>
        %add3A_569 = arith.addi %mul3A_452, %add3A_568 : vector<16xi32>
        tpu.vector_store_idx %arg13[%add3A_395, %add3A_569], %select_n3A_543 : memref<384x8xf32, #tpu.memory_space<vmem>>[vector<16xi32>, vector<16xi32>], vector<16xf32>,
        %sub3A_570 = arith.constant 4 : i32
        %sub3A_571 = vector.broadcast %sub3A_570 : i32 to vector<16xi32>
        %sub3A_572 = arith.subi %sub3A_571, %mul3A_452 : vector<16xi32>
        %add3A_573 = arith.constant 2 : i32
        %add3A_574 = vector.broadcast %add3A_573 : i32 to vector<16xi32>
        %add3A_575 = arith.addi %sub3A_572, %add3A_574 : vector<16xi32>
        tpu.vector_store_idx %arg13[%add3A_395, %add3A_575], %broadcast_in_dim3A_1 : memref<384x8xf32, #tpu.memory_space<vmem>>[vector<16xi32>, vector<16xi32>], vector<16xf32>,
        %add3A_576 = arith.constant 3 : i32
        %add3A_577 = vector.broadcast %add3A_576 : i32 to vector<16xi32>
        %add3A_578 = arith.addi %mul3A_452, %add3A_577 : vector<16xi32>
        tpu.vector_store_idx %arg13[%add3A_395, %add3A_578], %select_n3A_548 : memref<384x8xf32, #tpu.memory_space<vmem>>[vector<16xi32>, vector<16xi32>], vector<16xf32>,
        %sub3A_579 = arith.constant 4 : i32
        %sub3A_580 = vector.broadcast %sub3A_579 : i32 to vector<16xi32>
        %sub3A_581 = arith.subi %sub3A_580, %mul3A_452 : vector<16xi32>
        %add3A_582 = arith.constant 3 : i32
        %add3A_583 = vector.broadcast %add3A_582 : i32 to vector<16xi32>
        %add3A_584 = arith.addi %sub3A_581, %add3A_583 : vector<16xi32>
        tpu.vector_store_idx %arg13[%add3A_395, %add3A_584], %broadcast_in_dim3A_1 : memref<384x8xf32, #tpu.memory_space<vmem>>[vector<16xi32>, vector<16xi32>], vector<16xf32>,
        %jit3A_585 = arith.constant 1.000000e+00 : f32
        %jit3A_586 = arith.constant 0.000000e+00 : f32
        %broadcast_in_dim3A_587 = vector.broadcast %jit3A_585 : f32 to vector<16xf32>
        %broadcast_in_dim3A_588 = vector.broadcast %jit3A_586 : f32 to vector<16xf32>
        %select_n3A_589 = arith.select %and3A_426, %broadcast_in_dim3A_587, %broadcast_in_dim3A_588 : vector<16xi1>, vector<16xf32>
        %broadcast_in_dim3A_590 = arith.constant 0 : i32
        %broadcast_in_dim3A_591 = vector.broadcast %broadcast_in_dim3A_590 : i32 to vector<16xi32>
        %eq3A_592 = arith.constant 0 : i32
        %eq3A_593 = vector.broadcast %eq3A_592 : i32 to vector<16xi32>
        %eq3A_594 = arith.cmpi eq, %and3A_478, %eq3A_593 : vector<16xi32>
        %select_n3A_595 = arith.select %eq3A_594, %select_n3A_589, %broadcast_in_dim3A_1 : vector<16xi1>, vector<16xf32>
        tpu.vector_store_idx %arg14[%add3A_395, %broadcast_in_dim3A_591], %select_n3A_595 : memref<384x8xf32, #tpu.memory_space<vmem>>[vector<16xi32>, vector<16xi32>], vector<16xf32>,
        %broadcast_in_dim3A_596 = arith.constant 1 : i32
        %broadcast_in_dim3A_597 = vector.broadcast %broadcast_in_dim3A_596 : i32 to vector<16xi32>
        %eq3A_598 = arith.constant 1 : i32
        %eq3A_599 = vector.broadcast %eq3A_598 : i32 to vector<16xi32>
        %eq3A_600 = arith.cmpi eq, %and3A_478, %eq3A_599 : vector<16xi32>
        %select_n3A_601 = arith.select %eq3A_600, %select_n3A_589, %broadcast_in_dim3A_1 : vector<16xi1>, vector<16xf32>
        tpu.vector_store_idx %arg14[%add3A_395, %broadcast_in_dim3A_597], %select_n3A_601 : memref<384x8xf32, #tpu.memory_space<vmem>>[vector<16xi32>, vector<16xi32>], vector<16xf32>,
        %broadcast_in_dim3A_602 = arith.constant 2 : i32
        %broadcast_in_dim3A_603 = vector.broadcast %broadcast_in_dim3A_602 : i32 to vector<16xi32>
        %eq3A_604 = arith.constant 2 : i32
        %eq3A_605 = vector.broadcast %eq3A_604 : i32 to vector<16xi32>
        %eq3A_606 = arith.cmpi eq, %and3A_478, %eq3A_605 : vector<16xi32>
        %select_n3A_607 = arith.select %eq3A_606, %select_n3A_589, %broadcast_in_dim3A_1 : vector<16xi1>, vector<16xf32>
        tpu.vector_store_idx %arg14[%add3A_395, %broadcast_in_dim3A_603], %select_n3A_607 : memref<384x8xf32, #tpu.memory_space<vmem>>[vector<16xi32>, vector<16xi32>], vector<16xf32>,
        %broadcast_in_dim3A_608 = arith.constant 3 : i32
        %broadcast_in_dim3A_609 = vector.broadcast %broadcast_in_dim3A_608 : i32 to vector<16xi32>
        %eq3A_610 = arith.constant 3 : i32
        %eq3A_611 = vector.broadcast %eq3A_610 : i32 to vector<16xi32>
        %eq3A_612 = arith.cmpi eq, %and3A_478, %eq3A_611 : vector<16xi32>
        %select_n3A_613 = arith.select %eq3A_612, %select_n3A_589, %broadcast_in_dim3A_1 : vector<16xi1>, vector<16xf32>
        tpu.vector_store_idx %arg14[%add3A_395, %broadcast_in_dim3A_609], %select_n3A_613 : memref<384x8xf32, #tpu.memory_space<vmem>>[vector<16xi32>, vector<16xi32>], vector<16xf32>,
        %broadcast_in_dim3A_614 = arith.constant 4 : i32
        %broadcast_in_dim3A_615 = vector.broadcast %broadcast_in_dim3A_614 : i32 to vector<16xi32>
        %eq3A_616 = arith.constant 4 : i32
        %eq3A_617 = vector.broadcast %eq3A_616 : i32 to vector<16xi32>
        %eq3A_618 = arith.cmpi eq, %and3A_478, %eq3A_617 : vector<16xi32>
        %select_n3A_619 = arith.select %eq3A_618, %select_n3A_589, %broadcast_in_dim3A_1 : vector<16xi1>, vector<16xf32>
        tpu.vector_store_idx %arg14[%add3A_395, %broadcast_in_dim3A_615], %select_n3A_619 : memref<384x8xf32, #tpu.memory_space<vmem>>[vector<16xi32>, vector<16xi32>], vector<16xf32>,
        %broadcast_in_dim3A_620 = arith.constant 5 : i32
        %broadcast_in_dim3A_621 = vector.broadcast %broadcast_in_dim3A_620 : i32 to vector<16xi32>
        %eq3A_622 = arith.constant 5 : i32
        %eq3A_623 = vector.broadcast %eq3A_622 : i32 to vector<16xi32>
        %eq3A_624 = arith.cmpi eq, %and3A_478, %eq3A_623 : vector<16xi32>
        %select_n3A_625 = arith.select %eq3A_624, %select_n3A_589, %broadcast_in_dim3A_1 : vector<16xi1>, vector<16xf32>
        tpu.vector_store_idx %arg14[%add3A_395, %broadcast_in_dim3A_621], %select_n3A_625 : memref<384x8xf32, #tpu.memory_space<vmem>>[vector<16xi32>, vector<16xi32>], vector<16xf32>,
        %broadcast_in_dim3A_626 = arith.constant 6 : i32
        %broadcast_in_dim3A_627 = vector.broadcast %broadcast_in_dim3A_626 : i32 to vector<16xi32>
        %eq3A_628 = arith.constant 6 : i32
        %eq3A_629 = vector.broadcast %eq3A_628 : i32 to vector<16xi32>
        %eq3A_630 = arith.cmpi eq, %and3A_478, %eq3A_629 : vector<16xi32>
        %select_n3A_631 = arith.select %eq3A_630, %select_n3A_589, %broadcast_in_dim3A_1 : vector<16xi1>, vector<16xf32>
        tpu.vector_store_idx %arg14[%add3A_395, %broadcast_in_dim3A_627], %select_n3A_631 : memref<384x8xf32, #tpu.memory_space<vmem>>[vector<16xi32>, vector<16xi32>], vector<16xf32>,
        %broadcast_in_dim3A_632 = arith.constant 7 : i32
        %broadcast_in_dim3A_633 = vector.broadcast %broadcast_in_dim3A_632 : i32 to vector<16xi32>
        %eq3A_634 = arith.constant 7 : i32
        %eq3A_635 = vector.broadcast %eq3A_634 : i32 to vector<16xi32>
        %eq3A_636 = arith.cmpi eq, %and3A_478, %eq3A_635 : vector<16xi32>
        %select_n3A_637 = arith.select %eq3A_636, %select_n3A_589, %broadcast_in_dim3A_1 : vector<16xi1>, vector<16xf32>
        tpu.vector_store_idx %arg14[%add3A_395, %broadcast_in_dim3A_633], %select_n3A_637 : memref<384x8xf32, #tpu.memory_space<vmem>>[vector<16xi32>, vector<16xi32>], vector<16xf32>,
      }
      %scan3A_210 = arith.constant 24 : i32
      %dma_start3A_211 = arith.constant 0 : i32
      %dma_start3A_212 = arith.constant 0 : i32
      %dma_start3A_213 = arith.constant 0 : i32
      %dma_start3A_214 = tpu.memref_slice %arg13[%dma_start3A_212, %dma_start3A_213] : memref<384x8xf32, #tpu.memory_space<vmem>> -> memref<128x8xf32, #tpu.memory_space<vmem>>
      %dma_start3A_215 = arith.constant 0 : i32
      %dma_start3A_216 = tpu.memref_slice %arg15[%dma_start3A_211, %dma_start3A_215] : memref<3x128xi32, #tpu.memory_space<vmem>> -> memref<1x128xi32, #tpu.memory_space<vmem>>
      %dma_start3A_217 = tpu.memref_squeeze %dma_start3A_216 : memref<1x128xi32, #tpu.memory_space<vmem>> -> memref<128xi32, #tpu.memory_space<vmem>>
      %dma_start3A_218 = arith.constant 0 : i32
      %dma_start3A_219 = arith.constant 0 : i32
      %dma_start3A_220 = tpu.memref_slice %arg25[%dma_start3A_218, %dma_start3A_219] : memref<165952x8xf32, #tpu.memory_space<vmem_shared>> -> memref<165952x8xf32, #tpu.memory_space<vmem_shared>>
      tpu.enqueue_indirect_dma source(%dma_start3A_214 : memref<128x8xf32, #tpu.memory_space<vmem>>) target(%dma_start3A_220 : memref<165952x8xf32, #tpu.memory_space<vmem_shared>>) offsets(%dma_start3A_217 : memref<128xi32, #tpu.memory_space<vmem>>) semaphore(%arg24 : memref<!tpu.dma_semaphore, #tpu.memory_space<semaphore_mem>>) {add = true}
      %dma_start3A_221 = arith.constant 0 : i32
      %dma_start3A_222 = arith.constant 0 : i32
      %dma_start3A_223 = arith.constant 0 : i32
      %dma_start3A_224 = tpu.memref_slice %arg13[%dma_start3A_222, %dma_start3A_223] : memref<384x8xf32, #tpu.memory_space<vmem>> -> memref<128x8xf32, #tpu.memory_space<vmem>>
      %dma_start3A_225 = arith.constant 0 : i32
      %dma_start3A_226 = tpu.memref_slice %arg17[%dma_start3A_221, %dma_start3A_225] : memref<3x128xi32, #tpu.memory_space<vmem>> -> memref<1x128xi32, #tpu.memory_space<vmem>>
      %dma_start3A_227 = tpu.memref_squeeze %dma_start3A_226 : memref<1x128xi32, #tpu.memory_space<vmem>> -> memref<128xi32, #tpu.memory_space<vmem>>
      %dma_start3A_228 = arith.constant 0 : i32
      %dma_start3A_229 = arith.constant 0 : i32
      %dma_start3A_230 = tpu.memref_slice %arg25[%dma_start3A_228, %dma_start3A_229] : memref<165952x8xf32, #tpu.memory_space<vmem_shared>> -> memref<165952x8xf32, #tpu.memory_space<vmem_shared>>
      tpu.enqueue_indirect_dma source(%dma_start3A_224 : memref<128x8xf32, #tpu.memory_space<vmem>>) target(%dma_start3A_230 : memref<165952x8xf32, #tpu.memory_space<vmem_shared>>) offsets(%dma_start3A_227 : memref<128xi32, #tpu.memory_space<vmem>>) semaphore(%arg24 : memref<!tpu.dma_semaphore, #tpu.memory_space<semaphore_mem>>) {add = true}
      %dma_start3A_231 = arith.constant 0 : i32
      %dma_start3A_232 = arith.constant 0 : i32
      %dma_start3A_233 = arith.constant 0 : i32
      %dma_start3A_234 = tpu.memref_slice %arg14[%dma_start3A_232, %dma_start3A_233] : memref<384x8xf32, #tpu.memory_space<vmem>> -> memref<128x8xf32, #tpu.memory_space<vmem>>
      %dma_start3A_235 = arith.constant 0 : i32
      %dma_start3A_236 = tpu.memref_slice %arg16[%dma_start3A_231, %dma_start3A_235] : memref<3x128xi32, #tpu.memory_space<vmem>> -> memref<1x128xi32, #tpu.memory_space<vmem>>
      %dma_start3A_237 = tpu.memref_squeeze %dma_start3A_236 : memref<1x128xi32, #tpu.memory_space<vmem>> -> memref<128xi32, #tpu.memory_space<vmem>>
      %dma_start3A_238 = arith.constant 0 : i32
      %dma_start3A_239 = arith.constant 0 : i32
      %dma_start3A_240 = tpu.memref_slice %arg25[%dma_start3A_238, %dma_start3A_239] : memref<165952x8xf32, #tpu.memory_space<vmem_shared>> -> memref<165952x8xf32, #tpu.memory_space<vmem_shared>>
      tpu.enqueue_indirect_dma source(%dma_start3A_234 : memref<128x8xf32, #tpu.memory_space<vmem>>) target(%dma_start3A_240 : memref<165952x8xf32, #tpu.memory_space<vmem_shared>>) offsets(%dma_start3A_237 : memref<128xi32, #tpu.memory_space<vmem>>) semaphore(%arg24 : memref<!tpu.dma_semaphore, #tpu.memory_space<semaphore_mem>>) {add = true}
      %dma_start3A_241 = arith.constant 1 : i32
      %dma_start3A_242 = arith.constant 128 : i32
      %dma_start3A_243 = arith.constant 0 : i32
      %dma_start3A_244 = tpu.memref_slice %arg13[%dma_start3A_242, %dma_start3A_243] : memref<384x8xf32, #tpu.memory_space<vmem>> -> memref<128x8xf32, #tpu.memory_space<vmem>>
      %dma_start3A_245 = arith.constant 0 : i32
      %dma_start3A_246 = tpu.memref_slice %arg15[%dma_start3A_241, %dma_start3A_245] : memref<3x128xi32, #tpu.memory_space<vmem>> -> memref<1x128xi32, #tpu.memory_space<vmem>>
      %dma_start3A_247 = tpu.memref_squeeze %dma_start3A_246 : memref<1x128xi32, #tpu.memory_space<vmem>> -> memref<128xi32, #tpu.memory_space<vmem>>
      %dma_start3A_248 = arith.constant 0 : i32
      %dma_start3A_249 = arith.constant 0 : i32
      %dma_start3A_250 = tpu.memref_slice %arg25[%dma_start3A_248, %dma_start3A_249] : memref<165952x8xf32, #tpu.memory_space<vmem_shared>> -> memref<165952x8xf32, #tpu.memory_space<vmem_shared>>
      tpu.enqueue_indirect_dma source(%dma_start3A_244 : memref<128x8xf32, #tpu.memory_space<vmem>>) target(%dma_start3A_250 : memref<165952x8xf32, #tpu.memory_space<vmem_shared>>) offsets(%dma_start3A_247 : memref<128xi32, #tpu.memory_space<vmem>>) semaphore(%arg24 : memref<!tpu.dma_semaphore, #tpu.memory_space<semaphore_mem>>) {add = true}
      %dma_start3A_251 = arith.constant 1 : i32
      %dma_start3A_252 = arith.constant 128 : i32
      %dma_start3A_253 = arith.constant 0 : i32
      %dma_start3A_254 = tpu.memref_slice %arg13[%dma_start3A_252, %dma_start3A_253] : memref<384x8xf32, #tpu.memory_space<vmem>> -> memref<128x8xf32, #tpu.memory_space<vmem>>
      %dma_start3A_255 = arith.constant 0 : i32
      %dma_start3A_256 = tpu.memref_slice %arg17[%dma_start3A_251, %dma_start3A_255] : memref<3x128xi32, #tpu.memory_space<vmem>> -> memref<1x128xi32, #tpu.memory_space<vmem>>
      %dma_start3A_257 = tpu.memref_squeeze %dma_start3A_256 : memref<1x128xi32, #tpu.memory_space<vmem>> -> memref<128xi32, #tpu.memory_space<vmem>>
      %dma_start3A_258 = arith.constant 0 : i32
      %dma_start3A_259 = arith.constant 0 : i32
      %dma_start3A_260 = tpu.memref_slice %arg25[%dma_start3A_258, %dma_start3A_259] : memref<165952x8xf32, #tpu.memory_space<vmem_shared>> -> memref<165952x8xf32, #tpu.memory_space<vmem_shared>>
      tpu.enqueue_indirect_dma source(%dma_start3A_254 : memref<128x8xf32, #tpu.memory_space<vmem>>) target(%dma_start3A_260 : memref<165952x8xf32, #tpu.memory_space<vmem_shared>>) offsets(%dma_start3A_257 : memref<128xi32, #tpu.memory_space<vmem>>) semaphore(%arg24 : memref<!tpu.dma_semaphore, #tpu.memory_space<semaphore_mem>>) {add = true}
      %dma_start3A_261 = arith.constant 1 : i32
      %dma_start3A_262 = arith.constant 128 : i32
      %dma_start3A_263 = arith.constant 0 : i32
      %dma_start3A_264 = tpu.memref_slice %arg14[%dma_start3A_262, %dma_start3A_263] : memref<384x8xf32, #tpu.memory_space<vmem>> -> memref<128x8xf32, #tpu.memory_space<vmem>>
      %dma_start3A_265 = arith.constant 0 : i32
      %dma_start3A_266 = tpu.memref_slice %arg16[%dma_start3A_261, %dma_start3A_265] : memref<3x128xi32, #tpu.memory_space<vmem>> -> memref<1x128xi32, #tpu.memory_space<vmem>>
      %dma_start3A_267 = tpu.memref_squeeze %dma_start3A_266 : memref<1x128xi32, #tpu.memory_space<vmem>> -> memref<128xi32, #tpu.memory_space<vmem>>
      %dma_start3A_268 = arith.constant 0 : i32
      %dma_start3A_269 = arith.constant 0 : i32
      %dma_start3A_270 = tpu.memref_slice %arg25[%dma_start3A_268, %dma_start3A_269] : memref<165952x8xf32, #tpu.memory_space<vmem_shared>> -> memref<165952x8xf32, #tpu.memory_space<vmem_shared>>
      tpu.enqueue_indirect_dma source(%dma_start3A_264 : memref<128x8xf32, #tpu.memory_space<vmem>>) target(%dma_start3A_270 : memref<165952x8xf32, #tpu.memory_space<vmem_shared>>) offsets(%dma_start3A_267 : memref<128xi32, #tpu.memory_space<vmem>>) semaphore(%arg24 : memref<!tpu.dma_semaphore, #tpu.memory_space<semaphore_mem>>) {add = true}
      %dma_start3A_271 = arith.constant 2 : i32
      %dma_start3A_272 = arith.constant 256 : i32
      %dma_start3A_273 = arith.constant 0 : i32
      %dma_start3A_274 = tpu.memref_slice %arg13[%dma_start3A_272, %dma_start3A_273] : memref<384x8xf32, #tpu.memory_space<vmem>> -> memref<128x8xf32, #tpu.memory_space<vmem>>
      %dma_start3A_275 = arith.constant 0 : i32
      %dma_start3A_276 = tpu.memref_slice %arg15[%dma_start3A_271, %dma_start3A_275] : memref<3x128xi32, #tpu.memory_space<vmem>> -> memref<1x128xi32, #tpu.memory_space<vmem>>
      %dma_start3A_277 = tpu.memref_squeeze %dma_start3A_276 : memref<1x128xi32, #tpu.memory_space<vmem>> -> memref<128xi32, #tpu.memory_space<vmem>>
      %dma_start3A_278 = arith.constant 0 : i32
      %dma_start3A_279 = arith.constant 0 : i32
      %dma_start3A_280 = tpu.memref_slice %arg25[%dma_start3A_278, %dma_start3A_279] : memref<165952x8xf32, #tpu.memory_space<vmem_shared>> -> memref<165952x8xf32, #tpu.memory_space<vmem_shared>>
      tpu.enqueue_indirect_dma source(%dma_start3A_274 : memref<128x8xf32, #tpu.memory_space<vmem>>) target(%dma_start3A_280 : memref<165952x8xf32, #tpu.memory_space<vmem_shared>>) offsets(%dma_start3A_277 : memref<128xi32, #tpu.memory_space<vmem>>) semaphore(%arg24 : memref<!tpu.dma_semaphore, #tpu.memory_space<semaphore_mem>>) {add = true}
      %dma_start3A_281 = arith.constant 2 : i32
      %dma_start3A_282 = arith.constant 256 : i32
      %dma_start3A_283 = arith.constant 0 : i32
      %dma_start3A_284 = tpu.memref_slice %arg13[%dma_start3A_282, %dma_start3A_283] : memref<384x8xf32, #tpu.memory_space<vmem>> -> memref<128x8xf32, #tpu.memory_space<vmem>>
      %dma_start3A_285 = arith.constant 0 : i32
      %dma_start3A_286 = tpu.memref_slice %arg17[%dma_start3A_281, %dma_start3A_285] : memref<3x128xi32, #tpu.memory_space<vmem>> -> memref<1x128xi32, #tpu.memory_space<vmem>>
      %dma_start3A_287 = tpu.memref_squeeze %dma_start3A_286 : memref<1x128xi32, #tpu.memory_space<vmem>> -> memref<128xi32, #tpu.memory_space<vmem>>
      %dma_start3A_288 = arith.constant 0 : i32
      %dma_start3A_289 = arith.constant 0 : i32
      %dma_start3A_290 = tpu.memref_slice %arg25[%dma_start3A_288, %dma_start3A_289] : memref<165952x8xf32, #tpu.memory_space<vmem_shared>> -> memref<165952x8xf32, #tpu.memory_space<vmem_shared>>
      tpu.enqueue_indirect_dma source(%dma_start3A_284 : memref<128x8xf32, #tpu.memory_space<vmem>>) target(%dma_start3A_290 : memref<165952x8xf32, #tpu.memory_space<vmem_shared>>) offsets(%dma_start3A_287 : memref<128xi32, #tpu.memory_space<vmem>>) semaphore(%arg24 : memref<!tpu.dma_semaphore, #tpu.memory_space<semaphore_mem>>) {add = true}
      %dma_start3A_291 = arith.constant 2 : i32
      %dma_start3A_292 = arith.constant 256 : i32
      %dma_start3A_293 = arith.constant 0 : i32
      %dma_start3A_294 = tpu.memref_slice %arg14[%dma_start3A_292, %dma_start3A_293] : memref<384x8xf32, #tpu.memory_space<vmem>> -> memref<128x8xf32, #tpu.memory_space<vmem>>
      %dma_start3A_295 = arith.constant 0 : i32
      %dma_start3A_296 = tpu.memref_slice %arg16[%dma_start3A_291, %dma_start3A_295] : memref<3x128xi32, #tpu.memory_space<vmem>> -> memref<1x128xi32, #tpu.memory_space<vmem>>
      %dma_start3A_297 = tpu.memref_squeeze %dma_start3A_296 : memref<1x128xi32, #tpu.memory_space<vmem>> -> memref<128xi32, #tpu.memory_space<vmem>>
      %dma_start3A_298 = arith.constant 0 : i32
      %dma_start3A_299 = arith.constant 0 : i32
      %dma_start3A_300 = tpu.memref_slice %arg25[%dma_start3A_298, %dma_start3A_299] : memref<165952x8xf32, #tpu.memory_space<vmem_shared>> -> memref<165952x8xf32, #tpu.memory_space<vmem_shared>>
      tpu.enqueue_indirect_dma source(%dma_start3A_294 : memref<128x8xf32, #tpu.memory_space<vmem>>) target(%dma_start3A_300 : memref<165952x8xf32, #tpu.memory_space<vmem_shared>>) offsets(%dma_start3A_297 : memref<128xi32, #tpu.memory_space<vmem>>) semaphore(%arg24 : memref<!tpu.dma_semaphore, #tpu.memory_space<semaphore_mem>>) {add = true}
      %dma_wait3A_301 = arith.constant 0 : i32
      %dma_wait3A_302 = arith.constant 0 : i32
      %dma_wait3A_303 = arith.constant 0 : i32
      %dma_wait3A_304 = tpu.memref_slice %arg13[%dma_wait3A_302, %dma_wait3A_303] : memref<384x8xf32, #tpu.memory_space<vmem>> -> memref<128x8xf32, #tpu.memory_space<vmem>>
      %dma_wait3A_305 = arith.constant 0 : i32
      %dma_wait3A_306 = tpu.memref_slice %arg15[%dma_wait3A_301, %dma_wait3A_305] : memref<3x128xi32, #tpu.memory_space<vmem>> -> memref<1x128xi32, #tpu.memory_space<vmem>>
      %dma_wait3A_307 = tpu.memref_squeeze %dma_wait3A_306 : memref<1x128xi32, #tpu.memory_space<vmem>> -> memref<128xi32, #tpu.memory_space<vmem>>
      %dma_wait3A_308 = arith.constant 0 : i32
      %dma_wait3A_309 = arith.constant 0 : i32
      %dma_wait3A_310 = tpu.memref_slice %arg25[%dma_wait3A_308, %dma_wait3A_309] : memref<165952x8xf32, #tpu.memory_space<vmem_shared>> -> memref<165952x8xf32, #tpu.memory_space<vmem_shared>>
      tpu.wait_indirect_dma semaphore(%arg24 : memref<!tpu.dma_semaphore, #tpu.memory_space<semaphore_mem>>) src(%dma_wait3A_304 : memref<128x8xf32, #tpu.memory_space<vmem>>) dst(%dma_wait3A_310 : memref<165952x8xf32, #tpu.memory_space<vmem_shared>>)
      %dma_wait3A_311 = arith.constant 0 : i32
      %dma_wait3A_312 = arith.constant 0 : i32
      %dma_wait3A_313 = arith.constant 0 : i32
      %dma_wait3A_314 = tpu.memref_slice %arg13[%dma_wait3A_312, %dma_wait3A_313] : memref<384x8xf32, #tpu.memory_space<vmem>> -> memref<128x8xf32, #tpu.memory_space<vmem>>
      %dma_wait3A_315 = arith.constant 0 : i32
      %dma_wait3A_316 = tpu.memref_slice %arg17[%dma_wait3A_311, %dma_wait3A_315] : memref<3x128xi32, #tpu.memory_space<vmem>> -> memref<1x128xi32, #tpu.memory_space<vmem>>
      %dma_wait3A_317 = tpu.memref_squeeze %dma_wait3A_316 : memref<1x128xi32, #tpu.memory_space<vmem>> -> memref<128xi32, #tpu.memory_space<vmem>>
      %dma_wait3A_318 = arith.constant 0 : i32
      %dma_wait3A_319 = arith.constant 0 : i32
      %dma_wait3A_320 = tpu.memref_slice %arg25[%dma_wait3A_318, %dma_wait3A_319] : memref<165952x8xf32, #tpu.memory_space<vmem_shared>> -> memref<165952x8xf32, #tpu.memory_space<vmem_shared>>
      tpu.wait_indirect_dma semaphore(%arg24 : memref<!tpu.dma_semaphore, #tpu.memory_space<semaphore_mem>>) src(%dma_wait3A_314 : memref<128x8xf32, #tpu.memory_space<vmem>>) dst(%dma_wait3A_320 : memref<165952x8xf32, #tpu.memory_space<vmem_shared>>)
      %dma_wait3A_321 = arith.constant 0 : i32
      %dma_wait3A_322 = arith.constant 0 : i32
      %dma_wait3A_323 = arith.constant 0 : i32
      %dma_wait3A_324 = tpu.memref_slice %arg14[%dma_wait3A_322, %dma_wait3A_323] : memref<384x8xf32, #tpu.memory_space<vmem>> -> memref<128x8xf32, #tpu.memory_space<vmem>>
      %dma_wait3A_325 = arith.constant 0 : i32
      %dma_wait3A_326 = tpu.memref_slice %arg16[%dma_wait3A_321, %dma_wait3A_325] : memref<3x128xi32, #tpu.memory_space<vmem>> -> memref<1x128xi32, #tpu.memory_space<vmem>>
      %dma_wait3A_327 = tpu.memref_squeeze %dma_wait3A_326 : memref<1x128xi32, #tpu.memory_space<vmem>> -> memref<128xi32, #tpu.memory_space<vmem>>
      %dma_wait3A_328 = arith.constant 0 : i32
      %dma_wait3A_329 = arith.constant 0 : i32
      %dma_wait3A_330 = tpu.memref_slice %arg25[%dma_wait3A_328, %dma_wait3A_329] : memref<165952x8xf32, #tpu.memory_space<vmem_shared>> -> memref<165952x8xf32, #tpu.memory_space<vmem_shared>>
      tpu.wait_indirect_dma semaphore(%arg24 : memref<!tpu.dma_semaphore, #tpu.memory_space<semaphore_mem>>) src(%dma_wait3A_324 : memref<128x8xf32, #tpu.memory_space<vmem>>) dst(%dma_wait3A_330 : memref<165952x8xf32, #tpu.memory_space<vmem_shared>>)
      %dma_wait3A_331 = arith.constant 1 : i32
      %dma_wait3A_332 = arith.constant 128 : i32
      %dma_wait3A_333 = arith.constant 0 : i32
      %dma_wait3A_334 = tpu.memref_slice %arg13[%dma_wait3A_332, %dma_wait3A_333] : memref<384x8xf32, #tpu.memory_space<vmem>> -> memref<128x8xf32, #tpu.memory_space<vmem>>
      %dma_wait3A_335 = arith.constant 0 : i32
      %dma_wait3A_336 = tpu.memref_slice %arg15[%dma_wait3A_331, %dma_wait3A_335] : memref<3x128xi32, #tpu.memory_space<vmem>> -> memref<1x128xi32, #tpu.memory_space<vmem>>
      %dma_wait3A_337 = tpu.memref_squeeze %dma_wait3A_336 : memref<1x128xi32, #tpu.memory_space<vmem>> -> memref<128xi32, #tpu.memory_space<vmem>>
      %dma_wait3A_338 = arith.constant 0 : i32
      %dma_wait3A_339 = arith.constant 0 : i32
      %dma_wait3A_340 = tpu.memref_slice %arg25[%dma_wait3A_338, %dma_wait3A_339] : memref<165952x8xf32, #tpu.memory_space<vmem_shared>> -> memref<165952x8xf32, #tpu.memory_space<vmem_shared>>
      tpu.wait_indirect_dma semaphore(%arg24 : memref<!tpu.dma_semaphore, #tpu.memory_space<semaphore_mem>>) src(%dma_wait3A_334 : memref<128x8xf32, #tpu.memory_space<vmem>>) dst(%dma_wait3A_340 : memref<165952x8xf32, #tpu.memory_space<vmem_shared>>)
      %dma_wait3A_341 = arith.constant 1 : i32
      %dma_wait3A_342 = arith.constant 128 : i32
      %dma_wait3A_343 = arith.constant 0 : i32
      %dma_wait3A_344 = tpu.memref_slice %arg13[%dma_wait3A_342, %dma_wait3A_343] : memref<384x8xf32, #tpu.memory_space<vmem>> -> memref<128x8xf32, #tpu.memory_space<vmem>>
      %dma_wait3A_345 = arith.constant 0 : i32
      %dma_wait3A_346 = tpu.memref_slice %arg17[%dma_wait3A_341, %dma_wait3A_345] : memref<3x128xi32, #tpu.memory_space<vmem>> -> memref<1x128xi32, #tpu.memory_space<vmem>>
      %dma_wait3A_347 = tpu.memref_squeeze %dma_wait3A_346 : memref<1x128xi32, #tpu.memory_space<vmem>> -> memref<128xi32, #tpu.memory_space<vmem>>
      %dma_wait3A_348 = arith.constant 0 : i32
      %dma_wait3A_349 = arith.constant 0 : i32
      %dma_wait3A_350 = tpu.memref_slice %arg25[%dma_wait3A_348, %dma_wait3A_349] : memref<165952x8xf32, #tpu.memory_space<vmem_shared>> -> memref<165952x8xf32, #tpu.memory_space<vmem_shared>>
      tpu.wait_indirect_dma semaphore(%arg24 : memref<!tpu.dma_semaphore, #tpu.memory_space<semaphore_mem>>) src(%dma_wait3A_344 : memref<128x8xf32, #tpu.memory_space<vmem>>) dst(%dma_wait3A_350 : memref<165952x8xf32, #tpu.memory_space<vmem_shared>>)
      %dma_wait3A_351 = arith.constant 1 : i32
      %dma_wait3A_352 = arith.constant 128 : i32
      %dma_wait3A_353 = arith.constant 0 : i32
      %dma_wait3A_354 = tpu.memref_slice %arg14[%dma_wait3A_352, %dma_wait3A_353] : memref<384x8xf32, #tpu.memory_space<vmem>> -> memref<128x8xf32, #tpu.memory_space<vmem>>
      %dma_wait3A_355 = arith.constant 0 : i32
      %dma_wait3A_356 = tpu.memref_slice %arg16[%dma_wait3A_351, %dma_wait3A_355] : memref<3x128xi32, #tpu.memory_space<vmem>> -> memref<1x128xi32, #tpu.memory_space<vmem>>
      %dma_wait3A_357 = tpu.memref_squeeze %dma_wait3A_356 : memref<1x128xi32, #tpu.memory_space<vmem>> -> memref<128xi32, #tpu.memory_space<vmem>>
      %dma_wait3A_358 = arith.constant 0 : i32
      %dma_wait3A_359 = arith.constant 0 : i32
      %dma_wait3A_360 = tpu.memref_slice %arg25[%dma_wait3A_358, %dma_wait3A_359] : memref<165952x8xf32, #tpu.memory_space<vmem_shared>> -> memref<165952x8xf32, #tpu.memory_space<vmem_shared>>
      tpu.wait_indirect_dma semaphore(%arg24 : memref<!tpu.dma_semaphore, #tpu.memory_space<semaphore_mem>>) src(%dma_wait3A_354 : memref<128x8xf32, #tpu.memory_space<vmem>>) dst(%dma_wait3A_360 : memref<165952x8xf32, #tpu.memory_space<vmem_shared>>)
      %dma_wait3A_361 = arith.constant 2 : i32
      %dma_wait3A_362 = arith.constant 256 : i32
      %dma_wait3A_363 = arith.constant 0 : i32
      %dma_wait3A_364 = tpu.memref_slice %arg13[%dma_wait3A_362, %dma_wait3A_363] : memref<384x8xf32, #tpu.memory_space<vmem>> -> memref<128x8xf32, #tpu.memory_space<vmem>>
      %dma_wait3A_365 = arith.constant 0 : i32
      %dma_wait3A_366 = tpu.memref_slice %arg15[%dma_wait3A_361, %dma_wait3A_365] : memref<3x128xi32, #tpu.memory_space<vmem>> -> memref<1x128xi32, #tpu.memory_space<vmem>>
      %dma_wait3A_367 = tpu.memref_squeeze %dma_wait3A_366 : memref<1x128xi32, #tpu.memory_space<vmem>> -> memref<128xi32, #tpu.memory_space<vmem>>
      %dma_wait3A_368 = arith.constant 0 : i32
      %dma_wait3A_369 = arith.constant 0 : i32
      %dma_wait3A_370 = tpu.memref_slice %arg25[%dma_wait3A_368, %dma_wait3A_369] : memref<165952x8xf32, #tpu.memory_space<vmem_shared>> -> memref<165952x8xf32, #tpu.memory_space<vmem_shared>>
      tpu.wait_indirect_dma semaphore(%arg24 : memref<!tpu.dma_semaphore, #tpu.memory_space<semaphore_mem>>) src(%dma_wait3A_364 : memref<128x8xf32, #tpu.memory_space<vmem>>) dst(%dma_wait3A_370 : memref<165952x8xf32, #tpu.memory_space<vmem_shared>>)
      %dma_wait3A_371 = arith.constant 2 : i32
      %dma_wait3A_372 = arith.constant 256 : i32
      %dma_wait3A_373 = arith.constant 0 : i32
      %dma_wait3A_374 = tpu.memref_slice %arg13[%dma_wait3A_372, %dma_wait3A_373] : memref<384x8xf32, #tpu.memory_space<vmem>> -> memref<128x8xf32, #tpu.memory_space<vmem>>
      %dma_wait3A_375 = arith.constant 0 : i32
      %dma_wait3A_376 = tpu.memref_slice %arg17[%dma_wait3A_371, %dma_wait3A_375] : memref<3x128xi32, #tpu.memory_space<vmem>> -> memref<1x128xi32, #tpu.memory_space<vmem>>
      %dma_wait3A_377 = tpu.memref_squeeze %dma_wait3A_376 : memref<1x128xi32, #tpu.memory_space<vmem>> -> memref<128xi32, #tpu.memory_space<vmem>>
      %dma_wait3A_378 = arith.constant 0 : i32
      %dma_wait3A_379 = arith.constant 0 : i32
      %dma_wait3A_380 = tpu.memref_slice %arg25[%dma_wait3A_378, %dma_wait3A_379] : memref<165952x8xf32, #tpu.memory_space<vmem_shared>> -> memref<165952x8xf32, #tpu.memory_space<vmem_shared>>
      tpu.wait_indirect_dma semaphore(%arg24 : memref<!tpu.dma_semaphore, #tpu.memory_space<semaphore_mem>>) src(%dma_wait3A_374 : memref<128x8xf32, #tpu.memory_space<vmem>>) dst(%dma_wait3A_380 : memref<165952x8xf32, #tpu.memory_space<vmem_shared>>)
      %dma_wait3A_381 = arith.constant 2 : i32
      %dma_wait3A_382 = arith.constant 256 : i32
      %dma_wait3A_383 = arith.constant 0 : i32
      %dma_wait3A_384 = tpu.memref_slice %arg14[%dma_wait3A_382, %dma_wait3A_383] : memref<384x8xf32, #tpu.memory_space<vmem>> -> memref<128x8xf32, #tpu.memory_space<vmem>>
      %dma_wait3A_385 = arith.constant 0 : i32
      %dma_wait3A_386 = tpu.memref_slice %arg16[%dma_wait3A_381, %dma_wait3A_385] : memref<3x128xi32, #tpu.memory_space<vmem>> -> memref<1x128xi32, #tpu.memory_space<vmem>>
      %dma_wait3A_387 = tpu.memref_squeeze %dma_wait3A_386 : memref<1x128xi32, #tpu.memory_space<vmem>> -> memref<128xi32, #tpu.memory_space<vmem>>
      %dma_wait3A_388 = arith.constant 0 : i32
      %dma_wait3A_389 = arith.constant 0 : i32
      %dma_wait3A_390 = tpu.memref_slice %arg25[%dma_wait3A_388, %dma_wait3A_389] : memref<165952x8xf32, #tpu.memory_space<vmem_shared>> -> memref<165952x8xf32, #tpu.memory_space<vmem_shared>>
      tpu.wait_indirect_dma semaphore(%arg24 : memref<!tpu.dma_semaphore, #tpu.memory_space<semaphore_mem>>) src(%dma_wait3A_384 : memref<128x8xf32, #tpu.memory_space<vmem>>) dst(%dma_wait3A_390 : memref<165952x8xf32, #tpu.memory_space<vmem_shared>>)
    }
    %barrier3A_134 = arith.constant 0 : index
    tpu.barrier barrier_id(%barrier3A_134)
    %add3A_135 = arith.constant 163848 : i32
    %add3A_136 = vector.broadcast %add3A_135 : i32 to vector<16xi32>
    %add3A_137 = arith.addi %add3A_136, %iota3A : vector<16xi32>
    %swap3A = arith.constant 0 : index
    %swap3A_138 = tpu.vector_load %arg20[%swap3A] {strides = array<i32>} : memref<48xi32, #tpu.memory_space<vmem>>, vector<16xi32>,
    tpu.vector_store %arg20[%swap3A], %add3A_137 {strides = array<i32>} : memref<48xi32, #tpu.memory_space<vmem>>, vector<16xi32>,
    %add3A_139 = arith.constant 163864 : i32
    %add3A_140 = vector.broadcast %add3A_139 : i32 to vector<16xi32>
    %add3A_141 = arith.addi %add3A_140, %iota3A : vector<16xi32>
    %swap3A_142 = arith.constant 16 : index
    %swap3A_143 = tpu.vector_load %arg20[%swap3A_142] {strides = array<i32>} : memref<48xi32, #tpu.memory_space<vmem>>, vector<16xi32>,
    tpu.vector_store %arg20[%swap3A_142], %add3A_141 {strides = array<i32>} : memref<48xi32, #tpu.memory_space<vmem>>, vector<16xi32>,
    %add3A_144 = arith.constant 163880 : i32
    %add3A_145 = vector.broadcast %add3A_144 : i32 to vector<16xi32>
    %add3A_146 = arith.addi %add3A_145, %iota3A : vector<16xi32>
    %swap3A_147 = arith.constant 32 : index
    %swap3A_148 = tpu.vector_load %arg20[%swap3A_147] {strides = array<i32>} : memref<48xi32, #tpu.memory_space<vmem>>, vector<16xi32>,
    tpu.vector_store %arg20[%swap3A_147], %add3A_146 {strides = array<i32>} : memref<48xi32, #tpu.memory_space<vmem>>, vector<16xi32>,
    "tpu.region"() ({
      %run_scoped3A = tpu.sem_alloc : memref<!tpu.dma_semaphore, #tpu.memory_space<semaphore_mem>>
      %dma_start3A = arith.constant 0 : i32
      %dma_start3A_185 = arith.constant 0 : i32
      %dma_start3A_186 = tpu.memref_slice %arg25[%dma_start3A, %dma_start3A_185] : memref<165952x8xf32, #tpu.memory_space<vmem_shared>> -> memref<165952x8xf32, #tpu.memory_space<vmem_shared>>
      tpu.enqueue_indirect_dma source(%dma_start3A_186 : memref<165952x8xf32, #tpu.memory_space<vmem_shared>>) target(%arg19 : memref<48x8xf32, #tpu.memory_space<vmem>>) offsets(%arg20 : memref<48xi32, #tpu.memory_space<vmem>>) semaphore(%run_scoped3A : memref<!tpu.dma_semaphore, #tpu.memory_space<semaphore_mem>>)
      %dma_wait3A = arith.constant 0 : i32
      %dma_wait3A_187 = arith.constant 0 : i32
      %dma_wait3A_188 = tpu.memref_slice %arg25[%dma_wait3A, %dma_wait3A_187] : memref<165952x8xf32, #tpu.memory_space<vmem_shared>> -> memref<165952x8xf32, #tpu.memory_space<vmem_shared>>
      tpu.wait_indirect_dma semaphore(%run_scoped3A : memref<!tpu.dma_semaphore, #tpu.memory_space<semaphore_mem>>) src(%dma_wait3A_188 : memref<165952x8xf32, #tpu.memory_space<vmem_shared>>) dst(%arg19 : memref<48x8xf32, #tpu.memory_space<vmem>>)
      tpu.yield
    }) : () -> ()
    %broadcast_in_dim3A_149 = arith.constant 0.000000e+00 : f32
    %broadcast_in_dim3A_150 = vector.broadcast %broadcast_in_dim3A_149 : f32 to vector<16xf32>
    %while3A_151 = arith.constant 0 : i32
    %while3A_152 = arith.subi %select_n3A_122, %while3A_151 : i32
    %while3A_153 = arith.addi %while3A_151, %while3A_152 : i32
    %while3A_154 = arith.constant 1 : i32
    %while3A_155 = arith.divsi %while3A_152, %while3A_154 : i32
    %while3A_156 = arith.muli %while3A_155, %while3A_154 : i32
    %while3A_157 = arith.addi %while3A_151, %while3A_156 : i32
    %while3A_158 = arith.constant 1 : i32
    %while3A_159:2 = scf.for %while3A_185 = %while3A_151 to %while3A_157 step %while3A_158 iter_args(%while3A_186 = %broadcast_in_dim3A_150, %while3A_187 = %broadcast_in_dim3A_150) -> (vector<16xf32>, vector<16xf32>)  : i32 {
      %mul3A_188 = arith.constant 384 : i32
      %mul3A_189 = arith.muli %while3A_185, %mul3A_188 : i32
      %add3A_190 = arith.addi %add3A_91, %mul3A_189 : i32
      %min3A_191 = arith.constant 1599616 : i32
      %min3A_192 = arith.minsi %add3A_190, %min3A_191 : i32
      %dma_start3A = arith.constant 0 : i32
      %dma_start3A_193 = tpu.memref_slice %arg3[%min3A_192, %dma_start3A] : memref<1600000x3xi32, #tpu.memory_space<hbm>> -> memref<384x3xi32, #tpu.memory_space<hbm>>
      %dma_start3A_194 = arith.constant 0 : i32
      %dma_start3A_195 = tpu.memref_slice %arg3[%min3A_192, %dma_start3A_194] : memref<1600000x3xi32, #tpu.memory_space<hbm>> -> memref<384x3xi32, #tpu.memory_space<hbm>>
      tpu.enqueue_dma source(%dma_start3A_195 : memref<384x3xi32, #tpu.memory_space<hbm>>) target(%arg9 : memref<384x3xi32, #tpu.memory_space<vmem>>) target_semaphore(%arg23 : memref<!tpu.dma_semaphore, #tpu.memory_space<semaphore_mem>>)
      %dma_start3A_196 = tpu.memref_slice %arg4[%min3A_192] : memref<1600000xi32, #tpu.memory_space<hbm>> -> memref<384xi32, #tpu.memory_space<hbm>>
      %dma_start3A_197 = tpu.memref_slice %arg4[%min3A_192] : memref<1600000xi32, #tpu.memory_space<hbm>> -> memref<384xi32, #tpu.memory_space<hbm>>
      tpu.enqueue_dma source(%dma_start3A_197 : memref<384xi32, #tpu.memory_space<hbm>>) target(%arg10 : memref<384xi32, #tpu.memory_space<vmem>>) target_semaphore(%arg23 : memref<!tpu.dma_semaphore, #tpu.memory_space<semaphore_mem>>)
      %dma_start3A_198 = tpu.memref_slice %arg5[%min3A_192] : memref<1600000xi32, #tpu.memory_space<hbm>> -> memref<384xi32, #tpu.memory_space<hbm>>
      %dma_start3A_199 = tpu.memref_slice %arg5[%min3A_192] : memref<1600000xi32, #tpu.memory_space<hbm>> -> memref<384xi32, #tpu.memory_space<hbm>>
      tpu.enqueue_dma source(%dma_start3A_199 : memref<384xi32, #tpu.memory_space<hbm>>) target(%arg11 : memref<384xi32, #tpu.memory_space<vmem>>) target_semaphore(%arg23 : memref<!tpu.dma_semaphore, #tpu.memory_space<semaphore_mem>>)
      %dma_start3A_200 = arith.constant 0 : i32
      %dma_start3A_201 = tpu.memref_slice %arg2[%min3A_192, %dma_start3A_200] : memref<1600000x3xf32, #tpu.memory_space<hbm>> -> memref<384x3xf32, #tpu.memory_space<hbm>>
      %dma_start3A_202 = arith.constant 0 : i32
      %dma_start3A_203 = tpu.memref_slice %arg2[%min3A_192, %dma_start3A_202] : memref<1600000x3xf32, #tpu.memory_space<hbm>> -> memref<384x3xf32, #tpu.memory_space<hbm>>
      tpu.enqueue_dma source(%dma_start3A_203 : memref<384x3xf32, #tpu.memory_space<hbm>>) target(%arg12 : memref<384x3xf32, #tpu.memory_space<vmem>>) target_semaphore(%arg23 : memref<!tpu.dma_semaphore, #tpu.memory_space<semaphore_mem>>)
      %dma_wait3A = arith.constant 0 : i32
      %dma_wait3A_204 = tpu.memref_slice %arg3[%min3A_192, %dma_wait3A] : memref<1600000x3xi32, #tpu.memory_space<hbm>> -> memref<384x3xi32, #tpu.memory_space<hbm>>
      %dma_wait3A_205 = arith.constant 0 : i32
      %dma_wait3A_206 = tpu.memref_slice %arg3[%min3A_192, %dma_wait3A_205] : memref<1600000x3xi32, #tpu.memory_space<hbm>> -> memref<384x3xi32, #tpu.memory_space<hbm>>
      tpu.wait_dma2 semaphore(%arg23 : memref<!tpu.dma_semaphore, #tpu.memory_space<semaphore_mem>>) src(%dma_wait3A_206 : memref<384x3xi32, #tpu.memory_space<hbm>>) dst(%arg9 : memref<384x3xi32, #tpu.memory_space<vmem>>)
      %dma_wait3A_207 = tpu.memref_slice %arg4[%min3A_192] : memref<1600000xi32, #tpu.memory_space<hbm>> -> memref<384xi32, #tpu.memory_space<hbm>>
      %dma_wait3A_208 = tpu.memref_slice %arg4[%min3A_192] : memref<1600000xi32, #tpu.memory_space<hbm>> -> memref<384xi32, #tpu.memory_space<hbm>>
      tpu.wait_dma2 semaphore(%arg23 : memref<!tpu.dma_semaphore, #tpu.memory_space<semaphore_mem>>) src(%dma_wait3A_208 : memref<384xi32, #tpu.memory_space<hbm>>) dst(%arg10 : memref<384xi32, #tpu.memory_space<vmem>>)
      %dma_wait3A_209 = tpu.memref_slice %arg5[%min3A_192] : memref<1600000xi32, #tpu.memory_space<hbm>> -> memref<384xi32, #tpu.memory_space<hbm>>
      %dma_wait3A_210 = tpu.memref_slice %arg5[%min3A_192] : memref<1600000xi32, #tpu.memory_space<hbm>> -> memref<384xi32, #tpu.memory_space<hbm>>
      tpu.wait_dma2 semaphore(%arg23 : memref<!tpu.dma_semaphore, #tpu.memory_space<semaphore_mem>>) src(%dma_wait3A_210 : memref<384xi32, #tpu.memory_space<hbm>>) dst(%arg11 : memref<384xi32, #tpu.memory_space<vmem>>)
      %dma_wait3A_211 = arith.constant 0 : i32
      %dma_wait3A_212 = tpu.memref_slice %arg2[%min3A_192, %dma_wait3A_211] : memref<1600000x3xf32, #tpu.memory_space<hbm>> -> memref<384x3xf32, #tpu.memory_space<hbm>>
      %dma_wait3A_213 = arith.constant 0 : i32
      %dma_wait3A_214 = tpu.memref_slice %arg2[%min3A_192, %dma_wait3A_213] : memref<1600000x3xf32, #tpu.memory_space<hbm>> -> memref<384x3xf32, #tpu.memory_space<hbm>>
      tpu.wait_dma2 semaphore(%arg23 : memref<!tpu.dma_semaphore, #tpu.memory_space<semaphore_mem>>) src(%dma_wait3A_214 : memref<384x3xf32, #tpu.memory_space<hbm>>) dst(%arg12 : memref<384x3xf32, #tpu.memory_space<vmem>>)
      %scan3A_215 = arith.constant 0 : i32
      %scan3A_216 = arith.constant 0 : i32
      %scan3A_217 = arith.constant 24 : i32
      %scan3A_218 = arith.addi %scan3A_216, %scan3A_217 : i32
      %scan3A_219 = arith.constant 1 : i32
      scf.for %scan3A_347 = %scan3A_216 to %scan3A_218 step %scan3A_219  : i32 {
        %mul3A_348 = arith.constant 16 : i32
        %mul3A_349 = arith.muli %scan3A_347, %mul3A_348 : i32
        %add3A_350 = vector.broadcast %mul3A_349 : i32 to vector<16xi32>
        %add3A_351 = arith.addi %add3A_350, %iota3A : vector<16xi32>
        %broadcast_in_dim3A_352 = arith.constant 0 : i32
        %broadcast_in_dim3A_353 = vector.broadcast %broadcast_in_dim3A_352 : i32 to vector<16xi32>
        %gather3A = tpu.vector_load_idx %arg9[%add3A_351, %broadcast_in_dim3A_353] : memref<384x3xi32, #tpu.memory_space<vmem>>[vector<16xi32>, vector<16xi32>], vector<16xi32>,
        %broadcast_in_dim3A_354 = arith.constant 1 : i32
        %broadcast_in_dim3A_355 = vector.broadcast %broadcast_in_dim3A_354 : i32 to vector<16xi32>
        %gather3A_356 = tpu.vector_load_idx %arg9[%add3A_351, %broadcast_in_dim3A_355] : memref<384x3xi32, #tpu.memory_space<vmem>>[vector<16xi32>, vector<16xi32>], vector<16xi32>,
        %broadcast_in_dim3A_357 = arith.constant 2 : i32
        %broadcast_in_dim3A_358 = vector.broadcast %broadcast_in_dim3A_357 : i32 to vector<16xi32>
        %gather3A_359 = tpu.vector_load_idx %arg9[%add3A_351, %broadcast_in_dim3A_358] : memref<384x3xi32, #tpu.memory_space<vmem>>[vector<16xi32>, vector<16xi32>], vector<16xi32>,
        %mul3A_360 = arith.constant 16 : i32
        %mul3A_361 = arith.muli %scan3A_347, %mul3A_360 : i32
        %get3A_362 = arith.index_cast %mul3A_361 : i32 to index
        %get3A_363 = tpu.vector_load %arg10[%get3A_362] {strides = array<i32>} : memref<384xi32, #tpu.memory_space<vmem>>, vector<16xi32>,
        %mul3A_364 = arith.constant 16 : i32
        %mul3A_365 = arith.muli %scan3A_347, %mul3A_364 : i32
        %get3A_366 = arith.index_cast %mul3A_365 : i32 to index
        %get3A_367 = tpu.vector_load %arg11[%get3A_366] {strides = array<i32>} : memref<384xi32, #tpu.memory_space<vmem>>, vector<16xi32>,
        %add3A_368 = vector.broadcast %min3A_192 : i32 to vector<16xi32>
        %add3A_369 = arith.addi %add3A_368, %add3A_351 : vector<16xi32>
        %sub3A_370 = vector.broadcast %mul3A_124 : i32 to vector<16xi32>
        %sub3A_371 = arith.subi %get3A_367, %sub3A_370 : vector<16xi32>
        %ge3A = vector.broadcast %add3A_190 : i32 to vector<16xi32>
        %ge3A_372 = arith.cmpi sge, %add3A_369, %ge3A : vector<16xi32>
        %lt3A = vector.broadcast %min3A : i32 to vector<16xi32>
        %lt3A_373 = arith.cmpi slt, %add3A_369, %lt3A : vector<16xi32>
        %and3A_374 = arith.andi %ge3A_372, %lt3A_373 : vector<16xi1>
        %ge3A_375 = arith.constant 0 : i32
        %ge3A_376 = vector.broadcast %ge3A_375 : i32 to vector<16xi32>
        %ge3A_377 = arith.cmpi sge, %sub3A_371, %ge3A_376 : vector<16xi32>
        %and3A_378 = arith.andi %and3A_374, %ge3A_377 : vector<16xi1>
        %lt3A_379 = arith.constant 4 : i32
        %lt3A_380 = vector.broadcast %lt3A_379 : i32 to vector<16xi32>
        %lt3A_381 = arith.cmpi slt, %sub3A_371, %lt3A_380 : vector<16xi32>
        %and3A_382 = arith.andi %and3A_378, %lt3A_381 : vector<16xi1>
        %shift_right_arithmetic3A = arith.constant 3 : i32
        %shift_right_arithmetic3A_383 = vector.broadcast %shift_right_arithmetic3A : i32 to vector<16xi32>
        %shift_right_arithmetic3A_384 = arith.shrsi %gather3A, %shift_right_arithmetic3A_383 : vector<16xi32>
        %shift_right_arithmetic3A_385 = arith.constant 3 : i32
        %shift_right_arithmetic3A_386 = vector.broadcast %shift_right_arithmetic3A_385 : i32 to vector<16xi32>
        %shift_right_arithmetic3A_387 = arith.shrsi %gather3A_356, %shift_right_arithmetic3A_386 : vector<16xi32>
        %shift_right_arithmetic3A_388 = arith.constant 3 : i32
        %shift_right_arithmetic3A_389 = vector.broadcast %shift_right_arithmetic3A_388 : i32 to vector<16xi32>
        %shift_right_arithmetic3A_390 = arith.shrsi %gather3A_359, %shift_right_arithmetic3A_389 : vector<16xi32>
        %mul3A_391 = arith.constant 16 : i32
        %mul3A_392 = vector.broadcast %mul3A_391 : i32 to vector<16xi32>
        %mul3A_393 = arith.muli %shift_right_arithmetic3A_384, %mul3A_392 : vector<16xi32>
        %add3A_394 = arith.addi %mul3A_393, %shift_right_arithmetic3A_387 : vector<16xi32>
        %mul3A_395 = arith.constant 16 : i32
        %mul3A_396 = vector.broadcast %mul3A_395 : i32 to vector<16xi32>
        %mul3A_397 = arith.muli %add3A_394, %mul3A_396 : vector<16xi32>
        %add3A_398 = arith.addi %mul3A_397, %shift_right_arithmetic3A_390 : vector<16xi32>
        %mul3A_399 = arith.constant 4096 : i32
        %mul3A_400 = vector.broadcast %mul3A_399 : i32 to vector<16xi32>
        %mul3A_401 = arith.muli %sub3A_371, %mul3A_400 : vector<16xi32>
        %add3A_402 = arith.addi %mul3A_401, %add3A_398 : vector<16xi32>
        %and3A_403 = arith.constant 1 : i32
        %and3A_404 = vector.broadcast %and3A_403 : i32 to vector<16xi32>
        %and3A_405 = arith.andi %get3A_363, %and3A_404 : vector<16xi32>
        %mul3A_406 = arith.constant 4 : i32
        %mul3A_407 = vector.broadcast %mul3A_406 : i32 to vector<16xi32>
        %mul3A_408 = arith.muli %and3A_405, %mul3A_407 : vector<16xi32>
        %mul3A_409 = arith.constant 10 : i32
        %mul3A_410 = vector.broadcast %mul3A_409 : i32 to vector<16xi32>
        %mul3A_411 = arith.muli %add3A_402, %mul3A_410 : vector<16xi32>
        %shift_right_arithmetic3A_412 = arith.constant 1 : i32
        %shift_right_arithmetic3A_413 = vector.broadcast %shift_right_arithmetic3A_412 : i32 to vector<16xi32>
        %shift_right_arithmetic3A_414 = arith.shrsi %get3A_363, %shift_right_arithmetic3A_413 : vector<16xi32>
        %add3A_415 = arith.addi %mul3A_411, %shift_right_arithmetic3A_414 : vector<16xi32>
        %mul3A_416 = arith.constant 20 : i32
        %mul3A_417 = vector.broadcast %mul3A_416 : i32 to vector<16xi32>
        %mul3A_418 = arith.muli %sub3A_371, %mul3A_417 : vector<16xi32>
        %add3A_419 = arith.addi %mul3A_418, %get3A_363 : vector<16xi32>
        %shift_right_arithmetic3A_420 = arith.constant 1 : i32
        %shift_right_arithmetic3A_421 = vector.broadcast %shift_right_arithmetic3A_420 : i32 to vector<16xi32>
        %shift_right_arithmetic3A_422 = arith.shrsi %add3A_419, %shift_right_arithmetic3A_421 : vector<16xi32>
        %add3A_423 = arith.constant 163848 : i32
        %add3A_424 = vector.broadcast %add3A_423 : i32 to vector<16xi32>
        %add3A_425 = arith.addi %add3A_424, %shift_right_arithmetic3A_422 : vector<16xi32>
        %shift_right_arithmetic3A_426 = arith.constant 3 : i32
        %shift_right_arithmetic3A_427 = vector.broadcast %shift_right_arithmetic3A_426 : i32 to vector<16xi32>
        %shift_right_arithmetic3A_428 = arith.shrsi %add3A_402, %shift_right_arithmetic3A_427 : vector<16xi32>
        %add3A_429 = arith.constant 163888 : i32
        %add3A_430 = vector.broadcast %add3A_429 : i32 to vector<16xi32>
        %add3A_431 = arith.addi %add3A_430, %shift_right_arithmetic3A_428 : vector<16xi32>
        %and3A_432 = arith.constant 7 : i32
        %and3A_433 = vector.broadcast %and3A_432 : i32 to vector<16xi32>
        %and3A_434 = arith.andi %add3A_402, %and3A_433 : vector<16xi32>
        %jit3A_435 = arith.constant 8 : i32
        %div3A_436 = arith.divsi %scan3A_347, %jit3A_435 : i32
        %sign3A_437 = arith.constant 0 : i32
        %sign3A_438 = arith.cmpi sgt, %scan3A_347, %sign3A_437 : i32
        %sign3A_439 = arith.extui %sign3A_438 : i1 to i32
        %sign3A_440 = arith.constant 0 : i32
        %sign3A_441 = arith.cmpi slt, %scan3A_347, %sign3A_440 : i32
        %sign3A_442 = arith.extui %sign3A_441 : i1 to i32
        %sign3A_443 = arith.subi %sign3A_439, %sign3A_442 : i32
        %sign3A_444 = arith.constant 0 : i32
        %sign3A_445 = arith.cmpi sgt, %jit3A_435, %sign3A_444 : i32
        %sign3A_446 = arith.extui %sign3A_445 : i1 to i32
        %sign3A_447 = arith.constant 0 : i32
        %sign3A_448 = arith.cmpi slt, %jit3A_435, %sign3A_447 : i32
        %sign3A_449 = arith.extui %sign3A_448 : i1 to i32
        %sign3A_450 = arith.subi %sign3A_446, %sign3A_449 : i32
        %ne3A_451 = arith.cmpi ne, %sign3A_443, %sign3A_450 : i32
        %rem3A_452 = arith.remsi %scan3A_347, %jit3A_435 : i32
        %ne3A_453 = arith.constant 0 : i32
        %ne3A_454 = arith.cmpi ne, %rem3A_452, %ne3A_453 : i32
        %and3A_455 = arith.andi %ne3A_451, %ne3A_454 : i1
        %sub3A_456 = arith.constant 1 : i32
        %sub3A_457 = arith.subi %div3A_436, %sub3A_456 : i32
        %select_n3A_458 = arith.select %and3A_455, %sub3A_457, %div3A_436 : i32
        %jit3A_459 = arith.constant 8 : i32
        %eq3A_460 = arith.constant 0 : i32
        %eq3A_461 = arith.cmpi eq, %jit3A_459, %eq3A_460 : i32
        %jit3A_462 = arith.constant 1 : i32
        %select_n3A_463 = arith.select %eq3A_461, %jit3A_462, %jit3A_459 : i32
        %rem3A_464 = arith.remsi %scan3A_347, %select_n3A_463 : i32
        %ne3A_465 = arith.constant 0 : i32
        %ne3A_466 = arith.cmpi ne, %rem3A_464, %ne3A_465 : i32
        %lt3A_467 = arith.constant 0 : i32
        %lt3A_468 = arith.cmpi slt, %rem3A_464, %lt3A_467 : i32
        %lt3A_469 = arith.constant 0 : i32
        %lt3A_470 = arith.cmpi slt, %select_n3A_463, %lt3A_469 : i32
        %ne3A_471 = arith.xori %lt3A_468, %lt3A_470 : i1
        %and3A_472 = arith.andi %ne3A_471, %ne3A_466 : i1
        %add3A_473 = arith.addi %rem3A_464, %select_n3A_463 : i32
        %select_n3A_474 = arith.select %and3A_472, %add3A_473, %rem3A_464 : i32
        %mul3A_475 = arith.constant 16 : i32
        %mul3A_476 = arith.muli %select_n3A_474, %mul3A_475 : i32
        %jit3A_477 = arith.constant 163840 : i32
        %broadcast_in_dim3A_478 = vector.broadcast %jit3A_477 : i32 to vector<16xi32>
        %select_n3A_479 = arith.select %and3A_382, %add3A_415, %broadcast_in_dim3A_478 : vector<16xi1>, vector<16xi32>
        %swap3A_480 = arith.index_cast %select_n3A_458 : i32 to index
        %swap3A_481 = arith.index_cast %mul3A_476 : i32 to index
        %swap3A_482 = tpu.vector_load %arg15[%swap3A_480, %swap3A_481] {strides = array<i32>} : memref<3x128xi32, #tpu.memory_space<vmem>>, vector<16xi32>,
        tpu.vector_store %arg15[%swap3A_480, %swap3A_481], %select_n3A_479 {strides = array<i32>} : memref<3x128xi32, #tpu.memory_space<vmem>>, vector<16xi32>,
        %jit3A_483 = arith.constant 165936 : i32
        %broadcast_in_dim3A_484 = vector.broadcast %jit3A_483 : i32 to vector<16xi32>
        %select_n3A_485 = arith.select %and3A_382, %add3A_431, %broadcast_in_dim3A_484 : vector<16xi1>, vector<16xi32>
        %swap3A_486 = arith.index_cast %select_n3A_458 : i32 to index
        %swap3A_487 = arith.index_cast %mul3A_476 : i32 to index
        %swap3A_488 = tpu.vector_load %arg16[%swap3A_486, %swap3A_487] {strides = array<i32>} : memref<3x128xi32, #tpu.memory_space<vmem>>, vector<16xi32>,
        tpu.vector_store %arg16[%swap3A_486, %swap3A_487], %select_n3A_485 {strides = array<i32>} : memref<3x128xi32, #tpu.memory_space<vmem>>, vector<16xi32>,
      }
      %scan3A_220 = arith.constant 24 : i32
      %dma_start3A_221 = arith.constant 0 : i32
      %dma_start3A_222 = arith.constant 0 : i32
      %dma_start3A_223 = arith.constant 0 : i32
      %dma_start3A_224 = tpu.memref_slice %arg18[%dma_start3A_222, %dma_start3A_223] : memref<384x8xf32, #tpu.memory_space<vmem>> -> memref<128x8xf32, #tpu.memory_space<vmem>>
      %dma_start3A_225 = arith.constant 0 : i32
      %dma_start3A_226 = tpu.memref_slice %arg15[%dma_start3A_221, %dma_start3A_225] : memref<3x128xi32, #tpu.memory_space<vmem>> -> memref<1x128xi32, #tpu.memory_space<vmem>>
      %dma_start3A_227 = tpu.memref_squeeze %dma_start3A_226 : memref<1x128xi32, #tpu.memory_space<vmem>> -> memref<128xi32, #tpu.memory_space<vmem>>
      %dma_start3A_228 = arith.constant 0 : i32
      %dma_start3A_229 = arith.constant 0 : i32
      %dma_start3A_230 = tpu.memref_slice %arg25[%dma_start3A_228, %dma_start3A_229] : memref<165952x8xf32, #tpu.memory_space<vmem_shared>> -> memref<165952x8xf32, #tpu.memory_space<vmem_shared>>
      tpu.enqueue_indirect_dma source(%dma_start3A_230 : memref<165952x8xf32, #tpu.memory_space<vmem_shared>>) target(%dma_start3A_224 : memref<128x8xf32, #tpu.memory_space<vmem>>) offsets(%dma_start3A_227 : memref<128xi32, #tpu.memory_space<vmem>>) semaphore(%arg24 : memref<!tpu.dma_semaphore, #tpu.memory_space<semaphore_mem>>)
      %dma_start3A_231 = arith.constant 0 : i32
      %dma_start3A_232 = arith.constant 0 : i32
      %dma_start3A_233 = arith.constant 0 : i32
      %dma_start3A_234 = tpu.memref_slice %arg13[%dma_start3A_232, %dma_start3A_233] : memref<384x8xf32, #tpu.memory_space<vmem>> -> memref<128x8xf32, #tpu.memory_space<vmem>>
      %dma_start3A_235 = arith.constant 0 : i32
      %dma_start3A_236 = tpu.memref_slice %arg16[%dma_start3A_231, %dma_start3A_235] : memref<3x128xi32, #tpu.memory_space<vmem>> -> memref<1x128xi32, #tpu.memory_space<vmem>>
      %dma_start3A_237 = tpu.memref_squeeze %dma_start3A_236 : memref<1x128xi32, #tpu.memory_space<vmem>> -> memref<128xi32, #tpu.memory_space<vmem>>
      %dma_start3A_238 = arith.constant 0 : i32
      %dma_start3A_239 = arith.constant 0 : i32
      %dma_start3A_240 = tpu.memref_slice %arg25[%dma_start3A_238, %dma_start3A_239] : memref<165952x8xf32, #tpu.memory_space<vmem_shared>> -> memref<165952x8xf32, #tpu.memory_space<vmem_shared>>
      tpu.enqueue_indirect_dma source(%dma_start3A_240 : memref<165952x8xf32, #tpu.memory_space<vmem_shared>>) target(%dma_start3A_234 : memref<128x8xf32, #tpu.memory_space<vmem>>) offsets(%dma_start3A_237 : memref<128xi32, #tpu.memory_space<vmem>>) semaphore(%arg24 : memref<!tpu.dma_semaphore, #tpu.memory_space<semaphore_mem>>)
      %dma_start3A_241 = arith.constant 1 : i32
      %dma_start3A_242 = arith.constant 128 : i32
      %dma_start3A_243 = arith.constant 0 : i32
      %dma_start3A_244 = tpu.memref_slice %arg18[%dma_start3A_242, %dma_start3A_243] : memref<384x8xf32, #tpu.memory_space<vmem>> -> memref<128x8xf32, #tpu.memory_space<vmem>>
      %dma_start3A_245 = arith.constant 0 : i32
      %dma_start3A_246 = tpu.memref_slice %arg15[%dma_start3A_241, %dma_start3A_245] : memref<3x128xi32, #tpu.memory_space<vmem>> -> memref<1x128xi32, #tpu.memory_space<vmem>>
      %dma_start3A_247 = tpu.memref_squeeze %dma_start3A_246 : memref<1x128xi32, #tpu.memory_space<vmem>> -> memref<128xi32, #tpu.memory_space<vmem>>
      %dma_start3A_248 = arith.constant 0 : i32
      %dma_start3A_249 = arith.constant 0 : i32
      %dma_start3A_250 = tpu.memref_slice %arg25[%dma_start3A_248, %dma_start3A_249] : memref<165952x8xf32, #tpu.memory_space<vmem_shared>> -> memref<165952x8xf32, #tpu.memory_space<vmem_shared>>
      tpu.enqueue_indirect_dma source(%dma_start3A_250 : memref<165952x8xf32, #tpu.memory_space<vmem_shared>>) target(%dma_start3A_244 : memref<128x8xf32, #tpu.memory_space<vmem>>) offsets(%dma_start3A_247 : memref<128xi32, #tpu.memory_space<vmem>>) semaphore(%arg24 : memref<!tpu.dma_semaphore, #tpu.memory_space<semaphore_mem>>)
      %dma_start3A_251 = arith.constant 1 : i32
      %dma_start3A_252 = arith.constant 128 : i32
      %dma_start3A_253 = arith.constant 0 : i32
      %dma_start3A_254 = tpu.memref_slice %arg13[%dma_start3A_252, %dma_start3A_253] : memref<384x8xf32, #tpu.memory_space<vmem>> -> memref<128x8xf32, #tpu.memory_space<vmem>>
      %dma_start3A_255 = arith.constant 0 : i32
      %dma_start3A_256 = tpu.memref_slice %arg16[%dma_start3A_251, %dma_start3A_255] : memref<3x128xi32, #tpu.memory_space<vmem>> -> memref<1x128xi32, #tpu.memory_space<vmem>>
      %dma_start3A_257 = tpu.memref_squeeze %dma_start3A_256 : memref<1x128xi32, #tpu.memory_space<vmem>> -> memref<128xi32, #tpu.memory_space<vmem>>
      %dma_start3A_258 = arith.constant 0 : i32
      %dma_start3A_259 = arith.constant 0 : i32
      %dma_start3A_260 = tpu.memref_slice %arg25[%dma_start3A_258, %dma_start3A_259] : memref<165952x8xf32, #tpu.memory_space<vmem_shared>> -> memref<165952x8xf32, #tpu.memory_space<vmem_shared>>
      tpu.enqueue_indirect_dma source(%dma_start3A_260 : memref<165952x8xf32, #tpu.memory_space<vmem_shared>>) target(%dma_start3A_254 : memref<128x8xf32, #tpu.memory_space<vmem>>) offsets(%dma_start3A_257 : memref<128xi32, #tpu.memory_space<vmem>>) semaphore(%arg24 : memref<!tpu.dma_semaphore, #tpu.memory_space<semaphore_mem>>)
      %dma_start3A_261 = arith.constant 2 : i32
      %dma_start3A_262 = arith.constant 256 : i32
      %dma_start3A_263 = arith.constant 0 : i32
      %dma_start3A_264 = tpu.memref_slice %arg18[%dma_start3A_262, %dma_start3A_263] : memref<384x8xf32, #tpu.memory_space<vmem>> -> memref<128x8xf32, #tpu.memory_space<vmem>>
      %dma_start3A_265 = arith.constant 0 : i32
      %dma_start3A_266 = tpu.memref_slice %arg15[%dma_start3A_261, %dma_start3A_265] : memref<3x128xi32, #tpu.memory_space<vmem>> -> memref<1x128xi32, #tpu.memory_space<vmem>>
      %dma_start3A_267 = tpu.memref_squeeze %dma_start3A_266 : memref<1x128xi32, #tpu.memory_space<vmem>> -> memref<128xi32, #tpu.memory_space<vmem>>
      %dma_start3A_268 = arith.constant 0 : i32
      %dma_start3A_269 = arith.constant 0 : i32
      %dma_start3A_270 = tpu.memref_slice %arg25[%dma_start3A_268, %dma_start3A_269] : memref<165952x8xf32, #tpu.memory_space<vmem_shared>> -> memref<165952x8xf32, #tpu.memory_space<vmem_shared>>
      tpu.enqueue_indirect_dma source(%dma_start3A_270 : memref<165952x8xf32, #tpu.memory_space<vmem_shared>>) target(%dma_start3A_264 : memref<128x8xf32, #tpu.memory_space<vmem>>) offsets(%dma_start3A_267 : memref<128xi32, #tpu.memory_space<vmem>>) semaphore(%arg24 : memref<!tpu.dma_semaphore, #tpu.memory_space<semaphore_mem>>)
      %dma_start3A_271 = arith.constant 2 : i32
      %dma_start3A_272 = arith.constant 256 : i32
      %dma_start3A_273 = arith.constant 0 : i32
      %dma_start3A_274 = tpu.memref_slice %arg13[%dma_start3A_272, %dma_start3A_273] : memref<384x8xf32, #tpu.memory_space<vmem>> -> memref<128x8xf32, #tpu.memory_space<vmem>>
      %dma_start3A_275 = arith.constant 0 : i32
      %dma_start3A_276 = tpu.memref_slice %arg16[%dma_start3A_271, %dma_start3A_275] : memref<3x128xi32, #tpu.memory_space<vmem>> -> memref<1x128xi32, #tpu.memory_space<vmem>>
      %dma_start3A_277 = tpu.memref_squeeze %dma_start3A_276 : memref<1x128xi32, #tpu.memory_space<vmem>> -> memref<128xi32, #tpu.memory_space<vmem>>
      %dma_start3A_278 = arith.constant 0 : i32
      %dma_start3A_279 = arith.constant 0 : i32
      %dma_start3A_280 = tpu.memref_slice %arg25[%dma_start3A_278, %dma_start3A_279] : memref<165952x8xf32, #tpu.memory_space<vmem_shared>> -> memref<165952x8xf32, #tpu.memory_space<vmem_shared>>
      tpu.enqueue_indirect_dma source(%dma_start3A_280 : memref<165952x8xf32, #tpu.memory_space<vmem_shared>>) target(%dma_start3A_274 : memref<128x8xf32, #tpu.memory_space<vmem>>) offsets(%dma_start3A_277 : memref<128xi32, #tpu.memory_space<vmem>>) semaphore(%arg24 : memref<!tpu.dma_semaphore, #tpu.memory_space<semaphore_mem>>)
      %dma_wait3A_281 = arith.constant 0 : i32
      %dma_wait3A_282 = arith.constant 0 : i32
      %dma_wait3A_283 = arith.constant 0 : i32
      %dma_wait3A_284 = tpu.memref_slice %arg18[%dma_wait3A_282, %dma_wait3A_283] : memref<384x8xf32, #tpu.memory_space<vmem>> -> memref<128x8xf32, #tpu.memory_space<vmem>>
      %dma_wait3A_285 = arith.constant 0 : i32
      %dma_wait3A_286 = tpu.memref_slice %arg15[%dma_wait3A_281, %dma_wait3A_285] : memref<3x128xi32, #tpu.memory_space<vmem>> -> memref<1x128xi32, #tpu.memory_space<vmem>>
      %dma_wait3A_287 = tpu.memref_squeeze %dma_wait3A_286 : memref<1x128xi32, #tpu.memory_space<vmem>> -> memref<128xi32, #tpu.memory_space<vmem>>
      %dma_wait3A_288 = arith.constant 0 : i32
      %dma_wait3A_289 = arith.constant 0 : i32
      %dma_wait3A_290 = tpu.memref_slice %arg25[%dma_wait3A_288, %dma_wait3A_289] : memref<165952x8xf32, #tpu.memory_space<vmem_shared>> -> memref<165952x8xf32, #tpu.memory_space<vmem_shared>>
      tpu.wait_indirect_dma semaphore(%arg24 : memref<!tpu.dma_semaphore, #tpu.memory_space<semaphore_mem>>) src(%dma_wait3A_290 : memref<165952x8xf32, #tpu.memory_space<vmem_shared>>) dst(%dma_wait3A_284 : memref<128x8xf32, #tpu.memory_space<vmem>>)
      %dma_wait3A_291 = arith.constant 0 : i32
      %dma_wait3A_292 = arith.constant 0 : i32
      %dma_wait3A_293 = arith.constant 0 : i32
      %dma_wait3A_294 = tpu.memref_slice %arg13[%dma_wait3A_292, %dma_wait3A_293] : memref<384x8xf32, #tpu.memory_space<vmem>> -> memref<128x8xf32, #tpu.memory_space<vmem>>
      %dma_wait3A_295 = arith.constant 0 : i32
      %dma_wait3A_296 = tpu.memref_slice %arg16[%dma_wait3A_291, %dma_wait3A_295] : memref<3x128xi32, #tpu.memory_space<vmem>> -> memref<1x128xi32, #tpu.memory_space<vmem>>
      %dma_wait3A_297 = tpu.memref_squeeze %dma_wait3A_296 : memref<1x128xi32, #tpu.memory_space<vmem>> -> memref<128xi32, #tpu.memory_space<vmem>>
      %dma_wait3A_298 = arith.constant 0 : i32
      %dma_wait3A_299 = arith.constant 0 : i32
      %dma_wait3A_300 = tpu.memref_slice %arg25[%dma_wait3A_298, %dma_wait3A_299] : memref<165952x8xf32, #tpu.memory_space<vmem_shared>> -> memref<165952x8xf32, #tpu.memory_space<vmem_shared>>
      tpu.wait_indirect_dma semaphore(%arg24 : memref<!tpu.dma_semaphore, #tpu.memory_space<semaphore_mem>>) src(%dma_wait3A_300 : memref<165952x8xf32, #tpu.memory_space<vmem_shared>>) dst(%dma_wait3A_294 : memref<128x8xf32, #tpu.memory_space<vmem>>)
      %dma_wait3A_301 = arith.constant 1 : i32
      %dma_wait3A_302 = arith.constant 128 : i32
      %dma_wait3A_303 = arith.constant 0 : i32
      %dma_wait3A_304 = tpu.memref_slice %arg18[%dma_wait3A_302, %dma_wait3A_303] : memref<384x8xf32, #tpu.memory_space<vmem>> -> memref<128x8xf32, #tpu.memory_space<vmem>>
      %dma_wait3A_305 = arith.constant 0 : i32
      %dma_wait3A_306 = tpu.memref_slice %arg15[%dma_wait3A_301, %dma_wait3A_305] : memref<3x128xi32, #tpu.memory_space<vmem>> -> memref<1x128xi32, #tpu.memory_space<vmem>>
      %dma_wait3A_307 = tpu.memref_squeeze %dma_wait3A_306 : memref<1x128xi32, #tpu.memory_space<vmem>> -> memref<128xi32, #tpu.memory_space<vmem>>
      %dma_wait3A_308 = arith.constant 0 : i32
      %dma_wait3A_309 = arith.constant 0 : i32
      %dma_wait3A_310 = tpu.memref_slice %arg25[%dma_wait3A_308, %dma_wait3A_309] : memref<165952x8xf32, #tpu.memory_space<vmem_shared>> -> memref<165952x8xf32, #tpu.memory_space<vmem_shared>>
      tpu.wait_indirect_dma semaphore(%arg24 : memref<!tpu.dma_semaphore, #tpu.memory_space<semaphore_mem>>) src(%dma_wait3A_310 : memref<165952x8xf32, #tpu.memory_space<vmem_shared>>) dst(%dma_wait3A_304 : memref<128x8xf32, #tpu.memory_space<vmem>>)
      %dma_wait3A_311 = arith.constant 1 : i32
      %dma_wait3A_312 = arith.constant 128 : i32
      %dma_wait3A_313 = arith.constant 0 : i32
      %dma_wait3A_314 = tpu.memref_slice %arg13[%dma_wait3A_312, %dma_wait3A_313] : memref<384x8xf32, #tpu.memory_space<vmem>> -> memref<128x8xf32, #tpu.memory_space<vmem>>
      %dma_wait3A_315 = arith.constant 0 : i32
      %dma_wait3A_316 = tpu.memref_slice %arg16[%dma_wait3A_311, %dma_wait3A_315] : memref<3x128xi32, #tpu.memory_space<vmem>> -> memref<1x128xi32, #tpu.memory_space<vmem>>
      %dma_wait3A_317 = tpu.memref_squeeze %dma_wait3A_316 : memref<1x128xi32, #tpu.memory_space<vmem>> -> memref<128xi32, #tpu.memory_space<vmem>>
      %dma_wait3A_318 = arith.constant 0 : i32
      %dma_wait3A_319 = arith.constant 0 : i32
      %dma_wait3A_320 = tpu.memref_slice %arg25[%dma_wait3A_318, %dma_wait3A_319] : memref<165952x8xf32, #tpu.memory_space<vmem_shared>> -> memref<165952x8xf32, #tpu.memory_space<vmem_shared>>
      tpu.wait_indirect_dma semaphore(%arg24 : memref<!tpu.dma_semaphore, #tpu.memory_space<semaphore_mem>>) src(%dma_wait3A_320 : memref<165952x8xf32, #tpu.memory_space<vmem_shared>>) dst(%dma_wait3A_314 : memref<128x8xf32, #tpu.memory_space<vmem>>)
      %dma_wait3A_321 = arith.constant 2 : i32
      %dma_wait3A_322 = arith.constant 256 : i32
      %dma_wait3A_323 = arith.constant 0 : i32
      %dma_wait3A_324 = tpu.memref_slice %arg18[%dma_wait3A_322, %dma_wait3A_323] : memref<384x8xf32, #tpu.memory_space<vmem>> -> memref<128x8xf32, #tpu.memory_space<vmem>>
      %dma_wait3A_325 = arith.constant 0 : i32
      %dma_wait3A_326 = tpu.memref_slice %arg15[%dma_wait3A_321, %dma_wait3A_325] : memref<3x128xi32, #tpu.memory_space<vmem>> -> memref<1x128xi32, #tpu.memory_space<vmem>>
      %dma_wait3A_327 = tpu.memref_squeeze %dma_wait3A_326 : memref<1x128xi32, #tpu.memory_space<vmem>> -> memref<128xi32, #tpu.memory_space<vmem>>
      %dma_wait3A_328 = arith.constant 0 : i32
      %dma_wait3A_329 = arith.constant 0 : i32
      %dma_wait3A_330 = tpu.memref_slice %arg25[%dma_wait3A_328, %dma_wait3A_329] : memref<165952x8xf32, #tpu.memory_space<vmem_shared>> -> memref<165952x8xf32, #tpu.memory_space<vmem_shared>>
      tpu.wait_indirect_dma semaphore(%arg24 : memref<!tpu.dma_semaphore, #tpu.memory_space<semaphore_mem>>) src(%dma_wait3A_330 : memref<165952x8xf32, #tpu.memory_space<vmem_shared>>) dst(%dma_wait3A_324 : memref<128x8xf32, #tpu.memory_space<vmem>>)
      %dma_wait3A_331 = arith.constant 2 : i32
      %dma_wait3A_332 = arith.constant 256 : i32
      %dma_wait3A_333 = arith.constant 0 : i32
      %dma_wait3A_334 = tpu.memref_slice %arg13[%dma_wait3A_332, %dma_wait3A_333] : memref<384x8xf32, #tpu.memory_space<vmem>> -> memref<128x8xf32, #tpu.memory_space<vmem>>
      %dma_wait3A_335 = arith.constant 0 : i32
      %dma_wait3A_336 = tpu.memref_slice %arg16[%dma_wait3A_331, %dma_wait3A_335] : memref<3x128xi32, #tpu.memory_space<vmem>> -> memref<1x128xi32, #tpu.memory_space<vmem>>
      %dma_wait3A_337 = tpu.memref_squeeze %dma_wait3A_336 : memref<1x128xi32, #tpu.memory_space<vmem>> -> memref<128xi32, #tpu.memory_space<vmem>>
      %dma_wait3A_338 = arith.constant 0 : i32
      %dma_wait3A_339 = arith.constant 0 : i32
      %dma_wait3A_340 = tpu.memref_slice %arg25[%dma_wait3A_338, %dma_wait3A_339] : memref<165952x8xf32, #tpu.memory_space<vmem_shared>> -> memref<165952x8xf32, #tpu.memory_space<vmem_shared>>
      tpu.wait_indirect_dma semaphore(%arg24 : memref<!tpu.dma_semaphore, #tpu.memory_space<semaphore_mem>>) src(%dma_wait3A_340 : memref<165952x8xf32, #tpu.memory_space<vmem_shared>>) dst(%dma_wait3A_334 : memref<128x8xf32, #tpu.memory_space<vmem>>)
      %scan3A_341 = arith.constant 0 : i32
      %scan3A_342 = arith.constant 24 : i32
      %scan3A_343 = arith.addi %scan3A_341, %scan3A_342 : i32
      %scan3A_344 = arith.constant 1 : i32
      %scan3A_345:2 = scf.for %scan3A_347 = %scan3A_341 to %scan3A_343 step %scan3A_344 iter_args(%scan3A_348 = %while3A_186, %scan3A_349 = %while3A_187) -> (vector<16xf32>, vector<16xf32>)  : i32 {
        %mul3A_350 = arith.constant 16 : i32
        %mul3A_351 = arith.muli %scan3A_347, %mul3A_350 : i32
        %add3A_352 = vector.broadcast %mul3A_351 : i32 to vector<16xi32>
        %add3A_353 = arith.addi %add3A_352, %iota3A : vector<16xi32>
        %broadcast_in_dim3A_354 = arith.constant 0 : i32
        %broadcast_in_dim3A_355 = vector.broadcast %broadcast_in_dim3A_354 : i32 to vector<16xi32>
        %gather3A = tpu.vector_load_idx %arg9[%add3A_353, %broadcast_in_dim3A_355] : memref<384x3xi32, #tpu.memory_space<vmem>>[vector<16xi32>, vector<16xi32>], vector<16xi32>,
        %broadcast_in_dim3A_356 = arith.constant 1 : i32
        %broadcast_in_dim3A_357 = vector.broadcast %broadcast_in_dim3A_356 : i32 to vector<16xi32>
        %gather3A_358 = tpu.vector_load_idx %arg9[%add3A_353, %broadcast_in_dim3A_357] : memref<384x3xi32, #tpu.memory_space<vmem>>[vector<16xi32>, vector<16xi32>], vector<16xi32>,
        %broadcast_in_dim3A_359 = arith.constant 2 : i32
        %broadcast_in_dim3A_360 = vector.broadcast %broadcast_in_dim3A_359 : i32 to vector<16xi32>
        %gather3A_361 = tpu.vector_load_idx %arg9[%add3A_353, %broadcast_in_dim3A_360] : memref<384x3xi32, #tpu.memory_space<vmem>>[vector<16xi32>, vector<16xi32>], vector<16xi32>,
        %mul3A_362 = arith.constant 16 : i32
        %mul3A_363 = arith.muli %scan3A_347, %mul3A_362 : i32
        %get3A_364 = arith.index_cast %mul3A_363 : i32 to index
        %get3A_365 = tpu.vector_load %arg10[%get3A_364] {strides = array<i32>} : memref<384xi32, #tpu.memory_space<vmem>>, vector<16xi32>,
        %mul3A_366 = arith.constant 16 : i32
        %mul3A_367 = arith.muli %scan3A_347, %mul3A_366 : i32
        %get3A_368 = arith.index_cast %mul3A_367 : i32 to index
        %get3A_369 = tpu.vector_load %arg11[%get3A_368] {strides = array<i32>} : memref<384xi32, #tpu.memory_space<vmem>>, vector<16xi32>,
        %add3A_370 = vector.broadcast %min3A_192 : i32 to vector<16xi32>
        %add3A_371 = arith.addi %add3A_370, %add3A_353 : vector<16xi32>
        %sub3A_372 = vector.broadcast %mul3A_124 : i32 to vector<16xi32>
        %sub3A_373 = arith.subi %get3A_369, %sub3A_372 : vector<16xi32>
        %ge3A = vector.broadcast %add3A_190 : i32 to vector<16xi32>
        %ge3A_374 = arith.cmpi sge, %add3A_371, %ge3A : vector<16xi32>
        %lt3A = vector.broadcast %min3A : i32 to vector<16xi32>
        %lt3A_375 = arith.cmpi slt, %add3A_371, %lt3A : vector<16xi32>
        %and3A_376 = arith.andi %ge3A_374, %lt3A_375 : vector<16xi1>
        %ge3A_377 = arith.constant 0 : i32
        %ge3A_378 = vector.broadcast %ge3A_377 : i32 to vector<16xi32>
        %ge3A_379 = arith.cmpi sge, %sub3A_373, %ge3A_378 : vector<16xi32>
        %and3A_380 = arith.andi %and3A_376, %ge3A_379 : vector<16xi1>
        %lt3A_381 = arith.constant 4 : i32
        %lt3A_382 = vector.broadcast %lt3A_381 : i32 to vector<16xi32>
        %lt3A_383 = arith.cmpi slt, %sub3A_373, %lt3A_382 : vector<16xi32>
        %and3A_384 = arith.andi %and3A_380, %lt3A_383 : vector<16xi1>
        %shift_right_arithmetic3A = arith.constant 3 : i32
        %shift_right_arithmetic3A_385 = vector.broadcast %shift_right_arithmetic3A : i32 to vector<16xi32>
        %shift_right_arithmetic3A_386 = arith.shrsi %gather3A, %shift_right_arithmetic3A_385 : vector<16xi32>
        %shift_right_arithmetic3A_387 = arith.constant 3 : i32
        %shift_right_arithmetic3A_388 = vector.broadcast %shift_right_arithmetic3A_387 : i32 to vector<16xi32>
        %shift_right_arithmetic3A_389 = arith.shrsi %gather3A_358, %shift_right_arithmetic3A_388 : vector<16xi32>
        %shift_right_arithmetic3A_390 = arith.constant 3 : i32
        %shift_right_arithmetic3A_391 = vector.broadcast %shift_right_arithmetic3A_390 : i32 to vector<16xi32>
        %shift_right_arithmetic3A_392 = arith.shrsi %gather3A_361, %shift_right_arithmetic3A_391 : vector<16xi32>
        %mul3A_393 = arith.constant 16 : i32
        %mul3A_394 = vector.broadcast %mul3A_393 : i32 to vector<16xi32>
        %mul3A_395 = arith.muli %shift_right_arithmetic3A_386, %mul3A_394 : vector<16xi32>
        %add3A_396 = arith.addi %mul3A_395, %shift_right_arithmetic3A_389 : vector<16xi32>
        %mul3A_397 = arith.constant 16 : i32
        %mul3A_398 = vector.broadcast %mul3A_397 : i32 to vector<16xi32>
        %mul3A_399 = arith.muli %add3A_396, %mul3A_398 : vector<16xi32>
        %add3A_400 = arith.addi %mul3A_399, %shift_right_arithmetic3A_392 : vector<16xi32>
        %mul3A_401 = arith.constant 4096 : i32
        %mul3A_402 = vector.broadcast %mul3A_401 : i32 to vector<16xi32>
        %mul3A_403 = arith.muli %sub3A_373, %mul3A_402 : vector<16xi32>
        %add3A_404 = arith.addi %mul3A_403, %add3A_400 : vector<16xi32>
        %and3A_405 = arith.constant 1 : i32
        %and3A_406 = vector.broadcast %and3A_405 : i32 to vector<16xi32>
        %and3A_407 = arith.andi %get3A_365, %and3A_406 : vector<16xi32>
        %mul3A_408 = arith.constant 4 : i32
        %mul3A_409 = vector.broadcast %mul3A_408 : i32 to vector<16xi32>
        %mul3A_410 = arith.muli %and3A_407, %mul3A_409 : vector<16xi32>
        %mul3A_411 = arith.constant 10 : i32
        %mul3A_412 = vector.broadcast %mul3A_411 : i32 to vector<16xi32>
        %mul3A_413 = arith.muli %add3A_404, %mul3A_412 : vector<16xi32>
        %shift_right_arithmetic3A_414 = arith.constant 1 : i32
        %shift_right_arithmetic3A_415 = vector.broadcast %shift_right_arithmetic3A_414 : i32 to vector<16xi32>
        %shift_right_arithmetic3A_416 = arith.shrsi %get3A_365, %shift_right_arithmetic3A_415 : vector<16xi32>
        %add3A_417 = arith.addi %mul3A_413, %shift_right_arithmetic3A_416 : vector<16xi32>
        %mul3A_418 = arith.constant 20 : i32
        %mul3A_419 = vector.broadcast %mul3A_418 : i32 to vector<16xi32>
        %mul3A_420 = arith.muli %sub3A_373, %mul3A_419 : vector<16xi32>
        %add3A_421 = arith.addi %mul3A_420, %get3A_365 : vector<16xi32>
        %shift_right_arithmetic3A_422 = arith.constant 1 : i32
        %shift_right_arithmetic3A_423 = vector.broadcast %shift_right_arithmetic3A_422 : i32 to vector<16xi32>
        %shift_right_arithmetic3A_424 = arith.shrsi %add3A_421, %shift_right_arithmetic3A_423 : vector<16xi32>
        %add3A_425 = arith.constant 163848 : i32
        %add3A_426 = vector.broadcast %add3A_425 : i32 to vector<16xi32>
        %add3A_427 = arith.addi %add3A_426, %shift_right_arithmetic3A_424 : vector<16xi32>
        %shift_right_arithmetic3A_428 = arith.constant 3 : i32
        %shift_right_arithmetic3A_429 = vector.broadcast %shift_right_arithmetic3A_428 : i32 to vector<16xi32>
        %shift_right_arithmetic3A_430 = arith.shrsi %add3A_404, %shift_right_arithmetic3A_429 : vector<16xi32>
        %add3A_431 = arith.constant 163888 : i32
        %add3A_432 = vector.broadcast %add3A_431 : i32 to vector<16xi32>
        %add3A_433 = arith.addi %add3A_432, %shift_right_arithmetic3A_430 : vector<16xi32>
        %and3A_434 = arith.constant 7 : i32
        %and3A_435 = vector.broadcast %and3A_434 : i32 to vector<16xi32>
        %and3A_436 = arith.andi %add3A_404, %and3A_435 : vector<16xi32>
        %broadcast_in_dim3A_437 = arith.constant 0 : i32
        %broadcast_in_dim3A_438 = vector.broadcast %broadcast_in_dim3A_437 : i32 to vector<16xi32>
        %gather3A_439 = tpu.vector_load_idx %arg12[%add3A_353, %broadcast_in_dim3A_438] : memref<384x3xf32, #tpu.memory_space<vmem>>[vector<16xi32>, vector<16xi32>], vector<16xf32>,
        %broadcast_in_dim3A_440 = arith.constant 1 : i32
        %broadcast_in_dim3A_441 = vector.broadcast %broadcast_in_dim3A_440 : i32 to vector<16xi32>
        %gather3A_442 = tpu.vector_load_idx %arg12[%add3A_353, %broadcast_in_dim3A_441] : memref<384x3xf32, #tpu.memory_space<vmem>>[vector<16xi32>, vector<16xi32>], vector<16xf32>,
        %broadcast_in_dim3A_443 = arith.constant 2 : i32
        %broadcast_in_dim3A_444 = vector.broadcast %broadcast_in_dim3A_443 : i32 to vector<16xi32>
        %gather3A_445 = tpu.vector_load_idx %arg12[%add3A_353, %broadcast_in_dim3A_444] : memref<384x3xf32, #tpu.memory_space<vmem>>[vector<16xi32>, vector<16xi32>], vector<16xf32>,
        %gather3A_446 = tpu.vector_load_idx %arg18[%add3A_353, %mul3A_410] : memref<384x8xf32, #tpu.memory_space<vmem>>[vector<16xi32>, vector<16xi32>], vector<16xf32>,
        %add3A_447 = arith.constant 1 : i32
        %add3A_448 = vector.broadcast %add3A_447 : i32 to vector<16xi32>
        %add3A_449 = arith.addi %mul3A_410, %add3A_448 : vector<16xi32>
        %gather3A_450 = tpu.vector_load_idx %arg18[%add3A_353, %add3A_449] : memref<384x8xf32, #tpu.memory_space<vmem>>[vector<16xi32>, vector<16xi32>], vector<16xf32>,
        %add3A_451 = arith.constant 2 : i32
        %add3A_452 = vector.broadcast %add3A_451 : i32 to vector<16xi32>
        %add3A_453 = arith.addi %mul3A_410, %add3A_452 : vector<16xi32>
        %gather3A_454 = tpu.vector_load_idx %arg18[%add3A_353, %add3A_453] : memref<384x8xf32, #tpu.memory_space<vmem>>[vector<16xi32>, vector<16xi32>], vector<16xf32>,
        %add3A_455 = arith.constant 3 : i32
        %add3A_456 = vector.broadcast %add3A_455 : i32 to vector<16xi32>
        %add3A_457 = arith.addi %mul3A_410, %add3A_456 : vector<16xi32>
        %gather3A_458 = tpu.vector_load_idx %arg18[%add3A_353, %add3A_457] : memref<384x8xf32, #tpu.memory_space<vmem>>[vector<16xi32>, vector<16xi32>], vector<16xf32>,
        %gather3A_459 = tpu.vector_load_idx %arg13[%add3A_353, %and3A_436] : memref<384x8xf32, #tpu.memory_space<vmem>>[vector<16xi32>, vector<16xi32>], vector<16xf32>,
        %sub3A_460 = arith.constant 163848 : i32
        %sub3A_461 = vector.broadcast %sub3A_460 : i32 to vector<16xi32>
        %sub3A_462 = arith.subi %add3A_427, %sub3A_461 : vector<16xi32>
        %jit3A_463 = arith.constant 0 : i32
        %broadcast_in_dim3A_464 = vector.broadcast %jit3A_463 : i32 to vector<16xi32>
        %select_n3A_465 = arith.select %and3A_384, %sub3A_462, %broadcast_in_dim3A_464 : vector<16xi1>, vector<16xi32>
        %gather3A_466 = tpu.vector_load_idx %arg19[%select_n3A_465, %mul3A_410] : memref<48x8xf32, #tpu.memory_space<vmem>>[vector<16xi32>, vector<16xi32>], vector<16xf32>,
        %add3A_467 = arith.constant 1 : i32
        %add3A_468 = vector.broadcast %add3A_467 : i32 to vector<16xi32>
        %add3A_469 = arith.addi %mul3A_410, %add3A_468 : vector<16xi32>
        %gather3A_470 = tpu.vector_load_idx %arg19[%select_n3A_465, %add3A_469] : memref<48x8xf32, #tpu.memory_space<vmem>>[vector<16xi32>, vector<16xi32>], vector<16xf32>,
        %add3A_471 = arith.constant 2 : i32
        %add3A_472 = vector.broadcast %add3A_471 : i32 to vector<16xi32>
        %add3A_473 = arith.addi %mul3A_410, %add3A_472 : vector<16xi32>
        %gather3A_474 = tpu.vector_load_idx %arg19[%select_n3A_465, %add3A_473] : memref<48x8xf32, #tpu.memory_space<vmem>>[vector<16xi32>, vector<16xi32>], vector<16xf32>,
        %add3A_475 = arith.constant 3 : i32
        %add3A_476 = vector.broadcast %add3A_475 : i32 to vector<16xi32>
        %add3A_477 = arith.addi %mul3A_410, %add3A_476 : vector<16xi32>
        %gather3A_478 = tpu.vector_load_idx %arg19[%select_n3A_465, %add3A_477] : memref<48x8xf32, #tpu.memory_space<vmem>>[vector<16xi32>, vector<16xi32>], vector<16xf32>,
        %max3A_479 = arith.constant 1.000000e+00 : f32
        %max3A_480 = vector.broadcast %max3A_479 : f32 to vector<16xf32>
        %max3A_481 = arith.maximumf %gather3A_458, %max3A_480 : vector<16xf32>
        %max3A_482 = arith.constant 1.000000e+00 : f32
        %max3A_483 = vector.broadcast %max3A_482 : f32 to vector<16xf32>
        %max3A_484 = arith.maximumf %gather3A_478, %max3A_483 : vector<16xf32>
        %eq3A_485 = arith.cmpf oeq, %gather3A_458, %gather3A_459 : vector<16xf32>
        %div3A_486 = arith.divf %gather3A_446, %max3A_481 : vector<16xf32>
        %div3A_487 = arith.divf %gather3A_466, %max3A_484 : vector<16xf32>
        %select_n3A_488 = arith.select %eq3A_485, %div3A_486, %div3A_487 : vector<16xi1>, vector<16xf32>
        %div3A_489 = arith.divf %gather3A_450, %max3A_481 : vector<16xf32>
        %div3A_490 = arith.divf %gather3A_470, %max3A_484 : vector<16xf32>
        %select_n3A_491 = arith.select %eq3A_485, %div3A_489, %div3A_490 : vector<16xi1>, vector<16xf32>
        %div3A_492 = arith.divf %gather3A_454, %max3A_481 : vector<16xf32>
        %div3A_493 = arith.divf %gather3A_474, %max3A_484 : vector<16xf32>
        %select_n3A_494 = arith.select %eq3A_485, %div3A_492, %div3A_493 : vector<16xi1>, vector<16xf32>
        %convert_element_type3A = arith.sitofp %gather3A : vector<16xi32> to vector<16xf32>
        %sub3A_495 = arith.subf %select_n3A_488, %convert_element_type3A : vector<16xf32>
        %convert_element_type3A_496 = arith.sitofp %gather3A_358 : vector<16xi32> to vector<16xf32>
        %sub3A_497 = arith.subf %select_n3A_491, %convert_element_type3A_496 : vector<16xf32>
        %convert_element_type3A_498 = arith.sitofp %gather3A_361 : vector<16xi32> to vector<16xf32>
        %sub3A_499 = arith.subf %select_n3A_494, %convert_element_type3A_498 : vector<16xf32>
        %sub3A_500 = arith.subf %gather3A_439, %sub3A_495 : vector<16xf32>
        %sub3A_501 = arith.subf %gather3A_442, %sub3A_497 : vector<16xf32>
        %sub3A_502 = arith.subf %gather3A_445, %sub3A_499 : vector<16xf32>
        %abs3A = math.absf %sub3A_500 : vector<16xf32>
        %abs3A_503 = math.absf %sub3A_501 : vector<16xf32>
        %abs3A_504 = math.absf %sub3A_502 : vector<16xf32>
        %lt3A_505 = arith.constant 1.000000e+00 : f32
        %lt3A_506 = vector.broadcast %lt3A_505 : f32 to vector<16xf32>
        %lt3A_507 = arith.cmpf olt, %abs3A, %lt3A_506 : vector<16xf32>
        %mul3A_508 = arith.constant 5.000000e-01 : f32
        %mul3A_509 = vector.broadcast %mul3A_508 : f32 to vector<16xf32>
        %mul3A_510 = arith.mulf %mul3A_509, %abs3A : vector<16xf32>
        %mul3A_511 = arith.mulf %mul3A_510, %abs3A : vector<16xf32>
        %sub3A_512 = arith.constant 5.000000e-01 : f32
        %sub3A_513 = vector.broadcast %sub3A_512 : f32 to vector<16xf32>
        %sub3A_514 = arith.subf %abs3A, %sub3A_513 : vector<16xf32>
        %select_n3A_515 = arith.select %lt3A_507, %mul3A_511, %sub3A_514 : vector<16xi1>, vector<16xf32>
        %lt3A_516 = arith.constant 1.000000e+00 : f32
        %lt3A_517 = vector.broadcast %lt3A_516 : f32 to vector<16xf32>
        %lt3A_518 = arith.cmpf olt, %abs3A_503, %lt3A_517 : vector<16xf32>
        %mul3A_519 = arith.constant 5.000000e-01 : f32
        %mul3A_520 = vector.broadcast %mul3A_519 : f32 to vector<16xf32>
        %mul3A_521 = arith.mulf %mul3A_520, %abs3A_503 : vector<16xf32>
        %mul3A_522 = arith.mulf %mul3A_521, %abs3A_503 : vector<16xf32>
        %sub3A_523 = arith.constant 5.000000e-01 : f32
        %sub3A_524 = vector.broadcast %sub3A_523 : f32 to vector<16xf32>
        %sub3A_525 = arith.subf %abs3A_503, %sub3A_524 : vector<16xf32>
        %select_n3A_526 = arith.select %lt3A_518, %mul3A_522, %sub3A_525 : vector<16xi1>, vector<16xf32>
        %add3A_527 = arith.addf %select_n3A_515, %select_n3A_526 : vector<16xf32>
        %lt3A_528 = arith.constant 1.000000e+00 : f32
        %lt3A_529 = vector.broadcast %lt3A_528 : f32 to vector<16xf32>
        %lt3A_530 = arith.cmpf olt, %abs3A_504, %lt3A_529 : vector<16xf32>
        %mul3A_531 = arith.constant 5.000000e-01 : f32
        %mul3A_532 = vector.broadcast %mul3A_531 : f32 to vector<16xf32>
        %mul3A_533 = arith.mulf %mul3A_532, %abs3A_504 : vector<16xf32>
        %mul3A_534 = arith.mulf %mul3A_533, %abs3A_504 : vector<16xf32>
        %sub3A_535 = arith.constant 5.000000e-01 : f32
        %sub3A_536 = vector.broadcast %sub3A_535 : f32 to vector<16xf32>
        %sub3A_537 = arith.subf %abs3A_504, %sub3A_536 : vector<16xf32>
        %select_n3A_538 = arith.select %lt3A_530, %mul3A_534, %sub3A_537 : vector<16xi1>, vector<16xf32>
        %add3A_539 = arith.addf %add3A_527, %select_n3A_538 : vector<16xf32>
        %mul3A_540 = arith.mulf %gather3A_439, %gather3A_439 : vector<16xf32>
        %mul3A_541 = arith.mulf %gather3A_442, %gather3A_442 : vector<16xf32>
        %add3A_542 = arith.addf %mul3A_540, %mul3A_541 : vector<16xf32>
        %mul3A_543 = arith.mulf %gather3A_445, %gather3A_445 : vector<16xf32>
        %add3A_544 = arith.addf %add3A_542, %mul3A_543 : vector<16xf32>
        %mul3A_545 = arith.mulf %sub3A_495, %sub3A_495 : vector<16xf32>
        %mul3A_546 = arith.mulf %sub3A_497, %sub3A_497 : vector<16xf32>
        %add3A_547 = arith.addf %mul3A_545, %mul3A_546 : vector<16xf32>
        %mul3A_548 = arith.mulf %sub3A_499, %sub3A_499 : vector<16xf32>
        %add3A_549 = arith.addf %add3A_547, %mul3A_548 : vector<16xf32>
        %bitcast_convert_type3A = tpu.bitcast %add3A_544 : vector<16xf32> -> vector<16xi32>
        %shift_right_arithmetic3A_550 = arith.constant 1 : i32
        %shift_right_arithmetic3A_551 = vector.broadcast %shift_right_arithmetic3A_550 : i32 to vector<16xi32>
        %shift_right_arithmetic3A_552 = arith.shrsi %bitcast_convert_type3A, %shift_right_arithmetic3A_551 : vector<16xi32>
        %sub3A_553 = arith.constant 1597463007 : i32
        %sub3A_554 = vector.broadcast %sub3A_553 : i32 to vector<16xi32>
        %sub3A_555 = arith.subi %sub3A_554, %shift_right_arithmetic3A_552 : vector<16xi32>
        %bitcast_convert_type3A_556 = tpu.bitcast %sub3A_555 : vector<16xi32> -> vector<16xf32>
        %mul3A_557 = arith.constant 5.000000e-01 : f32
        %mul3A_558 = vector.broadcast %mul3A_557 : f32 to vector<16xf32>
        %mul3A_559 = arith.mulf %mul3A_558, %add3A_544 : vector<16xf32>
        %mul3A_560 = arith.mulf %mul3A_559, %bitcast_convert_type3A_556 : vector<16xf32>
        %mul3A_561 = arith.mulf %mul3A_560, %bitcast_convert_type3A_556 : vector<16xf32>
        %sub3A_562 = arith.constant 1.500000e+00 : f32
        %sub3A_563 = vector.broadcast %sub3A_562 : f32 to vector<16xf32>
        %sub3A_564 = arith.subf %sub3A_563, %mul3A_561 : vector<16xf32>
        %mul3A_565 = arith.mulf %bitcast_convert_type3A_556, %sub3A_564 : vector<16xf32>
        %mul3A_566 = arith.mulf %mul3A_559, %mul3A_565 : vector<16xf32>
        %mul3A_567 = arith.mulf %mul3A_566, %mul3A_565 : vector<16xf32>
        %sub3A_568 = arith.constant 1.500000e+00 : f32
        %sub3A_569 = vector.broadcast %sub3A_568 : f32 to vector<16xf32>
        %sub3A_570 = arith.subf %sub3A_569, %mul3A_567 : vector<16xf32>
        %mul3A_571 = arith.mulf %mul3A_565, %sub3A_570 : vector<16xf32>
        %mul3A_572 = arith.mulf %mul3A_559, %mul3A_571 : vector<16xf32>
        %mul3A_573 = arith.mulf %mul3A_572, %mul3A_571 : vector<16xf32>
        %sub3A_574 = arith.constant 1.500000e+00 : f32
        %sub3A_575 = vector.broadcast %sub3A_574 : f32 to vector<16xf32>
        %sub3A_576 = arith.subf %sub3A_575, %mul3A_573 : vector<16xf32>
        %mul3A_577 = arith.mulf %mul3A_571, %sub3A_576 : vector<16xf32>
        %bitcast_convert_type3A_578 = tpu.bitcast %add3A_549 : vector<16xf32> -> vector<16xi32>
        %shift_right_arithmetic3A_579 = arith.constant 1 : i32
        %shift_right_arithmetic3A_580 = vector.broadcast %shift_right_arithmetic3A_579 : i32 to vector<16xi32>
        %shift_right_arithmetic3A_581 = arith.shrsi %bitcast_convert_type3A_578, %shift_right_arithmetic3A_580 : vector<16xi32>
        %sub3A_582 = arith.constant 1597463007 : i32
        %sub3A_583 = vector.broadcast %sub3A_582 : i32 to vector<16xi32>
        %sub3A_584 = arith.subi %sub3A_583, %shift_right_arithmetic3A_581 : vector<16xi32>
        %bitcast_convert_type3A_585 = tpu.bitcast %sub3A_584 : vector<16xi32> -> vector<16xf32>
        %mul3A_586 = arith.constant 5.000000e-01 : f32
        %mul3A_587 = vector.broadcast %mul3A_586 : f32 to vector<16xf32>
        %mul3A_588 = arith.mulf %mul3A_587, %add3A_549 : vector<16xf32>
        %mul3A_589 = arith.mulf %mul3A_588, %bitcast_convert_type3A_585 : vector<16xf32>
        %mul3A_590 = arith.mulf %mul3A_589, %bitcast_convert_type3A_585 : vector<16xf32>
        %sub3A_591 = arith.constant 1.500000e+00 : f32
        %sub3A_592 = vector.broadcast %sub3A_591 : f32 to vector<16xf32>
        %sub3A_593 = arith.subf %sub3A_592, %mul3A_590 : vector<16xf32>
        %mul3A_594 = arith.mulf %bitcast_convert_type3A_585, %sub3A_593 : vector<16xf32>
        %mul3A_595 = arith.mulf %mul3A_588, %mul3A_594 : vector<16xf32>
        %mul3A_596 = arith.mulf %mul3A_595, %mul3A_594 : vector<16xf32>
        %sub3A_597 = arith.constant 1.500000e+00 : f32
        %sub3A_598 = vector.broadcast %sub3A_597 : f32 to vector<16xf32>
        %sub3A_599 = arith.subf %sub3A_598, %mul3A_596 : vector<16xf32>
        %mul3A_600 = arith.mulf %mul3A_594, %sub3A_599 : vector<16xf32>
        %mul3A_601 = arith.mulf %mul3A_588, %mul3A_600 : vector<16xf32>
        %mul3A_602 = arith.mulf %mul3A_601, %mul3A_600 : vector<16xf32>
        %sub3A_603 = arith.constant 1.500000e+00 : f32
        %sub3A_604 = vector.broadcast %sub3A_603 : f32 to vector<16xf32>
        %sub3A_605 = arith.subf %sub3A_604, %mul3A_602 : vector<16xf32>
        %mul3A_606 = arith.mulf %mul3A_600, %sub3A_605 : vector<16xf32>
        %mul3A_607 = arith.mulf %add3A_544, %mul3A_577 : vector<16xf32>
        %gt3A = arith.constant 9.99999974E-5 : f32
        %gt3A_608 = vector.broadcast %gt3A : f32 to vector<16xf32>
        %gt3A_609 = arith.cmpf ogt, %mul3A_607, %gt3A_608 : vector<16xf32>
        %jit3A_610 = arith.constant 1.000000e+04 : f32
        %broadcast_in_dim3A_611 = vector.broadcast %jit3A_610 : f32 to vector<16xf32>
        %select_n3A_612 = arith.select %gt3A_609, %mul3A_577, %broadcast_in_dim3A_611 : vector<16xi1>, vector<16xf32>
        %mul3A_613 = arith.mulf %add3A_549, %mul3A_606 : vector<16xf32>
        %gt3A_614 = arith.constant 9.99999974E-5 : f32
        %gt3A_615 = vector.broadcast %gt3A_614 : f32 to vector<16xf32>
        %gt3A_616 = arith.cmpf ogt, %mul3A_613, %gt3A_615 : vector<16xf32>
        %jit3A_617 = arith.constant 1.000000e+04 : f32
        %broadcast_in_dim3A_618 = vector.broadcast %jit3A_617 : f32 to vector<16xf32>
        %select_n3A_619 = arith.select %gt3A_616, %mul3A_606, %broadcast_in_dim3A_618 : vector<16xi1>, vector<16xf32>
        %mul3A_620 = arith.mulf %gather3A_439, %sub3A_495 : vector<16xf32>
        %mul3A_621 = arith.mulf %gather3A_442, %sub3A_497 : vector<16xf32>
        %add3A_622 = arith.addf %mul3A_620, %mul3A_621 : vector<16xf32>
        %mul3A_623 = arith.mulf %gather3A_445, %sub3A_499 : vector<16xf32>
        %add3A_624 = arith.addf %add3A_622, %mul3A_623 : vector<16xf32>
        %mul3A_625 = arith.mulf %add3A_624, %select_n3A_612 : vector<16xf32>
        %mul3A_626 = arith.mulf %mul3A_625, %select_n3A_619 : vector<16xf32>
        %jit3A_627 = arith.constant -1.000000e+00 : f32
        %jit3A_628 = arith.constant 1.000000e+00 : f32
        %max3A_629 = vector.broadcast %jit3A_627 : f32 to vector<16xf32>
        %max3A_630 = arith.maximumf %max3A_629, %mul3A_626 : vector<16xf32>
        %min3A_631 = vector.broadcast %jit3A_628 : f32 to vector<16xf32>
        %min3A_632 = arith.minimumf %min3A_631, %max3A_630 : vector<16xf32>
        %select_n3A_633 = arith.select %and3A_384, %add3A_539, %broadcast_in_dim3A_1 : vector<16xi1>, vector<16xf32>
        %add3A_634 = arith.addf %scan3A_348, %select_n3A_633 : vector<16xf32>
        %sub3A_635 = arith.constant 1.000000e+00 : f32
        %sub3A_636 = vector.broadcast %sub3A_635 : f32 to vector<16xf32>
        %sub3A_637 = arith.subf %sub3A_636, %min3A_632 : vector<16xf32>
        %select_n3A_638 = arith.select %and3A_384, %sub3A_637, %broadcast_in_dim3A_1 : vector<16xi1>, vector<16xf32>
        %add3A_639 = arith.addf %scan3A_349, %select_n3A_638 : vector<16xf32>
        scf.yield %add3A_634, %add3A_639 : vector<16xf32>, vector<16xf32>
      }
      %scan3A_346 = arith.constant 24 : i32
      scf.yield %scan3A_345#0, %scan3A_345#1 : vector<16xf32>, vector<16xf32>
    }
    %while3A_160 = arith.constant 1 : i32
    %while3A_161:2 = scf.for %while3A_185 = %while3A_157 to %while3A_153 step %while3A_160 iter_args(%while3A_186 = %while3A_159#0, %while3A_187 = %while3A_159#1) -> (vector<16xf32>, vector<16xf32>)  : i32 {
      %mul3A_188 = arith.constant 384 : i32
      %mul3A_189 = arith.muli %while3A_185, %mul3A_188 : i32
      %add3A_190 = arith.addi %add3A_91, %mul3A_189 : i32
      %min3A_191 = arith.constant 1599616 : i32
      %min3A_192 = arith.minsi %add3A_190, %min3A_191 : i32
      %dma_start3A = arith.constant 0 : i32
      %dma_start3A_193 = tpu.memref_slice %arg3[%min3A_192, %dma_start3A] : memref<1600000x3xi32, #tpu.memory_space<hbm>> -> memref<384x3xi32, #tpu.memory_space<hbm>>
      %dma_start3A_194 = arith.constant 0 : i32
      %dma_start3A_195 = tpu.memref_slice %arg3[%min3A_192, %dma_start3A_194] : memref<1600000x3xi32, #tpu.memory_space<hbm>> -> memref<384x3xi32, #tpu.memory_space<hbm>>
      tpu.enqueue_dma source(%dma_start3A_195 : memref<384x3xi32, #tpu.memory_space<hbm>>) target(%arg9 : memref<384x3xi32, #tpu.memory_space<vmem>>) target_semaphore(%arg23 : memref<!tpu.dma_semaphore, #tpu.memory_space<semaphore_mem>>)
      %dma_start3A_196 = tpu.memref_slice %arg4[%min3A_192] : memref<1600000xi32, #tpu.memory_space<hbm>> -> memref<384xi32, #tpu.memory_space<hbm>>
      %dma_start3A_197 = tpu.memref_slice %arg4[%min3A_192] : memref<1600000xi32, #tpu.memory_space<hbm>> -> memref<384xi32, #tpu.memory_space<hbm>>
      tpu.enqueue_dma source(%dma_start3A_197 : memref<384xi32, #tpu.memory_space<hbm>>) target(%arg10 : memref<384xi32, #tpu.memory_space<vmem>>) target_semaphore(%arg23 : memref<!tpu.dma_semaphore, #tpu.memory_space<semaphore_mem>>)
      %dma_start3A_198 = tpu.memref_slice %arg5[%min3A_192] : memref<1600000xi32, #tpu.memory_space<hbm>> -> memref<384xi32, #tpu.memory_space<hbm>>
      %dma_start3A_199 = tpu.memref_slice %arg5[%min3A_192] : memref<1600000xi32, #tpu.memory_space<hbm>> -> memref<384xi32, #tpu.memory_space<hbm>>
      tpu.enqueue_dma source(%dma_start3A_199 : memref<384xi32, #tpu.memory_space<hbm>>) target(%arg11 : memref<384xi32, #tpu.memory_space<vmem>>) target_semaphore(%arg23 : memref<!tpu.dma_semaphore, #tpu.memory_space<semaphore_mem>>)
      %dma_start3A_200 = arith.constant 0 : i32
      %dma_start3A_201 = tpu.memref_slice %arg2[%min3A_192, %dma_start3A_200] : memref<1600000x3xf32, #tpu.memory_space<hbm>> -> memref<384x3xf32, #tpu.memory_space<hbm>>
      %dma_start3A_202 = arith.constant 0 : i32
      %dma_start3A_203 = tpu.memref_slice %arg2[%min3A_192, %dma_start3A_202] : memref<1600000x3xf32, #tpu.memory_space<hbm>> -> memref<384x3xf32, #tpu.memory_space<hbm>>
      tpu.enqueue_dma source(%dma_start3A_203 : memref<384x3xf32, #tpu.memory_space<hbm>>) target(%arg12 : memref<384x3xf32, #tpu.memory_space<vmem>>) target_semaphore(%arg23 : memref<!tpu.dma_semaphore, #tpu.memory_space<semaphore_mem>>)
      %dma_wait3A = arith.constant 0 : i32
      %dma_wait3A_204 = tpu.memref_slice %arg3[%min3A_192, %dma_wait3A] : memref<1600000x3xi32, #tpu.memory_space<hbm>> -> memref<384x3xi32, #tpu.memory_space<hbm>>
      %dma_wait3A_205 = arith.constant 0 : i32
      %dma_wait3A_206 = tpu.memref_slice %arg3[%min3A_192, %dma_wait3A_205] : memref<1600000x3xi32, #tpu.memory_space<hbm>> -> memref<384x3xi32, #tpu.memory_space<hbm>>
      tpu.wait_dma2 semaphore(%arg23 : memref<!tpu.dma_semaphore, #tpu.memory_space<semaphore_mem>>) src(%dma_wait3A_206 : memref<384x3xi32, #tpu.memory_space<hbm>>) dst(%arg9 : memref<384x3xi32, #tpu.memory_space<vmem>>)
      %dma_wait3A_207 = tpu.memref_slice %arg4[%min3A_192] : memref<1600000xi32, #tpu.memory_space<hbm>> -> memref<384xi32, #tpu.memory_space<hbm>>
      %dma_wait3A_208 = tpu.memref_slice %arg4[%min3A_192] : memref<1600000xi32, #tpu.memory_space<hbm>> -> memref<384xi32, #tpu.memory_space<hbm>>
      tpu.wait_dma2 semaphore(%arg23 : memref<!tpu.dma_semaphore, #tpu.memory_space<semaphore_mem>>) src(%dma_wait3A_208 : memref<384xi32, #tpu.memory_space<hbm>>) dst(%arg10 : memref<384xi32, #tpu.memory_space<vmem>>)
      %dma_wait3A_209 = tpu.memref_slice %arg5[%min3A_192] : memref<1600000xi32, #tpu.memory_space<hbm>> -> memref<384xi32, #tpu.memory_space<hbm>>
      %dma_wait3A_210 = tpu.memref_slice %arg5[%min3A_192] : memref<1600000xi32, #tpu.memory_space<hbm>> -> memref<384xi32, #tpu.memory_space<hbm>>
      tpu.wait_dma2 semaphore(%arg23 : memref<!tpu.dma_semaphore, #tpu.memory_space<semaphore_mem>>) src(%dma_wait3A_210 : memref<384xi32, #tpu.memory_space<hbm>>) dst(%arg11 : memref<384xi32, #tpu.memory_space<vmem>>)
      %dma_wait3A_211 = arith.constant 0 : i32
      %dma_wait3A_212 = tpu.memref_slice %arg2[%min3A_192, %dma_wait3A_211] : memref<1600000x3xf32, #tpu.memory_space<hbm>> -> memref<384x3xf32, #tpu.memory_space<hbm>>
      %dma_wait3A_213 = arith.constant 0 : i32
      %dma_wait3A_214 = tpu.memref_slice %arg2[%min3A_192, %dma_wait3A_213] : memref<1600000x3xf32, #tpu.memory_space<hbm>> -> memref<384x3xf32, #tpu.memory_space<hbm>>
      tpu.wait_dma2 semaphore(%arg23 : memref<!tpu.dma_semaphore, #tpu.memory_space<semaphore_mem>>) src(%dma_wait3A_214 : memref<384x3xf32, #tpu.memory_space<hbm>>) dst(%arg12 : memref<384x3xf32, #tpu.memory_space<vmem>>)
      %scan3A_215 = arith.constant 0 : i32
      %scan3A_216 = arith.constant 0 : i32
      %scan3A_217 = arith.constant 24 : i32
      %scan3A_218 = arith.addi %scan3A_216, %scan3A_217 : i32
      %scan3A_219 = arith.constant 1 : i32
      scf.for %scan3A_347 = %scan3A_216 to %scan3A_218 step %scan3A_219  : i32 {
        %mul3A_348 = arith.constant 16 : i32
        %mul3A_349 = arith.muli %scan3A_347, %mul3A_348 : i32
        %add3A_350 = vector.broadcast %mul3A_349 : i32 to vector<16xi32>
        %add3A_351 = arith.addi %add3A_350, %iota3A : vector<16xi32>
        %broadcast_in_dim3A_352 = arith.constant 0 : i32
        %broadcast_in_dim3A_353 = vector.broadcast %broadcast_in_dim3A_352 : i32 to vector<16xi32>
        %gather3A = tpu.vector_load_idx %arg9[%add3A_351, %broadcast_in_dim3A_353] : memref<384x3xi32, #tpu.memory_space<vmem>>[vector<16xi32>, vector<16xi32>], vector<16xi32>,
        %broadcast_in_dim3A_354 = arith.constant 1 : i32
        %broadcast_in_dim3A_355 = vector.broadcast %broadcast_in_dim3A_354 : i32 to vector<16xi32>
        %gather3A_356 = tpu.vector_load_idx %arg9[%add3A_351, %broadcast_in_dim3A_355] : memref<384x3xi32, #tpu.memory_space<vmem>>[vector<16xi32>, vector<16xi32>], vector<16xi32>,
        %broadcast_in_dim3A_357 = arith.constant 2 : i32
        %broadcast_in_dim3A_358 = vector.broadcast %broadcast_in_dim3A_357 : i32 to vector<16xi32>
        %gather3A_359 = tpu.vector_load_idx %arg9[%add3A_351, %broadcast_in_dim3A_358] : memref<384x3xi32, #tpu.memory_space<vmem>>[vector<16xi32>, vector<16xi32>], vector<16xi32>,
        %mul3A_360 = arith.constant 16 : i32
        %mul3A_361 = arith.muli %scan3A_347, %mul3A_360 : i32
        %get3A_362 = arith.index_cast %mul3A_361 : i32 to index
        %get3A_363 = tpu.vector_load %arg10[%get3A_362] {strides = array<i32>} : memref<384xi32, #tpu.memory_space<vmem>>, vector<16xi32>,
        %mul3A_364 = arith.constant 16 : i32
        %mul3A_365 = arith.muli %scan3A_347, %mul3A_364 : i32
        %get3A_366 = arith.index_cast %mul3A_365 : i32 to index
        %get3A_367 = tpu.vector_load %arg11[%get3A_366] {strides = array<i32>} : memref<384xi32, #tpu.memory_space<vmem>>, vector<16xi32>,
        %add3A_368 = vector.broadcast %min3A_192 : i32 to vector<16xi32>
        %add3A_369 = arith.addi %add3A_368, %add3A_351 : vector<16xi32>
        %sub3A_370 = vector.broadcast %mul3A_124 : i32 to vector<16xi32>
        %sub3A_371 = arith.subi %get3A_367, %sub3A_370 : vector<16xi32>
        %ge3A = vector.broadcast %add3A_190 : i32 to vector<16xi32>
        %ge3A_372 = arith.cmpi sge, %add3A_369, %ge3A : vector<16xi32>
        %lt3A = vector.broadcast %min3A : i32 to vector<16xi32>
        %lt3A_373 = arith.cmpi slt, %add3A_369, %lt3A : vector<16xi32>
        %and3A_374 = arith.andi %ge3A_372, %lt3A_373 : vector<16xi1>
        %ge3A_375 = arith.constant 0 : i32
        %ge3A_376 = vector.broadcast %ge3A_375 : i32 to vector<16xi32>
        %ge3A_377 = arith.cmpi sge, %sub3A_371, %ge3A_376 : vector<16xi32>
        %and3A_378 = arith.andi %and3A_374, %ge3A_377 : vector<16xi1>
        %lt3A_379 = arith.constant 4 : i32
        %lt3A_380 = vector.broadcast %lt3A_379 : i32 to vector<16xi32>
        %lt3A_381 = arith.cmpi slt, %sub3A_371, %lt3A_380 : vector<16xi32>
        %and3A_382 = arith.andi %and3A_378, %lt3A_381 : vector<16xi1>
        %shift_right_arithmetic3A = arith.constant 3 : i32
        %shift_right_arithmetic3A_383 = vector.broadcast %shift_right_arithmetic3A : i32 to vector<16xi32>
        %shift_right_arithmetic3A_384 = arith.shrsi %gather3A, %shift_right_arithmetic3A_383 : vector<16xi32>
        %shift_right_arithmetic3A_385 = arith.constant 3 : i32
        %shift_right_arithmetic3A_386 = vector.broadcast %shift_right_arithmetic3A_385 : i32 to vector<16xi32>
        %shift_right_arithmetic3A_387 = arith.shrsi %gather3A_356, %shift_right_arithmetic3A_386 : vector<16xi32>
        %shift_right_arithmetic3A_388 = arith.constant 3 : i32
        %shift_right_arithmetic3A_389 = vector.broadcast %shift_right_arithmetic3A_388 : i32 to vector<16xi32>
        %shift_right_arithmetic3A_390 = arith.shrsi %gather3A_359, %shift_right_arithmetic3A_389 : vector<16xi32>
        %mul3A_391 = arith.constant 16 : i32
        %mul3A_392 = vector.broadcast %mul3A_391 : i32 to vector<16xi32>
        %mul3A_393 = arith.muli %shift_right_arithmetic3A_384, %mul3A_392 : vector<16xi32>
        %add3A_394 = arith.addi %mul3A_393, %shift_right_arithmetic3A_387 : vector<16xi32>
        %mul3A_395 = arith.constant 16 : i32
        %mul3A_396 = vector.broadcast %mul3A_395 : i32 to vector<16xi32>
        %mul3A_397 = arith.muli %add3A_394, %mul3A_396 : vector<16xi32>
        %add3A_398 = arith.addi %mul3A_397, %shift_right_arithmetic3A_390 : vector<16xi32>
        %mul3A_399 = arith.constant 4096 : i32
        %mul3A_400 = vector.broadcast %mul3A_399 : i32 to vector<16xi32>
        %mul3A_401 = arith.muli %sub3A_371, %mul3A_400 : vector<16xi32>
        %add3A_402 = arith.addi %mul3A_401, %add3A_398 : vector<16xi32>
        %and3A_403 = arith.constant 1 : i32
        %and3A_404 = vector.broadcast %and3A_403 : i32 to vector<16xi32>
        %and3A_405 = arith.andi %get3A_363, %and3A_404 : vector<16xi32>
        %mul3A_406 = arith.constant 4 : i32
        %mul3A_407 = vector.broadcast %mul3A_406 : i32 to vector<16xi32>
        %mul3A_408 = arith.muli %and3A_405, %mul3A_407 : vector<16xi32>
        %mul3A_409 = arith.constant 10 : i32
        %mul3A_410 = vector.broadcast %mul3A_409 : i32 to vector<16xi32>
        %mul3A_411 = arith.muli %add3A_402, %mul3A_410 : vector<16xi32>
        %shift_right_arithmetic3A_412 = arith.constant 1 : i32
        %shift_right_arithmetic3A_413 = vector.broadcast %shift_right_arithmetic3A_412 : i32 to vector<16xi32>
        %shift_right_arithmetic3A_414 = arith.shrsi %get3A_363, %shift_right_arithmetic3A_413 : vector<16xi32>
        %add3A_415 = arith.addi %mul3A_411, %shift_right_arithmetic3A_414 : vector<16xi32>
        %mul3A_416 = arith.constant 20 : i32
        %mul3A_417 = vector.broadcast %mul3A_416 : i32 to vector<16xi32>
        %mul3A_418 = arith.muli %sub3A_371, %mul3A_417 : vector<16xi32>
        %add3A_419 = arith.addi %mul3A_418, %get3A_363 : vector<16xi32>
        %shift_right_arithmetic3A_420 = arith.constant 1 : i32
        %shift_right_arithmetic3A_421 = vector.broadcast %shift_right_arithmetic3A_420 : i32 to vector<16xi32>
        %shift_right_arithmetic3A_422 = arith.shrsi %add3A_419, %shift_right_arithmetic3A_421 : vector<16xi32>
        %add3A_423 = arith.constant 163848 : i32
        %add3A_424 = vector.broadcast %add3A_423 : i32 to vector<16xi32>
        %add3A_425 = arith.addi %add3A_424, %shift_right_arithmetic3A_422 : vector<16xi32>
        %shift_right_arithmetic3A_426 = arith.constant 3 : i32
        %shift_right_arithmetic3A_427 = vector.broadcast %shift_right_arithmetic3A_426 : i32 to vector<16xi32>
        %shift_right_arithmetic3A_428 = arith.shrsi %add3A_402, %shift_right_arithmetic3A_427 : vector<16xi32>
        %add3A_429 = arith.constant 163888 : i32
        %add3A_430 = vector.broadcast %add3A_429 : i32 to vector<16xi32>
        %add3A_431 = arith.addi %add3A_430, %shift_right_arithmetic3A_428 : vector<16xi32>
        %and3A_432 = arith.constant 7 : i32
        %and3A_433 = vector.broadcast %and3A_432 : i32 to vector<16xi32>
        %and3A_434 = arith.andi %add3A_402, %and3A_433 : vector<16xi32>
        %jit3A_435 = arith.constant 8 : i32
        %div3A_436 = arith.divsi %scan3A_347, %jit3A_435 : i32
        %sign3A_437 = arith.constant 0 : i32
        %sign3A_438 = arith.cmpi sgt, %scan3A_347, %sign3A_437 : i32
        %sign3A_439 = arith.extui %sign3A_438 : i1 to i32
        %sign3A_440 = arith.constant 0 : i32
        %sign3A_441 = arith.cmpi slt, %scan3A_347, %sign3A_440 : i32
        %sign3A_442 = arith.extui %sign3A_441 : i1 to i32
        %sign3A_443 = arith.subi %sign3A_439, %sign3A_442 : i32
        %sign3A_444 = arith.constant 0 : i32
        %sign3A_445 = arith.cmpi sgt, %jit3A_435, %sign3A_444 : i32
        %sign3A_446 = arith.extui %sign3A_445 : i1 to i32
        %sign3A_447 = arith.constant 0 : i32
        %sign3A_448 = arith.cmpi slt, %jit3A_435, %sign3A_447 : i32
        %sign3A_449 = arith.extui %sign3A_448 : i1 to i32
        %sign3A_450 = arith.subi %sign3A_446, %sign3A_449 : i32
        %ne3A_451 = arith.cmpi ne, %sign3A_443, %sign3A_450 : i32
        %rem3A_452 = arith.remsi %scan3A_347, %jit3A_435 : i32
        %ne3A_453 = arith.constant 0 : i32
        %ne3A_454 = arith.cmpi ne, %rem3A_452, %ne3A_453 : i32
        %and3A_455 = arith.andi %ne3A_451, %ne3A_454 : i1
        %sub3A_456 = arith.constant 1 : i32
        %sub3A_457 = arith.subi %div3A_436, %sub3A_456 : i32
        %select_n3A_458 = arith.select %and3A_455, %sub3A_457, %div3A_436 : i32
        %jit3A_459 = arith.constant 8 : i32
        %eq3A_460 = arith.constant 0 : i32
        %eq3A_461 = arith.cmpi eq, %jit3A_459, %eq3A_460 : i32
        %jit3A_462 = arith.constant 1 : i32
        %select_n3A_463 = arith.select %eq3A_461, %jit3A_462, %jit3A_459 : i32
        %rem3A_464 = arith.remsi %scan3A_347, %select_n3A_463 : i32
        %ne3A_465 = arith.constant 0 : i32
        %ne3A_466 = arith.cmpi ne, %rem3A_464, %ne3A_465 : i32
        %lt3A_467 = arith.constant 0 : i32
        %lt3A_468 = arith.cmpi slt, %rem3A_464, %lt3A_467 : i32
        %lt3A_469 = arith.constant 0 : i32
        %lt3A_470 = arith.cmpi slt, %select_n3A_463, %lt3A_469 : i32
        %ne3A_471 = arith.xori %lt3A_468, %lt3A_470 : i1
        %and3A_472 = arith.andi %ne3A_471, %ne3A_466 : i1
        %add3A_473 = arith.addi %rem3A_464, %select_n3A_463 : i32
        %select_n3A_474 = arith.select %and3A_472, %add3A_473, %rem3A_464 : i32
        %mul3A_475 = arith.constant 16 : i32
        %mul3A_476 = arith.muli %select_n3A_474, %mul3A_475 : i32
        %jit3A_477 = arith.constant 163840 : i32
        %broadcast_in_dim3A_478 = vector.broadcast %jit3A_477 : i32 to vector<16xi32>
        %select_n3A_479 = arith.select %and3A_382, %add3A_415, %broadcast_in_dim3A_478 : vector<16xi1>, vector<16xi32>
        %swap3A_480 = arith.index_cast %select_n3A_458 : i32 to index
        %swap3A_481 = arith.index_cast %mul3A_476 : i32 to index
        %swap3A_482 = tpu.vector_load %arg15[%swap3A_480, %swap3A_481] {strides = array<i32>} : memref<3x128xi32, #tpu.memory_space<vmem>>, vector<16xi32>,
        tpu.vector_store %arg15[%swap3A_480, %swap3A_481], %select_n3A_479 {strides = array<i32>} : memref<3x128xi32, #tpu.memory_space<vmem>>, vector<16xi32>,
        %jit3A_483 = arith.constant 165936 : i32
        %broadcast_in_dim3A_484 = vector.broadcast %jit3A_483 : i32 to vector<16xi32>
        %select_n3A_485 = arith.select %and3A_382, %add3A_431, %broadcast_in_dim3A_484 : vector<16xi1>, vector<16xi32>
        %swap3A_486 = arith.index_cast %select_n3A_458 : i32 to index
        %swap3A_487 = arith.index_cast %mul3A_476 : i32 to index
        %swap3A_488 = tpu.vector_load %arg16[%swap3A_486, %swap3A_487] {strides = array<i32>} : memref<3x128xi32, #tpu.memory_space<vmem>>, vector<16xi32>,
        tpu.vector_store %arg16[%swap3A_486, %swap3A_487], %select_n3A_485 {strides = array<i32>} : memref<3x128xi32, #tpu.memory_space<vmem>>, vector<16xi32>,
      }
      %scan3A_220 = arith.constant 24 : i32
      %dma_start3A_221 = arith.constant 0 : i32
      %dma_start3A_222 = arith.constant 0 : i32
      %dma_start3A_223 = arith.constant 0 : i32
      %dma_start3A_224 = tpu.memref_slice %arg18[%dma_start3A_222, %dma_start3A_223] : memref<384x8xf32, #tpu.memory_space<vmem>> -> memref<128x8xf32, #tpu.memory_space<vmem>>
      %dma_start3A_225 = arith.constant 0 : i32
      %dma_start3A_226 = tpu.memref_slice %arg15[%dma_start3A_221, %dma_start3A_225] : memref<3x128xi32, #tpu.memory_space<vmem>> -> memref<1x128xi32, #tpu.memory_space<vmem>>
      %dma_start3A_227 = tpu.memref_squeeze %dma_start3A_226 : memref<1x128xi32, #tpu.memory_space<vmem>> -> memref<128xi32, #tpu.memory_space<vmem>>
      %dma_start3A_228 = arith.constant 0 : i32
      %dma_start3A_229 = arith.constant 0 : i32
      %dma_start3A_230 = tpu.memref_slice %arg25[%dma_start3A_228, %dma_start3A_229] : memref<165952x8xf32, #tpu.memory_space<vmem_shared>> -> memref<165952x8xf32, #tpu.memory_space<vmem_shared>>
      tpu.enqueue_indirect_dma source(%dma_start3A_230 : memref<165952x8xf32, #tpu.memory_space<vmem_shared>>) target(%dma_start3A_224 : memref<128x8xf32, #tpu.memory_space<vmem>>) offsets(%dma_start3A_227 : memref<128xi32, #tpu.memory_space<vmem>>) semaphore(%arg24 : memref<!tpu.dma_semaphore, #tpu.memory_space<semaphore_mem>>)
      %dma_start3A_231 = arith.constant 0 : i32
      %dma_start3A_232 = arith.constant 0 : i32
      %dma_start3A_233 = arith.constant 0 : i32
      %dma_start3A_234 = tpu.memref_slice %arg13[%dma_start3A_232, %dma_start3A_233] : memref<384x8xf32, #tpu.memory_space<vmem>> -> memref<128x8xf32, #tpu.memory_space<vmem>>
      %dma_start3A_235 = arith.constant 0 : i32
      %dma_start3A_236 = tpu.memref_slice %arg16[%dma_start3A_231, %dma_start3A_235] : memref<3x128xi32, #tpu.memory_space<vmem>> -> memref<1x128xi32, #tpu.memory_space<vmem>>
      %dma_start3A_237 = tpu.memref_squeeze %dma_start3A_236 : memref<1x128xi32, #tpu.memory_space<vmem>> -> memref<128xi32, #tpu.memory_space<vmem>>
      %dma_start3A_238 = arith.constant 0 : i32
      %dma_start3A_239 = arith.constant 0 : i32
      %dma_start3A_240 = tpu.memref_slice %arg25[%dma_start3A_238, %dma_start3A_239] : memref<165952x8xf32, #tpu.memory_space<vmem_shared>> -> memref<165952x8xf32, #tpu.memory_space<vmem_shared>>
      tpu.enqueue_indirect_dma source(%dma_start3A_240 : memref<165952x8xf32, #tpu.memory_space<vmem_shared>>) target(%dma_start3A_234 : memref<128x8xf32, #tpu.memory_space<vmem>>) offsets(%dma_start3A_237 : memref<128xi32, #tpu.memory_space<vmem>>) semaphore(%arg24 : memref<!tpu.dma_semaphore, #tpu.memory_space<semaphore_mem>>)
      %dma_start3A_241 = arith.constant 1 : i32
      %dma_start3A_242 = arith.constant 128 : i32
      %dma_start3A_243 = arith.constant 0 : i32
      %dma_start3A_244 = tpu.memref_slice %arg18[%dma_start3A_242, %dma_start3A_243] : memref<384x8xf32, #tpu.memory_space<vmem>> -> memref<128x8xf32, #tpu.memory_space<vmem>>
      %dma_start3A_245 = arith.constant 0 : i32
      %dma_start3A_246 = tpu.memref_slice %arg15[%dma_start3A_241, %dma_start3A_245] : memref<3x128xi32, #tpu.memory_space<vmem>> -> memref<1x128xi32, #tpu.memory_space<vmem>>
      %dma_start3A_247 = tpu.memref_squeeze %dma_start3A_246 : memref<1x128xi32, #tpu.memory_space<vmem>> -> memref<128xi32, #tpu.memory_space<vmem>>
      %dma_start3A_248 = arith.constant 0 : i32
      %dma_start3A_249 = arith.constant 0 : i32
      %dma_start3A_250 = tpu.memref_slice %arg25[%dma_start3A_248, %dma_start3A_249] : memref<165952x8xf32, #tpu.memory_space<vmem_shared>> -> memref<165952x8xf32, #tpu.memory_space<vmem_shared>>
      tpu.enqueue_indirect_dma source(%dma_start3A_250 : memref<165952x8xf32, #tpu.memory_space<vmem_shared>>) target(%dma_start3A_244 : memref<128x8xf32, #tpu.memory_space<vmem>>) offsets(%dma_start3A_247 : memref<128xi32, #tpu.memory_space<vmem>>) semaphore(%arg24 : memref<!tpu.dma_semaphore, #tpu.memory_space<semaphore_mem>>)
      %dma_start3A_251 = arith.constant 1 : i32
      %dma_start3A_252 = arith.constant 128 : i32
      %dma_start3A_253 = arith.constant 0 : i32
      %dma_start3A_254 = tpu.memref_slice %arg13[%dma_start3A_252, %dma_start3A_253] : memref<384x8xf32, #tpu.memory_space<vmem>> -> memref<128x8xf32, #tpu.memory_space<vmem>>
      %dma_start3A_255 = arith.constant 0 : i32
      %dma_start3A_256 = tpu.memref_slice %arg16[%dma_start3A_251, %dma_start3A_255] : memref<3x128xi32, #tpu.memory_space<vmem>> -> memref<1x128xi32, #tpu.memory_space<vmem>>
      %dma_start3A_257 = tpu.memref_squeeze %dma_start3A_256 : memref<1x128xi32, #tpu.memory_space<vmem>> -> memref<128xi32, #tpu.memory_space<vmem>>
      %dma_start3A_258 = arith.constant 0 : i32
      %dma_start3A_259 = arith.constant 0 : i32
      %dma_start3A_260 = tpu.memref_slice %arg25[%dma_start3A_258, %dma_start3A_259] : memref<165952x8xf32, #tpu.memory_space<vmem_shared>> -> memref<165952x8xf32, #tpu.memory_space<vmem_shared>>
      tpu.enqueue_indirect_dma source(%dma_start3A_260 : memref<165952x8xf32, #tpu.memory_space<vmem_shared>>) target(%dma_start3A_254 : memref<128x8xf32, #tpu.memory_space<vmem>>) offsets(%dma_start3A_257 : memref<128xi32, #tpu.memory_space<vmem>>) semaphore(%arg24 : memref<!tpu.dma_semaphore, #tpu.memory_space<semaphore_mem>>)
      %dma_start3A_261 = arith.constant 2 : i32
      %dma_start3A_262 = arith.constant 256 : i32
      %dma_start3A_263 = arith.constant 0 : i32
      %dma_start3A_264 = tpu.memref_slice %arg18[%dma_start3A_262, %dma_start3A_263] : memref<384x8xf32, #tpu.memory_space<vmem>> -> memref<128x8xf32, #tpu.memory_space<vmem>>
      %dma_start3A_265 = arith.constant 0 : i32
      %dma_start3A_266 = tpu.memref_slice %arg15[%dma_start3A_261, %dma_start3A_265] : memref<3x128xi32, #tpu.memory_space<vmem>> -> memref<1x128xi32, #tpu.memory_space<vmem>>
      %dma_start3A_267 = tpu.memref_squeeze %dma_start3A_266 : memref<1x128xi32, #tpu.memory_space<vmem>> -> memref<128xi32, #tpu.memory_space<vmem>>
      %dma_start3A_268 = arith.constant 0 : i32
      %dma_start3A_269 = arith.constant 0 : i32
      %dma_start3A_270 = tpu.memref_slice %arg25[%dma_start3A_268, %dma_start3A_269] : memref<165952x8xf32, #tpu.memory_space<vmem_shared>> -> memref<165952x8xf32, #tpu.memory_space<vmem_shared>>
      tpu.enqueue_indirect_dma source(%dma_start3A_270 : memref<165952x8xf32, #tpu.memory_space<vmem_shared>>) target(%dma_start3A_264 : memref<128x8xf32, #tpu.memory_space<vmem>>) offsets(%dma_start3A_267 : memref<128xi32, #tpu.memory_space<vmem>>) semaphore(%arg24 : memref<!tpu.dma_semaphore, #tpu.memory_space<semaphore_mem>>)
      %dma_start3A_271 = arith.constant 2 : i32
      %dma_start3A_272 = arith.constant 256 : i32
      %dma_start3A_273 = arith.constant 0 : i32
      %dma_start3A_274 = tpu.memref_slice %arg13[%dma_start3A_272, %dma_start3A_273] : memref<384x8xf32, #tpu.memory_space<vmem>> -> memref<128x8xf32, #tpu.memory_space<vmem>>
      %dma_start3A_275 = arith.constant 0 : i32
      %dma_start3A_276 = tpu.memref_slice %arg16[%dma_start3A_271, %dma_start3A_275] : memref<3x128xi32, #tpu.memory_space<vmem>> -> memref<1x128xi32, #tpu.memory_space<vmem>>
      %dma_start3A_277 = tpu.memref_squeeze %dma_start3A_276 : memref<1x128xi32, #tpu.memory_space<vmem>> -> memref<128xi32, #tpu.memory_space<vmem>>
      %dma_start3A_278 = arith.constant 0 : i32
      %dma_start3A_279 = arith.constant 0 : i32
      %dma_start3A_280 = tpu.memref_slice %arg25[%dma_start3A_278, %dma_start3A_279] : memref<165952x8xf32, #tpu.memory_space<vmem_shared>> -> memref<165952x8xf32, #tpu.memory_space<vmem_shared>>
      tpu.enqueue_indirect_dma source(%dma_start3A_280 : memref<165952x8xf32, #tpu.memory_space<vmem_shared>>) target(%dma_start3A_274 : memref<128x8xf32, #tpu.memory_space<vmem>>) offsets(%dma_start3A_277 : memref<128xi32, #tpu.memory_space<vmem>>) semaphore(%arg24 : memref<!tpu.dma_semaphore, #tpu.memory_space<semaphore_mem>>)
      %dma_wait3A_281 = arith.constant 0 : i32
      %dma_wait3A_282 = arith.constant 0 : i32
      %dma_wait3A_283 = arith.constant 0 : i32
      %dma_wait3A_284 = tpu.memref_slice %arg18[%dma_wait3A_282, %dma_wait3A_283] : memref<384x8xf32, #tpu.memory_space<vmem>> -> memref<128x8xf32, #tpu.memory_space<vmem>>
      %dma_wait3A_285 = arith.constant 0 : i32
      %dma_wait3A_286 = tpu.memref_slice %arg15[%dma_wait3A_281, %dma_wait3A_285] : memref<3x128xi32, #tpu.memory_space<vmem>> -> memref<1x128xi32, #tpu.memory_space<vmem>>
      %dma_wait3A_287 = tpu.memref_squeeze %dma_wait3A_286 : memref<1x128xi32, #tpu.memory_space<vmem>> -> memref<128xi32, #tpu.memory_space<vmem>>
      %dma_wait3A_288 = arith.constant 0 : i32
      %dma_wait3A_289 = arith.constant 0 : i32
      %dma_wait3A_290 = tpu.memref_slice %arg25[%dma_wait3A_288, %dma_wait3A_289] : memref<165952x8xf32, #tpu.memory_space<vmem_shared>> -> memref<165952x8xf32, #tpu.memory_space<vmem_shared>>
      tpu.wait_indirect_dma semaphore(%arg24 : memref<!tpu.dma_semaphore, #tpu.memory_space<semaphore_mem>>) src(%dma_wait3A_290 : memref<165952x8xf32, #tpu.memory_space<vmem_shared>>) dst(%dma_wait3A_284 : memref<128x8xf32, #tpu.memory_space<vmem>>)
      %dma_wait3A_291 = arith.constant 0 : i32
      %dma_wait3A_292 = arith.constant 0 : i32
      %dma_wait3A_293 = arith.constant 0 : i32
      %dma_wait3A_294 = tpu.memref_slice %arg13[%dma_wait3A_292, %dma_wait3A_293] : memref<384x8xf32, #tpu.memory_space<vmem>> -> memref<128x8xf32, #tpu.memory_space<vmem>>
      %dma_wait3A_295 = arith.constant 0 : i32
      %dma_wait3A_296 = tpu.memref_slice %arg16[%dma_wait3A_291, %dma_wait3A_295] : memref<3x128xi32, #tpu.memory_space<vmem>> -> memref<1x128xi32, #tpu.memory_space<vmem>>
      %dma_wait3A_297 = tpu.memref_squeeze %dma_wait3A_296 : memref<1x128xi32, #tpu.memory_space<vmem>> -> memref<128xi32, #tpu.memory_space<vmem>>
      %dma_wait3A_298 = arith.constant 0 : i32
      %dma_wait3A_299 = arith.constant 0 : i32
      %dma_wait3A_300 = tpu.memref_slice %arg25[%dma_wait3A_298, %dma_wait3A_299] : memref<165952x8xf32, #tpu.memory_space<vmem_shared>> -> memref<165952x8xf32, #tpu.memory_space<vmem_shared>>
      tpu.wait_indirect_dma semaphore(%arg24 : memref<!tpu.dma_semaphore, #tpu.memory_space<semaphore_mem>>) src(%dma_wait3A_300 : memref<165952x8xf32, #tpu.memory_space<vmem_shared>>) dst(%dma_wait3A_294 : memref<128x8xf32, #tpu.memory_space<vmem>>)
      %dma_wait3A_301 = arith.constant 1 : i32
      %dma_wait3A_302 = arith.constant 128 : i32
      %dma_wait3A_303 = arith.constant 0 : i32
      %dma_wait3A_304 = tpu.memref_slice %arg18[%dma_wait3A_302, %dma_wait3A_303] : memref<384x8xf32, #tpu.memory_space<vmem>> -> memref<128x8xf32, #tpu.memory_space<vmem>>
      %dma_wait3A_305 = arith.constant 0 : i32
      %dma_wait3A_306 = tpu.memref_slice %arg15[%dma_wait3A_301, %dma_wait3A_305] : memref<3x128xi32, #tpu.memory_space<vmem>> -> memref<1x128xi32, #tpu.memory_space<vmem>>
      %dma_wait3A_307 = tpu.memref_squeeze %dma_wait3A_306 : memref<1x128xi32, #tpu.memory_space<vmem>> -> memref<128xi32, #tpu.memory_space<vmem>>
      %dma_wait3A_308 = arith.constant 0 : i32
      %dma_wait3A_309 = arith.constant 0 : i32
      %dma_wait3A_310 = tpu.memref_slice %arg25[%dma_wait3A_308, %dma_wait3A_309] : memref<165952x8xf32, #tpu.memory_space<vmem_shared>> -> memref<165952x8xf32, #tpu.memory_space<vmem_shared>>
      tpu.wait_indirect_dma semaphore(%arg24 : memref<!tpu.dma_semaphore, #tpu.memory_space<semaphore_mem>>) src(%dma_wait3A_310 : memref<165952x8xf32, #tpu.memory_space<vmem_shared>>) dst(%dma_wait3A_304 : memref<128x8xf32, #tpu.memory_space<vmem>>)
      %dma_wait3A_311 = arith.constant 1 : i32
      %dma_wait3A_312 = arith.constant 128 : i32
      %dma_wait3A_313 = arith.constant 0 : i32
      %dma_wait3A_314 = tpu.memref_slice %arg13[%dma_wait3A_312, %dma_wait3A_313] : memref<384x8xf32, #tpu.memory_space<vmem>> -> memref<128x8xf32, #tpu.memory_space<vmem>>
      %dma_wait3A_315 = arith.constant 0 : i32
      %dma_wait3A_316 = tpu.memref_slice %arg16[%dma_wait3A_311, %dma_wait3A_315] : memref<3x128xi32, #tpu.memory_space<vmem>> -> memref<1x128xi32, #tpu.memory_space<vmem>>
      %dma_wait3A_317 = tpu.memref_squeeze %dma_wait3A_316 : memref<1x128xi32, #tpu.memory_space<vmem>> -> memref<128xi32, #tpu.memory_space<vmem>>
      %dma_wait3A_318 = arith.constant 0 : i32
      %dma_wait3A_319 = arith.constant 0 : i32
      %dma_wait3A_320 = tpu.memref_slice %arg25[%dma_wait3A_318, %dma_wait3A_319] : memref<165952x8xf32, #tpu.memory_space<vmem_shared>> -> memref<165952x8xf32, #tpu.memory_space<vmem_shared>>
      tpu.wait_indirect_dma semaphore(%arg24 : memref<!tpu.dma_semaphore, #tpu.memory_space<semaphore_mem>>) src(%dma_wait3A_320 : memref<165952x8xf32, #tpu.memory_space<vmem_shared>>) dst(%dma_wait3A_314 : memref<128x8xf32, #tpu.memory_space<vmem>>)
      %dma_wait3A_321 = arith.constant 2 : i32
      %dma_wait3A_322 = arith.constant 256 : i32
      %dma_wait3A_323 = arith.constant 0 : i32
      %dma_wait3A_324 = tpu.memref_slice %arg18[%dma_wait3A_322, %dma_wait3A_323] : memref<384x8xf32, #tpu.memory_space<vmem>> -> memref<128x8xf32, #tpu.memory_space<vmem>>
      %dma_wait3A_325 = arith.constant 0 : i32
      %dma_wait3A_326 = tpu.memref_slice %arg15[%dma_wait3A_321, %dma_wait3A_325] : memref<3x128xi32, #tpu.memory_space<vmem>> -> memref<1x128xi32, #tpu.memory_space<vmem>>
      %dma_wait3A_327 = tpu.memref_squeeze %dma_wait3A_326 : memref<1x128xi32, #tpu.memory_space<vmem>> -> memref<128xi32, #tpu.memory_space<vmem>>
      %dma_wait3A_328 = arith.constant 0 : i32
      %dma_wait3A_329 = arith.constant 0 : i32
      %dma_wait3A_330 = tpu.memref_slice %arg25[%dma_wait3A_328, %dma_wait3A_329] : memref<165952x8xf32, #tpu.memory_space<vmem_shared>> -> memref<165952x8xf32, #tpu.memory_space<vmem_shared>>
      tpu.wait_indirect_dma semaphore(%arg24 : memref<!tpu.dma_semaphore, #tpu.memory_space<semaphore_mem>>) src(%dma_wait3A_330 : memref<165952x8xf32, #tpu.memory_space<vmem_shared>>) dst(%dma_wait3A_324 : memref<128x8xf32, #tpu.memory_space<vmem>>)
      %dma_wait3A_331 = arith.constant 2 : i32
      %dma_wait3A_332 = arith.constant 256 : i32
      %dma_wait3A_333 = arith.constant 0 : i32
      %dma_wait3A_334 = tpu.memref_slice %arg13[%dma_wait3A_332, %dma_wait3A_333] : memref<384x8xf32, #tpu.memory_space<vmem>> -> memref<128x8xf32, #tpu.memory_space<vmem>>
      %dma_wait3A_335 = arith.constant 0 : i32
      %dma_wait3A_336 = tpu.memref_slice %arg16[%dma_wait3A_331, %dma_wait3A_335] : memref<3x128xi32, #tpu.memory_space<vmem>> -> memref<1x128xi32, #tpu.memory_space<vmem>>
      %dma_wait3A_337 = tpu.memref_squeeze %dma_wait3A_336 : memref<1x128xi32, #tpu.memory_space<vmem>> -> memref<128xi32, #tpu.memory_space<vmem>>
      %dma_wait3A_338 = arith.constant 0 : i32
      %dma_wait3A_339 = arith.constant 0 : i32
      %dma_wait3A_340 = tpu.memref_slice %arg25[%dma_wait3A_338, %dma_wait3A_339] : memref<165952x8xf32, #tpu.memory_space<vmem_shared>> -> memref<165952x8xf32, #tpu.memory_space<vmem_shared>>
      tpu.wait_indirect_dma semaphore(%arg24 : memref<!tpu.dma_semaphore, #tpu.memory_space<semaphore_mem>>) src(%dma_wait3A_340 : memref<165952x8xf32, #tpu.memory_space<vmem_shared>>) dst(%dma_wait3A_334 : memref<128x8xf32, #tpu.memory_space<vmem>>)
      %scan3A_341 = arith.constant 0 : i32
      %scan3A_342 = arith.constant 24 : i32
      %scan3A_343 = arith.addi %scan3A_341, %scan3A_342 : i32
      %scan3A_344 = arith.constant 1 : i32
      %scan3A_345:2 = scf.for %scan3A_347 = %scan3A_341 to %scan3A_343 step %scan3A_344 iter_args(%scan3A_348 = %while3A_186, %scan3A_349 = %while3A_187) -> (vector<16xf32>, vector<16xf32>)  : i32 {
        %mul3A_350 = arith.constant 16 : i32
        %mul3A_351 = arith.muli %scan3A_347, %mul3A_350 : i32
        %add3A_352 = vector.broadcast %mul3A_351 : i32 to vector<16xi32>
        %add3A_353 = arith.addi %add3A_352, %iota3A : vector<16xi32>
        %broadcast_in_dim3A_354 = arith.constant 0 : i32
        %broadcast_in_dim3A_355 = vector.broadcast %broadcast_in_dim3A_354 : i32 to vector<16xi32>
        %gather3A = tpu.vector_load_idx %arg9[%add3A_353, %broadcast_in_dim3A_355] : memref<384x3xi32, #tpu.memory_space<vmem>>[vector<16xi32>, vector<16xi32>], vector<16xi32>,
        %broadcast_in_dim3A_356 = arith.constant 1 : i32
        %broadcast_in_dim3A_357 = vector.broadcast %broadcast_in_dim3A_356 : i32 to vector<16xi32>
        %gather3A_358 = tpu.vector_load_idx %arg9[%add3A_353, %broadcast_in_dim3A_357] : memref<384x3xi32, #tpu.memory_space<vmem>>[vector<16xi32>, vector<16xi32>], vector<16xi32>,
        %broadcast_in_dim3A_359 = arith.constant 2 : i32
        %broadcast_in_dim3A_360 = vector.broadcast %broadcast_in_dim3A_359 : i32 to vector<16xi32>
        %gather3A_361 = tpu.vector_load_idx %arg9[%add3A_353, %broadcast_in_dim3A_360] : memref<384x3xi32, #tpu.memory_space<vmem>>[vector<16xi32>, vector<16xi32>], vector<16xi32>,
        %mul3A_362 = arith.constant 16 : i32
        %mul3A_363 = arith.muli %scan3A_347, %mul3A_362 : i32
        %get3A_364 = arith.index_cast %mul3A_363 : i32 to index
        %get3A_365 = tpu.vector_load %arg10[%get3A_364] {strides = array<i32>} : memref<384xi32, #tpu.memory_space<vmem>>, vector<16xi32>,
        %mul3A_366 = arith.constant 16 : i32
        %mul3A_367 = arith.muli %scan3A_347, %mul3A_366 : i32
        %get3A_368 = arith.index_cast %mul3A_367 : i32 to index
        %get3A_369 = tpu.vector_load %arg11[%get3A_368] {strides = array<i32>} : memref<384xi32, #tpu.memory_space<vmem>>, vector<16xi32>,
        %add3A_370 = vector.broadcast %min3A_192 : i32 to vector<16xi32>
        %add3A_371 = arith.addi %add3A_370, %add3A_353 : vector<16xi32>
        %sub3A_372 = vector.broadcast %mul3A_124 : i32 to vector<16xi32>
        %sub3A_373 = arith.subi %get3A_369, %sub3A_372 : vector<16xi32>
        %ge3A = vector.broadcast %add3A_190 : i32 to vector<16xi32>
        %ge3A_374 = arith.cmpi sge, %add3A_371, %ge3A : vector<16xi32>
        %lt3A = vector.broadcast %min3A : i32 to vector<16xi32>
        %lt3A_375 = arith.cmpi slt, %add3A_371, %lt3A : vector<16xi32>
        %and3A_376 = arith.andi %ge3A_374, %lt3A_375 : vector<16xi1>
        %ge3A_377 = arith.constant 0 : i32
        %ge3A_378 = vector.broadcast %ge3A_377 : i32 to vector<16xi32>
        %ge3A_379 = arith.cmpi sge, %sub3A_373, %ge3A_378 : vector<16xi32>
        %and3A_380 = arith.andi %and3A_376, %ge3A_379 : vector<16xi1>
        %lt3A_381 = arith.constant 4 : i32
        %lt3A_382 = vector.broadcast %lt3A_381 : i32 to vector<16xi32>
        %lt3A_383 = arith.cmpi slt, %sub3A_373, %lt3A_382 : vector<16xi32>
        %and3A_384 = arith.andi %and3A_380, %lt3A_383 : vector<16xi1>
        %shift_right_arithmetic3A = arith.constant 3 : i32
        %shift_right_arithmetic3A_385 = vector.broadcast %shift_right_arithmetic3A : i32 to vector<16xi32>
        %shift_right_arithmetic3A_386 = arith.shrsi %gather3A, %shift_right_arithmetic3A_385 : vector<16xi32>
        %shift_right_arithmetic3A_387 = arith.constant 3 : i32
        %shift_right_arithmetic3A_388 = vector.broadcast %shift_right_arithmetic3A_387 : i32 to vector<16xi32>
        %shift_right_arithmetic3A_389 = arith.shrsi %gather3A_358, %shift_right_arithmetic3A_388 : vector<16xi32>
        %shift_right_arithmetic3A_390 = arith.constant 3 : i32
        %shift_right_arithmetic3A_391 = vector.broadcast %shift_right_arithmetic3A_390 : i32 to vector<16xi32>
        %shift_right_arithmetic3A_392 = arith.shrsi %gather3A_361, %shift_right_arithmetic3A_391 : vector<16xi32>
        %mul3A_393 = arith.constant 16 : i32
        %mul3A_394 = vector.broadcast %mul3A_393 : i32 to vector<16xi32>
        %mul3A_395 = arith.muli %shift_right_arithmetic3A_386, %mul3A_394 : vector<16xi32>
        %add3A_396 = arith.addi %mul3A_395, %shift_right_arithmetic3A_389 : vector<16xi32>
        %mul3A_397 = arith.constant 16 : i32
        %mul3A_398 = vector.broadcast %mul3A_397 : i32 to vector<16xi32>
        %mul3A_399 = arith.muli %add3A_396, %mul3A_398 : vector<16xi32>
        %add3A_400 = arith.addi %mul3A_399, %shift_right_arithmetic3A_392 : vector<16xi32>
        %mul3A_401 = arith.constant 4096 : i32
        %mul3A_402 = vector.broadcast %mul3A_401 : i32 to vector<16xi32>
        %mul3A_403 = arith.muli %sub3A_373, %mul3A_402 : vector<16xi32>
        %add3A_404 = arith.addi %mul3A_403, %add3A_400 : vector<16xi32>
        %and3A_405 = arith.constant 1 : i32
        %and3A_406 = vector.broadcast %and3A_405 : i32 to vector<16xi32>
        %and3A_407 = arith.andi %get3A_365, %and3A_406 : vector<16xi32>
        %mul3A_408 = arith.constant 4 : i32
        %mul3A_409 = vector.broadcast %mul3A_408 : i32 to vector<16xi32>
        %mul3A_410 = arith.muli %and3A_407, %mul3A_409 : vector<16xi32>
        %mul3A_411 = arith.constant 10 : i32
        %mul3A_412 = vector.broadcast %mul3A_411 : i32 to vector<16xi32>
        %mul3A_413 = arith.muli %add3A_404, %mul3A_412 : vector<16xi32>
        %shift_right_arithmetic3A_414 = arith.constant 1 : i32
        %shift_right_arithmetic3A_415 = vector.broadcast %shift_right_arithmetic3A_414 : i32 to vector<16xi32>
        %shift_right_arithmetic3A_416 = arith.shrsi %get3A_365, %shift_right_arithmetic3A_415 : vector<16xi32>
        %add3A_417 = arith.addi %mul3A_413, %shift_right_arithmetic3A_416 : vector<16xi32>
        %mul3A_418 = arith.constant 20 : i32
        %mul3A_419 = vector.broadcast %mul3A_418 : i32 to vector<16xi32>
        %mul3A_420 = arith.muli %sub3A_373, %mul3A_419 : vector<16xi32>
        %add3A_421 = arith.addi %mul3A_420, %get3A_365 : vector<16xi32>
        %shift_right_arithmetic3A_422 = arith.constant 1 : i32
        %shift_right_arithmetic3A_423 = vector.broadcast %shift_right_arithmetic3A_422 : i32 to vector<16xi32>
        %shift_right_arithmetic3A_424 = arith.shrsi %add3A_421, %shift_right_arithmetic3A_423 : vector<16xi32>
        %add3A_425 = arith.constant 163848 : i32
        %add3A_426 = vector.broadcast %add3A_425 : i32 to vector<16xi32>
        %add3A_427 = arith.addi %add3A_426, %shift_right_arithmetic3A_424 : vector<16xi32>
        %shift_right_arithmetic3A_428 = arith.constant 3 : i32
        %shift_right_arithmetic3A_429 = vector.broadcast %shift_right_arithmetic3A_428 : i32 to vector<16xi32>
        %shift_right_arithmetic3A_430 = arith.shrsi %add3A_404, %shift_right_arithmetic3A_429 : vector<16xi32>
        %add3A_431 = arith.constant 163888 : i32
        %add3A_432 = vector.broadcast %add3A_431 : i32 to vector<16xi32>
        %add3A_433 = arith.addi %add3A_432, %shift_right_arithmetic3A_430 : vector<16xi32>
        %and3A_434 = arith.constant 7 : i32
        %and3A_435 = vector.broadcast %and3A_434 : i32 to vector<16xi32>
        %and3A_436 = arith.andi %add3A_404, %and3A_435 : vector<16xi32>
        %broadcast_in_dim3A_437 = arith.constant 0 : i32
        %broadcast_in_dim3A_438 = vector.broadcast %broadcast_in_dim3A_437 : i32 to vector<16xi32>
        %gather3A_439 = tpu.vector_load_idx %arg12[%add3A_353, %broadcast_in_dim3A_438] : memref<384x3xf32, #tpu.memory_space<vmem>>[vector<16xi32>, vector<16xi32>], vector<16xf32>,
        %broadcast_in_dim3A_440 = arith.constant 1 : i32
        %broadcast_in_dim3A_441 = vector.broadcast %broadcast_in_dim3A_440 : i32 to vector<16xi32>
        %gather3A_442 = tpu.vector_load_idx %arg12[%add3A_353, %broadcast_in_dim3A_441] : memref<384x3xf32, #tpu.memory_space<vmem>>[vector<16xi32>, vector<16xi32>], vector<16xf32>,
        %broadcast_in_dim3A_443 = arith.constant 2 : i32
        %broadcast_in_dim3A_444 = vector.broadcast %broadcast_in_dim3A_443 : i32 to vector<16xi32>
        %gather3A_445 = tpu.vector_load_idx %arg12[%add3A_353, %broadcast_in_dim3A_444] : memref<384x3xf32, #tpu.memory_space<vmem>>[vector<16xi32>, vector<16xi32>], vector<16xf32>,
        %gather3A_446 = tpu.vector_load_idx %arg18[%add3A_353, %mul3A_410] : memref<384x8xf32, #tpu.memory_space<vmem>>[vector<16xi32>, vector<16xi32>], vector<16xf32>,
        %add3A_447 = arith.constant 1 : i32
        %add3A_448 = vector.broadcast %add3A_447 : i32 to vector<16xi32>
        %add3A_449 = arith.addi %mul3A_410, %add3A_448 : vector<16xi32>
        %gather3A_450 = tpu.vector_load_idx %arg18[%add3A_353, %add3A_449] : memref<384x8xf32, #tpu.memory_space<vmem>>[vector<16xi32>, vector<16xi32>], vector<16xf32>,
        %add3A_451 = arith.constant 2 : i32
        %add3A_452 = vector.broadcast %add3A_451 : i32 to vector<16xi32>
        %add3A_453 = arith.addi %mul3A_410, %add3A_452 : vector<16xi32>
        %gather3A_454 = tpu.vector_load_idx %arg18[%add3A_353, %add3A_453] : memref<384x8xf32, #tpu.memory_space<vmem>>[vector<16xi32>, vector<16xi32>], vector<16xf32>,
        %add3A_455 = arith.constant 3 : i32
        %add3A_456 = vector.broadcast %add3A_455 : i32 to vector<16xi32>
        %add3A_457 = arith.addi %mul3A_410, %add3A_456 : vector<16xi32>
        %gather3A_458 = tpu.vector_load_idx %arg18[%add3A_353, %add3A_457] : memref<384x8xf32, #tpu.memory_space<vmem>>[vector<16xi32>, vector<16xi32>], vector<16xf32>,
        %gather3A_459 = tpu.vector_load_idx %arg13[%add3A_353, %and3A_436] : memref<384x8xf32, #tpu.memory_space<vmem>>[vector<16xi32>, vector<16xi32>], vector<16xf32>,
        %sub3A_460 = arith.constant 163848 : i32
        %sub3A_461 = vector.broadcast %sub3A_460 : i32 to vector<16xi32>
        %sub3A_462 = arith.subi %add3A_427, %sub3A_461 : vector<16xi32>
        %jit3A_463 = arith.constant 0 : i32
        %broadcast_in_dim3A_464 = vector.broadcast %jit3A_463 : i32 to vector<16xi32>
        %select_n3A_465 = arith.select %and3A_384, %sub3A_462, %broadcast_in_dim3A_464 : vector<16xi1>, vector<16xi32>
        %gather3A_466 = tpu.vector_load_idx %arg19[%select_n3A_465, %mul3A_410] : memref<48x8xf32, #tpu.memory_space<vmem>>[vector<16xi32>, vector<16xi32>], vector<16xf32>,
        %add3A_467 = arith.constant 1 : i32
        %add3A_468 = vector.broadcast %add3A_467 : i32 to vector<16xi32>
        %add3A_469 = arith.addi %mul3A_410, %add3A_468 : vector<16xi32>
        %gather3A_470 = tpu.vector_load_idx %arg19[%select_n3A_465, %add3A_469] : memref<48x8xf32, #tpu.memory_space<vmem>>[vector<16xi32>, vector<16xi32>], vector<16xf32>,
        %add3A_471 = arith.constant 2 : i32
        %add3A_472 = vector.broadcast %add3A_471 : i32 to vector<16xi32>
        %add3A_473 = arith.addi %mul3A_410, %add3A_472 : vector<16xi32>
        %gather3A_474 = tpu.vector_load_idx %arg19[%select_n3A_465, %add3A_473] : memref<48x8xf32, #tpu.memory_space<vmem>>[vector<16xi32>, vector<16xi32>], vector<16xf32>,
        %add3A_475 = arith.constant 3 : i32
        %add3A_476 = vector.broadcast %add3A_475 : i32 to vector<16xi32>
        %add3A_477 = arith.addi %mul3A_410, %add3A_476 : vector<16xi32>
        %gather3A_478 = tpu.vector_load_idx %arg19[%select_n3A_465, %add3A_477] : memref<48x8xf32, #tpu.memory_space<vmem>>[vector<16xi32>, vector<16xi32>], vector<16xf32>,
        %max3A_479 = arith.constant 1.000000e+00 : f32
        %max3A_480 = vector.broadcast %max3A_479 : f32 to vector<16xf32>
        %max3A_481 = arith.maximumf %gather3A_458, %max3A_480 : vector<16xf32>
        %max3A_482 = arith.constant 1.000000e+00 : f32
        %max3A_483 = vector.broadcast %max3A_482 : f32 to vector<16xf32>
        %max3A_484 = arith.maximumf %gather3A_478, %max3A_483 : vector<16xf32>
        %eq3A_485 = arith.cmpf oeq, %gather3A_458, %gather3A_459 : vector<16xf32>
        %div3A_486 = arith.divf %gather3A_446, %max3A_481 : vector<16xf32>
        %div3A_487 = arith.divf %gather3A_466, %max3A_484 : vector<16xf32>
        %select_n3A_488 = arith.select %eq3A_485, %div3A_486, %div3A_487 : vector<16xi1>, vector<16xf32>
        %div3A_489 = arith.divf %gather3A_450, %max3A_481 : vector<16xf32>
        %div3A_490 = arith.divf %gather3A_470, %max3A_484 : vector<16xf32>
        %select_n3A_491 = arith.select %eq3A_485, %div3A_489, %div3A_490 : vector<16xi1>, vector<16xf32>
        %div3A_492 = arith.divf %gather3A_454, %max3A_481 : vector<16xf32>
        %div3A_493 = arith.divf %gather3A_474, %max3A_484 : vector<16xf32>
        %select_n3A_494 = arith.select %eq3A_485, %div3A_492, %div3A_493 : vector<16xi1>, vector<16xf32>
        %convert_element_type3A = arith.sitofp %gather3A : vector<16xi32> to vector<16xf32>
        %sub3A_495 = arith.subf %select_n3A_488, %convert_element_type3A : vector<16xf32>
        %convert_element_type3A_496 = arith.sitofp %gather3A_358 : vector<16xi32> to vector<16xf32>
        %sub3A_497 = arith.subf %select_n3A_491, %convert_element_type3A_496 : vector<16xf32>
        %convert_element_type3A_498 = arith.sitofp %gather3A_361 : vector<16xi32> to vector<16xf32>
        %sub3A_499 = arith.subf %select_n3A_494, %convert_element_type3A_498 : vector<16xf32>
        %sub3A_500 = arith.subf %gather3A_439, %sub3A_495 : vector<16xf32>
        %sub3A_501 = arith.subf %gather3A_442, %sub3A_497 : vector<16xf32>
        %sub3A_502 = arith.subf %gather3A_445, %sub3A_499 : vector<16xf32>
        %abs3A = math.absf %sub3A_500 : vector<16xf32>
        %abs3A_503 = math.absf %sub3A_501 : vector<16xf32>
        %abs3A_504 = math.absf %sub3A_502 : vector<16xf32>
        %lt3A_505 = arith.constant 1.000000e+00 : f32
        %lt3A_506 = vector.broadcast %lt3A_505 : f32 to vector<16xf32>
        %lt3A_507 = arith.cmpf olt, %abs3A, %lt3A_506 : vector<16xf32>
        %mul3A_508 = arith.constant 5.000000e-01 : f32
        %mul3A_509 = vector.broadcast %mul3A_508 : f32 to vector<16xf32>
        %mul3A_510 = arith.mulf %mul3A_509, %abs3A : vector<16xf32>
        %mul3A_511 = arith.mulf %mul3A_510, %abs3A : vector<16xf32>
        %sub3A_512 = arith.constant 5.000000e-01 : f32
        %sub3A_513 = vector.broadcast %sub3A_512 : f32 to vector<16xf32>
        %sub3A_514 = arith.subf %abs3A, %sub3A_513 : vector<16xf32>
        %select_n3A_515 = arith.select %lt3A_507, %mul3A_511, %sub3A_514 : vector<16xi1>, vector<16xf32>
        %lt3A_516 = arith.constant 1.000000e+00 : f32
        %lt3A_517 = vector.broadcast %lt3A_516 : f32 to vector<16xf32>
        %lt3A_518 = arith.cmpf olt, %abs3A_503, %lt3A_517 : vector<16xf32>
        %mul3A_519 = arith.constant 5.000000e-01 : f32
        %mul3A_520 = vector.broadcast %mul3A_519 : f32 to vector<16xf32>
        %mul3A_521 = arith.mulf %mul3A_520, %abs3A_503 : vector<16xf32>
        %mul3A_522 = arith.mulf %mul3A_521, %abs3A_503 : vector<16xf32>
        %sub3A_523 = arith.constant 5.000000e-01 : f32
        %sub3A_524 = vector.broadcast %sub3A_523 : f32 to vector<16xf32>
        %sub3A_525 = arith.subf %abs3A_503, %sub3A_524 : vector<16xf32>
        %select_n3A_526 = arith.select %lt3A_518, %mul3A_522, %sub3A_525 : vector<16xi1>, vector<16xf32>
        %add3A_527 = arith.addf %select_n3A_515, %select_n3A_526 : vector<16xf32>
        %lt3A_528 = arith.constant 1.000000e+00 : f32
        %lt3A_529 = vector.broadcast %lt3A_528 : f32 to vector<16xf32>
        %lt3A_530 = arith.cmpf olt, %abs3A_504, %lt3A_529 : vector<16xf32>
        %mul3A_531 = arith.constant 5.000000e-01 : f32
        %mul3A_532 = vector.broadcast %mul3A_531 : f32 to vector<16xf32>
        %mul3A_533 = arith.mulf %mul3A_532, %abs3A_504 : vector<16xf32>
        %mul3A_534 = arith.mulf %mul3A_533, %abs3A_504 : vector<16xf32>
        %sub3A_535 = arith.constant 5.000000e-01 : f32
        %sub3A_536 = vector.broadcast %sub3A_535 : f32 to vector<16xf32>
        %sub3A_537 = arith.subf %abs3A_504, %sub3A_536 : vector<16xf32>
        %select_n3A_538 = arith.select %lt3A_530, %mul3A_534, %sub3A_537 : vector<16xi1>, vector<16xf32>
        %add3A_539 = arith.addf %add3A_527, %select_n3A_538 : vector<16xf32>
        %mul3A_540 = arith.mulf %gather3A_439, %gather3A_439 : vector<16xf32>
        %mul3A_541 = arith.mulf %gather3A_442, %gather3A_442 : vector<16xf32>
        %add3A_542 = arith.addf %mul3A_540, %mul3A_541 : vector<16xf32>
        %mul3A_543 = arith.mulf %gather3A_445, %gather3A_445 : vector<16xf32>
        %add3A_544 = arith.addf %add3A_542, %mul3A_543 : vector<16xf32>
        %mul3A_545 = arith.mulf %sub3A_495, %sub3A_495 : vector<16xf32>
        %mul3A_546 = arith.mulf %sub3A_497, %sub3A_497 : vector<16xf32>
        %add3A_547 = arith.addf %mul3A_545, %mul3A_546 : vector<16xf32>
        %mul3A_548 = arith.mulf %sub3A_499, %sub3A_499 : vector<16xf32>
        %add3A_549 = arith.addf %add3A_547, %mul3A_548 : vector<16xf32>
        %bitcast_convert_type3A = tpu.bitcast %add3A_544 : vector<16xf32> -> vector<16xi32>
        %shift_right_arithmetic3A_550 = arith.constant 1 : i32
        %shift_right_arithmetic3A_551 = vector.broadcast %shift_right_arithmetic3A_550 : i32 to vector<16xi32>
        %shift_right_arithmetic3A_552 = arith.shrsi %bitcast_convert_type3A, %shift_right_arithmetic3A_551 : vector<16xi32>
        %sub3A_553 = arith.constant 1597463007 : i32
        %sub3A_554 = vector.broadcast %sub3A_553 : i32 to vector<16xi32>
        %sub3A_555 = arith.subi %sub3A_554, %shift_right_arithmetic3A_552 : vector<16xi32>
        %bitcast_convert_type3A_556 = tpu.bitcast %sub3A_555 : vector<16xi32> -> vector<16xf32>
        %mul3A_557 = arith.constant 5.000000e-01 : f32
        %mul3A_558 = vector.broadcast %mul3A_557 : f32 to vector<16xf32>
        %mul3A_559 = arith.mulf %mul3A_558, %add3A_544 : vector<16xf32>
        %mul3A_560 = arith.mulf %mul3A_559, %bitcast_convert_type3A_556 : vector<16xf32>
        %mul3A_561 = arith.mulf %mul3A_560, %bitcast_convert_type3A_556 : vector<16xf32>
        %sub3A_562 = arith.constant 1.500000e+00 : f32
        %sub3A_563 = vector.broadcast %sub3A_562 : f32 to vector<16xf32>
        %sub3A_564 = arith.subf %sub3A_563, %mul3A_561 : vector<16xf32>
        %mul3A_565 = arith.mulf %bitcast_convert_type3A_556, %sub3A_564 : vector<16xf32>
        %mul3A_566 = arith.mulf %mul3A_559, %mul3A_565 : vector<16xf32>
        %mul3A_567 = arith.mulf %mul3A_566, %mul3A_565 : vector<16xf32>
        %sub3A_568 = arith.constant 1.500000e+00 : f32
        %sub3A_569 = vector.broadcast %sub3A_568 : f32 to vector<16xf32>
        %sub3A_570 = arith.subf %sub3A_569, %mul3A_567 : vector<16xf32>
        %mul3A_571 = arith.mulf %mul3A_565, %sub3A_570 : vector<16xf32>
        %mul3A_572 = arith.mulf %mul3A_559, %mul3A_571 : vector<16xf32>
        %mul3A_573 = arith.mulf %mul3A_572, %mul3A_571 : vector<16xf32>
        %sub3A_574 = arith.constant 1.500000e+00 : f32
        %sub3A_575 = vector.broadcast %sub3A_574 : f32 to vector<16xf32>
        %sub3A_576 = arith.subf %sub3A_575, %mul3A_573 : vector<16xf32>
        %mul3A_577 = arith.mulf %mul3A_571, %sub3A_576 : vector<16xf32>
        %bitcast_convert_type3A_578 = tpu.bitcast %add3A_549 : vector<16xf32> -> vector<16xi32>
        %shift_right_arithmetic3A_579 = arith.constant 1 : i32
        %shift_right_arithmetic3A_580 = vector.broadcast %shift_right_arithmetic3A_579 : i32 to vector<16xi32>
        %shift_right_arithmetic3A_581 = arith.shrsi %bitcast_convert_type3A_578, %shift_right_arithmetic3A_580 : vector<16xi32>
        %sub3A_582 = arith.constant 1597463007 : i32
        %sub3A_583 = vector.broadcast %sub3A_582 : i32 to vector<16xi32>
        %sub3A_584 = arith.subi %sub3A_583, %shift_right_arithmetic3A_581 : vector<16xi32>
        %bitcast_convert_type3A_585 = tpu.bitcast %sub3A_584 : vector<16xi32> -> vector<16xf32>
        %mul3A_586 = arith.constant 5.000000e-01 : f32
        %mul3A_587 = vector.broadcast %mul3A_586 : f32 to vector<16xf32>
        %mul3A_588 = arith.mulf %mul3A_587, %add3A_549 : vector<16xf32>
        %mul3A_589 = arith.mulf %mul3A_588, %bitcast_convert_type3A_585 : vector<16xf32>
        %mul3A_590 = arith.mulf %mul3A_589, %bitcast_convert_type3A_585 : vector<16xf32>
        %sub3A_591 = arith.constant 1.500000e+00 : f32
        %sub3A_592 = vector.broadcast %sub3A_591 : f32 to vector<16xf32>
        %sub3A_593 = arith.subf %sub3A_592, %mul3A_590 : vector<16xf32>
        %mul3A_594 = arith.mulf %bitcast_convert_type3A_585, %sub3A_593 : vector<16xf32>
        %mul3A_595 = arith.mulf %mul3A_588, %mul3A_594 : vector<16xf32>
        %mul3A_596 = arith.mulf %mul3A_595, %mul3A_594 : vector<16xf32>
        %sub3A_597 = arith.constant 1.500000e+00 : f32
        %sub3A_598 = vector.broadcast %sub3A_597 : f32 to vector<16xf32>
        %sub3A_599 = arith.subf %sub3A_598, %mul3A_596 : vector<16xf32>
        %mul3A_600 = arith.mulf %mul3A_594, %sub3A_599 : vector<16xf32>
        %mul3A_601 = arith.mulf %mul3A_588, %mul3A_600 : vector<16xf32>
        %mul3A_602 = arith.mulf %mul3A_601, %mul3A_600 : vector<16xf32>
        %sub3A_603 = arith.constant 1.500000e+00 : f32
        %sub3A_604 = vector.broadcast %sub3A_603 : f32 to vector<16xf32>
        %sub3A_605 = arith.subf %sub3A_604, %mul3A_602 : vector<16xf32>
        %mul3A_606 = arith.mulf %mul3A_600, %sub3A_605 : vector<16xf32>
        %mul3A_607 = arith.mulf %add3A_544, %mul3A_577 : vector<16xf32>
        %gt3A = arith.constant 9.99999974E-5 : f32
        %gt3A_608 = vector.broadcast %gt3A : f32 to vector<16xf32>
        %gt3A_609 = arith.cmpf ogt, %mul3A_607, %gt3A_608 : vector<16xf32>
        %jit3A_610 = arith.constant 1.000000e+04 : f32
        %broadcast_in_dim3A_611 = vector.broadcast %jit3A_610 : f32 to vector<16xf32>
        %select_n3A_612 = arith.select %gt3A_609, %mul3A_577, %broadcast_in_dim3A_611 : vector<16xi1>, vector<16xf32>
        %mul3A_613 = arith.mulf %add3A_549, %mul3A_606 : vector<16xf32>
        %gt3A_614 = arith.constant 9.99999974E-5 : f32
        %gt3A_615 = vector.broadcast %gt3A_614 : f32 to vector<16xf32>
        %gt3A_616 = arith.cmpf ogt, %mul3A_613, %gt3A_615 : vector<16xf32>
        %jit3A_617 = arith.constant 1.000000e+04 : f32
        %broadcast_in_dim3A_618 = vector.broadcast %jit3A_617 : f32 to vector<16xf32>
        %select_n3A_619 = arith.select %gt3A_616, %mul3A_606, %broadcast_in_dim3A_618 : vector<16xi1>, vector<16xf32>
        %mul3A_620 = arith.mulf %gather3A_439, %sub3A_495 : vector<16xf32>
        %mul3A_621 = arith.mulf %gather3A_442, %sub3A_497 : vector<16xf32>
        %add3A_622 = arith.addf %mul3A_620, %mul3A_621 : vector<16xf32>
        %mul3A_623 = arith.mulf %gather3A_445, %sub3A_499 : vector<16xf32>
        %add3A_624 = arith.addf %add3A_622, %mul3A_623 : vector<16xf32>
        %mul3A_625 = arith.mulf %add3A_624, %select_n3A_612 : vector<16xf32>
        %mul3A_626 = arith.mulf %mul3A_625, %select_n3A_619 : vector<16xf32>
        %jit3A_627 = arith.constant -1.000000e+00 : f32
        %jit3A_628 = arith.constant 1.000000e+00 : f32
        %max3A_629 = vector.broadcast %jit3A_627 : f32 to vector<16xf32>
        %max3A_630 = arith.maximumf %max3A_629, %mul3A_626 : vector<16xf32>
        %min3A_631 = vector.broadcast %jit3A_628 : f32 to vector<16xf32>
        %min3A_632 = arith.minimumf %min3A_631, %max3A_630 : vector<16xf32>
        %select_n3A_633 = arith.select %and3A_384, %add3A_539, %broadcast_in_dim3A_1 : vector<16xi1>, vector<16xf32>
        %add3A_634 = arith.addf %scan3A_348, %select_n3A_633 : vector<16xf32>
        %sub3A_635 = arith.constant 1.000000e+00 : f32
        %sub3A_636 = vector.broadcast %sub3A_635 : f32 to vector<16xf32>
        %sub3A_637 = arith.subf %sub3A_636, %min3A_632 : vector<16xf32>
        %select_n3A_638 = arith.select %and3A_384, %sub3A_637, %broadcast_in_dim3A_1 : vector<16xi1>, vector<16xf32>
        %add3A_639 = arith.addf %scan3A_349, %select_n3A_638 : vector<16xf32>
        scf.yield %add3A_634, %add3A_639 : vector<16xf32>, vector<16xf32>
      }
      %scan3A_346 = arith.constant 24 : i32
      scf.yield %scan3A_345#0, %scan3A_345#1 : vector<16xf32>, vector<16xf32>
    }
    %reduce_sum3A = arith.constant true
    %reduce_sum3A_162 = vector.broadcast %reduce_sum3A : i1 to vector<16xi1>
    %reduce_sum3A_163 = tpu.scan <sum>, %while3A_161#0 masked %reduce_sum3A_162 : vector<16xf32>, vector<16xi1> -> vector<16xf32>
    %reduce_sum3A_164 = vector.extract %reduce_sum3A_163[15] : f32 from vector<16xf32>
    %reduce_sum3A_165 = arith.constant true
    %reduce_sum3A_166 = vector.broadcast %reduce_sum3A_165 : i1 to vector<16xi1>
    %reduce_sum3A_167 = tpu.scan <sum>, %while3A_161#1 masked %reduce_sum3A_166 : vector<16xf32>, vector<16xi1> -> vector<16xf32>
    %reduce_sum3A_168 = vector.extract %reduce_sum3A_167[15] : f32 from vector<16xf32>
    %eq3A_169 = arith.constant 0 : i32
    %eq3A_170 = vector.broadcast %eq3A_169 : i32 to vector<16xi32>
    %eq3A_171 = arith.cmpi eq, %iota3A, %eq3A_170 : vector<16xi32>
    %eq3A_172 = arith.constant 1 : i32
    %eq3A_173 = vector.broadcast %eq3A_172 : i32 to vector<16xi32>
    %eq3A_174 = arith.cmpi eq, %iota3A, %eq3A_173 : vector<16xi32>
    %jit3A_175 = arith.constant 0.000000e+00 : f32
    %broadcast_in_dim3A_176 = vector.broadcast %reduce_sum3A_168 : f32 to vector<16xf32>
    %broadcast_in_dim3A_177 = vector.broadcast %jit3A_175 : f32 to vector<16xf32>
    %select_n3A_178 = arith.select %eq3A_174, %broadcast_in_dim3A_176, %broadcast_in_dim3A_177 : vector<16xi1>, vector<16xf32>
    %broadcast_in_dim3A_179 = vector.broadcast %reduce_sum3A_164 : f32 to vector<16xf32>
    %select_n3A_180 = arith.select %eq3A_171, %broadcast_in_dim3A_179, %select_n3A_178 : vector<16xi1>, vector<16xf32>
    %swap3A_181 = arith.constant 0 : index
    %swap3A_182 = tpu.vector_load %arg22[%swap3A_181] {strides = array<i32>} : memref<16xf32, #tpu.memory_space<vmem>>, vector<16xf32>,
    tpu.vector_store %arg22[%swap3A_181], %select_n3A_180 {strides = array<i32>} : memref<16xf32, #tpu.memory_space<vmem>>, vector<16xf32>,
    %mul3A_183 = arith.constant 8 : i32
    %mul3A_184 = arith.muli %add3A, %mul3A_183 : i32
    "tpu.region"() ({
      %run_scoped3A = tpu.sem_alloc : memref<!tpu.dma_semaphore, #tpu.memory_space<semaphore_mem>>
      %dma_start3A = arith.constant 0 : i32
      %dma_start3A_185 = tpu.memref_slice %arg22[%dma_start3A] : memref<16xf32, #tpu.memory_space<vmem>> -> memref<8xf32, #tpu.memory_space<vmem>>
      %dma_start3A_186 = tpu.memref_slice %arg8[%mul3A_184] : memref<256xf32, #tpu.memory_space<hbm>> -> memref<8xf32, #tpu.memory_space<hbm>>
      %dma_start3A_187 = tpu.memref_slice %arg8[%mul3A_184] : memref<256xf32, #tpu.memory_space<hbm>> -> memref<8xf32, #tpu.memory_space<hbm>>
      %dma_start3A_188 = arith.constant 0 : i32
      %dma_start3A_189 = tpu.memref_slice %arg22[%dma_start3A_188] : memref<16xf32, #tpu.memory_space<vmem>> -> memref<8xf32, #tpu.memory_space<vmem>>
      tpu.enqueue_dma source(%dma_start3A_189 : memref<8xf32, #tpu.memory_space<vmem>>) target(%dma_start3A_187 : memref<8xf32, #tpu.memory_space<hbm>>) target_semaphore(%run_scoped3A : memref<!tpu.dma_semaphore, #tpu.memory_space<semaphore_mem>>)
      %dma_wait3A = arith.constant 0 : i32
      %dma_wait3A_190 = tpu.memref_slice %arg22[%dma_wait3A] : memref<16xf32, #tpu.memory_space<vmem>> -> memref<8xf32, #tpu.memory_space<vmem>>
      %dma_wait3A_191 = tpu.memref_slice %arg8[%mul3A_184] : memref<256xf32, #tpu.memory_space<hbm>> -> memref<8xf32, #tpu.memory_space<hbm>>
      %dma_wait3A_192 = tpu.memref_slice %arg8[%mul3A_184] : memref<256xf32, #tpu.memory_space<hbm>> -> memref<8xf32, #tpu.memory_space<hbm>>
      %dma_wait3A_193 = arith.constant 0 : i32
      %dma_wait3A_194 = tpu.memref_slice %arg22[%dma_wait3A_193] : memref<16xf32, #tpu.memory_space<vmem>> -> memref<8xf32, #tpu.memory_space<vmem>>
      tpu.wait_dma2 semaphore(%run_scoped3A : memref<!tpu.dma_semaphore, #tpu.memory_space<semaphore_mem>>) src(%dma_wait3A_194 : memref<8xf32, #tpu.memory_space<vmem>>) dst(%dma_wait3A_192 : memref<8xf32, #tpu.memory_space<hbm>>)
      tpu.yield
    }) : () -> ()
    return
  }
}

</mosaic_0001>

<sc_bundles>
// kernel: kernel.3.cloned.1.call-start
scs
__scs_entry_jumppad:
0x0: {  	(pc) =	sbr.rel $0x88, $3  }
0x1: {  	(tag) =	ssettag $0x0;
	lr =	simm.s32 $0x1  }
0x2: {  	[smem:$0x3F9D] =	sst lr;
	_ =	strace $0xD0000000  }
0x3: {  	_ = 	snop  }
0x4: {  	_ = 	snop  }
0x5: {  	_ = 	snop  }
0x6: {  	_ = 	snop  }
0x7: {  	_ = 	snop  }
__scs_overlays_trampoline_lowered:
0x8: {  	[smem:$0x3FAC] =	sst s0  }
0x9: {  	[smem:$0x3FAD] =	sst s1  }
0xa: {  	[smem:$0x3FAE] =	sst s2  }
0xb: {  	[smem:$0x3FAF] =	sst s3  }
0xc: {  	[smem:$0x3FB0] =	sst s4  }
0xd: {  	[smem:$0x3FB1] =	sst s5  }
0xe: {  	[smem:$0x3FB2] =	sst s6  }
0xf: {  	[smem:$0x3FB3] =	sst s7  }
0x10: {  	[smem:$0x3FB4] =	sst s8  }
0x11: {  	[smem:$0x3FB5] =	sst s9;
	s0 =	simm.s32 @!p0 $0x0  }
0x12: {  	s1 =	sld [smem:$0x3F9B];
	s0 =	simm.s32 @p0 $0x1  }
0x13: {  	[smem:$0x3FB6] =	sst s0;
	s0 =	simm.s32 @!p1 $0x0  }
0x14: {  	s2 =	sld [smem:$0x3F9A];
	s0 =	simm.s32 @p1 $0x1  }
0x15: {  	[smem:$0x3FB7] =	sst s0;
	s0 =	simm.s32 @!p2 $0x0  }
0x16: {  	s3 =	sld [smem:$0x3FDB];
	s0 =	simm.s32 @p2 $0x1  }
0x17: {  	s4 =	simm.s32 $0x1BF5;
	[smem:$0x3FB9] =	sst s0  }
0x18: {  	s0 =	sld [smem:$0x3F9C];
	_ =	swait.ge [sflag:s4], $0x0  }
0x19: {  	s7 =	sld [smem:$0x3F9D]  }
0x1a: {  	s8 =	sadd.s32 $0xFFFFE003, lr  }
0x1b: {  	s9 =	sadd.s32 $0xFFFFFEF7, lr;
	s5 =	simm.s32 $0xFFFFFFFF;
	p2 =	slt.u32 s8, $0xFFFFF086  }
0x1c: {  	p1 =	slt.u32 s9, $0xF7A;
	s5 =	simm.s32 @!p2 $0x0  }
0x1d: {  	s5 =	simm.s32 @p1 $0x1;
	p0 =	seq.s32 s7, s2  }
0x1e: {  	s7 =	smul.u32 @!p0 $0xF7A, s2;
	p2 =	seq.s32 @!p0 s5, $0x0  }
0x1f: {  	s9 =	smul.u32 $0xF7A, s1;
	s8 =	simm.s32 @!p0 $0x1BF5;
	p2 =	por !p2, p0  }
0x20: {  	[sflag:s8] =	ssyncset.s32 @!p0 $0xFFFFF086;
	s6 =	sadd.s32 @!p0 s3, s7;
	s7 =	simm.s32 @!p0 $0x108  }
0x21: {  	s3 =	sadd.s32 s3, s9;
	s6 =	sadd.s32 @!p0 $0x88, s6;
	s7 =	simm.s32 @p2 $0x1082  }
0x22: {  	[simem:s7], [sflag:s8] =	dma.local @!p0 [hbm:s6], $0xF7A  }
0x23: {  	s9 =	sor.u32 $0xD0000000, s2;
	s6 =	simm.s32 $0x108;
	_ =	swait.ge @!p0 [sflag:s8], $0x0  }
0x24: {  	s3 =	sadd.s32 $0x88, s3;
	s6 =	simm.s32 @!p1 $0x1082;
	[sflag:s4] =	ssyncset.s32 $0xFFFFF086  }
0x25: {  	[simem:s6], [sflag:s4] =	dma.local [hbm:s3], $0xF7A  }
0x26: {  	[smem:$0x3F9D] =	sst s1;
	(tag) =	ssettag s2;
	_ =	strace s9  }
0x27: {  	s1 =	sld [smem:$0x3FAD]  }
0x28: {  	s2 =	sld [smem:$0x3FAE]  }
0x29: {  	s4 =	sld [smem:$0x3FB0]  }
0x2a: {  	p0 =	seq.s32 s5, $0x0;
	s5 =	sld [smem:$0x3FB1]  }
0x2b: {  	s6 =	sld [smem:$0x3FB2]  }
0x2c: {  	s7 =	sld [smem:$0x3FB3]  }
0x2d: {  	s3 =	simm.s32 $0x108;
	s8 =	sld [smem:$0x3FB4]  }
0x2e: {  	s3 =	simm.s32 @!p0 $0x1082;
	s9 =	sld [smem:$0x3FB5]  }
0x2f: {  	lr =	sadd.s32 s0, s3;
	s0 =	sld [smem:$0x3FAC]  }
0x30: {  	s3 =	sld [smem:$0x3FAF]  }
0x31: {  	[smem:$0x3FB8] =	sst s10  }
0x32: {  	s10 =	sld [smem:$0x3FB6];
	_ =	sdelay $0x3  }
0x33: {  	p0 =	seq.s32 s10, $0x1;
	s10 =	sld [smem:$0x3FB8];
	_ =	sdelay $0x3  }
0x34: {  	[smem:$0x3FB8] =	sst s10  }
0x35: {  	s10 =	sld [smem:$0x3FB7];
	_ =	sdelay $0x3  }
0x36: {  	p1 =	seq.s32 s10, $0x1;
	s10 =	sld [smem:$0x3FB8];
	_ =	sdelay $0x3  }
0x37: {  	[smem:$0x3FB8] =	sst s10  }
0x38: {  	s10 =	sld [smem:$0x3FB9]  }
0x39: {  	_ = 	snop;
	(pc) =	sbr.ind lr, $3  }
0x3a: {  	_ = 	snop  }
0x3b: {  	_ = 	snop  }
0x3c: {  	p2 =	seq.s32 s10, $0x1;
	s10 =	sld [smem:$0x3FB8]  }
0x3d: {  	_ =	shalt  }
0x3e: {  	_ =	shalt  }
0x3f: {  	_ =	shalt  }
0x40: {  	_ =	shalt  }
0x41: {  	_ =	shalt  }
0x42: {  	_ =	shalt  }
0x43: {  	_ =	shalt  }
0x44: {  	_ =	shalt  }
0x45: {  	_ =	shalt  }
0x46: {  	_ =	shalt  }
0x47: {  	_ =	shalt  }
0x48: {  	_ =	shalt  }
0x49: {  	_ =	shalt  }
0x4a: {  	_ =	shalt  }
0x4b: {  	_ =	shalt  }
0x4c: {  	_ =	shalt  }
0x4d: {  	_ =	shalt  }
0x4e: {  	_ =	shalt  }
0x4f: {  	_ =	shalt  }
0x50: {  	_ =	shalt  }
0x51: {  	_ =	shalt  }
0x52: {  	_ =	shalt  }
0x53: {  	_ =	shalt  }
0x54: {  	_ =	shalt  }
0x55: {  	_ =	shalt  }
0x56: {  	_ =	shalt  }
0x57: {  	_ =	shalt  }
0x58: {  	_ =	shalt  }
0x59: {  	_ =	shalt  }
0x5a: {  	_ =	shalt  }
0x5b: {  	_ =	shalt  }
0x5c: {  	_ =	shalt  }
0x5d: {  	_ =	shalt  }
0x5e: {  	_ =	shalt  }
0x5f: {  	_ =	shalt  }
0x60: {  	_ =	shalt  }
0x61: {  	_ =	shalt  }
0x62: {  	_ =	shalt  }
0x63: {  	_ =	shalt  }
0x64: {  	_ =	shalt  }
0x65: {  	_ =	shalt  }
0x66: {  	_ =	shalt  }
0x67: {  	_ =	shalt  }
0x68: {  	_ =	shalt  }
0x69: {  	_ =	shalt  }
0x6a: {  	_ =	shalt  }
0x6b: {  	_ =	shalt  }
0x6c: {  	_ =	shalt  }
0x6d: {  	_ =	shalt  }
0x6e: {  	_ =	shalt  }
0x6f: {  	_ =	shalt  }
0x70: {  	_ =	shalt  }
0x71: {  	_ =	shalt  }
0x72: {  	_ =	shalt  }
0x73: {  	_ =	shalt  }
0x74: {  	_ =	shalt  }
0x75: {  	_ =	shalt  }
0x76: {  	_ =	shalt  }
0x77: {  	_ =	shalt  }
0x78: {  	_ =	shalt  }
0x79: {  	_ =	shalt  }
0x7a: {  	_ =	shalt  }
0x7b: {  	_ =	shalt  }
0x7c: {  	_ =	shalt  }
0x7d: {  	_ =	shalt  }
0x7e: {  	_ =	shalt  }
0x7f: {  	_ =	shalt  }
0x80: {  	_ =	shalt  }
0x81: {  	_ =	shalt  }
0x82: {  	_ =	shalt  }
0x83: {  	_ =	shalt  }
0x84: {  	_ =	shalt  }
0x85: {  	_ =	shalt  }
0x86: {  	_ =	shalt  }
0x87: {  	_ =	shalt  }
.Lfunc_end0:
.L_simem_size_0:
called_computation_lowered:
.L_overlay_start_0:
0x88: {  	s2 =	sld [smem:$0x3FD9]  }
0x89: {  	s3 =	sld [smem:$0x3FFE];
	_ =	sdelay $0x1  }
0x8a: {  	s1 =	srdreg.scid  }
0x8b: {  	s0 =	sand.u32 $0x1, s1  }
0x8c: {  	s14 =	sshll.u32 s0, $0xA;
	s2 =	sadd.s32 s3, s2  }
0x8d: {  	s2 =	sadd.s32 s2, s14  }
0x8e: {  	[smem:$0x3FC4] =	sst s2  }
0x8f: {  	_ = 	snop  }
0x90: {  	s2 =	sld [smem:$0x3FD0];
	_ =	sdelay $0x1  }
0x91: {  	s15 =	sld [smem:$0x3FC7]  }
0x92: {  	s5 =	simm.s32 $0xA;
	s6 =	simm.s32 $0x10;
	s4 =	sld [smem:$0x3FC6]  }
0x93: {  	[smem:s6], [sflag:s5] =	dma.local [hbm:s2], $0x1  }
0x94: {  	_ =	swait.eq [sflag:s5], $0x1  }
0x95: {  	[sflag:s5] =	ssyncset.done $0x0  }
0x96: {  	[sflag:s5] =	ssyncadd.s32 $0xFFFFFFFF  }
0x97: {  	s16 =	sld [smem:$0x11];
	(tm) =	ssettm $0x1  }
0x98: {  	s17 =	sld [smem:$0x3FFB];
	_ =	sdelay $0x3  }
0x99: {  	_ =	strace s17  }
0x9a: {  	s5 =	sld [smem:$0x3FFC];
	_ =	sdelay $0x3  }
0x9b: {  	_ =	strace s5  }
0x9c: {  	s5 =	sld [smem:$0x3FFD];
	_ =	sdelay $0x3  }
0x9d: {  	_ =	strace s5  }
0x9e: {  	_ =	strace $0x8FFFFFFF  }
0x9f: {  	s18 =	sld [smem:$0x3FDB];
	_ =	sdelay $0x1  }
0xa0: {  	s19 =	simm.s32 $_scs_section_size  }
0xa1: {  	s7 =	simm.s32 $_size__tile_overlayer_lowered;
	s8 =	simm.s32 $_tile_overlayer_lowered  }
0xa2: {  	s22 =	simm.s32 $0x1BFF;
	s21 =	sshll.u32 s8, $0x1;
	s5 =	sadd.s32 s19, s18  }
0xa3: {  	s9 =	simm.s32 $0x0;
	s20 =	sshll.u32 s7, $0x1;
	s7 =	sadd.s32 s21, s5  }
0xa4: {  	[timem:s9], [sflag:s22] =	dma.local [hbm:s7], s20  }
0xa5: {  	_ =	swait.ge [sflag:s22], s20  }
0xa6: {  	s6 =	ssub.s32 $0x0, s20;
	[sflag:s22] =	ssyncset.done $0x0  }
0xa7: {  	[sflag:s22] =	ssyncadd.s32 s6;
	_ =	sdelay $0x1  }
0xa8: {  	s23 =	simm.s32 $0x1B8B  }
0xa9: {  	_ =	swait.ge [sflag:s23], $0x1  }
0xaa: {  	[sflag:s23] =	ssyncset.done $0x0  }
0xab: {  	s25 =	simm.s32 $0x1B8E;
	s24 =	sld [smem:$0x3FFE];
	[sflag:s23] =	ssyncadd.s32 $0xFFFFFFFF  }
0xac: {  	s26 =	simm.s32 $execute0_lowered;
	[smem:$0x3FD2] =	sst s25  }
0xad: {  	s7 =	sshll.u32 s26, $0x1;
	_ =	strace $0x80000046;
	[dreg:$0x1] =	wrdreg $0xFFFFFFFF  }
0xae: {  	s28 =	simm.s32 $_size_execute0_lowered;
	s5 =	sadd.s32 s5, s7;
	[dreg:$0x0] =	wrdreg $0x0  }
0xaf: {  	s7 =	sshll.u32 s28, $0x1;
	[dreg:$0x2] =	wrdreg s5  }
0xb0: {  	[dreg:$0x3] =	wrdreg s7  }
0xb1: {  	[dreg:$0x4] =	wrdreg $0xC0  }
0xb2: {  	_ =	task [dreg:s9], $0x5FFFF  }
0xb3: {  	[dreg:$0x1] =	wrdreg $0xFFFFFFFF  }
0xb4: {  	[dreg:$0x0] =	wrdreg $0x60  }
0xb5: {  	[dreg:$0x2] =	wrdreg s24  }
0xb6: {  	[dreg:$0x3] =	wrdreg s15  }
0xb7: {  	[dreg:$0x4] =	wrdreg s4  }
0xb8: {  	[dreg:$0x5] =	wrdreg s16  }
0xb9: {  	[dreg:$0x6] =	wrdreg $0x45500  }
0xba: {  	[dreg:$0x7] =	wrdreg $0x9  }
0xbb: {  	_ =	task.clear_ibuf [dreg:s9], $0x8FFFF;
	_ =	strace $0x90000046  }
0xbc: {  	s29 =	simm.s32 $0x9;
	_ =	strace $0x80000048  }
0xbd: {  	_ =	swait.ge [sflag:s29], $0x1  }
0xbe: {  	[sflag:s29] =	ssyncadd.s32 $0xFFFFFFFF  }
0xbf: {  	_ =	strace $0x90000048  }
0xc0: {  	_ =	sfence  }
0xc1: {  	s30 =	sld [smem:$0x0];
	_ =	sdelay $0x2  }
0xc2: {  	s31 =	sshll.u32 s1, $0xD;
	s1 =	sshrl.u32 s1, $0x2  }
0xc3: {  	s3 =	sand.u32 $0x4000, s31;
	s1 =	sadd.s32 s1, s30  }
0xc4: {  	s0 =	sor.u32 s3, s0;
	s1 =	sshll.u32 s1, $0x11  }
0xc5: {  	s0 =	sor.u32 s1, s0  }
0xc6: {  	s0 =	sadd.s32 $0x8F2B, s0  }
0xc7: {  	[sflag:s0] =	ssyncadd.remote.s32 $0x1  }
0xc8: {  	_ =	sfence.sel $0xFFFF  }
0xc9: {  	[dreg:$0x0] =	wrdreg $0xFFFFFFFF;
	(pc) =	sbr.abs _section_cstart, $3  }
0xca: {  	[dreg:$0x1] =	wrdreg $0xFFFFFFFF  }
0xcb: {  	_ =	task.clear_ibuf [dreg:s9], $0x2FFFF;
	_ =	strace $0x9FFFFFFF  }
0xcc: {  	(tm) =	ssettm $0x7FFFFFFF  }
0xcd: {  	_ =	shalt  }
tec
execute0_lowered:
.L_overlay_start_1:
0x0: {  	(tag) =	ssettag $0x1  }
0x1: {  	s12 =	rddreg [dreg:$0x0]  }
0x2: {  	s21 =	rddreg [dreg:$0x1]  }
0x3: {  	s22 =	rddreg [dreg:$0x2]  }
0x4: {  	s5 =	rddreg [dreg:$0x4]  }
0x5: {  	s6 =	simm.s32 $0x0;
	s0 =	srdreg.scid;
	s7 =	stileid.u32  }
0x6: {  	s13 =	simm.s32 $0x1B00;
	s14 =	simm.s32 $0x3;
	s15 =	simm.s32 $0x80  }
0x7: {  	s16 =	simm.s32 $0x3300;
	s18 =	simm.s32 $0x1;
	s19 =	simm.s32 $0x2700  }
0x8: {  	s17 =	simm.s32 $0x4380;
	s9 =	simm.s32 $0x3780;
	s20 =	simm.s32 $0x2300  }
0x9: {  	[smem:$0x7FF] =	sst s6;
	s23 =	sadd.s32 $0x186A00, s12;
	s0 =	sand.u32 $0x1, s0  }
0xa: {  	s1 =	sadd.s32 $0x30D400, s12;
	s2 =	sadd.s32 s7, s12;
	s10 =	smul.u32 $0x2884, s7  }
0xb: {  	s7 =	simm.s32 $0xF00;
	_ =	strace $0x80000047;
	[dreg:$0x7] =	wrdreg s1  }
.Ltmp0:
0xc: {  	s30 =	ssub.s32 $0x2, s0;
	s4 =	sshll.u32 s0, $0x4;
	(pc) =	sbr.rel .LBB2_1-.Ltmp0, $4  }
0xd: {  	s31 =	sshll.u32 s0, $0x2;
	s3 =	sshrl.u32 s30, $0x1;
	s2 =	sadd.s32 s4, s2  }
0xe: {  	v1 =	vlaneseq.u32;
	v2 =	vimm.f32 $0.0e+00;
	[dreg:$0x6] =	wrdreg s23;
	s1 =	ssub.s32 s30, s3;
	s2 =	sadd.s32 $0x30D600, s2  }
0xf: {  	vm0 =	vcmask $0x704;
	vm1 =	vcmask $0x3F04;
	v3 =	vadd.s32 $0x28008, v1;
	p0 =	seq.s32 s0, $0x0;
	[dreg:$0x8] =	wrdreg s2;
	s1 =	smax.u32 s1, $0x1  }
0x10: {  	v4 =	vadd.s32 $0x28018, v1;
	v5 =	vadd.s32 $0x28028, v1;
	s4 =	simm.s32 $0x2;
	v0 =	vmov s31;
	[dreg:$0x9] =	wrdreg s1;
	s1 =	simm.s32 $0x0  }
.LBB2_14:
0x11: {  	[bflag:$0x0] =	sbarrier.arrive $0xFFFF  }
0x12: {  	[tilespmem:$0x4500] =	vst v3  }
0x13: {  	[tilespmem:$0x4510] =	vst v4  }
0x14: {  	s0 =	simm.s32 $0x30;
	s1 =	simm.s32 $0x4500;
	[tilespmem:$0x4520] =	vst v5  }
0x15: {  	[tilespmem:s17], [sflag:$0x3] =	stream.indirect.gather [spmem:s5], $0x8, s1, s0, $0xb8;
	[tilespmem:$0x18970] =	vst v63  }
0x16: {  	_ =	swait.ge [sflag:s14], $0x180  }
0x17: {  	[sflag:s14] =	ssyncset.done $0x0  }
0x18: {  	v7 =	vimm.f32 $0.0e+00;
	v10 =	vimm.f32 $0.0e+00;
	[sflag:s14] =	ssyncadd.s32 $0xFFFFFE80  }
.LBB2_15:
0x19: {  	(xrf2) =	vadd.scan.msk.f32 $0xffff, v7  }
0x1a: {  	(xrf2) =	vadd.scan.msk.f32 $0xffff, v10;
	_ =	sdelay $0x8  }
0x1b: {  	v6, _, _ =	vpop (xrf2)  }
0x1c: {  	v7, _, _ =	vpop (xrf2)  }
0x1d: {  	v7 =	vbroadcast v7, $0xF  }
0x1e: {  	v6 =	vbroadcast v6, $0xF  }
0x1f: {  	v7 =	vnsel vm0, $0x0, v7  }
0x20: {  	v6 =	vsel vm1, v7, v6  }
0x21: {  	s0 =	rddreg [dreg:$0x8];
	s1 =	simm.s32 $0x4540;
	[tilespmem:$0x4540] =	vst v6  }
0x22: {  	[hbm4b:s0+s6] =	stream.linear.scatter [tilespmem:s1], [sflag:$0x3], $0x8, $0x38;
	[tilespmem:$0x18970] =	vst v63  }
0x23: {  	_ =	swait.ge [sflag:s14], $0x8  }
0x24: {  	s30 =	rddreg [dreg:$0xa]  }
0x25: {  	s31 =	rddreg [dreg:$0x9];
	s1 =	sadd.s32 $0x1, s30  }
0x26: {  	p1 =	sne.s32 s1, s31  }
.Ltmp1:
0x27: {  	_ = 	snop;
	(pc) =	sbr.rel @!p1 .LBB2_16-.Ltmp1, $3  }
0x28: {  	_ =	sdelay $0x1  }
0x29: {  	[sflag:s14] =	ssyncset.done $0x0  }
0x2a: {  	[sflag:s14] =	ssyncadd.s32 $0xFFFFFFF8  }
.LBB2_1:
0x2b: {  	[dreg:$0xa] =	wrdreg s1  }
0x2c: {  	s0 =	rddreg [dreg:$0x7]  }
0x2d: {  	[tilespmem:s13], [sflag:$0x3] =	stream.linear.gather [hbm4b:s0+s6], $0x400, $0x38;
	[tilespmem:$0x18970] =	vst v63  }
0x2e: {  	s26 =	smin.u32 s6, $0x2804;
	_ =	swait.ge [sflag:s14], $0x400  }
0x2f: {  	s0 =	sadd.s32 s10, s26;
	[sflag:s14] =	ssyncset.done $0x0  }
0x30: {  	v6 =	vadd.s32 s0, v1;
	s2 =	sadd.s32 $0x60, s0;
	[sflag:s14] =	ssyncadd.s32 $0xFFFFFC00  }
0x31: {  	s28 =	sadd.s32 $0x70, s0;
	v7 =	vadd.s32 s2, v1;
	[tilespmem:$0x3300] =	vst v6  }
0x32: {  	s30 =	sadd.s32 $0x40, s0;
	v6 =	vadd.s32 s28, v1;
	[tilespmem:$0x3360] =	vst v7  }
0x33: {  	s29 =	sadd.s32 $0x50, s0;
	v7 =	vadd.s32 s30, v1;
	[tilespmem:$0x3370] =	vst v6  }
0x34: {  	s31 =	sadd.s32 $0x30, s0;
	v6 =	vadd.s32 s29, v1;
	[tilespmem:$0x3340] =	vst v7  }
0x35: {  	s1 =	simm.s32 $0x80;
	s2 =	sadd.s32 $0x20, s0;
	[tilespmem:$0x3350] =	vst v6;
	v6 =	vadd.s32 s31, v1  }
.LBB2_2:
0x36: {  	p1 =	sne.s32 s1, $0x2880;
	s0 =	sadd.s32 $0x10, s0;
	v7 =	vadd.s32 s2, v1;
	[tilespmem:$0x3330] =	vst v6  }
0x37: {  	v6 =	vadd.s32 s0, v1;
	[tilespmem:$0x3320] =	vst v7  }
0x38: {  	[tilespmem:$0x3310] =	vst v6;
	[spmem:s5] =	stream.indirect.scatter [tilespmem:s13], [sflag:$0x3], $0x8, s16, s15, $0xb8  }
0x39: {  	s0 =	smin.u32 s1, $0x2804;
	_ =	swait.ge [sflag:s14], $0x400  }
0x3a: {  	s0 =	sadd.s32 s10, s0;
	[sflag:s14] =	ssyncset.done $0x0  }
0x3b: {  	v6 =	vadd.s32 s0, v1;
	s2 =	sadd.s32 $0x70, s0;
	[sflag:s14] =	ssyncadd.s32 $0xFFFFFC00  }
.Ltmp2:
0x3c: {  	s3 =	sadd.s32 $0x60, s0;
	[tilespmem:$0x3300] =	vst v6;
	v6 =	vadd.s32 s2, v1;
	(pc) =	sbr.rel @p1 .LBB2_2-.Ltmp2, $4  }
0x3d: {  	v7 =	vadd.s32 s3, v1;
	s2 =	sadd.s32 $0x50, s0;
	[tilespmem:$0x3370] =	vst v6  }
0x3e: {  	s3 =	sadd.s32 $0x40, s0;
	v6 =	vadd.s32 s2, v1;
	[tilespmem:$0x3360] =	vst v7  }
0x3f: {  	s8 =	sadd.s32 $0x30, s0;
	v7 =	vadd.s32 s3, v1;
	[tilespmem:$0x3350] =	vst v6  }
0x40: {  	s1 =	sadd.s32 $0x80, s1;
	s2 =	sadd.s32 $0x20, s0;
	v6 =	vadd.s32 s8, v1;
	[tilespmem:$0x3340] =	vst v7  }
0x41: {  	s0 =	sadd.s32 $0x10, s0;
	v7 =	vadd.s32 s2, v1;
	[tilespmem:$0x3330] =	vst v6  }
0x42: {  	v6 =	vadd.s32 s0, v1;
	[tilespmem:$0x3320] =	vst v7  }
0x43: {  	[tilespmem:$0x3310] =	vst v6  }
0x44: {  	[spmem:s5] =	stream.indirect.scatter [tilespmem:s13], [sflag:$0x3], $0x8, s16, s15, $0xb8;
	[tilespmem:$0x18970] =	vst v63  }
0x45: {  	_ =	swait.ge [sflag:s14], $0x400  }
0x46: {  	[sflag:s14] =	ssyncset.done $0x0  }
0x47: {  	[sflag:s14] =	ssyncadd.s32 $0xFFFFFC00  }
0x48: {  	s1 =	simm.s32 $0x4530;
	s29 =	rddreg [dreg:$0x3]  }
0x49: {  	[tilespmem:s1], [sflag:$0x3] =	stream.linear.gather [hbm4b:s29+s6], $0x10, $0x38;
	[tilespmem:$0x18970] =	vst v63  }
0x4a: {  	_ =	swait.ge [sflag:s14], $0x10  }
0x4b: {  	[sflag:s14] =	ssyncset.done $0x0  }
0x4c: {  	[sflag:s14] =	ssyncadd.s32 $0xFFFFFFF0  }
0x4d: {  	v6 =	vld [tilespmem:$0x4530];
	_ =	sdelay $0x4  }
0x4e: {  	(v2sf) =	vpush v6, $0x0;
	_ =	sdelay $0xe  }
0x4f: {  	s30 =	spop (v2sf)  }
0x50: {  	s31 =	sadd.s32 $0x7, s30;
	s11 =	sand.u32 $0x7, s30  }
0x51: {  	p4 =	slt.s32 s30, $0x1;
	s24 =	sshra.s32 s30, $0x1F;
	s8 =	sshra.s32 s31, $0x1F  }
0x52: {  	s3 =	sand.u32 $0x7, s31;
	p1 =	slt.s32 s31, $0x1;
	p3 =	sne.s32 s11, $0x0  }
0x53: {  	s2 =	sshrl.u32 s8, $0x1D;
	p2 =	sne.s32 s3, $0x0;
	s3 =	simm.s32 $0x1  }
0x54: {  	s2 =	sadd.s32 s2, s31;
	p1 =	por !p1, !p2;
	p2 =	por !p4, !p3  }
0x55: {  	s23 =	sshrl.u32 s2, $0x3;
	p1 =	por !p1, !p1;
	s2 =	sshrl.u32 s24, $0x1D  }
0x56: {  	p2 =	por !p2, !p2;
	s0 =	sadd.s32 s2, s30;
	s2 =	simm.s32 $0x1  }
0x57: {  	s3 =	simm.s32 @!p1 $0x0;
	s0 =	sshrl.u32 s0, $0x3;
	s2 =	simm.s32 @!p2 $0x0  }
0x58: {  	s1 =	ssub.s32 s23, s3;
	s2 =	ssub.s32 s0, s2  }
0x59: {  	s0 =	sshll.u32 s1, $0x3;
	s1 =	sshll.u32 s2, $0x3  }
0x5a: {  	s0 =	simm.s32 @!p0 $0x186A00;
	s1 =	simm.s32 @p0 $0x0  }
0x5b: {  	s25 =	ssub.s32 s0, s1  }
0x5c: {  	s2 =	sadd.s32 $0x7F, s25  }
0x5d: {  	s26 =	sshra.s32 s2, $0x1F  }
0x5e: {  	s8 =	sshrl.u32 s26, $0x19  }
0x5f: {  	s2 =	sadd.s32 s8, s2  }
0x60: {  	s2 =	sshra.s32 s2, $0x7  }
0x61: {  	s2 =	sadd.s32 s26, s2  }
0x62: {  	s28 =	stileid.u32;
	s2 =	sshll.u32 s2, $0x3  }
0x63: {  	s3 =	smul.u32 s28, s2;
	_ =	sdelay $0x1  }
0x64: {  	s3 =	sadd.s32 s1, s3  }
0x65: {  	s1 =	sadd.s32 s2, s3  }
0x66: {  	p1 =	slt.s32 s1, s0  }
0x67: {  	s0 =	smov.u32 @p1 s1  }
0x68: {  	s1 =	ssub.s32 s0, s3  }
0x69: {  	p1 =	sgt.s32 s1, $0x0  }
0x6a: {  	s1 =	simm.s32 @!p1 $0x0  }
0x6b: {  	s29 =	sadd.s32 $0x17F, s1  }
0x6c: {  	s30 =	smulhi.u32 $0x2AAAAAAB, s29;
	s31 =	sshra.s32 s29, $0x1F  }
0x6d: {  	s8 =	smul.u32 $0x2AAAAAAB, s31;
	_ =	sdelay $0x1  }
0x6e: {  	[dreg:$0xb] =	wrdreg s3;
	s3 =	sadd.s32 s8, s30  }
0x6f: {  	s8 =	sshrl.u32 s3, $0x1F;
	s3 =	sshra.s32 s3, $0x6  }
0x70: {  	s3 =	sadd.s32 s8, s3  }
0x71: {  	s8 =	smul.u32 $0xFFFFFE80, s3  }
0x72: {  	s1 =	ssub.s32 $0xFFFFFE81, s1  }
0x73: {  	p5 =	slt.s32 s29, $0x0;
	p6 =	sne.s32 s8, s1  }
0x74: {  	p1 =	por !p5, !p6  }
0x75: {  	s1 =	simm.s32 $0x1;
	p1 =	por !p1, !p1  }
0x76: {  	s1 =	simm.s32 @!p1 $0x0  }
0x77: {  	s1 =	ssub.s32 s3, s1  }
0x78: {  	p1 =	slt.s32 s1, $0x1  }
.Ltmp3:
0x79: {  	_ = 	snop;
	(pc) =	sbr.rel @p1 .LBB2_14-.Ltmp3, $3  }
0x7a: {  	_ = 	snop  }
0x7b: {  	[dreg:$0xc] =	wrdreg s1  }
0x7c: {  	[bflag:$0x0] =	sbarrier.arrive $0xFFFF;
	_ =	sdelay $0x1  }
0x7d: {  	v6 =	vmov s0;
	s26 =	simm.s32 $0x0;
	s30 =	simm.s32 $0x0  }
.LBB2_5:
0x7e: {  	s0 =	smul.u32 $0x180, s30  }
0x7f: {  	s1 =	rddreg [dreg:$0xb]  }
0x80: {  	s0 =	sadd.s32 s1, s0  }
0x81: {  	p1 =	slt.s32 s0, $0x186880;
	s1 =	smov.u32 s0  }
0x82: {  	s1 =	simm.s32 @!p1 $0x186880  }
0x83: {  	s2 =	sand.u32 $0x1FFFFFF8, s1  }
0x84: {  	s25 =	sshrl.u32 s1, $0x3;
	s2 =	sadd.s32 s12, s2  }
0x85: {  	[tilespmem:s26], [sflag:$0x1] =	stream.linear.gather [hbm4b:s2+s26], $0xC00, $0x38;
	[tilespmem:$0x18970] =	vst v63  }
0x86: {  	s8 =	simm.s32 $0xC00;
	s3 =	sadd.s32 s21, s25  }
0x87: {  	[tilespmem:s8], [sflag:$0x1] =	stream.linear.gather [hbm4b:s3+s26], $0x180, $0x38;
	[tilespmem:$0x18970] =	vst v63  }
0x88: {  	s28 =	simm.s32 $0xD80;
	s2 =	sadd.s32 s22, s25  }
0x89: {  	[tilespmem:s28], [sflag:$0x1] =	stream.linear.gather [hbm4b:s2+s26], $0x180, $0x38;
	[tilespmem:$0x18970] =	vst v63  }
0x8a: {  	_ =	swait.ge [sflag:s18], $0xC00  }
0x8b: {  	[sflag:s18] =	ssyncset.done $0x0  }
0x8c: {  	[sflag:s18] =	ssyncadd.s32 $0xFFFFF400  }
0x8d: {  	v7 =	vor.u32 s26, v1;
	_ =	swait.ge [sflag:s18], $0x180  }
0x8e: {  	v10 =	vshll.u32 v7, $0x3;
	[sflag:s18] =	ssyncset.done $0x0  }
0x8f: {  	v11 =	vor.u32 $0x1, v10;
	[sflag:s18] =	ssyncadd.s32 $0xFFFFFE80  }
0x90: {  	_ =	swait.ge [sflag:s18], $0x180  }
0x91: {  	v12 =	vor.u32 $0x2, v10;
	v13 =	vmov s1;
	[sflag:s18] =	ssyncset.done $0x0  }
0x92: {  	s31 =	simm.s32 $0x10;
	v14 =	vmov s0;
	v7 =	vadd.s32 v13, v7;
	[sflag:s18] =	ssyncadd.s32 $0xFFFFFE80  }
0x93: {  	s23 =	smov.u32 s12;
	s29 =	smov.u32 s21;
	s24 =	smov.u32 s22;
	vm2 =	vge.s32 v7, v14;
	vm3 =	vlt.s32 v7, v6;
	v7 =	vor.u32 s31, v1;
	v17 =	vld.idx.msk [tilespmem:v10+s6+$0x0], $0xffff  }
0x94: {  	s11 =	simm.s32 $0x3490;
	s0 =	simm.s32 $0x3600;
	s1 =	simm.s32 $0x3480;
	vm2 =	vmand vm2, vm3;
	v8 =	vadd.s32 v13, v7;
	v7 =	vshll.u32 v7, $0x3;
	v15 =	vld.idx.msk [tilespmem:v11+s6+$0x0], $0xffff  }
0x95: {  	s12 =	simm.s32 $0x3300;
	s21 =	simm.s32 $0x3600;
	s25 =	simm.s32 $0x20;
	vm3 =	vmmov vm2;
	vm2 =	vge.s32 v8, v14;
	vm4 =	vlt.s32 v8, v6;
	v18 =	vld [tilespmem:s28+$0x0]  }
0x96: {  	s22 =	simm.s32 $0x3300;
	v9 =	vor.u32 $0x1, v7;
	v8 =	vor.u32 $0x2, v7;
	s3 =	simm.s32 $0xD90;
	vm2 =	vmand vm2, vm4;
	s2 =	simm.s32 $0xC10;
	v16 =	vld.idx.msk [tilespmem:v12+s6+$0x0], $0xffff  }
.LBB2_6:
0x97: {  	s12 =	sadd.s32 $0x10, s12  }
0x98: {  	s0 =	sadd.s32 $0x10, s0;
	s28 =	smov.u32 s25;
	s31 =	sadd.s32 $0x10, s25  }
0x99: {  	p1 =	sne.s32 s25, $0x170;
	v19 =	vld [tilespmem:s8+$0x0];
	s8 =	smov.u32 s2  }
0x9a: {  	v20 =	vshll.u32 v17, $0x1  }
0x9b: {  	v21 =	vshrl.u32 v15, $0x3;
	v20 =	vand.u32 $0xFFFFFF0, v20;
	v18 =	vsub.s32 v18, v0  }
0x9c: {  	v20 =	vadd.s32 v21, v20;
	vm4 =	vlt.u32 v18, $0x4;
	v21 =	vmul.u32 $0x14, v18  }
0x9d: {  	v22 =	vshra.s32 v16, $0x3;
	v20 =	vshll.u32 v20, $0x4  }
0x9e: {  	v18 =	vshll.u32 v18, $0xC;
	v20 =	vadd.s32 v22, v20;
	v23 =	vshra.s32 v19, $0x1  }
0x9f: {  	vm4 =	vmand vm3, vm4;
	v18 =	vadd.s32 v18, v20;
	v20 =	vshll.u32 v19, $0x2  }
0xa0: {  	v19 =	vadd.s32 v19, v21;
	v24 =	vmul.u32 $0xA, v18;
	v18 =	vshra.s32 v18, $0x3  }
0xa1: {  	v20 =	vand.u32 $0x4, v20;
	v19 =	vshra.s32 v19, $0x1;
	v18 =	vadd.s32 $0x28030, v18  }
0xa2: {  	v21 =	vadd.s32 v23, v24;
	v23 =	vor.u32 v10, v20;
	v20 =	vsub.s32 v10, v20  }
0xa3: {  	v19 =	vadd.s32 $0x28008, v19;
	v21 =	vnsel vm4, $0x28000, v21;
	v24 =	vadd.s32 $0x4, v20  }
0xa4: {  	v17 =	vcvt.s32.f32 v17;
	v19 =	vnsel vm4, $0x28000, v19;
	[tilespmem:s22+$0x0] =	vst v21;
	v21 =	vor.u32 $0x1, v23;
	s22 =	smov.u32 s12  }
0xa5: {  	v22 =	vand.u32 $0x7, v22;
	v18 =	vnsel vm4, $0x28830, v18;
	[tilespmem:s21+$0x0] =	vst v19;
	v19 =	vadd.s32 $0x5, v20;
	s21 =	smov.u32 s0  }
0xa6: {  	v15 =	vcvt.s32.f32 v15;
	v17 =	vnsel vm4, $0x0, v17;
	[tilespmem:s1+$0x0] =	vst v18;
	v18 =	vor.u32 $0x2, v23;
	s1 =	smov.u32 s11  }
0xa7: {  	vm5 =	veq.s32 v22, $0x1;
	vm6 =	veq.s32 v22, $0x4;
	[tilespmem:v23+s13+$0x0] =	vst.idx.msk $0xffff, v17;
	v17 =	vadd.s32 $0x6, v20  }
0xa8: {  	v16 =	vcvt.s32.f32 v16;
	v15 =	vnsel vm4, $0x0, v15;
	v20 =	vor.u32 $0x3, v23;
	[tilespmem:v24+s13+$0x0] =	vst.idx.msk $0xffff, v2  }
0xa9: {  	vm3 =	vmmov vm2;
	[tilespmem:v21+s13+$0x0] =	vst.idx.msk $0xffff, v15;
	v15 =	vxor.u32 $0x7, v23  }
0xaa: {  	v16 =	vnsel vm4, $0x0, v16;
	[tilespmem:v19+s13+$0x0] =	vst.idx.msk $0xffff, v2  }
0xab: {  	[tilespmem:v18+s13+$0x0] =	vst.idx.msk $0xffff, v16  }
0xac: {  	v16 =	vsel vm4, $0x3F800000, v2;
	[tilespmem:v17+s13+$0x0] =	vst.idx.msk $0xffff, v2  }
0xad: {  	vm2 =	veq.s32 v22, $0x0;
	v17 =	vor.u32 $0x3, v10;
	v18 =	vnsel vm6, $0x0, v16;
	[tilespmem:v20+s13+$0x0] =	vst.idx.msk $0xffff, v16  }
0xae: {  	v19 =	vor.u32 $0x4, v10;
	[tilespmem:v15+s13+$0x0] =	vst.idx.msk $0xffff, v2;
	v15 =	vnsel vm2, $0x0, v16  }
0xaf: {  	v20 =	vor.u32 $0x5, v10;
	vm2 =	veq.s32 v22, $0x2;
	[tilespmem:v10+s19+$0x0] =	vst.idx.msk $0xffff, v15;
	v15 =	vnsel vm5, $0x0, v16  }
0xb0: {  	v21 =	vor.u32 $0x6, v10;
	[tilespmem:v11+s19+$0x0] =	vst.idx.msk $0xffff, v15;
	v15 =	vnsel vm2, $0x0, v16;
	vm2 =	veq.s32 v22, $0x3;
	v11 =	vmovc v9  }
0xb1: {  	[tilespmem:v12+s19+$0x0] =	vst.idx.msk $0xffff, v15;
	v9 =	vnsel vm2, $0x0, v16;
	v15 =	vor.u32 $0x7, v10;
	v10 =	vmovc v7;
	v12 =	vmov v8  }
0xb2: {  	vm2 =	veq.s32 v22, $0x5;
	[tilespmem:v17+s19+$0x0] =	vst.idx.msk $0xffff, v9  }
0xb3: {  	v7 =	vnsel vm2, $0x0, v16;
	vm2 =	veq.s32 v22, $0x6;
	[tilespmem:v19+s19+$0x0] =	vst.idx.msk $0xffff, v18  }
0xb4: {  	[tilespmem:v20+s19+$0x0] =	vst.idx.msk $0xffff, v7;
	v7 =	vnsel vm2, $0x0, v16;
	vm2 =	veq.s32 v22, $0x7  }
0xb5: {  	[tilespmem:v21+s19+$0x0] =	vst.idx.msk $0xffff, v7;
	v7 =	vnsel vm2, $0x0, v16  }
.Ltmp4:
0xb6: {  	v8 =	vor.u32 s28, v1;
	[tilespmem:v15+s19+$0x0] =	vst.idx.msk $0xffff, v7;
	(pc) =	sbr.rel @p1 .LBB2_6-.Ltmp4, $4  }
0xb7: {  	v7 =	vshll.u32 v8, $0x3;
	v8 =	vadd.s32 v13, v8;
	v17 =	vld.idx.msk [tilespmem:v10+s6+$0x0], $0xffff  }
0xb8: {  	v9 =	vor.u32 $0x1, v7;
	vm2 =	vge.s32 v8, v14;
	vm4 =	vlt.s32 v8, v6;
	v15 =	vld.idx.msk [tilespmem:v11+s6+$0x0], $0xffff  }
0xb9: {  	s2 =	sadd.s32 $0x10, s2;
	vm2 =	vmand vm2, vm4;
	v18 =	vld [tilespmem:s3+$0x0]  }
0xba: {  	s25 =	smov.u32 s31;
	s11 =	sadd.s32 $0x10, s11;
	v8 =	vor.u32 $0x2, v7;
	s3 =	sadd.s32 $0x10, s3;
	v16 =	vld.idx.msk [tilespmem:v12+s6+$0x0], $0xffff  }
0xbb: {  	_ = 	snop  }
0xbc: {  	v13 =	vld [tilespmem:s8+$0x0];
	v14 =	vshll.u32 v17, $0x1  }
0xbd: {  	v19 =	vshrl.u32 v15, $0x3;
	v14 =	vand.u32 $0xFFFFFF0, v14  }
0xbe: {  	v52 =	vcvt.s32.f32 v17;
	v18 =	vsub.s32 v18, v0;
	v14 =	vadd.s32 v19, v14  }
0xbf: {  	vm4 =	vlt.u32 v18, $0x4;
	v20 =	vshra.s32 v16, $0x3;
	v14 =	vshll.u32 v14, $0x4  }
0xc0: {  	v47 =	vmul.u32 $0x14, v18;
	v18 =	vshll.u32 v18, $0xC;
	v14 =	vadd.s32 v20, v14  }
0xc1: {  	v21 =	vshra.s32 v13, $0x1;
	vm3 =	vmand vm3, vm4;
	v14 =	vadd.s32 v18, v14  }
0xc2: {  	v48 =	vshll.u32 v13, $0x2;
	v13 =	vadd.s32 v13, v47;
	v22 =	vmul.u32 $0xA, v14  }
0xc3: {  	v18 =	vand.u32 $0x4, v48;
	v14 =	vshra.s32 v14, $0x3;
	v13 =	vshra.s32 v13, $0x1  }
0xc4: {  	v50 =	vor.u32 v10, v18;
	v18 =	vsub.s32 v10, v18;
	v49 =	vadd.s32 v21, v22  }
0xc5: {  	v13 =	vadd.s32 $0x28008, v13;
	v51 =	vadd.s32 $0x4, v18;
	v19 =	vnsel vm3, $0x28000, v49  }
0xc6: {  	v14 =	vadd.s32 $0x28030, v14;
	v53 =	vor.u32 $0x1, v50;
	v13 =	vnsel vm3, $0x28000, v13;
	[tilespmem:s22+$0x0] =	vst v19  }
0xc7: {  	v55 =	vadd.s32 $0x5, v18;
	v54 =	vnsel vm3, $0x28830, v14;
	[tilespmem:s21+$0x0] =	vst v13  }
0xc8: {  	v57 =	vcvt.s32.f32 v15;
	v56 =	vnsel vm3, $0x0, v52;
	v58 =	vor.u32 $0x2, v50;
	[tilespmem:s1+$0x0] =	vst v54  }
0xc9: {  	v59 =	vadd.s32 $0x6, v18;
	[tilespmem:v50+s13+$0x0] =	vst.idx.msk $0xffff, v56  }
0xca: {  	v60 =	vcvt.s32.f32 v16;
	v15 =	vnsel vm3, $0x0, v57;
	v61 =	vor.u32 $0x3, v50;
	[tilespmem:v51+s13+$0x0] =	vst.idx.msk $0xffff, v2  }
0xcb: {  	v62 =	vxor.u32 $0x7, v50;
	[tilespmem:v53+s13+$0x0] =	vst.idx.msk $0xffff, v15  }
0xcc: {  	v16 =	vnsel vm3, $0x0, v60;
	[tilespmem:v55+s13+$0x0] =	vst.idx.msk $0xffff, v2  }
0xcd: {  	[tilespmem:v58+s13+$0x0] =	vst.idx.msk $0xffff, v16  }
0xce: {  	v63 =	vand.u32 $0x7, v20;
	v21 =	vsel vm3, $0x3F800000, v2;
	[tilespmem:v59+s13+$0x0] =	vst.idx.msk $0xffff, v2  }
0xcf: {  	v22 =	vor.u32 $0x3, v10;
	vm3 =	veq.s32 v63, $0x0;
	[tilespmem:v61+s13+$0x0] =	vst.idx.msk $0xffff, v21  }
0xd0: {  	v24 =	vor.u32 $0x4, v10;
	vm14 =	veq.s32 v63, $0x1;
	v23 =	vnsel vm3, $0x0, v21;
	[tilespmem:v62+s13+$0x0] =	vst.idx.msk $0xffff, v2  }
0xd1: {  	v26 =	vor.u32 $0x5, v10;
	v25 =	vnsel vm14, $0x0, v21;
	vm3 =	veq.s32 v63, $0x2;
	[tilespmem:v10+s19+$0x0] =	vst.idx.msk $0xffff, v23  }
0xd2: {  	v28 =	vor.u32 $0x6, v10;
	v27 =	vnsel vm3, $0x0, v21;
	vm3 =	veq.s32 v63, $0x3;
	[tilespmem:v11+s19+$0x0] =	vst.idx.msk $0xffff, v25  }
0xd3: {  	v30 =	vor.u32 $0x7, v10;
	vm15 =	veq.s32 v63, $0x4;
	v29 =	vnsel vm3, $0x0, v21;
	[tilespmem:v12+s19+$0x0] =	vst.idx.msk $0xffff, v27  }
0xd4: {  	v31 =	vnsel vm15, $0x0, v21;
	vm3 =	veq.s32 v63, $0x5;
	[tilespmem:v22+s19+$0x0] =	vst.idx.msk $0xffff, v29  }
0xd5: {  	v32 =	vnsel vm3, $0x0, v21;
	vm3 =	veq.s32 v63, $0x6;
	[tilespmem:v24+s19+$0x0] =	vst.idx.msk $0xffff, v31  }
0xd6: {  	v33 =	vnsel vm3, $0x0, v21;
	vm3 =	veq.s32 v63, $0x7;
	[tilespmem:v26+s19+$0x0] =	vst.idx.msk $0xffff, v32  }
0xd7: {  	v34 =	vnsel vm3, $0x0, v21;
	[tilespmem:v28+s19+$0x0] =	vst.idx.msk $0xffff, v33  }
0xd8: {  	[tilespmem:v30+s19+$0x0] =	vst.idx.msk $0xffff, v34  }
0xd9: {  	v10 =	vld [tilespmem:s3+$0x0]  }
0xda: {  	v11 =	vld.idx.msk [tilespmem:v7+s6+$0x0], $0xffff  }
0xdb: {  	v12 =	vld.idx.msk [tilespmem:v9+s6+$0x0], $0xffff  }
0xdc: {  	v13 =	vld.idx.msk [tilespmem:v8+s6+$0x0], $0xffff  }
0xdd: {  	v35 =	vld [tilespmem:s2+$0x0];
	_ =	sdelay $0x1  }
0xde: {  	v36 =	vshll.u32 v11, $0x1  }
0xdf: {  	vm2 =	vmmov vm2;
	v37 =	vshrl.u32 v12, $0x3;
	v15 =	vand.u32 $0xFFFFFF0, v36  }
0xe0: {  	v10 =	vsub.s32 v10, v0;
	v39 =	vshra.s32 v13, $0x3;
	v15 =	vadd.s32 v37, v15  }
0xe1: {  	v40 =	vshra.s32 v35, $0x1;
	v38 =	vmul.u32 $0x14, v10;
	v15 =	vshll.u32 v15, $0x4  }
0xe2: {  	vm3 =	vlt.u32 v10, $0x4;
	v10 =	vshll.u32 v10, $0xC;
	v15 =	vadd.s32 v39, v15  }
0xe3: {  	v41 =	vshll.u32 v35, $0x2;
	v14 =	vadd.s32 v35, v38;
	v10 =	vadd.s32 v10, v15  }
0xe4: {  	v11 =	vcvt.s32.f32 v11;
	v14 =	vshra.s32 v14, $0x1;
	v42 =	vmul.u32 $0xA, v10  }
0xe5: {  	vm2 =	vmand vm2, vm3;
	v15 =	vand.u32 $0x4, v41;
	v14 =	vadd.s32 $0x28008, v14  }
0xe6: {  	v44 =	vor.u32 v7, v15;
	v15 =	vsub.s32 v7, v15;
	v43 =	vadd.s32 v40, v42  }
0xe7: {  	s12 =	sadd.s32 $0x10, s12;
	v10 =	vshra.s32 v10, $0x3;
	v45 =	vadd.s32 $0x4, v15;
	v16 =	vnsel vm2, $0x28000, v43  }
0xe8: {  	s0 =	sadd.s32 $0x10, s0;
	v14 =	vnsel vm2, $0x28000, v14;
	v10 =	vadd.s32 $0x28030, v10;
	v46 =	vor.u32 $0x1, v44;
	[tilespmem:s12+$0x0] =	vst v16  }
0xe9: {  	v47 =	vadd.s32 $0x5, v15;
	v10 =	vnsel vm2, $0x28830, v10;
	[tilespmem:s0+$0x0] =	vst v14  }
0xea: {  	v49 =	vcvt.s32.f32 v12;
	v48 =	vnsel vm2, $0x0, v11;
	v50 =	vor.u32 $0x2, v44;
	[tilespmem:s11+$0x0] =	vst v10  }
0xeb: {  	v51 =	vadd.s32 $0x6, v15;
	[tilespmem:v44+s13+$0x0] =	vst.idx.msk $0xffff, v48  }
0xec: {  	v13 =	vcvt.s32.f32 v13;
	v11 =	vnsel vm2, $0x0, v49;
	v52 =	vor.u32 $0x3, v44;
	[tilespmem:v45+s13+$0x0] =	vst.idx.msk $0xffff, v2  }
0xed: {  	v53 =	vxor.u32 $0x7, v44;
	[tilespmem:v46+s13+$0x0] =	vst.idx.msk $0xffff, v11  }
0xee: {  	v13 =	vnsel vm2, $0x0, v13;
	[tilespmem:v47+s13+$0x0] =	vst.idx.msk $0xffff, v2  }
0xef: {  	[tilespmem:v50+s13+$0x0] =	vst.idx.msk $0xffff, v13  }
0xf0: {  	v54 =	vand.u32 $0x7, v39;
	v55 =	vsel vm2, $0x3F800000, v2;
	[tilespmem:v51+s13+$0x0] =	vst.idx.msk $0xffff, v2  }
0xf1: {  	v56 =	vor.u32 $0x3, v7;
	vm2 =	veq.s32 v54, $0x0;
	[tilespmem:v52+s13+$0x0] =	vst.idx.msk $0xffff, v55  }
0xf2: {  	v58 =	vor.u32 $0x4, v7;
	vm3 =	veq.s32 v54, $0x1;
	v57 =	vnsel vm2, $0x0, v55;
	[tilespmem:v53+s13+$0x0] =	vst.idx.msk $0xffff, v2  }
0xf3: {  	v60 =	vor.u32 $0x5, v7;
	v59 =	vnsel vm3, $0x0, v55;
	vm2 =	veq.s32 v54, $0x2;
	[tilespmem:v7+s19+$0x0] =	vst.idx.msk $0xffff, v57  }
0xf4: {  	v62 =	vor.u32 $0x6, v7;
	v61 =	vnsel vm2, $0x0, v55;
	vm2 =	veq.s32 v54, $0x3;
	[tilespmem:v9+s19+$0x0] =	vst.idx.msk $0xffff, v59  }
0xf5: {  	vm3 =	veq.s32 v54, $0x4;
	v7 =	vor.u32 $0x7, v7;
	[tilespmem:v8+s19+$0x0] =	vst.idx.msk $0xffff, v61;
	v8 =	vnsel vm2, $0x0, v55  }
0xf6: {  	v63 =	vnsel vm3, $0x0, v55;
	vm2 =	veq.s32 v54, $0x5;
	[tilespmem:v56+s19+$0x0] =	vst.idx.msk $0xffff, v8  }
0xf7: {  	v8 =	vnsel vm2, $0x0, v55;
	vm2 =	veq.s32 v54, $0x6;
	[tilespmem:v58+s19+$0x0] =	vst.idx.msk $0xffff, v63  }
0xf8: {  	[tilespmem:v60+s19+$0x0] =	vst.idx.msk $0xffff, v8;
	v8 =	vnsel vm2, $0x0, v55;
	vm2 =	veq.s32 v54, $0x7  }
0xf9: {  	[tilespmem:v62+s19+$0x0] =	vst.idx.msk $0xffff, v8;
	v8 =	vnsel vm2, $0x0, v55  }
0xfa: {  	[tilespmem:v7+s19+$0x0] =	vst.idx.msk $0xffff, v8  }
0xfb: {  	[spmem:s5] =	stream.indirect.scatter.add.f32 [tilespmem:s13], [sflag:$0x2], $0x8, s16, s15, $0xb8;
	[tilespmem:$0x18970] =	vst v63  }
0xfc: {  	s21 =	simm.s32 $0x3600  }
0xfd: {  	[spmem:s5] =	stream.indirect.scatter.add.f32 [tilespmem:s13], [sflag:$0x2], $0x8, s21, s15, $0xb8;
	[tilespmem:$0x18970] =	vst v63  }
0xfe: {  	s25 =	simm.s32 $0x3480  }
0xff: {  	[spmem:s5] =	stream.indirect.scatter.add.f32 [tilespmem:s19], [sflag:$0x2], $0x8, s25, s15, $0xb8;
	[tilespmem:$0x18970] =	vst v63  }
0x100: {  	s28 =	simm.s32 $0x3380;
	s31 =	simm.s32 $0x1F00  }
0x101: {  	[spmem:s5] =	stream.indirect.scatter.add.f32 [tilespmem:s31], [sflag:$0x2], $0x8, s28, s15, $0xb8;
	[tilespmem:$0x18970] =	vst v63  }
0x102: {  	s22 =	simm.s32 $0x3680  }
0x103: {  	[spmem:s5] =	stream.indirect.scatter.add.f32 [tilespmem:s31], [sflag:$0x2], $0x8, s22, s15, $0xb8;
	[tilespmem:$0x18970] =	vst v63  }
0x104: {  	s1 =	simm.s32 $0x3500;
	s2 =	simm.s32 $0x2B00  }
0x105: {  	[spmem:s5] =	stream.indirect.scatter.add.f32 [tilespmem:s2], [sflag:$0x2], $0x8, s1, s15, $0xb8;
	[tilespmem:$0x18970] =	vst v63  }
0x106: {  	s8 =	simm.s32 $0x2300;
	s3 =	simm.s32 $0x3400  }
0x107: {  	[spmem:s5] =	stream.indirect.scatter.add.f32 [tilespmem:s8], [sflag:$0x2], $0x8, s3, s15, $0xb8;
	[tilespmem:$0x18970] =	vst v63  }
0x108: {  	s11 =	simm.s32 $0x3700  }
0x109: {  	[spmem:s5] =	stream.indirect.scatter.add.f32 [tilespmem:s8], [sflag:$0x2], $0x8, s11, s15, $0xb8;
	[tilespmem:$0x18970] =	vst v63  }
0x10a: {  	s12 =	simm.s32 $0x3580;
	s21 =	simm.s32 $0x2F00  }
0x10b: {  	[spmem:s5] =	stream.indirect.scatter.add.f32 [tilespmem:s21], [sflag:$0x2], $0x8, s12, s15, $0xb8;
	[tilespmem:$0x18970] =	vst v63  }
0x10c: {  	_ =	swait.ge [sflag:s4], $0x400  }
0x10d: {  	[sflag:s4] =	ssyncset.done $0x0  }
0x10e: {  	[sflag:s4] =	ssyncadd.s32 $0xFFFFFC00  }
0x10f: {  	_ =	swait.ge [sflag:s4], $0x400  }
0x110: {  	[sflag:s4] =	ssyncset.done $0x0  }
0x111: {  	[sflag:s4] =	ssyncadd.s32 $0xFFFFFC00  }
0x112: {  	_ =	swait.ge [sflag:s4], $0x400  }
0x113: {  	[sflag:s4] =	ssyncset.done $0x0  }
0x114: {  	[sflag:s4] =	ssyncadd.s32 $0xFFFFFC00  }
0x115: {  	_ =	swait.ge [sflag:s4], $0x400  }
0x116: {  	[sflag:s4] =	ssyncset.done $0x0  }
0x117: {  	[sflag:s4] =	ssyncadd.s32 $0xFFFFFC00  }
0x118: {  	_ =	swait.ge [sflag:s4], $0x400  }
0x119: {  	[sflag:s4] =	ssyncset.done $0x0  }
0x11a: {  	[sflag:s4] =	ssyncadd.s32 $0xFFFFFC00  }
0x11b: {  	_ =	swait.ge [sflag:s4], $0x400  }
0x11c: {  	[sflag:s4] =	ssyncset.done $0x0  }
0x11d: {  	[sflag:s4] =	ssyncadd.s32 $0xFFFFFC00  }
0x11e: {  	_ =	swait.ge [sflag:s4], $0x400  }
0x11f: {  	[sflag:s4] =	ssyncset.done $0x0  }
0x120: {  	[sflag:s4] =	ssyncadd.s32 $0xFFFFFC00  }
0x121: {  	_ =	swait.ge [sflag:s4], $0x400  }
0x122: {  	[sflag:s4] =	ssyncset.done $0x0  }
0x123: {  	[sflag:s4] =	ssyncadd.s32 $0xFFFFFC00  }
0x124: {  	_ =	swait.ge [sflag:s4], $0x400  }
0x125: {  	s30 =	sadd.s32 $0x1, s30;
	s22 =	rddreg [dreg:$0xc]  }
0x126: {  	p1 =	sne.s32 s30, s22  }
.Ltmp5:
0x127: {  	_ = 	snop;
	(pc) =	sbr.rel @p1 .LBB2_5-.Ltmp5, $3  }
0x128: {  	_ =	sdelay $0x1  }
0x129: {  	s12 =	smov.u32 s23;
	[sflag:s4] =	ssyncset.done $0x0  }
0x12a: {  	s21 =	smov.u32 s29;
	[sflag:s4] =	ssyncadd.s32 $0xFFFFFC00;
	s22 =	smov.u32 s24  }
0x12b: {  	[bflag:$0x0] =	sbarrier.arrive $0xFFFF  }
0x12c: {  	[tilespmem:$0x4500] =	vst v3  }
0x12d: {  	[tilespmem:$0x4510] =	vst v4  }
0x12e: {  	s0 =	simm.s32 $0x30;
	s1 =	simm.s32 $0x4500;
	[tilespmem:$0x4520] =	vst v5  }
0x12f: {  	[tilespmem:s17], [sflag:$0x3] =	stream.indirect.gather [spmem:s5], $0x8, s1, s0, $0xb8;
	[tilespmem:$0x18970] =	vst v63  }
0x130: {  	s26 =	simm.s32 $0x0;
	_ =	swait.ge [sflag:s14], $0x180  }
0x131: {  	s30 =	simm.s32 $0x0;
	s24 =	simm.s32 $0x3B80;
	[sflag:s14] =	ssyncset.done $0x0  }
0x132: {  	v10 =	vimm.f32 $0.0e+00;
	v7 =	vimm.f32 $0.0e+00;
	s29 =	simm.s32 $0x3F80;
	s23 =	rddreg [dreg:$0x6];
	[sflag:s14] =	ssyncadd.s32 $0xFFFFFE80  }
.LBB2_9:
0x133: {  	s0 =	smul.u32 $0x180, s30  }
0x134: {  	s1 =	rddreg [dreg:$0xb]  }
0x135: {  	s0 =	sadd.s32 s1, s0  }
0x136: {  	p1 =	slt.s32 s0, $0x186880;
	s1 =	smov.u32 s0  }
0x137: {  	s1 =	simm.s32 @!p1 $0x186880  }
0x138: {  	s2 =	sand.u32 $0x1FFFFFF8, s1  }
0x139: {  	s3 =	sadd.s32 s12, s2  }
0x13a: {  	[tilespmem:s26], [sflag:$0x1] =	stream.linear.gather [hbm4b:s3+s26], $0xC00, $0x38;
	[tilespmem:$0x18970] =	vst v63  }
0x13b: {  	s3 =	sshrl.u32 s1, $0x3  }
0x13c: {  	s11 =	simm.s32 $0xC00;
	s8 =	sadd.s32 s21, s3  }
0x13d: {  	[tilespmem:s11], [sflag:$0x1] =	stream.linear.gather [hbm4b:s8+s26], $0x180, $0x38;
	[tilespmem:$0x18970] =	vst v63  }
0x13e: {  	s3 =	sadd.s32 s22, s3;
	s8 =	simm.s32 $0xD80  }
0x13f: {  	[tilespmem:s8], [sflag:$0x1] =	stream.linear.gather [hbm4b:s3+s26], $0x180, $0x38;
	[tilespmem:$0x18970] =	vst v63  }
0x140: {  	s2 =	sadd.s32 s23, s2  }
0x141: {  	[tilespmem:s7], [sflag:$0x1] =	stream.linear.gather [hbm4b:s2+s26], $0xC00, $0x38;
	[tilespmem:$0x18970] =	vst v63  }
0x142: {  	_ =	swait.ge [sflag:s18], $0xC00  }
0x143: {  	[sflag:s18] =	ssyncset.done $0x0  }
0x144: {  	[sflag:s18] =	ssyncadd.s32 $0xFFFFF400  }
0x145: {  	_ =	swait.ge [sflag:s18], $0x180  }
0x146: {  	[sflag:s18] =	ssyncset.done $0x0  }
0x147: {  	[sflag:s18] =	ssyncadd.s32 $0xFFFFFE80  }
0x148: {  	v11 =	vor.u32 s26, v1;
	_ =	swait.ge [sflag:s18], $0x180  }
0x149: {  	v8 =	vshll.u32 v11, $0x3;
	[sflag:s18] =	ssyncset.done $0x0  }
0x14a: {  	v9 =	vor.u32 $0x1, v8;
	[sflag:s18] =	ssyncadd.s32 $0xFFFFFE80  }
0x14b: {  	v12 =	vor.u32 $0x2, v8;
	_ =	swait.ge [sflag:s18], $0xC00  }
0x14c: {  	[sflag:s18] =	ssyncset.done $0x0  }
0x14d: {  	[sflag:s18] =	ssyncadd.s32 $0xFFFFF400  }
0x14e: {  	v8 =	vld.idx.msk [tilespmem:v8+s6+$0x0], $0xffff  }
0x14f: {  	v9 =	vld.idx.msk [tilespmem:v9+s6+$0x0], $0xffff  }
0x150: {  	v12 =	vld.idx.msk [tilespmem:v12+s6+$0x0], $0xffff  }
0x151: {  	v13 =	vld [tilespmem:s8+$0x0];
	_ =	sdelay $0x1  }
0x152: {  	s8 =	simm.s32 $0x10;
	v14 =	vshll.u32 v8, $0x1  }
0x153: {  	v16 =	vor.u32 s8, v1;
	v15 =	vshrl.u32 v9, $0x3;
	v14 =	vand.u32 $0xFFFFFF0, v14  }
0x154: {  	v17 =	vld [tilespmem:s11+$0x0];
	v8 =	vmov s1;
	v9 =	vmov s0;
	v14 =	vadd.s32 v15, v14  }
0x155: {  	v13 =	vsub.s32 v13, v0;
	v12 =	vshra.s32 v12, $0x3;
	v14 =	vshll.u32 v14, $0x4  }
0x156: {  	v11 =	vadd.s32 v8, v11;
	v12 =	vadd.s32 v12, v14;
	v14 =	vshll.u32 v13, $0xC  }
0x157: {  	vm2 =	vge.s32 v11, v9;
	vm3 =	vlt.s32 v11, v6;
	v12 =	vadd.s32 v14, v12  }
0x158: {  	vm2 =	vmand vm2, vm3;
	vm3 =	vlt.u32 v13, $0x4;
	v11 =	vmul.u32 $0xA, v12  }
0x159: {  	v15 =	vshll.u32 v16, $0x3;
	v13 =	vshra.s32 v17, $0x1;
	vm2 =	vmand vm2, vm3  }
0x15a: {  	v14 =	vor.u32 $0x1, v15;
	v12 =	vshra.s32 v12, $0x3;
	v11 =	vadd.s32 v13, v11  }
0x15b: {  	s0 =	simm.s32 $0x3300;
	v12 =	vadd.s32 $0x28030, v12;
	v11 =	vnsel vm2, $0x28000, v11  }
0x15c: {  	s1 =	simm.s32 $0x3480;
	v13 =	vor.u32 $0x2, v15;
	[tilespmem:s0+$0x0] =	vst v11;
	v11 =	vnsel vm2, $0x28830, v12  }
0x15d: {  	[tilespmem:s1+$0x0] =	vst v11  }
0x15e: {  	v11 =	vld.idx.msk [tilespmem:v15+s6+$0x0], $0xffff  }
0x15f: {  	s2 =	simm.s32 $0xD90;
	v12 =	vld.idx.msk [tilespmem:v14+s6+$0x0], $0xffff  }
0x160: {  	v14 =	vld [tilespmem:s2+$0x0]  }
0x161: {  	v13 =	vld.idx.msk [tilespmem:v13+s6+$0x0], $0xffff;
	_ =	sdelay $0x1  }
0x162: {  	v11 =	vshll.u32 v11, $0x1  }
0x163: {  	s3 =	simm.s32 $0xC10;
	s11 =	simm.s32 $0x20;
	v12 =	vshrl.u32 v12, $0x3;
	v15 =	vand.u32 $0xFFFFFF0, v11  }
0x164: {  	v17 =	vld [tilespmem:s3+$0x0];
	v11 =	vor.u32 s11, v1;
	v12 =	vadd.s32 v12, v15  }
0x165: {  	v13 =	vshra.s32 v13, $0x3;
	v15 =	vsub.s32 v14, v0;
	v12 =	vshll.u32 v12, $0x4  }
0x166: {  	v14 =	vadd.s32 v8, v16;
	v16 =	vshll.u32 v15, $0xC;
	v13 =	vadd.s32 v13, v12  }
0x167: {  	vm2 =	vge.s32 v14, v9;
	vm3 =	vlt.s32 v14, v6;
	v13 =	vadd.s32 v16, v13  }
0x168: {  	v12 =	vshll.u32 v11, $0x3;
	vm2 =	vmand vm2, vm3;
	v14 =	vmul.u32 $0xA, v13  }
0x169: {  	s8 =	simm.s32 $0x30;
	vm3 =	vlt.u32 v15, $0x4;
	v15 =	vshra.s32 v17, $0x1;
	v13 =	vshra.s32 v13, $0x3  }
.LBB2_10:
0x16a: {  	p1 =	sne.s32 s8, $0x170;
	v16 =	vor.u32 $0x1, v12;
	vm2 =	vmand vm2, vm3;
	v14 =	vadd.s32 v15, v14  }
0x16b: {  	v13 =	vadd.s32 $0x28030, v13;
	s0 =	sadd.s32 $0x10, s0;
	v14 =	vnsel vm2, $0x28000, v14  }
0x16c: {  	v15 =	vor.u32 $0x2, v12;
	s1 =	sadd.s32 $0x10, s1;
	v13 =	vnsel vm2, $0x28830, v13;
	[tilespmem:s0+$0x0] =	vst v14  }
0x16d: {  	[tilespmem:s1+$0x0] =	vst v13  }
0x16e: {  	v12 =	vld.idx.msk [tilespmem:v12+s6+$0x0], $0xffff  }
0x16f: {  	v13 =	vld.idx.msk [tilespmem:v16+s6+$0x0], $0xffff;
	_ =	sdelay $0x1  }
0x170: {  	s2 =	sadd.s32 $0x10, s2;
	v14 =	vld.idx.msk [tilespmem:v15+s6+$0x0], $0xffff  }
0x171: {  	v15 =	vld [tilespmem:s2+$0x0];
	_ =	sdelay $0x1  }
0x172: {  	v12 =	vshll.u32 v12, $0x1  }
0x173: {  	s3 =	sadd.s32 $0x10, s3;
	v13 =	vshrl.u32 v13, $0x3;
	v12 =	vand.u32 $0xFFFFFF0, v12  }
0x174: {  	v16 =	vor.u32 s8, v1;
	v12 =	vadd.s32 v13, v12;
	v17 =	vld [tilespmem:s3+$0x0]  }
.Ltmp6:
0x175: {  	v13 =	vshra.s32 v14, $0x3;
	v12 =	vshll.u32 v12, $0x4;
	v15 =	vsub.s32 v15, v0;
	(pc) =	sbr.rel @p1 .LBB2_10-.Ltmp6, $4  }
0x176: {  	v14 =	vadd.s32 v8, v11;
	v11 =	vmovc v16;
	v13 =	vadd.s32 v13, v12;
	v18 =	vshll.u32 v15, $0xC  }
0x177: {  	v12 =	vshll.u32 v11, $0x3;
	vm2 =	vge.s32 v14, v9;
	v13 =	vadd.s32 v18, v13  }
0x178: {  	vm3 =	vlt.s32 v14, v6;
	v14 =	vmul.u32 $0xA, v13;
	v13 =	vshra.s32 v13, $0x3  }
0x179: {  	s8 =	sadd.s32 $0x10, s8;
	vm2 =	vmand vm2, vm3;
	vm3 =	vlt.u32 v15, $0x4;
	v15 =	vshra.s32 v17, $0x1  }
0x17a: {  	v16 =	vor.u32 $0x1, v12;
	vm2 =	vmand vm2, vm3;
	v14 =	vadd.s32 v15, v14  }
0x17b: {  	v13 =	vadd.s32 $0x28030, v13;
	s0 =	sadd.s32 $0x10, s0;
	v15 =	vor.u32 $0x2, v12;
	v14 =	vnsel vm2, $0x28000, v14  }
0x17c: {  	s1 =	sadd.s32 $0x10, s1;
	v13 =	vnsel vm2, $0x28830, v13;
	[tilespmem:s0+$0x0] =	vst v14  }
0x17d: {  	[tilespmem:s1+$0x0] =	vst v13  }
0x17e: {  	v12 =	vld.idx.msk [tilespmem:v12+s6+$0x0], $0xffff  }
0x17f: {  	v13 =	vld.idx.msk [tilespmem:v16+s6+$0x0], $0xffff  }
0x180: {  	s2 =	sadd.s32 $0x10, s2;
	v14 =	vld.idx.msk [tilespmem:v15+s6+$0x0], $0xffff  }
0x181: {  	v15 =	vld [tilespmem:s2+$0x0];
	_ =	sdelay $0x1  }
0x182: {  	v12 =	vshll.u32 v12, $0x1  }
0x183: {  	s8 =	sadd.s32 $0x10, s3;
	v13 =	vshrl.u32 v13, $0x3;
	v12 =	vand.u32 $0xFFFFFF0, v12  }
0x184: {  	v16 =	vld [tilespmem:s8+$0x0];
	v12 =	vadd.s32 v13, v12  }
0x185: {  	v14 =	vshra.s32 v14, $0x3;
	v13 =	vsub.s32 v15, v0;
	v12 =	vshll.u32 v12, $0x4  }
0x186: {  	v12 =	vadd.s32 v14, v12;
	v14 =	vshll.u32 v13, $0xC  }
0x187: {  	v11 =	vadd.s32 v8, v11;
	v12 =	vadd.s32 v14, v12  }
0x188: {  	vm2 =	vge.s32 v11, v9;
	vm3 =	vlt.s32 v11, v6;
	v11 =	vmul.u32 $0xA, v12  }
0x189: {  	vm2 =	vmand vm2, vm3;
	vm3 =	vlt.u32 v13, $0x4;
	v13 =	vshra.s32 v16, $0x1  }
0x18a: {  	vm2 =	vmand vm2, vm3;
	v12 =	vshra.s32 v12, $0x3;
	v11 =	vadd.s32 v13, v11  }
0x18b: {  	s0 =	sadd.s32 $0x10, s0;
	v12 =	vadd.s32 $0x28030, v12;
	v11 =	vnsel vm2, $0x28000, v11  }
0x18c: {  	s11 =	sadd.s32 $0x10, s1;
	[tilespmem:s0+$0x0] =	vst v11;
	v11 =	vnsel vm2, $0x28830, v12  }
0x18d: {  	[tilespmem:s11+$0x0] =	vst v11  }
0x18e: {  	[tilespmem:s9], [sflag:$0x2] =	stream.indirect.gather [spmem:s5], $0x8, s16, s15, $0xb8;
	[tilespmem:$0x18970] =	vst v63  }
0x18f: {  	_ = 	snop  }
0x190: {  	[tilespmem:s13], [sflag:$0x2] =	stream.indirect.gather [spmem:s5], $0x8, s25, s15, $0xb8;
	[tilespmem:$0x18970] =	vst v63  }
0x191: {  	_ = 	snop  }
0x192: {  	[tilespmem:s24], [sflag:$0x2] =	stream.indirect.gather [spmem:s5], $0x8, s28, s15, $0xb8;
	[tilespmem:$0x18970] =	vst v63  }
0x193: {  	s1 =	simm.s32 $0x3500  }
0x194: {  	[tilespmem:s31], [sflag:$0x2] =	stream.indirect.gather [spmem:s5], $0x8, s1, s15, $0xb8;
	[tilespmem:$0x18970] =	vst v63  }
0x195: {  	s2 =	simm.s32 $0x3400  }
0x196: {  	[tilespmem:s29], [sflag:$0x2] =	stream.indirect.gather [spmem:s5], $0x8, s2, s15, $0xb8;
	[tilespmem:$0x18970] =	vst v63  }
0x197: {  	s3 =	simm.s32 $0x3580  }
0x198: {  	[tilespmem:s20], [sflag:$0x2] =	stream.indirect.gather [spmem:s5], $0x8, s3, s15, $0xb8;
	[tilespmem:$0x18970] =	vst v63  }
0x199: {  	_ =	swait.ge [sflag:s4], $0x400  }
0x19a: {  	[sflag:s4] =	ssyncset.done $0x0  }
0x19b: {  	[sflag:s4] =	ssyncadd.s32 $0xFFFFFC00  }
0x19c: {  	_ =	swait.ge [sflag:s4], $0x400  }
0x19d: {  	[sflag:s4] =	ssyncset.done $0x0  }
0x19e: {  	[sflag:s4] =	ssyncadd.s32 $0xFFFFFC00  }
0x19f: {  	_ =	swait.ge [sflag:s4], $0x400  }
0x1a0: {  	[sflag:s4] =	ssyncset.done $0x0  }
0x1a1: {  	[sflag:s4] =	ssyncadd.s32 $0xFFFFFC00  }
0x1a2: {  	_ =	swait.ge [sflag:s4], $0x400  }
0x1a3: {  	[sflag:s4] =	ssyncset.done $0x0  }
0x1a4: {  	[sflag:s4] =	ssyncadd.s32 $0xFFFFFC00  }
0x1a5: {  	_ =	swait.ge [sflag:s4], $0x400  }
0x1a6: {  	[sflag:s4] =	ssyncset.done $0x0  }
0x1a7: {  	[sflag:s4] =	ssyncadd.s32 $0xFFFFFC00  }
0x1a8: {  	_ =	swait.ge [sflag:s4], $0x400  }
0x1a9: {  	[sflag:s4] =	ssyncset.done $0x0  }
0x1aa: {  	s8 =	simm.s32 $0xD80;
	[sflag:s4] =	ssyncadd.s32 $0xFFFFFC00  }
0x1ab: {  	v11 =	vld [tilespmem:s8+$0x0];
	_ =	sdelay $0x1  }
0x1ac: {  	s11 =	simm.s32 $0xC00  }
0x1ad: {  	v12 =	vld [tilespmem:s11+$0x0]  }
0x1ae: {  	s1 =	simm.s32 $0x0  }
0x1af: {  	v13 =	vor.u32 s1, v1;
	v11 =	vsub.s32 v11, v0  }
0x1b0: {  	v15 =	vshll.u32 v13, $0x3;
	v13 =	vadd.s32 v8, v13;
	v14 =	vmul.u32 $0x14, v11  }
0x1b1: {  	v16 =	vor.u32 $0x2, v15;
	vm2 =	vge.s32 v13, v9;
	vm3 =	vlt.s32 v13, v6  }
0x1b2: {  	vm2 =	vmand vm2, vm3;
	v13 =	vshll.u32 v12, $0x2;
	v12 =	vadd.s32 v12, v14  }
0x1b3: {  	v17 =	vand.u32 $0x4, v13;
	vm3 =	vlt.u32 v11, $0x4;
	v11 =	vshll.u32 v12, $0x2  }
0x1b4: {  	vm2 =	vmand vm2, vm3;
	v12 =	vor.u32 $0x3, v17;
	v11 =	vand.u32 $0xFFFFFFF8, v11  }
0x1b5: {  	v13 =	vor.u32 v15, v12;
	v11 =	vnsel vm2, $0x0, v11  }
0x1b6: {  	v18 =	vld.idx.msk [tilespmem:v16+s6+$0x0], $0xffff;
	v12 =	vor.u32 v12, v11;
	_ =	sdelay $0x3  }
0x1b7: {  	v19 =	vld.idx.msk [tilespmem:v13+s9+$0x0], $0xffff  }
0x1b8: {  	v20 =	vor.u32 $0x1, v15;
	v13 =	vshrl.u32 v18, $0x3;
	v12 =	vld.idx.msk [tilespmem:v12+s17+$0x0], $0xffff  }
0x1b9: {  	v13 =	vand.u32 $0x7, v13  }
0x1ba: {  	v21 =	vor.u32 v15, v13  }
0x1bb: {  	v25 =	vld.idx.msk [tilespmem:v15+s6+$0x0], $0xffff;
	v26 =	vor.u32 v17, v11  }
0x1bc: {  	v22 =	vor.u32 v15, v17;
	v23 =	vor.u32 $0x1, v17;
	v13 =	vld.idx.msk [tilespmem:v15+s7+$0x0], $0xffff;
	v14 =	vmax.f32 v19, $1.000000000e+00  }
0x1bd: {  	v24 =	vor.u32 v15, v23;
	(erf) = vrcp.f32 v14;
	v14 =	vld.idx.msk [tilespmem:v20+s7+$0x0], $0xffff;
	v12 =	vmax.f32 v12, $1.000000000e+00  }
0x1be: {  	(erf) = vrcp.f32 v12;
	v12 =	vor.u32 $0x2, v17;
	v17 =	vld.idx.msk [tilespmem:v20+s6+$0x0], $0xffff;
	v20 =	vor.u32 v23, v11  }
0x1bf: {  	v21 =	vld.idx.msk [tilespmem:v21+s13+$0x0], $0xffff;
	v15 =	vor.u32 v15, v12  }
0x1c0: {  	v23 =	vld.idx.msk [tilespmem:v26+s17+$0x0], $0xffff;
	v11 =	vor.u32 v12, v11  }
0x1c1: {  	v12 =	vld.idx.msk [tilespmem:v22+s9+$0x0], $0xffff  }
0x1c2: {  	v22 =	vld.idx.msk [tilespmem:v24+s9+$0x0], $0xffff  }
0x1c3: {  	v20 =	vld.idx.msk [tilespmem:v20+s17+$0x0], $0xffff  }
0x1c4: {  	v15 =	vld.idx.msk [tilespmem:v15+s9+$0x0], $0xffff  }
0x1c5: {  	v11 =	vld.idx.msk [tilespmem:v11+s17+$0x0], $0xffff  }
0x1c6: {  	v25 =	vcvt.s32.f32 v25;
	v24 =	vpop (erf)  }
0x1c7: {  	v26 =	vmul.f32 v13, v13;
	v17 =	vcvt.s32.f32 v17;
	v27 =	vpop (erf)  }
0x1c8: {  	v16 =	vld.idx.msk [tilespmem:v16+s7+$0x0], $0xffff;
	v12 =	vmul.f32 v24, v12;
	v23 =	vmul.f32 v27, v23  }
0x1c9: {  	vm3 =	veq.f32 v19, v21;
	v19 =	vmul.f32 v24, v22;
	v20 =	vmul.f32 v27, v20  }
0x1ca: {  	s2 =	simm.s32 $0xD90;
	v15 =	vmul.f32 v24, v15;
	v11 =	vmul.f32 v27, v11;
	v12 =	vsel vm3, v12, v23  }
0x1cb: {  	v21 =	vmul.f32 v14, v14;
	v24 =	vld [tilespmem:s2+$0x0];
	v19 =	vsel vm3, v19, v20;
	v20 =	vsub.f32 v12, v25  }
0x1cc: {  	v17 =	vsub.f32 v19, v17;
	v12 =	vcvt.s32.f32 v18;
	v11 =	vsel vm3, v15, v11  }
0x1cd: {  	v15 =	vadd.f32 v21, v26;
	v18 =	vmul.f32 v16, v16;
	vm3 =	vmmov vm2  }
0x1ce: {  	v19 =	vsub.f32 v11, v12;
	v11 =	vmul.f32 v20, v20;
	v21 =	vsub.f32 v13, v20  }
0x1cf: {  	v12 =	vmul.f32 v17, v17;
	v15 =	vadd.f32 v18, v15;
	v18 =	vsub.f32 v14, v17  }
0x1d0: {  	v13 =	vmul.f32 v20, v13;
	v14 =	vmul.f32 v17, v14;
	v24 =	vsub.s32 v24, v0  }
0x1d1: {  	v11 =	vadd.f32 v12, v11;
	v12 =	vmul.f32 v19, v19;
	v21 =	vand.u32 $0x7FFFFFFF, v21  }
0x1d2: {  	v22 =	vshra.s32 v15, $0x1;
	v23 =	vmul.f32 $5.000000000e-01, v15;
	v18 =	vand.u32 $0x7FFFFFFF, v18  }
0x1d3: {  	s3 =	simm.s32 $0x10;
	v26 =	vsub.f32 v16, v19;
	v33 =	vmul.u32 $0x14, v24;
	v25 =	vadd.f32 v11, v12  }
0x1d4: {  	s8 =	simm.s32 $0xC10;
	vm10 =	vlt.u32 v24, $0x4;
	v11 =	vsub.s32 $0x5F3759DF, v22;
	v12 =	vor.u32 s3, v1  }
0x1d5: {  	v22 =	vld [tilespmem:s8+$0x0];
	v27 =	vmul.f32 v11, v23;
	v29 =	vshra.s32 v25, $0x1;
	v30 =	vmul.f32 $5.000000000e-01, v25  }
0x1d6: {  	v16 =	vmul.f32 v19, v16;
	v28 =	vshll.u32 v12, $0x3;
	v29 =	vsub.s32 $0x5F3759DF, v29  }
0x1d7: {  	v12 =	vadd.s32 v8, v12;
	v27 =	vmul.f32 v11, v27;
	v32 =	vmul.f32 v29, v30  }
0x1d8: {  	v13 =	vadd.f32 v14, v13;
	v60 =	vmul.f32 $5.000000000e-01, v21;
	vm2 =	vge.s32 v12, v9  }
0x1d9: {  	vm4 =	vlt.s32 v12, v6;
	v27 =	vsub.f32 $1.500000000e+00, v27;
	v32 =	vmul.f32 v29, v32  }
0x1da: {  	v31 =	vor.u32 $0x2, v28;
	vm2 =	vmand vm2, vm4;
	v12 =	vshll.u32 v22, $0x2  }
0x1db: {  	v22 =	vadd.s32 v22, v33;
	v11 =	vmul.f32 v11, v27;
	v24 =	vsub.f32 $1.500000000e+00, v32  }
0x1dc: {  	vm2 =	vmand vm2, vm10;
	v12 =	vand.u32 $0x4, v12;
	v22 =	vshll.u32 v22, $0x2  }
0x1dd: {  	v22 =	vand.u32 $0xFFFFFFF8, v22;
	v59 =	vmul.f32 v11, v23;
	v24 =	vmul.f32 v29, v24  }
0x1de: {  	v36 =	vmul.f32 $5.000000000e-01, v18;
	v27 =	vor.u32 $0x3, v12;
	v22 =	vnsel vm2, $0x0, v22  }
0x1df: {  	v29 =	vor.u32 v28, v27;
	v32 =	vmul.f32 v59, v11;
	v34 =	vmul.f32 v24, v30  }
0x1e0: {  	v37 =	vadd.f32 $-5.000000000e-01, v21;
	v38 =	vadd.f32 $-5.000000000e-01, v18;
	v27 =	vor.u32 v27, v22  }
0x1e1: {  	vm11 =	vlt.f32 v21, $1.000000000e+00;
	v35 =	vld.idx.msk [tilespmem:v31+s6+$0x0], $0xffff;
	v32 =	vsub.f32 $1.500000000e+00, v32;
	v34 =	vmul.f32 v34, v24  }
0x1e2: {  	vm12 =	vlt.f32 v18, $1.000000000e+00;
	v26 =	vand.u32 $0x7FFFFFFF, v26;
	v36 =	vmul.f32 v36, v18  }
0x1e3: {  	v61 =	vor.u32 $0x1, v28;
	v32 =	vmul.f32 v32, v11;
	v11 =	vsub.f32 $1.500000000e+00, v34  }
0x1e4: {  	v33 =	vmul.f32 v60, v21;
	v39 =	vor.u32 $0x2, v12;
	v41 =	vor.u32 v28, v12;
	v21 =	vld.idx.msk [tilespmem:v29+s9+$0x0], $0xffff  }
0x1e5: {  	v42 =	vor.u32 v28, v39;
	v27 =	vld.idx.msk [tilespmem:v27+s17+$0x0], $0xffff;
	v23 =	vmul.f32 v32, v23;
	v24 =	vmul.f32 v11, v24  }
0x1e6: {  	v62 =	vor.u32 $0x1, v12;
	v45 =	vor.u32 v12, v22;
	v40 =	vshrl.u32 v35, $0x3  }
0x1e7: {  	v11 =	vand.u32 $0x7, v40;
	v23 =	vmul.f32 v23, v32;
	v30 =	vmul.f32 v24, v30  }
0x1e8: {  	v17 =	vld.idx.msk [tilespmem:v61+s6+$0x0], $0xffff;
	v20 =	vor.u32 v62, v22;
	v14 =	vor.u32 v39, v22;
	v43 =	vor.u32 v28, v11  }
0x1e9: {  	v22 =	vld.idx.msk [tilespmem:v41+s9+$0x0], $0xffff;
	v12 =	vmax.f32 v21, $1.000000000e+00;
	v23 =	vsub.f32 $1.500000000e+00, v23;
	v30 =	vmul.f32 v30, v24  }
0x1ea: {  	v44 =	vor.u32 v28, v62;
	v18 =	vld.idx.msk [tilespmem:v42+s9+$0x0], $0xffff;
	v27 =	vmax.f32 v27, $1.000000000e+00;
	(erf) = vrcp.f32 v12  }
0x1eb: {  	v11 =	vld.idx.msk [tilespmem:v28+s7+$0x0], $0xffff;
	(erf) = vrcp.f32 v27;
	v23 =	vmul.f32 v23, v32;
	v30 =	vsub.f32 $1.500000000e+00, v30  }
0x1ec: {  	v29 =	vmul.f32 $5.000000000e-01, v26;
	v28 =	vld.idx.msk [tilespmem:v28+s6+$0x0], $0xffff  }
0x1ed: {  	v13 =	vadd.f32 v13, v16;
	v12 =	vld.idx.msk [tilespmem:v61+s7+$0x0], $0xffff;
	v15 =	vmul.f32 v23, v15;
	v24 =	vmul.f32 v30, v24  }
0x1ee: {  	v63 =	vadd.f32 $-5.000000000e-01, v26;
	vm14 =	vlt.f32 v26, $1.000000000e+00;
	v17 =	vcvt.s32.f32 v17;
	v19 =	vld.idx.msk [tilespmem:v43+s13+$0x0], $0xffff  }
0x1ef: {  	v16 =	vmul.f32 v29, v26;
	v30 =	vld.idx.msk [tilespmem:v45+s17+$0x0], $0xffff;
	vm5 =	vgt.f32 v15, $9.999999740e-05;
	v15 =	vmul.f32 v24, v25  }
0x1f0: {  	v29 =	vsel vm12, v36, v38;
	v27 =	vsel vm11, v33, v37;
	v25 =	vld.idx.msk [tilespmem:v44+s9+$0x0], $0xffff;
	v23 =	vnsel vm5, $0x461C4000, v23  }
0x1f1: {  	v13 =	vmul.f32 v23, v13;
	vm13 =	vgt.f32 v15, $9.999999740e-05;
	v15 =	vld.idx.msk [tilespmem:v20+s17+$0x0], $0xffff;
	v20 =	vadd.f32 v29, v27  }
0x1f2: {  	v26 =	vmul.f32 v11, v11;
	v23 =	vnsel vm13, $0x461C4000, v24;
	v24 =	vld.idx.msk [tilespmem:v14+s17+$0x0], $0xffff;
	v14 =	vsel vm14, v16, v63  }
0x1f3: {  	v27 =	vmul.f32 v12, v12;
	v16 =	vpop (erf);
	v13 =	vmul.f32 v23, v13;
	v20 =	vadd.f32 v20, v14;
	v14 =	vld.idx.msk [tilespmem:v31+s7+$0x0], $0xffff  }
0x1f4: {  	vm15 =	veq.f32 v21, v19;
	v23 =	vcvt.s32.f32 v28;
	v19 =	vpop (erf);
	v21 =	vmul.f32 v16, v22  }
0x1f5: {  	v18 =	vmul.f32 v16, v18;
	v22 =	vmul.f32 v19, v30;
	v13 =	vmax.f32 v13, $-1.000000000e+00  }
0x1f6: {  	v25 =	vmul.f32 v16, v25;
	v13 =	vmin.f32 v13, $1.000000000e+00;
	v15 =	vmul.f32 v19, v15  }
0x1f7: {  	v21 =	vsel vm15, v21, v22;
	v13 =	vsub.f32 $1.000000000e+00, v13;
	v19 =	vmul.f32 v19, v24  }
0x1f8: {  	v16 =	vsel vm15, v25, v15;
	v15 =	vsub.f32 v21, v23;
	v21 =	vmul.f32 v14, v14  }
0x1f9: {  	v13 =	vnsel vm3, $0x0, v13;
	v16 =	vsub.f32 v16, v17;
	v17 =	vcvt.s32.f32 v35  }
0x1fa: {  	v10 =	vadd.f32 v13, v10;
	v13 =	vsel vm15, v18, v19;
	v19 =	vadd.f32 v27, v26  }
0x1fb: {  	s11 =	simm.s32 $0x20;
	v22 =	vmul.f32 v15, v15;
	v18 =	vsub.f32 v13, v17;
	v23 =	vmul.f32 v16, v16  }
0x1fc: {  	v31 =	vor.u32 s11, v1;
	v24 =	vsub.f32 v11, v15;
	v17 =	vadd.f32 v21, v19  }
0x1fd: {  	v19 =	vsub.f32 v12, v16;
	v23 =	vadd.f32 v23, v22;
	v25 =	vmul.f32 v18, v18  }
0x1fe: {  	v13 =	vnsel vm3, $0x0, v20;
	v21 =	vand.u32 $0x7FFFFFFF, v24;
	v24 =	vshra.s32 v17, $0x1  }
0x1ff: {  	s0 =	simm.s32 $0xDA0;
	v22 =	vmul.f32 $5.000000000e-01, v17;
	v20 =	vand.u32 $0x7FFFFFFF, v19;
	v19 =	vadd.f32 v23, v25  }
0x200: {  	s2 =	simm.s32 $0xC20;
	v29 =	vld [tilespmem:s0+$0x0];
	v27 =	vsub.s32 $0x5F3759DF, v24;
	v24 =	vsub.f32 v14, v18;
	v25 =	vshll.u32 v31, $0x3  }
0x201: {  	s3 =	simm.s32 $0x30;
	v28 =	vld [tilespmem:s2+$0x0];
	v26 =	vmul.f32 v27, v22;
	v30 =	vshra.s32 v19, $0x1;
	v23 =	vmul.f32 $5.000000000e-01, v19  }
.LBB2_12:
0x202: {  	v31 =	vadd.s32 v8, v31  }
0x203: {  	p1 =	sne.s32 s3, $0x170;
	v32 =	vmul.f32 v27, v26;
	v30 =	vsub.s32 $0x5F3759DF, v30;
	vm3 =	vmmov vm2  }
0x204: {  	v26 =	vor.u32 $0x2, v25;
	vm2 =	vge.s32 v31, v9;
	v33 =	vmul.f32 v30, v23  }
0x205: {  	vm4 =	vlt.s32 v31, v6;
	v29 =	vsub.s32 v29, v0;
	v31 =	vsub.f32 $1.500000000e+00, v32  }
0x206: {  	v32 =	vshll.u32 v28, $0x2;
	v34 =	vmul.u32 $0x14, v29;
	v33 =	vmul.f32 v30, v33  }
0x207: {  	vm2 =	vmand vm2, vm4;
	v32 =	vand.u32 $0x4, v32;
	v27 =	vmul.f32 v27, v31  }
0x208: {  	vm4 =	vlt.u32 v29, $0x4;
	v28 =	vadd.s32 v28, v34;
	v29 =	vsub.f32 $1.500000000e+00, v33  }
0x209: {  	v31 =	vor.u32 $0x3, v32;
	v28 =	vshll.u32 v28, $0x2;
	v33 =	vmul.f32 v27, v22  }
0x20a: {  	vm2 =	vmand vm2, vm4;
	v28 =	vand.u32 $0xFFFFFFF8, v28;
	v29 =	vmul.f32 v30, v29  }
0x20b: {  	v30 =	vor.u32 v25, v31;
	v28 =	vnsel vm2, $0x0, v28;
	v33 =	vmul.f32 v33, v27  }
0x20c: {  	v35 =	vmul.f32 $5.000000000e-01, v21;
	v34 =	vld.idx.msk [tilespmem:v26+s6+$0x0], $0xffff;
	v31 =	vor.u32 v31, v28;
	v36 =	vmul.f32 v29, v23  }
0x20d: {  	v24 =	vand.u32 $0x7FFFFFFF, v24;
	v37 =	vmul.f32 $5.000000000e-01, v20;
	v33 =	vsub.f32 $1.500000000e+00, v33  }
0x20e: {  	v38 =	vadd.f32 $-5.000000000e-01, v21;
	v35 =	vmul.f32 v35, v21;
	v36 =	vmul.f32 v36, v29  }
0x20f: {  	v39 =	vadd.f32 $-5.000000000e-01, v20;
	v37 =	vmul.f32 v37, v20;
	v27 =	vmul.f32 v33, v27  }
0x210: {  	vm4 =	vlt.f32 v21, $1.000000000e+00;
	v21 =	vmul.f32 $5.000000000e-01, v24;
	v30 =	vld.idx.msk [tilespmem:v30+s9+$0x0], $0xffff;
	v33 =	vsub.f32 $1.500000000e+00, v36  }
0x211: {  	v40 =	vor.u32 $0x2, v32;
	v36 =	vor.u32 $0x1, v25;
	v31 =	vld.idx.msk [tilespmem:v31+s17+$0x0], $0xffff;
	v22 =	vmul.f32 v27, v22  }
0x212: {  	v42 =	vor.u32 v25, v32;
	v41 =	vshrl.u32 v34, $0x3;
	v29 =	vmul.f32 v33, v29  }
0x213: {  	v33 =	vand.u32 $0x7, v41;
	v41 =	vor.u32 $0x1, v32;
	v22 =	vmul.f32 v22, v27  }
0x214: {  	v43 =	vor.u32 v25, v40;
	v33 =	vor.u32 v25, v33;
	v23 =	vmul.f32 v29, v23  }
0x215: {  	v40 =	vor.u32 v40, v28;
	v45 =	vor.u32 v25, v41;
	v44 =	vld.idx.msk [tilespmem:v25+s7+$0x0], $0xffff;
	v22 =	vsub.f32 $1.500000000e+00, v22  }
0x216: {  	v32 =	vor.u32 v32, v28;
	v46 =	vmax.f32 v30, $1.000000000e+00;
	v25 =	vld.idx.msk [tilespmem:v25+s6+$0x0], $0xffff;
	v23 =	vmul.f32 v23, v29  }
0x217: {  	v31 =	vmax.f32 v31, $1.000000000e+00;
	v47 =	vld.idx.msk [tilespmem:v36+s7+$0x0], $0xffff;
	(erf) = vrcp.f32 v46;
	v22 =	vmul.f32 v22, v27  }
0x218: {  	v12 =	vmul.f32 v16, v12;
	v27 =	vld.idx.msk [tilespmem:v36+s6+$0x0], $0xffff;
	v23 =	vsub.f32 $1.500000000e+00, v23;
	v36 =	vmul.f32 v15, v11  }
0x219: {  	v14 =	vmul.f32 v18, v14;
	v16 =	vor.u32 v41, v28;
	v15 =	vld.idx.msk [tilespmem:v33+s13+$0x0], $0xffff;
	(erf) = vrcp.f32 v31  }
0x21a: {  	v17 =	vmul.f32 v22, v17;
	v18 =	vld.idx.msk [tilespmem:v42+s9+$0x0], $0xffff;
	v23 =	vmul.f32 v23, v29;
	v33 =	vadd.f32 v12, v36  }
0x21b: {  	v29 =	vsel vm4, v35, v38;
	vm4 =	vlt.f32 v20, $1.000000000e+00;
	v20 =	vmul.f32 v21, v24;
	v11 =	vmovc v44;
	v28 =	vld.idx.msk [tilespmem:v43+s9+$0x0], $0xffff  }
0x21c: {  	vm5 =	vgt.f32 v17, $9.999999740e-05;
	v21 =	vld.idx.msk [tilespmem:v45+s9+$0x0], $0xffff;
	v17 =	vmul.f32 v23, v19;
	v14 =	vadd.f32 v33, v14  }
0x21d: {  	v31 =	vsel vm4, v37, v39;
	v22 =	vnsel vm5, $0x461C4000, v22;
	v12 =	vmovc v47;
	v19 =	vld.idx.msk [tilespmem:v32+s17+$0x0], $0xffff;
	v32 =	vadd.f32 $-5.000000000e-01, v24  }
0x21e: {  	v29 =	vadd.f32 v31, v29;
	v16 =	vld.idx.msk [tilespmem:v16+s17+$0x0], $0xffff;
	vm4 =	vgt.f32 v17, $9.999999740e-05;
	v14 =	vmul.f32 v22, v14  }
0x21f: {  	v7 =	vadd.f32 v13, v7;
	vm5 =	vlt.f32 v24, $1.000000000e+00;
	v17 =	vld.idx.msk [tilespmem:v40+s17+$0x0], $0xffff;
	v22 =	vnsel vm4, $0x461C4000, v23  }
0x220: {  	v13 =	vmul.f32 v44, v11;
	v20 =	vsel vm5, v20, v32;
	v23 =	vpop (erf);
	v22 =	vmul.f32 v22, v14  }
0x221: {  	v24 =	vcvt.s32.f32 v25;
	v25 =	vmul.f32 v47, v12;
	v20 =	vadd.f32 v29, v20  }
0x222: {  	vm4 =	veq.f32 v30, v15;
	v14 =	vld.idx.msk [tilespmem:v26+s7+$0x0], $0xffff;
	v26 =	vcvt.s32.f32 v27;
	v15 =	vpop (erf);
	v22 =	vmax.f32 v22, $-1.000000000e+00  }
0x223: {  	v18 =	vmul.f32 v23, v18;
	v19 =	vmul.f32 v15, v19;
	v22 =	vmin.f32 v22, $1.000000000e+00  }
0x224: {  	v21 =	vmul.f32 v23, v21;
	v16 =	vmul.f32 v15, v16;
	v22 =	vsub.f32 $1.000000000e+00, v22  }
0x225: {  	v17 =	vmul.f32 v15, v17;
	v18 =	vsel vm4, v18, v19;
	v19 =	vmul.f32 v23, v28  }
0x226: {  	v16 =	vsel vm4, v21, v16;
	v15 =	vsub.f32 v18, v24;
	v18 =	vnsel vm3, $0x0, v22  }
0x227: {  	v21 =	vcvt.s32.f32 v34;
	v16 =	vsub.f32 v16, v26;
	v10 =	vadd.f32 v18, v10  }
0x228: {  	v13 =	vadd.f32 v25, v13;
	v17 =	vsel vm4, v19, v17;
	v19 =	vmul.f32 v14, v14  }
0x229: {  	v18 =	vsub.f32 v17, v21;
	v21 =	vmul.f32 v15, v15;
	v22 =	vmul.f32 v16, v16  }
0x22a: {  	v23 =	vsub.f32 v11, v15;
	v17 =	vadd.f32 v19, v13;
	v13 =	vnsel vm3, $0x0, v20  }
.Ltmp7:
0x22b: {  	v19 =	vsub.f32 v12, v16;
	v24 =	vadd.f32 v22, v21;
	v25 =	vmul.f32 v18, v18;
	(pc) =	sbr.rel @p1 .LBB2_12-.Ltmp7, $4  }
0x22c: {  	s0 =	sadd.s32 $0x10, s0;
	v21 =	vand.u32 $0x7FFFFFFF, v23;
	v23 =	vshra.s32 v17, $0x1;
	v22 =	vmul.f32 $5.000000000e-01, v17  }
0x22d: {  	s2 =	sadd.s32 $0x10, s2;
	v20 =	vand.u32 $0x7FFFFFFF, v19;
	v19 =	vadd.f32 v24, v25;
	v27 =	vsub.s32 $0x5F3759DF, v23;
	v29 =	vld [tilespmem:s0+$0x0]  }
0x22e: {  	v31 =	vor.u32 s3, v1;
	v24 =	vsub.f32 v14, v18;
	v26 =	vmul.f32 v27, v22;
	v28 =	vld [tilespmem:s2+$0x0]  }
0x22f: {  	s3 =	sadd.s32 $0x10, s3;
	v25 =	vshll.u32 v31, $0x3;
	v30 =	vshra.s32 v19, $0x1;
	v23 =	vmul.f32 $5.000000000e-01, v19  }
0x230: {  	_ =	sdelay $0x1  }
0x231: {  	v29 =	vsub.s32 v29, v0  }
0x232: {  	v8 =	vadd.s32 v8, v31;
	v56 =	vmul.u32 $0x14, v29  }
0x233: {  	v32 =	vor.u32 $0x2, v25;
	vm3 =	vge.s32 v8, v9;
	vm4 =	vlt.s32 v8, v6  }
0x234: {  	vm3 =	vmand vm3, vm4;
	v8 =	vshll.u32 v28, $0x2;
	v9 =	vadd.s32 v28, v56  }
0x235: {  	vm13 =	vlt.u32 v29, $0x4;
	v57 =	vand.u32 $0x4, v8;
	v8 =	vshll.u32 v9, $0x2  }
0x236: {  	vm3 =	vmand vm3, vm13;
	v9 =	vor.u32 $0x3, v57;
	v8 =	vand.u32 $0xFFFFFFF8, v8  }
0x237: {  	v58 =	vor.u32 v25, v9;
	v59 =	vnsel vm3, $0x0, v8  }
0x238: {  	v8 =	vor.u32 v9, v59;
	_ =	sdelay $0x2  }
0x239: {  	v33 =	vld.idx.msk [tilespmem:v32+s6+$0x0], $0xffff  }
0x23a: {  	v36 =	vor.u32 v25, v57;
	v37 =	vor.u32 $0x1, v57;
	v29 =	vld.idx.msk [tilespmem:v58+s9+$0x0], $0xffff  }
0x23b: {  	v39 =	vor.u32 v25, v37;
	v9 =	vld.idx.msk [tilespmem:v8+s17+$0x0], $0xffff  }
0x23c: {  	v42 =	vor.u32 v57, v59  }
0x23d: {  	v37 =	vor.u32 v37, v59  }
0x23e: {  	v34 =	vor.u32 $0x1, v25;
	v40 =	vld.idx.msk [tilespmem:v25+s6+$0x0], $0xffff;
	v28 =	vor.u32 $0x2, v57  }
0x23f: {  	v26 =	vmul.f32 v27, v26;
	v61 =	vor.u32 v25, v28;
	v63 =	vld.idx.msk [tilespmem:v36+s9+$0x0], $0xffff;
	v38 =	vmax.f32 v29, $1.000000000e+00  }
0x240: {  	v49 =	vld.idx.msk [tilespmem:v39+s9+$0x0], $0xffff;
	v8 =	vshrl.u32 v33, $0x3;
	(erf) = vrcp.f32 v38;
	v41 =	vmax.f32 v9, $1.000000000e+00  }
0x241: {  	v26 =	vsub.f32 $1.500000000e+00, v26;
	v51 =	vld.idx.msk [tilespmem:v42+s17+$0x0], $0xffff;
	v8 =	vand.u32 $0x7, v8;
	(erf) = vrcp.f32 v41  }
0x242: {  	v52 =	vld.idx.msk [tilespmem:v37+s17+$0x0], $0xffff;
	v35 =	vor.u32 v25, v8  }
0x243: {  	v26 =	vmul.f32 v27, v26;
	v62 =	vor.u32 v28, v59;
	v8 =	vld.idx.msk [tilespmem:v25+s7+$0x0], $0xffff  }
0x244: {  	v54 =	vmul.f32 $5.000000000e-01, v21;
	v11 =	vmul.f32 v15, v11;
	v9 =	vld.idx.msk [tilespmem:v34+s7+$0x0], $0xffff  }
0x245: {  	v30 =	vsub.s32 $0x5F3759DF, v30;
	v12 =	vmul.f32 v16, v12;
	v50 =	vmul.f32 v26, v22;
	v25 =	vld.idx.msk [tilespmem:v61+s9+$0x0], $0xffff  }
0x246: {  	v14 =	vmul.f32 v18, v14;
	v60 =	vmul.f32 v30, v23;
	v34 =	vld.idx.msk [tilespmem:v34+s6+$0x0], $0xffff  }
0x247: {  	v40 =	vcvt.s32.f32 v40;
	v53 =	vmul.f32 v50, v26;
	v35 =	vld.idx.msk [tilespmem:v35+s13+$0x0], $0xffff  }
0x248: {  	v59 =	vcvt.s32.f32 v33;
	v27 =	vld.idx.msk [tilespmem:v62+s17+$0x0], $0xffff;
	v38 =	vmul.f32 v30, v60  }
0x249: {  	v32 =	vld.idx.msk [tilespmem:v32+s7+$0x0], $0xffff;
	v44 =	vmul.f32 v8, v8;
	v58 =	vmul.f32 v9, v9;
	v43 =	vpop (erf)  }
0x24a: {  	vm2 =	vmmov vm2;
	v28 =	vmul.f32 v43, v63;
	v57 =	vmul.f32 v43, v49;
	v45 =	vpop (erf)  }
0x24b: {  	v48 =	vsub.f32 $1.500000000e+00, v38;
	v39 =	vmul.f32 v45, v51;
	v31 =	vmul.f32 v45, v52  }
0x24c: {  	v34 =	vcvt.s32.f32 v34;
	vm14 =	veq.f32 v29, v35;
	v25 =	vmul.f32 v43, v25  }
0x24d: {  	v27 =	vmul.f32 v45, v27;
	v28 =	vsel vm14, v28, v39;
	v29 =	vsel vm14, v57, v31  }
0x24e: {  	v61 =	vmul.f32 v32, v32;
	v28 =	vsub.f32 v28, v40;
	v29 =	vsub.f32 v29, v34  }
0x24f: {  	v30 =	vmul.f32 v30, v48;
	v60 =	vadd.f32 v58, v44;
	v25 =	vsel vm14, v25, v27  }
0x250: {  	v25 =	vsub.f32 v25, v59;
	v62 =	vmul.f32 v28, v28;
	v34 =	vmul.f32 v29, v29  }
0x251: {  	v56 =	vmul.f32 $5.000000000e-01, v20;
	v37 =	vsub.f32 $1.500000000e+00, v53;
	v55 =	vmul.f32 v30, v23  }
0x252: {  	v27 =	vadd.f32 v61, v60;
	v41 =	vmul.f32 v25, v25;
	v31 =	vadd.f32 v34, v62  }
0x253: {  	v24 =	vand.u32 $0x7FFFFFFF, v24;
	v26 =	vmul.f32 v37, v26;
	v40 =	vmul.f32 v55, v30  }
0x254: {  	v44 =	vshra.s32 v27, $0x1;
	v45 =	vmul.f32 $5.000000000e-01, v27;
	v31 =	vadd.f32 v31, v41  }
0x255: {  	v46 =	vmul.f32 v26, v22;
	v43 =	vsub.f32 $1.500000000e+00, v40;
	v47 =	vsub.s32 $0x5F3759DF, v44  }
0x256: {  	v48 =	vmul.f32 v47, v45;
	v49 =	vshra.s32 v31, $0x1;
	v50 =	vmul.f32 $5.000000000e-01, v31  }
0x257: {  	v22 =	vmul.f32 v46, v26;
	v30 =	vmul.f32 v43, v30;
	v36 =	vsub.s32 $0x5F3759DF, v49  }
0x258: {  	vm15 =	vlt.f32 v21, $1.000000000e+00;
	v34 =	vmul.f32 v47, v48;
	v53 =	vmul.f32 v36, v50  }
0x259: {  	vm8 =	vlt.f32 v20, $1.000000000e+00;
	v22 =	vsub.f32 $1.500000000e+00, v22;
	v51 =	vmul.f32 v30, v23  }
0x25a: {  	v52 =	vmul.f32 v56, v20;
	v34 =	vsub.f32 $1.500000000e+00, v34;
	v56 =	vmul.f32 v36, v53  }
0x25b: {  	v7 =	vadd.f32 v13, v7;
	v22 =	vmul.f32 v22, v26;
	v23 =	vmul.f32 v51, v30  }
0x25c: {  	v11 =	vadd.f32 v12, v11;
	v57 =	vmul.f32 v47, v34;
	v58 =	vsub.f32 $1.500000000e+00, v56  }
0x25d: {  	vm10 =	vlt.f32 v24, $1.000000000e+00;
	v17 =	vmul.f32 v22, v17;
	v23 =	vsub.f32 $1.500000000e+00, v23  }
0x25e: {  	v11 =	vadd.f32 v11, v14;
	v60 =	vmul.f32 v57, v45;
	v16 =	vmul.f32 v36, v58  }
0x25f: {  	v63 =	vmul.f32 v54, v21;
	vm5 =	vgt.f32 v17, $9.999999740e-05;
	v23 =	vmul.f32 v23, v30  }
0x260: {  	v22 =	vnsel vm5, $0x461C4000, v22;
	v62 =	vmul.f32 v60, v57;
	v30 =	vmul.f32 v16, v50  }
0x261: {  	v54 =	vmul.f32 $5.000000000e-01, v24;
	v11 =	vmul.f32 v22, v11;
	v55 =	vadd.f32 $-5.000000000e-01, v21  }
0x262: {  	v59 =	vadd.f32 $-5.000000000e-01, v20;
	v34 =	vsub.f32 $1.500000000e+00, v62;
	v36 =	vmul.f32 v30, v16  }
0x263: {  	v39 =	vadd.f32 $-5.000000000e-01, v24;
	v61 =	vsel vm15, v63, v55;
	v63 =	vmul.f32 v54, v24  }
0x264: {  	v35 =	vsel vm8, v52, v59;
	v15 =	vmul.f32 v34, v57;
	v40 =	vsub.f32 $1.500000000e+00, v36  }
0x265: {  	v46 =	vsub.f32 v8, v28;
	v8 =	vmul.f32 v28, v8;
	v12 =	vadd.f32 v35, v61  }
0x266: {  	v44 =	vsel vm10, v63, v39;
	v42 =	vmul.f32 v15, v45;
	v43 =	vmul.f32 v40, v16  }
0x267: {  	v17 =	vand.u32 $0x7FFFFFFF, v46;
	v48 =	vsub.f32 v9, v29;
	v9 =	vmul.f32 v29, v9  }
0x268: {  	v51 =	vsub.f32 v32, v25;
	v45 =	vmul.f32 v42, v15;
	v47 =	vmul.f32 v43, v50  }
0x269: {  	v12 =	vadd.f32 v12, v44;
	v52 =	vmul.f32 $5.000000000e-01, v17;
	v8 =	vadd.f32 v9, v8  }
0x26a: {  	v9 =	vand.u32 $0x7FFFFFFF, v51;
	v16 =	vsub.f32 $1.500000000e+00, v45;
	v49 =	vmul.f32 v47, v43  }
0x26b: {  	vm13 =	vlt.f32 v17, $1.000000000e+00;
	v59 =	vmul.f32 $5.000000000e-01, v9;
	v33 =	vmul.f32 v23, v19  }
0x26c: {  	v63 =	vadd.f32 $-5.000000000e-01, v9;
	v15 =	vmul.f32 v16, v15;
	v13 =	vsub.f32 $1.500000000e+00, v49  }
0x26d: {  	v53 =	vmul.f32 v25, v32;
	v61 =	vmul.f32 v59, v9;
	vm9 =	vgt.f32 v33, $9.999999740e-05  }
0x26e: {  	v41 =	vnsel vm9, $0x461C4000, v23;
	v54 =	vmul.f32 v15, v27;
	v13 =	vmul.f32 v13, v43  }
0x26f: {  	v19 =	vmul.f32 v52, v17;
	v8 =	vadd.f32 v8, v53;
	v11 =	vmul.f32 v41, v11  }
0x270: {  	v50 =	vand.u32 $0x7FFFFFFF, v48;
	vm11 =	vgt.f32 v54, $9.999999740e-05;
	v56 =	vmul.f32 v13, v31  }
0x271: {  	v57 =	vadd.f32 $-5.000000000e-01, v17;
	v55 =	vmul.f32 $5.000000000e-01, v50;
	v15 =	vnsel vm11, $0x461C4000, v15  }
0x272: {  	v11 =	vmax.f32 v11, $-1.000000000e+00;
	v8 =	vmul.f32 v15, v8;
	vm12 =	vgt.f32 v56, $9.999999740e-05  }
0x273: {  	v58 =	vadd.f32 $-5.000000000e-01, v50;
	v16 =	vmul.f32 v55, v50;
	v13 =	vnsel vm12, $0x461C4000, v13  }
0x274: {  	v11 =	vmin.f32 v11, $1.000000000e+00;
	vm14 =	vlt.f32 v50, $1.000000000e+00;
	v8 =	vmul.f32 v13, v8  }
0x275: {  	s30 =	sadd.s32 $0x1, s30;
	s0 =	rddreg [dreg:$0xc];
	v60 =	vsel vm13, v19, v57;
	v11 =	vsub.f32 $1.000000000e+00, v11;
	v62 =	vsel vm14, v16, v58  }
0x276: {  	p1 =	seq.s32 s30, s0;
	vm15 =	vlt.f32 v9, $1.000000000e+00;
	v14 =	vadd.f32 v62, v60;
	v8 =	vmax.f32 v8, $-1.000000000e+00  }
.Ltmp8:
0x277: {  	v9 =	vnsel vm2, $0x0, v11;
	v11 =	vsel vm15, v61, v63;
	v8 =	vmin.f32 v8, $1.000000000e+00;
	(pc) =	sbr.rel @!p1 .LBB2_9-.Ltmp8, $4  }
.Ltmp9:
0x278: {  	v12 =	vnsel vm2, $0x0, v12;
	v11 =	vadd.f32 v14, v11;
	v8 =	vsub.f32 $1.000000000e+00, v8;
	(pc) =	sbr.rel @p1 .LBB2_15-.Ltmp9, $4  }
0x279: {  	v7 =	vadd.f32 v12, v7;
	vm2 =	vmmov vm3;
	v9 =	vadd.f32 v9, v10  }
0x27a: {  	v11 =	vnsel vm2, $0x0, v11;
	v8 =	vnsel vm2, $0x0, v8  }
0x27b: {  	v7 =	vadd.f32 v11, v7;
	v10 =	vadd.f32 v8, v9  }
0x27c: {  	_ = 	snop  }
.LBB2_16:
0x27d: {  	_ =	sfence.sel $0x180000  }
0x27e: {  	[bflag:$0x0] =	sbarrier.arrive $0xFFFF  }
0x27f: {  	_ =	strace $0x90000047  }
0x280: {  	s0 =	stileid.u32;
	[bflag:$0x2] =	sbarrier.arrive $0xFFFF  }
0x281: {  	p0 =	sne.s32 s0, $0x0;
	s0 =	rddreg [dreg:$0x5]  }
0x282: {  	s0 =	sadd.s32 @!p0 $0x100000, s0  }
0x283: {  	[sflag:s0] =	ssyncadd.tile.s32 @!p0 $0x1;
	_ =	shalt  }
.Lfunc_end2:
_tile_overlayer_lowered:
.L_overlay_start_2:
0x284: {  	(tag) =	ssettag $0x2  }
0x285: {  	s0 =	rddreg [dreg:$0x0];
	s2 =	stileid.u32  }
0x286: {  	s1 =	rddreg [dreg:$0x1];
	p0 =	sne.s32 s2, $0x0  }
0x287: {  	s3 =	rddreg [dreg:$0x2];
	[bflag:$0x3] =	sbarrier.arrive $0xFFFF;
	s2 =	simm.s32 @!p0 $0x1C03  }
0x288: {  	[timem:s3], [sflag:s2] =	dma.local @!p0 [hbm:s0], s1  }
0x289: {  	s0 =	simm.s32 @!p0 $0x3  }
0x28a: {  	_ =	swait.ge @!p0 [sflag:s0], s1  }
0x28b: {  	s1 =	ssub.s32 @!p0 $0x0, s1;
	[sflag:s0] =	ssyncset.done @!p0 $0x0  }
0x28c: {  	[sflag:s0] =	ssyncadd.s32 @!p0 s1  }
0x28d: {  	[bflag:$0x3] =	sbarrier.arrive $0xFFFF  }
0x28e: {  	_ =	shalt  }

</sc_bundles>
